<compile_context>
chip_gen: v7x
topology: tpu7x:2x2x1
jax: 0.10.2.dev20260603
libtpu: 0.0.44.dev20260713+nightly
codegen_flags: <defaults>
</compile_context>

<pallas_src>
import functools

import jax
import jax.numpy as jnp
from jax import lax
from jax.experimental import pallas as pl
from jax.experimental.pallas import tpu as pltpu
from jax.experimental.pallas import tpu_sc as plsc

N = 10000
E = 320000
C = 100000
D = 128
VV = 64
EV = 8
LANES = 16

_info = plsc.get_sparse_core_info()
NC = _info.num_cores
NS = _info.num_subcores
NW = NC * NS

_MESH = plsc.VectorSubcoreMesh(core_axis_name="c", subcore_axis_name="s")

RINGS = 64
RPW = 3200
CCH = RPW // RINGS
NER = 4 * RINGS


def _wid():
    return lax.axis_index("s") * NC + lax.axis_index("c")


@functools.partial(
    pl.kernel,
    mesh=_MESH,
    compiler_params=pltpu.CompilerParams(needs_layout_passes=False),
    out_type=jax.ShapeDtypeStruct((C, VV), jnp.float32),
    scratch_types=[
        pltpu.VMEM((N,), jnp.int32),
        pltpu.VMEM((4 * RPW // 16, 16), jnp.int32),
        pltpu.VMEM((NER,), jnp.int32),
        pltpu.VMEM((NER,), jnp.int32),
        pltpu.VMEM((NER,), jnp.int32),
        pltpu.VMEM((NER,), jnp.int32),
        pltpu.VMEM((NER,), jnp.int32),
        pltpu.VMEM((NER,), jnp.int32),
        pltpu.VMEM((NER,), jnp.int32),
        pltpu.VMEM((NER,), jnp.int32),
        pltpu.VMEM((RINGS, VV), jnp.float32),
        pltpu.VMEM((RINGS, VV), jnp.float32),
        pltpu.SemaphoreType.DMA,
        pltpu.SemaphoreType.DMA,
        pltpu.SemaphoreType.DMA,
        pltpu.SemaphoreType.DMA,
    ],
)
def _counts_kernel(v_idx, e_r0, c_r0, counts_out, vxl, cidx_v, da0, da1,
                   db0, db1, va0, vb0, va1, vb1, cnt0, cnt1, vsem0, vsem1,
                   wsem0, wsem1):
    w = _wid()
    rbase = jnp.minimum(w * RPW, C - RPW)
    pltpu.sync_copy(v_idx, vxl)
    row0 = pl.multiple_of(jnp.minimum(w * (RPW // 4), (C - RPW) // 4), 8)
    pltpu.sync_copy(c_r0.at[pl.ds(row0, 4 * RPW // 16)], cidx_v)

    da = (da0, da1)
    db = (db0, db1)
    va = (va0, va1)
    vb = (vb0, vb1)
    cnts = (cnt0, cnt1)
    vsems = (vsem0, vsem1)
    wsems = (wsem0, wsem1)

    lane = jax.lax.iota(jnp.int32, 16)
    ring_in_group = lane >> 2
    ones = jnp.full((16,), 1.0, dtype=jnp.float32)
    zeros = jnp.zeros((16,), dtype=jnp.float32)

    def fire_elems(c, b):
        for g in range(NER // 16):
            two = cidx_v[c * (NER // 16) + g, :] * 2
            da[b][pl.ds(g * 16, 16)] = two
            db[b][pl.ds(g * 16, 16)] = two + 1
        for s in range(NER // 128):
            sl = pl.ds(s * 128, 128)
            pltpu.async_copy(e_r0.at[da[b].at[sl]], va[b].at[sl], vsems[b])
            pltpu.async_copy(e_r0.at[db[b].at[sl]], vb[b].at[sl], vsems[b])

    def wait_elems(b):
        pltpu.make_async_copy(e_r0.at[pl.ds(0, NER)], va[b], vsems[b]).wait()
        pltpu.make_async_copy(e_r0.at[pl.ds(0, NER)], vb[b], vsems[b]).wait()

    def wait_out(b):
        pltpu.make_async_copy(cnts[b], counts_out.at[pl.ds(0, RINGS)],
                              wsems[b]).wait()

    def compute(b):
        cnt = cnts[b]
        for i in range(RINGS):
            for jcol in range(VV // LANES):
                cnt[i, pl.ds(jcol * LANES, LANES)] = zeros
        for g in range(NER // 16):
            rows = ring_in_group + g * 4
            sl = pl.ds(g * 16, 16)
            ta = plsc.load_gather(vxl, [va[b][sl]])
            plsc.addupdate_scatter(cnt, [rows, ta], ones)
            tb = plsc.load_gather(vxl, [vb[b][sl]])
            plsc.addupdate_scatter(cnt, [rows, tb], ones)

    fire_elems(0, 0)
    fire_elems(1, 1)

    def body(j, carry):
        c0 = 2 * j
        for b in (0, 1):
            c = c0 + b
            wait_elems(b)
            compute(b)

            @pl.when(c >= 2)
            def _():
                wait_out(b)

            pltpu.async_copy(cnts[b],
                             counts_out.at[pl.ds(rbase + c * RINGS, RINGS)],
                             wsems[b])

            @pl.when(c + 2 < CCH)
            def _():
                fire_elems(c + 2, b)

        return carry

    lax.fori_loop(0, CCH // 2, body, 0)
    wait_out(0)
    wait_out(1)


def _onehot_matmul(ids, table, block):
    n = ids.shape[0]
    v, d = table.shape

    def body(ids_ref, tab_ref, out_ref):
        oh = (ids_ref[...][:, None]
              == lax.broadcasted_iota(jnp.int32, (block, v), 1))
        out_ref[...] = jnp.dot(oh.astype(jnp.float32), tab_ref[...],
                               preferred_element_type=jnp.float32)

    return pl.pallas_call(
        body,
        grid=(-(-n // block),),
        in_specs=[
            pl.BlockSpec((block,), lambda i: (i,)),
            pl.BlockSpec((v, d), lambda i: (0, 0)),
        ],
        out_specs=pl.BlockSpec((block, d), lambda i: (i, 0)),
        out_shape=jax.ShapeDtypeStruct((n, d), jnp.float32),
    )(ids, table)


def _counts_matmul(counts, table, block):
    n = counts.shape[0]
    v, d = table.shape

    def body(cnt_ref, tab_ref, out_ref):
        out_ref[...] = jnp.dot(cnt_ref[...], tab_ref[...],
                               preferred_element_type=jnp.float32)

    return pl.pallas_call(
        body,
        grid=(n // block,),
        in_specs=[
            pl.BlockSpec((block, v), lambda i: (i, 0)),
            pl.BlockSpec((v, d), lambda i: (0, 0)),
        ],
        out_specs=pl.BlockSpec((block, d), lambda i: (i, 0)),
        out_shape=jax.ShapeDtypeStruct((n, d), jnp.float32),
    )(counts, table)


def kernel(v_table, e_table, v_x, e_x, e_boundary_index, c_boundary_index):
    v_idx = v_x[:, 0]
    e_idx = e_x[:, 0]
    e_r0 = e_boundary_index[0]
    c_r0 = c_boundary_index[0].reshape(C // 4, 16)
    counts = _counts_kernel(v_idx, e_r0, c_r0)
    ex = _onehot_matmul(e_idx, e_table, 16384)
    vx = _onehot_matmul(v_idx, v_table, N)
    cx = _counts_matmul(counts, v_table, 10000)
    return (vx, ex, cx)

# --- scband reference (transcript-rebuilt; emitter-appended) ---
"""Pipeline reference for scband-abstract-embed-vewith-reduce-38680475468432 (READ-ONLY COPY).

The authoritative reference and input builder live on the scoring server;
editing this copy changes nothing except your own understanding.
"""

import jax, jax.numpy as jnp
import numpy as np

N = 10000      # vertices (0-cells)
E = 320000     # edges (1-cells)
C = 100000     # rings (2-cells)
D = 128        # embedding dim
V_VOCAB = 64   # vertex atom-type vocab
E_VOCAB = 8    # edge bond-type vocab


def setup_inputs(seed: int = 0) -> dict:
    key = jax.random.key(seed)
    k1, k2, k3, k4, k5, k6 = jax.random.split(key, 6)
    # integer cochain features
    v_x = jax.random.randint(k1, (N, 1), 0, V_VOCAB, dtype=jnp.int32)
    e_x = jax.random.randint(k2, (E, 1), 0, E_VOCAB, dtype=jnp.int32)
    # boundary index for 1-cells: row0 = boundary vertex id, row1 = edge id (2 vertices per edge)
    e_row1 = jnp.repeat(jnp.arange(E, dtype=jnp.int32), 2)
    e_row0 = jax.random.randint(k3, (2 * E,), 0, N, dtype=jnp.int32)
    e_boundary_index = jnp.stack([e_row0, e_row1], axis=0)
    # boundary index for 2-cells: row0 = boundary edge id, row1 = 2-cell id (4 edges per ring)
    c_row1 = jnp.repeat(jnp.arange(C, dtype=jnp.int32), 4)
    c_row0 = jax.random.randint(k4, (4 * C,), 0, E, dtype=jnp.int32)
    c_boundary_index = jnp.stack([c_row0, c_row1], axis=0)
    # learned embedding tables (v_embed_layer / e_embed_layer parameters)
    v_table = jax.random.normal(k5, (V_VOCAB, D), dtype=jnp.float32)
    e_table = jax.random.normal(k6, (E_VOCAB, D), dtype=jnp.float32)
    return {
        "v_table": v_table,
        "e_table": e_table,
        "v_x": v_x,
        "e_x": e_x,
        "e_boundary_index": e_boundary_index,
        "c_boundary_index": c_boundary_index,
    }


def _init_reduce(x, boundary_index, num_segments):
    # InitReduceConv: scatter-add boundary-cell features into co-boundary cells
    gathered = jnp.take(x, boundary_index[0], axis=0)
    return jax.ops.segment_sum(gathered, boundary_index[1], num_segments=num_segments)


def reference(v_table, e_table, v_x, e_x, e_boundary_index, c_boundary_index):
    # vx = v_embed_layer(_prepare_v_inputs(v_params))  -> embedding lookup on squeezed ints
    vx = jnp.take(v_table, v_x[:, 0], axis=0)
    # reduced_ex = init_reduce(vx, e_params.boundary_index)
    reduced_ex = _init_reduce(vx, e_boundary_index, E)
    # e_params.x is not None and e_embed_layer is not None -> embed edge ints
    ex = jnp.take(e_table, e_x[:, 0], axis=0)
    # remaining cochain (2-cells): init_reduce(reduced_ex, boundary_index)
    cx = _init_reduce(reduced_ex, c_boundary_index, C)
    return (vx, ex, cx)

if __name__ == "__main__":
    import jax
    _d = setup_inputs()
    print(jax.jit(kernel)(*tuple(_d.values())))

</pallas_src>

<mosaic_0001>
#map = affine_map<(d0, d1) -> (0)>
#map1 = affine_map<(d0, d1) -> (0, 0)>
module attributes {stable_mosaic.version = 14 : i64} {
  func.func @_counts_kernel(%arg0: i32, %arg1: i32, %arg2: memref<10000xi32, #tpu.memory_space<hbm>>, %arg3: memref<640000xi32, #tpu.memory_space<hbm>>, %arg4: memref<25000x16xi32, #tpu.memory_space<hbm>>, %arg5: memref<100000x64xf32, #tpu.memory_space<hbm>>, %arg6: memref<10000xi32, #tpu.memory_space<vmem>>, %arg7: memref<800x16xi32, #tpu.memory_space<vmem>>, %arg8: memref<256xi32, #tpu.memory_space<vmem>>, %arg9: memref<256xi32, #tpu.memory_space<vmem>>, %arg10: memref<256xi32, #tpu.memory_space<vmem>>, %arg11: memref<256xi32, #tpu.memory_space<vmem>>, %arg12: memref<256xi32, #tpu.memory_space<vmem>>, %arg13: memref<256xi32, #tpu.memory_space<vmem>>, %arg14: memref<256xi32, #tpu.memory_space<vmem>>, %arg15: memref<256xi32, #tpu.memory_space<vmem>>, %arg16: memref<64x64xf32, #tpu.memory_space<vmem>>, %arg17: memref<64x64xf32, #tpu.memory_space<vmem>>, %arg18: memref<!tpu.dma_semaphore, #tpu.memory_space<semaphore_mem>>, %arg19: memref<!tpu.dma_semaphore, #tpu.memory_space<semaphore_mem>>, %arg20: memref<!tpu.dma_semaphore, #tpu.memory_space<semaphore_mem>>, %arg21: memref<!tpu.dma_semaphore, #tpu.memory_space<semaphore_mem>>) attributes {dimension_semantics = [#tpu.dimension_semantics<core_parallel>, #tpu.dimension_semantics<subcore_parallel>], iteration_bounds = array<i64: 2, 16>, scalar_prefetch = 0 : i64, scratch_operands = 16 : i64, tpu.core_type = #tpu.core_type<sc_vector_subcore>, window_params = [{transform_indices = #map}, {transform_indices = #map}, {transform_indices = #map1}, {transform_indices = #map1}]} {
    %mul3A = arith.constant 2 : i32
    %mul3A_0 = arith.muli %arg1, %mul3A : i32
    %add3A = arith.addi %mul3A_0, %arg0 : i32
    %mul3A_1 = arith.constant 3200 : i32
    %mul3A_2 = arith.muli %add3A, %mul3A_1 : i32
    %min3A = arith.constant 96800 : i32
    %min3A_3 = arith.minsi %mul3A_2, %min3A : i32
    "tpu.region"() ({
      %run_scoped3A = tpu.sem_alloc : memref<!tpu.dma_semaphore, #tpu.memory_space<semaphore_mem>>
      tpu.enqueue_dma source(%arg2 : memref<10000xi32, #tpu.memory_space<hbm>>) target(%arg6 : memref<10000xi32, #tpu.memory_space<vmem>>) target_semaphore(%run_scoped3A : memref<!tpu.dma_semaphore, #tpu.memory_space<semaphore_mem>>)
      tpu.wait_dma2 semaphore(%run_scoped3A : memref<!tpu.dma_semaphore, #tpu.memory_space<semaphore_mem>>) src(%arg2 : memref<10000xi32, #tpu.memory_space<hbm>>) dst(%arg6 : memref<10000xi32, #tpu.memory_space<vmem>>)
      tpu.yield
    }) : () -> ()
    %mul3A_4 = arith.constant 800 : i32
    %mul3A_5 = arith.muli %add3A, %mul3A_4 : i32
    %min3A_6 = arith.constant 24200 : i32
    %min3A_7 = arith.minsi %mul3A_5, %min3A_6 : i32
    %multiple_of3A = tpu.assume_multiple %min3A_7, 8 : i32
    "tpu.region"() ({
      %run_scoped3A = tpu.sem_alloc : memref<!tpu.dma_semaphore, #tpu.memory_space<semaphore_mem>>
      %dma_start3A_522 = arith.constant 0 : i32
      %dma_start3A_523 = tpu.memref_slice %arg4[%multiple_of3A, %dma_start3A_522] : memref<25000x16xi32, #tpu.memory_space<hbm>> -> memref<800x16xi32, #tpu.memory_space<hbm>>
      %dma_start3A_524 = arith.constant 0 : i32
      %dma_start3A_525 = tpu.memref_slice %arg4[%multiple_of3A, %dma_start3A_524] : memref<25000x16xi32, #tpu.memory_space<hbm>> -> memref<800x16xi32, #tpu.memory_space<hbm>>
      tpu.enqueue_dma source(%dma_start3A_525 : memref<800x16xi32, #tpu.memory_space<hbm>>) target(%arg7 : memref<800x16xi32, #tpu.memory_space<vmem>>) target_semaphore(%run_scoped3A : memref<!tpu.dma_semaphore, #tpu.memory_space<semaphore_mem>>)
      %dma_wait3A_526 = arith.constant 0 : i32
      %dma_wait3A_527 = tpu.memref_slice %arg4[%multiple_of3A, %dma_wait3A_526] : memref<25000x16xi32, #tpu.memory_space<hbm>> -> memref<800x16xi32, #tpu.memory_space<hbm>>
      %dma_wait3A_528 = arith.constant 0 : i32
      %dma_wait3A_529 = tpu.memref_slice %arg4[%multiple_of3A, %dma_wait3A_528] : memref<25000x16xi32, #tpu.memory_space<hbm>> -> memref<800x16xi32, #tpu.memory_space<hbm>>
      tpu.wait_dma2 semaphore(%run_scoped3A : memref<!tpu.dma_semaphore, #tpu.memory_space<semaphore_mem>>) src(%dma_wait3A_529 : memref<800x16xi32, #tpu.memory_space<hbm>>) dst(%arg7 : memref<800x16xi32, #tpu.memory_space<vmem>>)
      tpu.yield
    }) : () -> ()
    %iota3A = tpu.iota {dimensions = array<i32: 0>} : vector<16xi32>
    %shift_right_arithmetic3A = arith.constant 2 : i32
    %shift_right_arithmetic3A_8 = vector.broadcast %shift_right_arithmetic3A : i32 to vector<16xi32>
    %shift_right_arithmetic3A_9 = arith.shrsi %iota3A, %shift_right_arithmetic3A_8 : vector<16xi32>
    %broadcast_in_dim3A = arith.constant 1.000000e+00 : f32
    %broadcast_in_dim3A_10 = vector.broadcast %broadcast_in_dim3A : f32 to vector<16xf32>
    %broadcast_in_dim3A_11 = arith.constant 0.000000e+00 : f32
    %broadcast_in_dim3A_12 = vector.broadcast %broadcast_in_dim3A_11 : f32 to vector<16xf32>
    %get3A = arith.constant 0 : i32
    %get3A_13 = arith.index_cast %get3A : i32 to index
    %get3A_14 = arith.constant 0 : index
    %get3A_15 = tpu.vector_load %arg7[%get3A_13, %get3A_14] {strides = array<i32>} : memref<800x16xi32, #tpu.memory_space<vmem>>, vector<16xi32>,
    %mul3A_16 = arith.constant 2 : i32
    %mul3A_17 = vector.broadcast %mul3A_16 : i32 to vector<16xi32>
    %mul3A_18 = arith.muli %get3A_15, %mul3A_17 : vector<16xi32>
    %swap3A = arith.constant 0 : index
    %swap3A_19 = tpu.vector_load %arg8[%swap3A] {strides = array<i32>} : memref<256xi32, #tpu.memory_space<vmem>>, vector<16xi32>,
    tpu.vector_store %arg8[%swap3A], %mul3A_18 {strides = array<i32>} : memref<256xi32, #tpu.memory_space<vmem>>, vector<16xi32>,
    %add3A_20 = arith.constant 1 : i32
    %add3A_21 = vector.broadcast %add3A_20 : i32 to vector<16xi32>
    %add3A_22 = arith.addi %mul3A_18, %add3A_21 : vector<16xi32>
    %swap3A_23 = arith.constant 0 : index
    %swap3A_24 = tpu.vector_load %arg10[%swap3A_23] {strides = array<i32>} : memref<256xi32, #tpu.memory_space<vmem>>, vector<16xi32>,
    tpu.vector_store %arg10[%swap3A_23], %add3A_22 {strides = array<i32>} : memref<256xi32, #tpu.memory_space<vmem>>, vector<16xi32>,
    %get3A_25 = arith.constant 1 : i32
    %get3A_26 = arith.index_cast %get3A_25 : i32 to index
    %get3A_27 = arith.constant 0 : index
    %get3A_28 = tpu.vector_load %arg7[%get3A_26, %get3A_27] {strides = array<i32>} : memref<800x16xi32, #tpu.memory_space<vmem>>, vector<16xi32>,
    %mul3A_29 = arith.constant 2 : i32
    %mul3A_30 = vector.broadcast %mul3A_29 : i32 to vector<16xi32>
    %mul3A_31 = arith.muli %get3A_28, %mul3A_30 : vector<16xi32>
    %swap3A_32 = arith.constant 16 : index
    %swap3A_33 = tpu.vector_load %arg8[%swap3A_32] {strides = array<i32>} : memref<256xi32, #tpu.memory_space<vmem>>, vector<16xi32>,
    tpu.vector_store %arg8[%swap3A_32], %mul3A_31 {strides = array<i32>} : memref<256xi32, #tpu.memory_space<vmem>>, vector<16xi32>,
    %add3A_34 = arith.constant 1 : i32
    %add3A_35 = vector.broadcast %add3A_34 : i32 to vector<16xi32>
    %add3A_36 = arith.addi %mul3A_31, %add3A_35 : vector<16xi32>
    %swap3A_37 = arith.constant 16 : index
    %swap3A_38 = tpu.vector_load %arg10[%swap3A_37] {strides = array<i32>} : memref<256xi32, #tpu.memory_space<vmem>>, vector<16xi32>,
    tpu.vector_store %arg10[%swap3A_37], %add3A_36 {strides = array<i32>} : memref<256xi32, #tpu.memory_space<vmem>>, vector<16xi32>,
    %get3A_39 = arith.constant 2 : i32
    %get3A_40 = arith.index_cast %get3A_39 : i32 to index
    %get3A_41 = arith.constant 0 : index
    %get3A_42 = tpu.vector_load %arg7[%get3A_40, %get3A_41] {strides = array<i32>} : memref<800x16xi32, #tpu.memory_space<vmem>>, vector<16xi32>,
    %mul3A_43 = arith.constant 2 : i32
    %mul3A_44 = vector.broadcast %mul3A_43 : i32 to vector<16xi32>
    %mul3A_45 = arith.muli %get3A_42, %mul3A_44 : vector<16xi32>
    %swap3A_46 = arith.constant 32 : index
    %swap3A_47 = tpu.vector_load %arg8[%swap3A_46] {strides = array<i32>} : memref<256xi32, #tpu.memory_space<vmem>>, vector<16xi32>,
    tpu.vector_store %arg8[%swap3A_46], %mul3A_45 {strides = array<i32>} : memref<256xi32, #tpu.memory_space<vmem>>, vector<16xi32>,
    %add3A_48 = arith.constant 1 : i32
    %add3A_49 = vector.broadcast %add3A_48 : i32 to vector<16xi32>
    %add3A_50 = arith.addi %mul3A_45, %add3A_49 : vector<16xi32>
    %swap3A_51 = arith.constant 32 : index
    %swap3A_52 = tpu.vector_load %arg10[%swap3A_51] {strides = array<i32>} : memref<256xi32, #tpu.memory_space<vmem>>, vector<16xi32>,
    tpu.vector_store %arg10[%swap3A_51], %add3A_50 {strides = array<i32>} : memref<256xi32, #tpu.memory_space<vmem>>, vector<16xi32>,
    %get3A_53 = arith.constant 3 : i32
    %get3A_54 = arith.index_cast %get3A_53 : i32 to index
    %get3A_55 = arith.constant 0 : index
    %get3A_56 = tpu.vector_load %arg7[%get3A_54, %get3A_55] {strides = array<i32>} : memref<800x16xi32, #tpu.memory_space<vmem>>, vector<16xi32>,
    %mul3A_57 = arith.constant 2 : i32
    %mul3A_58 = vector.broadcast %mul3A_57 : i32 to vector<16xi32>
    %mul3A_59 = arith.muli %get3A_56, %mul3A_58 : vector<16xi32>
    %swap3A_60 = arith.constant 48 : index
    %swap3A_61 = tpu.vector_load %arg8[%swap3A_60] {strides = array<i32>} : memref<256xi32, #tpu.memory_space<vmem>>, vector<16xi32>,
    tpu.vector_store %arg8[%swap3A_60], %mul3A_59 {strides = array<i32>} : memref<256xi32, #tpu.memory_space<vmem>>, vector<16xi32>,
    %add3A_62 = arith.constant 1 : i32
    %add3A_63 = vector.broadcast %add3A_62 : i32 to vector<16xi32>
    %add3A_64 = arith.addi %mul3A_59, %add3A_63 : vector<16xi32>
    %swap3A_65 = arith.constant 48 : index
    %swap3A_66 = tpu.vector_load %arg10[%swap3A_65] {strides = array<i32>} : memref<256xi32, #tpu.memory_space<vmem>>, vector<16xi32>,
    tpu.vector_store %arg10[%swap3A_65], %add3A_64 {strides = array<i32>} : memref<256xi32, #tpu.memory_space<vmem>>, vector<16xi32>,
    %get3A_67 = arith.constant 4 : i32
    %get3A_68 = arith.index_cast %get3A_67 : i32 to index
    %get3A_69 = arith.constant 0 : index
    %get3A_70 = tpu.vector_load %arg7[%get3A_68, %get3A_69] {strides = array<i32>} : memref<800x16xi32, #tpu.memory_space<vmem>>, vector<16xi32>,
    %mul3A_71 = arith.constant 2 : i32
    %mul3A_72 = vector.broadcast %mul3A_71 : i32 to vector<16xi32>
    %mul3A_73 = arith.muli %get3A_70, %mul3A_72 : vector<16xi32>
    %swap3A_74 = arith.constant 64 : index
    %swap3A_75 = tpu.vector_load %arg8[%swap3A_74] {strides = array<i32>} : memref<256xi32, #tpu.memory_space<vmem>>, vector<16xi32>,
    tpu.vector_store %arg8[%swap3A_74], %mul3A_73 {strides = array<i32>} : memref<256xi32, #tpu.memory_space<vmem>>, vector<16xi32>,
    %add3A_76 = arith.constant 1 : i32
    %add3A_77 = vector.broadcast %add3A_76 : i32 to vector<16xi32>
    %add3A_78 = arith.addi %mul3A_73, %add3A_77 : vector<16xi32>
    %swap3A_79 = arith.constant 64 : index
    %swap3A_80 = tpu.vector_load %arg10[%swap3A_79] {strides = array<i32>} : memref<256xi32, #tpu.memory_space<vmem>>, vector<16xi32>,
    tpu.vector_store %arg10[%swap3A_79], %add3A_78 {strides = array<i32>} : memref<256xi32, #tpu.memory_space<vmem>>, vector<16xi32>,
    %get3A_81 = arith.constant 5 : i32
    %get3A_82 = arith.index_cast %get3A_81 : i32 to index
    %get3A_83 = arith.constant 0 : index
    %get3A_84 = tpu.vector_load %arg7[%get3A_82, %get3A_83] {strides = array<i32>} : memref<800x16xi32, #tpu.memory_space<vmem>>, vector<16xi32>,
    %mul3A_85 = arith.constant 2 : i32
    %mul3A_86 = vector.broadcast %mul3A_85 : i32 to vector<16xi32>
    %mul3A_87 = arith.muli %get3A_84, %mul3A_86 : vector<16xi32>
    %swap3A_88 = arith.constant 80 : index
    %swap3A_89 = tpu.vector_load %arg8[%swap3A_88] {strides = array<i32>} : memref<256xi32, #tpu.memory_space<vmem>>, vector<16xi32>,
    tpu.vector_store %arg8[%swap3A_88], %mul3A_87 {strides = array<i32>} : memref<256xi32, #tpu.memory_space<vmem>>, vector<16xi32>,
    %add3A_90 = arith.constant 1 : i32
    %add3A_91 = vector.broadcast %add3A_90 : i32 to vector<16xi32>
    %add3A_92 = arith.addi %mul3A_87, %add3A_91 : vector<16xi32>
    %swap3A_93 = arith.constant 80 : index
    %swap3A_94 = tpu.vector_load %arg10[%swap3A_93] {strides = array<i32>} : memref<256xi32, #tpu.memory_space<vmem>>, vector<16xi32>,
    tpu.vector_store %arg10[%swap3A_93], %add3A_92 {strides = array<i32>} : memref<256xi32, #tpu.memory_space<vmem>>, vector<16xi32>,
    %get3A_95 = arith.constant 6 : i32
    %get3A_96 = arith.index_cast %get3A_95 : i32 to index
    %get3A_97 = arith.constant 0 : index
    %get3A_98 = tpu.vector_load %arg7[%get3A_96, %get3A_97] {strides = array<i32>} : memref<800x16xi32, #tpu.memory_space<vmem>>, vector<16xi32>,
    %mul3A_99 = arith.constant 2 : i32
    %mul3A_100 = vector.broadcast %mul3A_99 : i32 to vector<16xi32>
    %mul3A_101 = arith.muli %get3A_98, %mul3A_100 : vector<16xi32>
    %swap3A_102 = arith.constant 96 : index
    %swap3A_103 = tpu.vector_load %arg8[%swap3A_102] {strides = array<i32>} : memref<256xi32, #tpu.memory_space<vmem>>, vector<16xi32>,
    tpu.vector_store %arg8[%swap3A_102], %mul3A_101 {strides = array<i32>} : memref<256xi32, #tpu.memory_space<vmem>>, vector<16xi32>,
    %add3A_104 = arith.constant 1 : i32
    %add3A_105 = vector.broadcast %add3A_104 : i32 to vector<16xi32>
    %add3A_106 = arith.addi %mul3A_101, %add3A_105 : vector<16xi32>
    %swap3A_107 = arith.constant 96 : index
    %swap3A_108 = tpu.vector_load %arg10[%swap3A_107] {strides = array<i32>} : memref<256xi32, #tpu.memory_space<vmem>>, vector<16xi32>,
    tpu.vector_store %arg10[%swap3A_107], %add3A_106 {strides = array<i32>} : memref<256xi32, #tpu.memory_space<vmem>>, vector<16xi32>,
    %get3A_109 = arith.constant 7 : i32
    %get3A_110 = arith.index_cast %get3A_109 : i32 to index
    %get3A_111 = arith.constant 0 : index
    %get3A_112 = tpu.vector_load %arg7[%get3A_110, %get3A_111] {strides = array<i32>} : memref<800x16xi32, #tpu.memory_space<vmem>>, vector<16xi32>,
    %mul3A_113 = arith.constant 2 : i32
    %mul3A_114 = vector.broadcast %mul3A_113 : i32 to vector<16xi32>
    %mul3A_115 = arith.muli %get3A_112, %mul3A_114 : vector<16xi32>
    %swap3A_116 = arith.constant 112 : index
    %swap3A_117 = tpu.vector_load %arg8[%swap3A_116] {strides = array<i32>} : memref<256xi32, #tpu.memory_space<vmem>>, vector<16xi32>,
    tpu.vector_store %arg8[%swap3A_116], %mul3A_115 {strides = array<i32>} : memref<256xi32, #tpu.memory_space<vmem>>, vector<16xi32>,
    %add3A_118 = arith.constant 1 : i32
    %add3A_119 = vector.broadcast %add3A_118 : i32 to vector<16xi32>
    %add3A_120 = arith.addi %mul3A_115, %add3A_119 : vector<16xi32>
    %swap3A_121 = arith.constant 112 : index
    %swap3A_122 = tpu.vector_load %arg10[%swap3A_121] {strides = array<i32>} : memref<256xi32, #tpu.memory_space<vmem>>, vector<16xi32>,
    tpu.vector_store %arg10[%swap3A_121], %add3A_120 {strides = array<i32>} : memref<256xi32, #tpu.memory_space<vmem>>, vector<16xi32>,
    %get3A_123 = arith.constant 8 : i32
    %get3A_124 = arith.index_cast %get3A_123 : i32 to index
    %get3A_125 = arith.constant 0 : index
    %get3A_126 = tpu.vector_load %arg7[%get3A_124, %get3A_125] {strides = array<i32>} : memref<800x16xi32, #tpu.memory_space<vmem>>, vector<16xi32>,
    %mul3A_127 = arith.constant 2 : i32
    %mul3A_128 = vector.broadcast %mul3A_127 : i32 to vector<16xi32>
    %mul3A_129 = arith.muli %get3A_126, %mul3A_128 : vector<16xi32>
    %swap3A_130 = arith.constant 128 : index
    %swap3A_131 = tpu.vector_load %arg8[%swap3A_130] {strides = array<i32>} : memref<256xi32, #tpu.memory_space<vmem>>, vector<16xi32>,
    tpu.vector_store %arg8[%swap3A_130], %mul3A_129 {strides = array<i32>} : memref<256xi32, #tpu.memory_space<vmem>>, vector<16xi32>,
    %add3A_132 = arith.constant 1 : i32
    %add3A_133 = vector.broadcast %add3A_132 : i32 to vector<16xi32>
    %add3A_134 = arith.addi %mul3A_129, %add3A_133 : vector<16xi32>
    %swap3A_135 = arith.constant 128 : index
    %swap3A_136 = tpu.vector_load %arg10[%swap3A_135] {strides = array<i32>} : memref<256xi32, #tpu.memory_space<vmem>>, vector<16xi32>,
    tpu.vector_store %arg10[%swap3A_135], %add3A_134 {strides = array<i32>} : memref<256xi32, #tpu.memory_space<vmem>>, vector<16xi32>,
    %get3A_137 = arith.constant 9 : i32
    %get3A_138 = arith.index_cast %get3A_137 : i32 to index
    %get3A_139 = arith.constant 0 : index
    %get3A_140 = tpu.vector_load %arg7[%get3A_138, %get3A_139] {strides = array<i32>} : memref<800x16xi32, #tpu.memory_space<vmem>>, vector<16xi32>,
    %mul3A_141 = arith.constant 2 : i32
    %mul3A_142 = vector.broadcast %mul3A_141 : i32 to vector<16xi32>
    %mul3A_143 = arith.muli %get3A_140, %mul3A_142 : vector<16xi32>
    %swap3A_144 = arith.constant 144 : index
    %swap3A_145 = tpu.vector_load %arg8[%swap3A_144] {strides = array<i32>} : memref<256xi32, #tpu.memory_space<vmem>>, vector<16xi32>,
    tpu.vector_store %arg8[%swap3A_144], %mul3A_143 {strides = array<i32>} : memref<256xi32, #tpu.memory_space<vmem>>, vector<16xi32>,
    %add3A_146 = arith.constant 1 : i32
    %add3A_147 = vector.broadcast %add3A_146 : i32 to vector<16xi32>
    %add3A_148 = arith.addi %mul3A_143, %add3A_147 : vector<16xi32>
    %swap3A_149 = arith.constant 144 : index
    %swap3A_150 = tpu.vector_load %arg10[%swap3A_149] {strides = array<i32>} : memref<256xi32, #tpu.memory_space<vmem>>, vector<16xi32>,
    tpu.vector_store %arg10[%swap3A_149], %add3A_148 {strides = array<i32>} : memref<256xi32, #tpu.memory_space<vmem>>, vector<16xi32>,
    %get3A_151 = arith.constant 10 : i32
    %get3A_152 = arith.index_cast %get3A_151 : i32 to index
    %get3A_153 = arith.constant 0 : index
    %get3A_154 = tpu.vector_load %arg7[%get3A_152, %get3A_153] {strides = array<i32>} : memref<800x16xi32, #tpu.memory_space<vmem>>, vector<16xi32>,
    %mul3A_155 = arith.constant 2 : i32
    %mul3A_156 = vector.broadcast %mul3A_155 : i32 to vector<16xi32>
    %mul3A_157 = arith.muli %get3A_154, %mul3A_156 : vector<16xi32>
    %swap3A_158 = arith.constant 160 : index
    %swap3A_159 = tpu.vector_load %arg8[%swap3A_158] {strides = array<i32>} : memref<256xi32, #tpu.memory_space<vmem>>, vector<16xi32>,
    tpu.vector_store %arg8[%swap3A_158], %mul3A_157 {strides = array<i32>} : memref<256xi32, #tpu.memory_space<vmem>>, vector<16xi32>,
    %add3A_160 = arith.constant 1 : i32
    %add3A_161 = vector.broadcast %add3A_160 : i32 to vector<16xi32>
    %add3A_162 = arith.addi %mul3A_157, %add3A_161 : vector<16xi32>
    %swap3A_163 = arith.constant 160 : index
    %swap3A_164 = tpu.vector_load %arg10[%swap3A_163] {strides = array<i32>} : memref<256xi32, #tpu.memory_space<vmem>>, vector<16xi32>,
    tpu.vector_store %arg10[%swap3A_163], %add3A_162 {strides = array<i32>} : memref<256xi32, #tpu.memory_space<vmem>>, vector<16xi32>,
    %get3A_165 = arith.constant 11 : i32
    %get3A_166 = arith.index_cast %get3A_165 : i32 to index
    %get3A_167 = arith.constant 0 : index
    %get3A_168 = tpu.vector_load %arg7[%get3A_166, %get3A_167] {strides = array<i32>} : memref<800x16xi32, #tpu.memory_space<vmem>>, vector<16xi32>,
    %mul3A_169 = arith.constant 2 : i32
    %mul3A_170 = vector.broadcast %mul3A_169 : i32 to vector<16xi32>
    %mul3A_171 = arith.muli %get3A_168, %mul3A_170 : vector<16xi32>
    %swap3A_172 = arith.constant 176 : index
    %swap3A_173 = tpu.vector_load %arg8[%swap3A_172] {strides = array<i32>} : memref<256xi32, #tpu.memory_space<vmem>>, vector<16xi32>,
    tpu.vector_store %arg8[%swap3A_172], %mul3A_171 {strides = array<i32>} : memref<256xi32, #tpu.memory_space<vmem>>, vector<16xi32>,
    %add3A_174 = arith.constant 1 : i32
    %add3A_175 = vector.broadcast %add3A_174 : i32 to vector<16xi32>
    %add3A_176 = arith.addi %mul3A_171, %add3A_175 : vector<16xi32>
    %swap3A_177 = arith.constant 176 : index
    %swap3A_178 = tpu.vector_load %arg10[%swap3A_177] {strides = array<i32>} : memref<256xi32, #tpu.memory_space<vmem>>, vector<16xi32>,
    tpu.vector_store %arg10[%swap3A_177], %add3A_176 {strides = array<i32>} : memref<256xi32, #tpu.memory_space<vmem>>, vector<16xi32>,
    %get3A_179 = arith.constant 12 : i32
    %get3A_180 = arith.index_cast %get3A_179 : i32 to index
    %get3A_181 = arith.constant 0 : index
    %get3A_182 = tpu.vector_load %arg7[%get3A_180, %get3A_181] {strides = array<i32>} : memref<800x16xi32, #tpu.memory_space<vmem>>, vector<16xi32>,
    %mul3A_183 = arith.constant 2 : i32
    %mul3A_184 = vector.broadcast %mul3A_183 : i32 to vector<16xi32>
    %mul3A_185 = arith.muli %get3A_182, %mul3A_184 : vector<16xi32>
    %swap3A_186 = arith.constant 192 : index
    %swap3A_187 = tpu.vector_load %arg8[%swap3A_186] {strides = array<i32>} : memref<256xi32, #tpu.memory_space<vmem>>, vector<16xi32>,
    tpu.vector_store %arg8[%swap3A_186], %mul3A_185 {strides = array<i32>} : memref<256xi32, #tpu.memory_space<vmem>>, vector<16xi32>,
    %add3A_188 = arith.constant 1 : i32
    %add3A_189 = vector.broadcast %add3A_188 : i32 to vector<16xi32>
    %add3A_190 = arith.addi %mul3A_185, %add3A_189 : vector<16xi32>
    %swap3A_191 = arith.constant 192 : index
    %swap3A_192 = tpu.vector_load %arg10[%swap3A_191] {strides = array<i32>} : memref<256xi32, #tpu.memory_space<vmem>>, vector<16xi32>,
    tpu.vector_store %arg10[%swap3A_191], %add3A_190 {strides = array<i32>} : memref<256xi32, #tpu.memory_space<vmem>>, vector<16xi32>,
    %get3A_193 = arith.constant 13 : i32
    %get3A_194 = arith.index_cast %get3A_193 : i32 to index
    %get3A_195 = arith.constant 0 : index
    %get3A_196 = tpu.vector_load %arg7[%get3A_194, %get3A_195] {strides = array<i32>} : memref<800x16xi32, #tpu.memory_space<vmem>>, vector<16xi32>,
    %mul3A_197 = arith.constant 2 : i32
    %mul3A_198 = vector.broadcast %mul3A_197 : i32 to vector<16xi32>
    %mul3A_199 = arith.muli %get3A_196, %mul3A_198 : vector<16xi32>
    %swap3A_200 = arith.constant 208 : index
    %swap3A_201 = tpu.vector_load %arg8[%swap3A_200] {strides = array<i32>} : memref<256xi32, #tpu.memory_space<vmem>>, vector<16xi32>,
    tpu.vector_store %arg8[%swap3A_200], %mul3A_199 {strides = array<i32>} : memref<256xi32, #tpu.memory_space<vmem>>, vector<16xi32>,
    %add3A_202 = arith.constant 1 : i32
    %add3A_203 = vector.broadcast %add3A_202 : i32 to vector<16xi32>
    %add3A_204 = arith.addi %mul3A_199, %add3A_203 : vector<16xi32>
    %swap3A_205 = arith.constant 208 : index
    %swap3A_206 = tpu.vector_load %arg10[%swap3A_205] {strides = array<i32>} : memref<256xi32, #tpu.memory_space<vmem>>, vector<16xi32>,
    tpu.vector_store %arg10[%swap3A_205], %add3A_204 {strides = array<i32>} : memref<256xi32, #tpu.memory_space<vmem>>, vector<16xi32>,
    %get3A_207 = arith.constant 14 : i32
    %get3A_208 = arith.index_cast %get3A_207 : i32 to index
    %get3A_209 = arith.constant 0 : index
    %get3A_210 = tpu.vector_load %arg7[%get3A_208, %get3A_209] {strides = array<i32>} : memref<800x16xi32, #tpu.memory_space<vmem>>, vector<16xi32>,
    %mul3A_211 = arith.constant 2 : i32
    %mul3A_212 = vector.broadcast %mul3A_211 : i32 to vector<16xi32>
    %mul3A_213 = arith.muli %get3A_210, %mul3A_212 : vector<16xi32>
    %swap3A_214 = arith.constant 224 : index
    %swap3A_215 = tpu.vector_load %arg8[%swap3A_214] {strides = array<i32>} : memref<256xi32, #tpu.memory_space<vmem>>, vector<16xi32>,
    tpu.vector_store %arg8[%swap3A_214], %mul3A_213 {strides = array<i32>} : memref<256xi32, #tpu.memory_space<vmem>>, vector<16xi32>,
    %add3A_216 = arith.constant 1 : i32
    %add3A_217 = vector.broadcast %add3A_216 : i32 to vector<16xi32>
    %add3A_218 = arith.addi %mul3A_213, %add3A_217 : vector<16xi32>
    %swap3A_219 = arith.constant 224 : index
    %swap3A_220 = tpu.vector_load %arg10[%swap3A_219] {strides = array<i32>} : memref<256xi32, #tpu.memory_space<vmem>>, vector<16xi32>,
    tpu.vector_store %arg10[%swap3A_219], %add3A_218 {strides = array<i32>} : memref<256xi32, #tpu.memory_space<vmem>>, vector<16xi32>,
    %get3A_221 = arith.constant 15 : i32
    %get3A_222 = arith.index_cast %get3A_221 : i32 to index
    %get3A_223 = arith.constant 0 : index
    %get3A_224 = tpu.vector_load %arg7[%get3A_222, %get3A_223] {strides = array<i32>} : memref<800x16xi32, #tpu.memory_space<vmem>>, vector<16xi32>,
    %mul3A_225 = arith.constant 2 : i32
    %mul3A_226 = vector.broadcast %mul3A_225 : i32 to vector<16xi32>
    %mul3A_227 = arith.muli %get3A_224, %mul3A_226 : vector<16xi32>
    %swap3A_228 = arith.constant 240 : index
    %swap3A_229 = tpu.vector_load %arg8[%swap3A_228] {strides = array<i32>} : memref<256xi32, #tpu.memory_space<vmem>>, vector<16xi32>,
    tpu.vector_store %arg8[%swap3A_228], %mul3A_227 {strides = array<i32>} : memref<256xi32, #tpu.memory_space<vmem>>, vector<16xi32>,
    %add3A_230 = arith.constant 1 : i32
    %add3A_231 = vector.broadcast %add3A_230 : i32 to vector<16xi32>
    %add3A_232 = arith.addi %mul3A_227, %add3A_231 : vector<16xi32>
    %swap3A_233 = arith.constant 240 : index
    %swap3A_234 = tpu.vector_load %arg10[%swap3A_233] {strides = array<i32>} : memref<256xi32, #tpu.memory_space<vmem>>, vector<16xi32>,
    tpu.vector_store %arg10[%swap3A_233], %add3A_232 {strides = array<i32>} : memref<256xi32, #tpu.memory_space<vmem>>, vector<16xi32>,
    %dma_start3A = arith.constant 0 : i32
    %dma_start3A_235 = tpu.memref_slice %arg12[%dma_start3A] : memref<256xi32, #tpu.memory_space<vmem>> -> memref<128xi32, #tpu.memory_space<vmem>>
    %dma_start3A_236 = arith.constant 0 : i32
    %dma_start3A_237 = tpu.memref_slice %arg8[%dma_start3A_236] : memref<256xi32, #tpu.memory_space<vmem>> -> memref<128xi32, #tpu.memory_space<vmem>>
    %dma_start3A_238 = arith.constant 0 : i32
    %dma_start3A_239 = tpu.memref_slice %arg3[%dma_start3A_238] : memref<640000xi32, #tpu.memory_space<hbm>> -> memref<640000xi32, #tpu.memory_space<hbm>>
    tpu.enqueue_indirect_dma source(%dma_start3A_239 : memref<640000xi32, #tpu.memory_space<hbm>>) target(%dma_start3A_235 : memref<128xi32, #tpu.memory_space<vmem>>) offsets(%dma_start3A_237 : memref<128xi32, #tpu.memory_space<vmem>>) semaphore(%arg18 : memref<!tpu.dma_semaphore, #tpu.memory_space<semaphore_mem>>)
    %dma_start3A_240 = arith.constant 0 : i32
    %dma_start3A_241 = tpu.memref_slice %arg13[%dma_start3A_240] : memref<256xi32, #tpu.memory_space<vmem>> -> memref<128xi32, #tpu.memory_space<vmem>>
    %dma_start3A_242 = arith.constant 0 : i32
    %dma_start3A_243 = tpu.memref_slice %arg10[%dma_start3A_242] : memref<256xi32, #tpu.memory_space<vmem>> -> memref<128xi32, #tpu.memory_space<vmem>>
    %dma_start3A_244 = arith.constant 0 : i32
    %dma_start3A_245 = tpu.memref_slice %arg3[%dma_start3A_244] : memref<640000xi32, #tpu.memory_space<hbm>> -> memref<640000xi32, #tpu.memory_space<hbm>>
    tpu.enqueue_indirect_dma source(%dma_start3A_245 : memref<640000xi32, #tpu.memory_space<hbm>>) target(%dma_start3A_241 : memref<128xi32, #tpu.memory_space<vmem>>) offsets(%dma_start3A_243 : memref<128xi32, #tpu.memory_space<vmem>>) semaphore(%arg18 : memref<!tpu.dma_semaphore, #tpu.memory_space<semaphore_mem>>)
    %dma_start3A_246 = arith.constant 128 : i32
    %dma_start3A_247 = tpu.memref_slice %arg12[%dma_start3A_246] : memref<256xi32, #tpu.memory_space<vmem>> -> memref<128xi32, #tpu.memory_space<vmem>>
    %dma_start3A_248 = arith.constant 128 : i32
    %dma_start3A_249 = tpu.memref_slice %arg8[%dma_start3A_248] : memref<256xi32, #tpu.memory_space<vmem>> -> memref<128xi32, #tpu.memory_space<vmem>>
    %dma_start3A_250 = arith.constant 0 : i32
    %dma_start3A_251 = tpu.memref_slice %arg3[%dma_start3A_250] : memref<640000xi32, #tpu.memory_space<hbm>> -> memref<640000xi32, #tpu.memory_space<hbm>>
    tpu.enqueue_indirect_dma source(%dma_start3A_251 : memref<640000xi32, #tpu.memory_space<hbm>>) target(%dma_start3A_247 : memref<128xi32, #tpu.memory_space<vmem>>) offsets(%dma_start3A_249 : memref<128xi32, #tpu.memory_space<vmem>>) semaphore(%arg18 : memref<!tpu.dma_semaphore, #tpu.memory_space<semaphore_mem>>)
    %dma_start3A_252 = arith.constant 128 : i32
    %dma_start3A_253 = tpu.memref_slice %arg13[%dma_start3A_252] : memref<256xi32, #tpu.memory_space<vmem>> -> memref<128xi32, #tpu.memory_space<vmem>>
    %dma_start3A_254 = arith.constant 128 : i32
    %dma_start3A_255 = tpu.memref_slice %arg10[%dma_start3A_254] : memref<256xi32, #tpu.memory_space<vmem>> -> memref<128xi32, #tpu.memory_space<vmem>>
    %dma_start3A_256 = arith.constant 0 : i32
    %dma_start3A_257 = tpu.memref_slice %arg3[%dma_start3A_256] : memref<640000xi32, #tpu.memory_space<hbm>> -> memref<640000xi32, #tpu.memory_space<hbm>>
    tpu.enqueue_indirect_dma source(%dma_start3A_257 : memref<640000xi32, #tpu.memory_space<hbm>>) target(%dma_start3A_253 : memref<128xi32, #tpu.memory_space<vmem>>) offsets(%dma_start3A_255 : memref<128xi32, #tpu.memory_space<vmem>>) semaphore(%arg18 : memref<!tpu.dma_semaphore, #tpu.memory_space<semaphore_mem>>)
    %get3A_258 = arith.constant 16 : i32
    %get3A_259 = arith.index_cast %get3A_258 : i32 to index
    %get3A_260 = arith.constant 0 : index
    %get3A_261 = tpu.vector_load %arg7[%get3A_259, %get3A_260] {strides = array<i32>} : memref<800x16xi32, #tpu.memory_space<vmem>>, vector<16xi32>,
    %mul3A_262 = arith.constant 2 : i32
    %mul3A_263 = vector.broadcast %mul3A_262 : i32 to vector<16xi32>
    %mul3A_264 = arith.muli %get3A_261, %mul3A_263 : vector<16xi32>
    %swap3A_265 = arith.constant 0 : index
    %swap3A_266 = tpu.vector_load %arg9[%swap3A_265] {strides = array<i32>} : memref<256xi32, #tpu.memory_space<vmem>>, vector<16xi32>,
    tpu.vector_store %arg9[%swap3A_265], %mul3A_264 {strides = array<i32>} : memref<256xi32, #tpu.memory_space<vmem>>, vector<16xi32>,
    %add3A_267 = arith.constant 1 : i32
    %add3A_268 = vector.broadcast %add3A_267 : i32 to vector<16xi32>
    %add3A_269 = arith.addi %mul3A_264, %add3A_268 : vector<16xi32>
    %swap3A_270 = arith.constant 0 : index
    %swap3A_271 = tpu.vector_load %arg11[%swap3A_270] {strides = array<i32>} : memref<256xi32, #tpu.memory_space<vmem>>, vector<16xi32>,
    tpu.vector_store %arg11[%swap3A_270], %add3A_269 {strides = array<i32>} : memref<256xi32, #tpu.memory_space<vmem>>, vector<16xi32>,
    %get3A_272 = arith.constant 17 : i32
    %get3A_273 = arith.index_cast %get3A_272 : i32 to index
    %get3A_274 = arith.constant 0 : index
    %get3A_275 = tpu.vector_load %arg7[%get3A_273, %get3A_274] {strides = array<i32>} : memref<800x16xi32, #tpu.memory_space<vmem>>, vector<16xi32>,
    %mul3A_276 = arith.constant 2 : i32
    %mul3A_277 = vector.broadcast %mul3A_276 : i32 to vector<16xi32>
    %mul3A_278 = arith.muli %get3A_275, %mul3A_277 : vector<16xi32>
    %swap3A_279 = arith.constant 16 : index
    %swap3A_280 = tpu.vector_load %arg9[%swap3A_279] {strides = array<i32>} : memref<256xi32, #tpu.memory_space<vmem>>, vector<16xi32>,
    tpu.vector_store %arg9[%swap3A_279], %mul3A_278 {strides = array<i32>} : memref<256xi32, #tpu.memory_space<vmem>>, vector<16xi32>,
    %add3A_281 = arith.constant 1 : i32
    %add3A_282 = vector.broadcast %add3A_281 : i32 to vector<16xi32>
    %add3A_283 = arith.addi %mul3A_278, %add3A_282 : vector<16xi32>
    %swap3A_284 = arith.constant 16 : index
    %swap3A_285 = tpu.vector_load %arg11[%swap3A_284] {strides = array<i32>} : memref<256xi32, #tpu.memory_space<vmem>>, vector<16xi32>,
    tpu.vector_store %arg11[%swap3A_284], %add3A_283 {strides = array<i32>} : memref<256xi32, #tpu.memory_space<vmem>>, vector<16xi32>,
    %get3A_286 = arith.constant 18 : i32
    %get3A_287 = arith.index_cast %get3A_286 : i32 to index
    %get3A_288 = arith.constant 0 : index
    %get3A_289 = tpu.vector_load %arg7[%get3A_287, %get3A_288] {strides = array<i32>} : memref<800x16xi32, #tpu.memory_space<vmem>>, vector<16xi32>,
    %mul3A_290 = arith.constant 2 : i32
    %mul3A_291 = vector.broadcast %mul3A_290 : i32 to vector<16xi32>
    %mul3A_292 = arith.muli %get3A_289, %mul3A_291 : vector<16xi32>
    %swap3A_293 = arith.constant 32 : index
    %swap3A_294 = tpu.vector_load %arg9[%swap3A_293] {strides = array<i32>} : memref<256xi32, #tpu.memory_space<vmem>>, vector<16xi32>,
    tpu.vector_store %arg9[%swap3A_293], %mul3A_292 {strides = array<i32>} : memref<256xi32, #tpu.memory_space<vmem>>, vector<16xi32>,
    %add3A_295 = arith.constant 1 : i32
    %add3A_296 = vector.broadcast %add3A_295 : i32 to vector<16xi32>
    %add3A_297 = arith.addi %mul3A_292, %add3A_296 : vector<16xi32>
    %swap3A_298 = arith.constant 32 : index
    %swap3A_299 = tpu.vector_load %arg11[%swap3A_298] {strides = array<i32>} : memref<256xi32, #tpu.memory_space<vmem>>, vector<16xi32>,
    tpu.vector_store %arg11[%swap3A_298], %add3A_297 {strides = array<i32>} : memref<256xi32, #tpu.memory_space<vmem>>, vector<16xi32>,
    %get3A_300 = arith.constant 19 : i32
    %get3A_301 = arith.index_cast %get3A_300 : i32 to index
    %get3A_302 = arith.constant 0 : index
    %get3A_303 = tpu.vector_load %arg7[%get3A_301, %get3A_302] {strides = array<i32>} : memref<800x16xi32, #tpu.memory_space<vmem>>, vector<16xi32>,
    %mul3A_304 = arith.constant 2 : i32
    %mul3A_305 = vector.broadcast %mul3A_304 : i32 to vector<16xi32>
    %mul3A_306 = arith.muli %get3A_303, %mul3A_305 : vector<16xi32>
    %swap3A_307 = arith.constant 48 : index
    %swap3A_308 = tpu.vector_load %arg9[%swap3A_307] {strides = array<i32>} : memref<256xi32, #tpu.memory_space<vmem>>, vector<16xi32>,
    tpu.vector_store %arg9[%swap3A_307], %mul3A_306 {strides = array<i32>} : memref<256xi32, #tpu.memory_space<vmem>>, vector<16xi32>,
    %add3A_309 = arith.constant 1 : i32
    %add3A_310 = vector.broadcast %add3A_309 : i32 to vector<16xi32>
    %add3A_311 = arith.addi %mul3A_306, %add3A_310 : vector<16xi32>
    %swap3A_312 = arith.constant 48 : index
    %swap3A_313 = tpu.vector_load %arg11[%swap3A_312] {strides = array<i32>} : memref<256xi32, #tpu.memory_space<vmem>>, vector<16xi32>,
    tpu.vector_store %arg11[%swap3A_312], %add3A_311 {strides = array<i32>} : memref<256xi32, #tpu.memory_space<vmem>>, vector<16xi32>,
    %get3A_314 = arith.constant 20 : i32
    %get3A_315 = arith.index_cast %get3A_314 : i32 to index
    %get3A_316 = arith.constant 0 : index
    %get3A_317 = tpu.vector_load %arg7[%get3A_315, %get3A_316] {strides = array<i32>} : memref<800x16xi32, #tpu.memory_space<vmem>>, vector<16xi32>,
    %mul3A_318 = arith.constant 2 : i32
    %mul3A_319 = vector.broadcast %mul3A_318 : i32 to vector<16xi32>
    %mul3A_320 = arith.muli %get3A_317, %mul3A_319 : vector<16xi32>
    %swap3A_321 = arith.constant 64 : index
    %swap3A_322 = tpu.vector_load %arg9[%swap3A_321] {strides = array<i32>} : memref<256xi32, #tpu.memory_space<vmem>>, vector<16xi32>,
    tpu.vector_store %arg9[%swap3A_321], %mul3A_320 {strides = array<i32>} : memref<256xi32, #tpu.memory_space<vmem>>, vector<16xi32>,
    %add3A_323 = arith.constant 1 : i32
    %add3A_324 = vector.broadcast %add3A_323 : i32 to vector<16xi32>
    %add3A_325 = arith.addi %mul3A_320, %add3A_324 : vector<16xi32>
    %swap3A_326 = arith.constant 64 : index
    %swap3A_327 = tpu.vector_load %arg11[%swap3A_326] {strides = array<i32>} : memref<256xi32, #tpu.memory_space<vmem>>, vector<16xi32>,
    tpu.vector_store %arg11[%swap3A_326], %add3A_325 {strides = array<i32>} : memref<256xi32, #tpu.memory_space<vmem>>, vector<16xi32>,
    %get3A_328 = arith.constant 21 : i32
    %get3A_329 = arith.index_cast %get3A_328 : i32 to index
    %get3A_330 = arith.constant 0 : index
    %get3A_331 = tpu.vector_load %arg7[%get3A_329, %get3A_330] {strides = array<i32>} : memref<800x16xi32, #tpu.memory_space<vmem>>, vector<16xi32>,
    %mul3A_332 = arith.constant 2 : i32
    %mul3A_333 = vector.broadcast %mul3A_332 : i32 to vector<16xi32>
    %mul3A_334 = arith.muli %get3A_331, %mul3A_333 : vector<16xi32>
    %swap3A_335 = arith.constant 80 : index
    %swap3A_336 = tpu.vector_load %arg9[%swap3A_335] {strides = array<i32>} : memref<256xi32, #tpu.memory_space<vmem>>, vector<16xi32>,
    tpu.vector_store %arg9[%swap3A_335], %mul3A_334 {strides = array<i32>} : memref<256xi32, #tpu.memory_space<vmem>>, vector<16xi32>,
    %add3A_337 = arith.constant 1 : i32
    %add3A_338 = vector.broadcast %add3A_337 : i32 to vector<16xi32>
    %add3A_339 = arith.addi %mul3A_334, %add3A_338 : vector<16xi32>
    %swap3A_340 = arith.constant 80 : index
    %swap3A_341 = tpu.vector_load %arg11[%swap3A_340] {strides = array<i32>} : memref<256xi32, #tpu.memory_space<vmem>>, vector<16xi32>,
    tpu.vector_store %arg11[%swap3A_340], %add3A_339 {strides = array<i32>} : memref<256xi32, #tpu.memory_space<vmem>>, vector<16xi32>,
    %get3A_342 = arith.constant 22 : i32
    %get3A_343 = arith.index_cast %get3A_342 : i32 to index
    %get3A_344 = arith.constant 0 : index
    %get3A_345 = tpu.vector_load %arg7[%get3A_343, %get3A_344] {strides = array<i32>} : memref<800x16xi32, #tpu.memory_space<vmem>>, vector<16xi32>,
    %mul3A_346 = arith.constant 2 : i32
    %mul3A_347 = vector.broadcast %mul3A_346 : i32 to vector<16xi32>
    %mul3A_348 = arith.muli %get3A_345, %mul3A_347 : vector<16xi32>
    %swap3A_349 = arith.constant 96 : index
    %swap3A_350 = tpu.vector_load %arg9[%swap3A_349] {strides = array<i32>} : memref<256xi32, #tpu.memory_space<vmem>>, vector<16xi32>,
    tpu.vector_store %arg9[%swap3A_349], %mul3A_348 {strides = array<i32>} : memref<256xi32, #tpu.memory_space<vmem>>, vector<16xi32>,
    %add3A_351 = arith.constant 1 : i32
    %add3A_352 = vector.broadcast %add3A_351 : i32 to vector<16xi32>
    %add3A_353 = arith.addi %mul3A_348, %add3A_352 : vector<16xi32>
    %swap3A_354 = arith.constant 96 : index
    %swap3A_355 = tpu.vector_load %arg11[%swap3A_354] {strides = array<i32>} : memref<256xi32, #tpu.memory_space<vmem>>, vector<16xi32>,
    tpu.vector_store %arg11[%swap3A_354], %add3A_353 {strides = array<i32>} : memref<256xi32, #tpu.memory_space<vmem>>, vector<16xi32>,
    %get3A_356 = arith.constant 23 : i32
    %get3A_357 = arith.index_cast %get3A_356 : i32 to index
    %get3A_358 = arith.constant 0 : index
    %get3A_359 = tpu.vector_load %arg7[%get3A_357, %get3A_358] {strides = array<i32>} : memref<800x16xi32, #tpu.memory_space<vmem>>, vector<16xi32>,
    %mul3A_360 = arith.constant 2 : i32
    %mul3A_361 = vector.broadcast %mul3A_360 : i32 to vector<16xi32>
    %mul3A_362 = arith.muli %get3A_359, %mul3A_361 : vector<16xi32>
    %swap3A_363 = arith.constant 112 : index
    %swap3A_364 = tpu.vector_load %arg9[%swap3A_363] {strides = array<i32>} : memref<256xi32, #tpu.memory_space<vmem>>, vector<16xi32>,
    tpu.vector_store %arg9[%swap3A_363], %mul3A_362 {strides = array<i32>} : memref<256xi32, #tpu.memory_space<vmem>>, vector<16xi32>,
    %add3A_365 = arith.constant 1 : i32
    %add3A_366 = vector.broadcast %add3A_365 : i32 to vector<16xi32>
    %add3A_367 = arith.addi %mul3A_362, %add3A_366 : vector<16xi32>
    %swap3A_368 = arith.constant 112 : index
    %swap3A_369 = tpu.vector_load %arg11[%swap3A_368] {strides = array<i32>} : memref<256xi32, #tpu.memory_space<vmem>>, vector<16xi32>,
    tpu.vector_store %arg11[%swap3A_368], %add3A_367 {strides = array<i32>} : memref<256xi32, #tpu.memory_space<vmem>>, vector<16xi32>,
    %get3A_370 = arith.constant 24 : i32
    %get3A_371 = arith.index_cast %get3A_370 : i32 to index
    %get3A_372 = arith.constant 0 : index
    %get3A_373 = tpu.vector_load %arg7[%get3A_371, %get3A_372] {strides = array<i32>} : memref<800x16xi32, #tpu.memory_space<vmem>>, vector<16xi32>,
    %mul3A_374 = arith.constant 2 : i32
    %mul3A_375 = vector.broadcast %mul3A_374 : i32 to vector<16xi32>
    %mul3A_376 = arith.muli %get3A_373, %mul3A_375 : vector<16xi32>
    %swap3A_377 = arith.constant 128 : index
    %swap3A_378 = tpu.vector_load %arg9[%swap3A_377] {strides = array<i32>} : memref<256xi32, #tpu.memory_space<vmem>>, vector<16xi32>,
    tpu.vector_store %arg9[%swap3A_377], %mul3A_376 {strides = array<i32>} : memref<256xi32, #tpu.memory_space<vmem>>, vector<16xi32>,
    %add3A_379 = arith.constant 1 : i32
    %add3A_380 = vector.broadcast %add3A_379 : i32 to vector<16xi32>
    %add3A_381 = arith.addi %mul3A_376, %add3A_380 : vector<16xi32>
    %swap3A_382 = arith.constant 128 : index
    %swap3A_383 = tpu.vector_load %arg11[%swap3A_382] {strides = array<i32>} : memref<256xi32, #tpu.memory_space<vmem>>, vector<16xi32>,
    tpu.vector_store %arg11[%swap3A_382], %add3A_381 {strides = array<i32>} : memref<256xi32, #tpu.memory_space<vmem>>, vector<16xi32>,
    %get3A_384 = arith.constant 25 : i32
    %get3A_385 = arith.index_cast %get3A_384 : i32 to index
    %get3A_386 = arith.constant 0 : index
    %get3A_387 = tpu.vector_load %arg7[%get3A_385, %get3A_386] {strides = array<i32>} : memref<800x16xi32, #tpu.memory_space<vmem>>, vector<16xi32>,
    %mul3A_388 = arith.constant 2 : i32
    %mul3A_389 = vector.broadcast %mul3A_388 : i32 to vector<16xi32>
    %mul3A_390 = arith.muli %get3A_387, %mul3A_389 : vector<16xi32>
    %swap3A_391 = arith.constant 144 : index
    %swap3A_392 = tpu.vector_load %arg9[%swap3A_391] {strides = array<i32>} : memref<256xi32, #tpu.memory_space<vmem>>, vector<16xi32>,
    tpu.vector_store %arg9[%swap3A_391], %mul3A_390 {strides = array<i32>} : memref<256xi32, #tpu.memory_space<vmem>>, vector<16xi32>,
    %add3A_393 = arith.constant 1 : i32
    %add3A_394 = vector.broadcast %add3A_393 : i32 to vector<16xi32>
    %add3A_395 = arith.addi %mul3A_390, %add3A_394 : vector<16xi32>
    %swap3A_396 = arith.constant 144 : index
    %swap3A_397 = tpu.vector_load %arg11[%swap3A_396] {strides = array<i32>} : memref<256xi32, #tpu.memory_space<vmem>>, vector<16xi32>,
    tpu.vector_store %arg11[%swap3A_396], %add3A_395 {strides = array<i32>} : memref<256xi32, #tpu.memory_space<vmem>>, vector<16xi32>,
    %get3A_398 = arith.constant 26 : i32
    %get3A_399 = arith.index_cast %get3A_398 : i32 to index
    %get3A_400 = arith.constant 0 : index
    %get3A_401 = tpu.vector_load %arg7[%get3A_399, %get3A_400] {strides = array<i32>} : memref<800x16xi32, #tpu.memory_space<vmem>>, vector<16xi32>,
    %mul3A_402 = arith.constant 2 : i32
    %mul3A_403 = vector.broadcast %mul3A_402 : i32 to vector<16xi32>
    %mul3A_404 = arith.muli %get3A_401, %mul3A_403 : vector<16xi32>
    %swap3A_405 = arith.constant 160 : index
    %swap3A_406 = tpu.vector_load %arg9[%swap3A_405] {strides = array<i32>} : memref<256xi32, #tpu.memory_space<vmem>>, vector<16xi32>,
    tpu.vector_store %arg9[%swap3A_405], %mul3A_404 {strides = array<i32>} : memref<256xi32, #tpu.memory_space<vmem>>, vector<16xi32>,
    %add3A_407 = arith.constant 1 : i32
    %add3A_408 = vector.broadcast %add3A_407 : i32 to vector<16xi32>
    %add3A_409 = arith.addi %mul3A_404, %add3A_408 : vector<16xi32>
    %swap3A_410 = arith.constant 160 : index
    %swap3A_411 = tpu.vector_load %arg11[%swap3A_410] {strides = array<i32>} : memref<256xi32, #tpu.memory_space<vmem>>, vector<16xi32>,
    tpu.vector_store %arg11[%swap3A_410], %add3A_409 {strides = array<i32>} : memref<256xi32, #tpu.memory_space<vmem>>, vector<16xi32>,
    %get3A_412 = arith.constant 27 : i32
    %get3A_413 = arith.index_cast %get3A_412 : i32 to index
    %get3A_414 = arith.constant 0 : index
    %get3A_415 = tpu.vector_load %arg7[%get3A_413, %get3A_414] {strides = array<i32>} : memref<800x16xi32, #tpu.memory_space<vmem>>, vector<16xi32>,
    %mul3A_416 = arith.constant 2 : i32
    %mul3A_417 = vector.broadcast %mul3A_416 : i32 to vector<16xi32>
    %mul3A_418 = arith.muli %get3A_415, %mul3A_417 : vector<16xi32>
    %swap3A_419 = arith.constant 176 : index
    %swap3A_420 = tpu.vector_load %arg9[%swap3A_419] {strides = array<i32>} : memref<256xi32, #tpu.memory_space<vmem>>, vector<16xi32>,
    tpu.vector_store %arg9[%swap3A_419], %mul3A_418 {strides = array<i32>} : memref<256xi32, #tpu.memory_space<vmem>>, vector<16xi32>,
    %add3A_421 = arith.constant 1 : i32
    %add3A_422 = vector.broadcast %add3A_421 : i32 to vector<16xi32>
    %add3A_423 = arith.addi %mul3A_418, %add3A_422 : vector<16xi32>
    %swap3A_424 = arith.constant 176 : index
    %swap3A_425 = tpu.vector_load %arg11[%swap3A_424] {strides = array<i32>} : memref<256xi32, #tpu.memory_space<vmem>>, vector<16xi32>,
    tpu.vector_store %arg11[%swap3A_424], %add3A_423 {strides = array<i32>} : memref<256xi32, #tpu.memory_space<vmem>>, vector<16xi32>,
    %get3A_426 = arith.constant 28 : i32
    %get3A_427 = arith.index_cast %get3A_426 : i32 to index
    %get3A_428 = arith.constant 0 : index
    %get3A_429 = tpu.vector_load %arg7[%get3A_427, %get3A_428] {strides = array<i32>} : memref<800x16xi32, #tpu.memory_space<vmem>>, vector<16xi32>,
    %mul3A_430 = arith.constant 2 : i32
    %mul3A_431 = vector.broadcast %mul3A_430 : i32 to vector<16xi32>
    %mul3A_432 = arith.muli %get3A_429, %mul3A_431 : vector<16xi32>
    %swap3A_433 = arith.constant 192 : index
    %swap3A_434 = tpu.vector_load %arg9[%swap3A_433] {strides = array<i32>} : memref<256xi32, #tpu.memory_space<vmem>>, vector<16xi32>,
    tpu.vector_store %arg9[%swap3A_433], %mul3A_432 {strides = array<i32>} : memref<256xi32, #tpu.memory_space<vmem>>, vector<16xi32>,
    %add3A_435 = arith.constant 1 : i32
    %add3A_436 = vector.broadcast %add3A_435 : i32 to vector<16xi32>
    %add3A_437 = arith.addi %mul3A_432, %add3A_436 : vector<16xi32>
    %swap3A_438 = arith.constant 192 : index
    %swap3A_439 = tpu.vector_load %arg11[%swap3A_438] {strides = array<i32>} : memref<256xi32, #tpu.memory_space<vmem>>, vector<16xi32>,
    tpu.vector_store %arg11[%swap3A_438], %add3A_437 {strides = array<i32>} : memref<256xi32, #tpu.memory_space<vmem>>, vector<16xi32>,
    %get3A_440 = arith.constant 29 : i32
    %get3A_441 = arith.index_cast %get3A_440 : i32 to index
    %get3A_442 = arith.constant 0 : index
    %get3A_443 = tpu.vector_load %arg7[%get3A_441, %get3A_442] {strides = array<i32>} : memref<800x16xi32, #tpu.memory_space<vmem>>, vector<16xi32>,
    %mul3A_444 = arith.constant 2 : i32
    %mul3A_445 = vector.broadcast %mul3A_444 : i32 to vector<16xi32>
    %mul3A_446 = arith.muli %get3A_443, %mul3A_445 : vector<16xi32>
    %swap3A_447 = arith.constant 208 : index
    %swap3A_448 = tpu.vector_load %arg9[%swap3A_447] {strides = array<i32>} : memref<256xi32, #tpu.memory_space<vmem>>, vector<16xi32>,
    tpu.vector_store %arg9[%swap3A_447], %mul3A_446 {strides = array<i32>} : memref<256xi32, #tpu.memory_space<vmem>>, vector<16xi32>,
    %add3A_449 = arith.constant 1 : i32
    %add3A_450 = vector.broadcast %add3A_449 : i32 to vector<16xi32>
    %add3A_451 = arith.addi %mul3A_446, %add3A_450 : vector<16xi32>
    %swap3A_452 = arith.constant 208 : index
    %swap3A_453 = tpu.vector_load %arg11[%swap3A_452] {strides = array<i32>} : memref<256xi32, #tpu.memory_space<vmem>>, vector<16xi32>,
    tpu.vector_store %arg11[%swap3A_452], %add3A_451 {strides = array<i32>} : memref<256xi32, #tpu.memory_space<vmem>>, vector<16xi32>,
    %get3A_454 = arith.constant 30 : i32
    %get3A_455 = arith.index_cast %get3A_454 : i32 to index
    %get3A_456 = arith.constant 0 : index
    %get3A_457 = tpu.vector_load %arg7[%get3A_455, %get3A_456] {strides = array<i32>} : memref<800x16xi32, #tpu.memory_space<vmem>>, vector<16xi32>,
    %mul3A_458 = arith.constant 2 : i32
    %mul3A_459 = vector.broadcast %mul3A_458 : i32 to vector<16xi32>
    %mul3A_460 = arith.muli %get3A_457, %mul3A_459 : vector<16xi32>
    %swap3A_461 = arith.constant 224 : index
    %swap3A_462 = tpu.vector_load %arg9[%swap3A_461] {strides = array<i32>} : memref<256xi32, #tpu.memory_space<vmem>>, vector<16xi32>,
    tpu.vector_store %arg9[%swap3A_461], %mul3A_460 {strides = array<i32>} : memref<256xi32, #tpu.memory_space<vmem>>, vector<16xi32>,
    %add3A_463 = arith.constant 1 : i32
    %add3A_464 = vector.broadcast %add3A_463 : i32 to vector<16xi32>
    %add3A_465 = arith.addi %mul3A_460, %add3A_464 : vector<16xi32>
    %swap3A_466 = arith.constant 224 : index
    %swap3A_467 = tpu.vector_load %arg11[%swap3A_466] {strides = array<i32>} : memref<256xi32, #tpu.memory_space<vmem>>, vector<16xi32>,
    tpu.vector_store %arg11[%swap3A_466], %add3A_465 {strides = array<i32>} : memref<256xi32, #tpu.memory_space<vmem>>, vector<16xi32>,
    %get3A_468 = arith.constant 31 : i32
    %get3A_469 = arith.index_cast %get3A_468 : i32 to index
    %get3A_470 = arith.constant 0 : index
    %get3A_471 = tpu.vector_load %arg7[%get3A_469, %get3A_470] {strides = array<i32>} : memref<800x16xi32, #tpu.memory_space<vmem>>, vector<16xi32>,
    %mul3A_472 = arith.constant 2 : i32
    %mul3A_473 = vector.broadcast %mul3A_472 : i32 to vector<16xi32>
    %mul3A_474 = arith.muli %get3A_471, %mul3A_473 : vector<16xi32>
    %swap3A_475 = arith.constant 240 : index
    %swap3A_476 = tpu.vector_load %arg9[%swap3A_475] {strides = array<i32>} : memref<256xi32, #tpu.memory_space<vmem>>, vector<16xi32>,
    tpu.vector_store %arg9[%swap3A_475], %mul3A_474 {strides = array<i32>} : memref<256xi32, #tpu.memory_space<vmem>>, vector<16xi32>,
    %add3A_477 = arith.constant 1 : i32
    %add3A_478 = vector.broadcast %add3A_477 : i32 to vector<16xi32>
    %add3A_479 = arith.addi %mul3A_474, %add3A_478 : vector<16xi32>
    %swap3A_480 = arith.constant 240 : index
    %swap3A_481 = tpu.vector_load %arg11[%swap3A_480] {strides = array<i32>} : memref<256xi32, #tpu.memory_space<vmem>>, vector<16xi32>,
    tpu.vector_store %arg11[%swap3A_480], %add3A_479 {strides = array<i32>} : memref<256xi32, #tpu.memory_space<vmem>>, vector<16xi32>,
    %dma_start3A_482 = arith.constant 0 : i32
    %dma_start3A_483 = tpu.memref_slice %arg14[%dma_start3A_482] : memref<256xi32, #tpu.memory_space<vmem>> -> memref<128xi32, #tpu.memory_space<vmem>>
    %dma_start3A_484 = arith.constant 0 : i32
    %dma_start3A_485 = tpu.memref_slice %arg9[%dma_start3A_484] : memref<256xi32, #tpu.memory_space<vmem>> -> memref<128xi32, #tpu.memory_space<vmem>>
    %dma_start3A_486 = arith.constant 0 : i32
    %dma_start3A_487 = tpu.memref_slice %arg3[%dma_start3A_486] : memref<640000xi32, #tpu.memory_space<hbm>> -> memref<640000xi32, #tpu.memory_space<hbm>>
    tpu.enqueue_indirect_dma source(%dma_start3A_487 : memref<640000xi32, #tpu.memory_space<hbm>>) target(%dma_start3A_483 : memref<128xi32, #tpu.memory_space<vmem>>) offsets(%dma_start3A_485 : memref<128xi32, #tpu.memory_space<vmem>>) semaphore(%arg19 : memref<!tpu.dma_semaphore, #tpu.memory_space<semaphore_mem>>)
    %dma_start3A_488 = arith.constant 0 : i32
    %dma_start3A_489 = tpu.memref_slice %arg15[%dma_start3A_488] : memref<256xi32, #tpu.memory_space<vmem>> -> memref<128xi32, #tpu.memory_space<vmem>>
    %dma_start3A_490 = arith.constant 0 : i32
    %dma_start3A_491 = tpu.memref_slice %arg11[%dma_start3A_490] : memref<256xi32, #tpu.memory_space<vmem>> -> memref<128xi32, #tpu.memory_space<vmem>>
    %dma_start3A_492 = arith.constant 0 : i32
    %dma_start3A_493 = tpu.memref_slice %arg3[%dma_start3A_492] : memref<640000xi32, #tpu.memory_space<hbm>> -> memref<640000xi32, #tpu.memory_space<hbm>>
    tpu.enqueue_indirect_dma source(%dma_start3A_493 : memref<640000xi32, #tpu.memory_space<hbm>>) target(%dma_start3A_489 : memref<128xi32, #tpu.memory_space<vmem>>) offsets(%dma_start3A_491 : memref<128xi32, #tpu.memory_space<vmem>>) semaphore(%arg19 : memref<!tpu.dma_semaphore, #tpu.memory_space<semaphore_mem>>)
    %dma_start3A_494 = arith.constant 128 : i32
    %dma_start3A_495 = tpu.memref_slice %arg14[%dma_start3A_494] : memref<256xi32, #tpu.memory_space<vmem>> -> memref<128xi32, #tpu.memory_space<vmem>>
    %dma_start3A_496 = arith.constant 128 : i32
    %dma_start3A_497 = tpu.memref_slice %arg9[%dma_start3A_496] : memref<256xi32, #tpu.memory_space<vmem>> -> memref<128xi32, #tpu.memory_space<vmem>>
    %dma_start3A_498 = arith.constant 0 : i32
    %dma_start3A_499 = tpu.memref_slice %arg3[%dma_start3A_498] : memref<640000xi32, #tpu.memory_space<hbm>> -> memref<640000xi32, #tpu.memory_space<hbm>>
    tpu.enqueue_indirect_dma source(%dma_start3A_499 : memref<640000xi32, #tpu.memory_space<hbm>>) target(%dma_start3A_495 : memref<128xi32, #tpu.memory_space<vmem>>) offsets(%dma_start3A_497 : memref<128xi32, #tpu.memory_space<vmem>>) semaphore(%arg19 : memref<!tpu.dma_semaphore, #tpu.memory_space<semaphore_mem>>)
    %dma_start3A_500 = arith.constant 128 : i32
    %dma_start3A_501 = tpu.memref_slice %arg15[%dma_start3A_500] : memref<256xi32, #tpu.memory_space<vmem>> -> memref<128xi32, #tpu.memory_space<vmem>>
    %dma_start3A_502 = arith.constant 128 : i32
    %dma_start3A_503 = tpu.memref_slice %arg11[%dma_start3A_502] : memref<256xi32, #tpu.memory_space<vmem>> -> memref<128xi32, #tpu.memory_space<vmem>>
    %dma_start3A_504 = arith.constant 0 : i32
    %dma_start3A_505 = tpu.memref_slice %arg3[%dma_start3A_504] : memref<640000xi32, #tpu.memory_space<hbm>> -> memref<640000xi32, #tpu.memory_space<hbm>>
    tpu.enqueue_indirect_dma source(%dma_start3A_505 : memref<640000xi32, #tpu.memory_space<hbm>>) target(%dma_start3A_501 : memref<128xi32, #tpu.memory_space<vmem>>) offsets(%dma_start3A_503 : memref<128xi32, #tpu.memory_space<vmem>>) semaphore(%arg19 : memref<!tpu.dma_semaphore, #tpu.memory_space<semaphore_mem>>)
    %scan3A = arith.constant 0 : i32
    %scan3A_506 = arith.constant 0 : i32
    %scan3A_507 = arith.constant 25 : i32
    %scan3A_508 = arith.addi %scan3A_506, %scan3A_507 : i32
    %scan3A_509 = arith.constant 1 : i32
    scf.for %scan3A_522 = %scan3A_506 to %scan3A_508 step %scan3A_509  : i32 {
      %mul3A_523 = arith.constant 2 : i32
      %mul3A_524 = arith.muli %mul3A_523, %scan3A_522 : i32
      %add3A_525 = arith.constant 0 : i32
      %add3A_526 = arith.addi %mul3A_524, %add3A_525 : i32
      %dma_wait3A_527 = arith.constant 0 : i32
      %dma_wait3A_528 = tpu.memref_slice %arg3[%dma_wait3A_527] : memref<640000xi32, #tpu.memory_space<hbm>> -> memref<256xi32, #tpu.memory_space<hbm>>
      %dma_wait3A_529 = arith.constant 0 : i32
      %dma_wait3A_530 = tpu.memref_slice %arg3[%dma_wait3A_529] : memref<640000xi32, #tpu.memory_space<hbm>> -> memref<256xi32, #tpu.memory_space<hbm>>
      tpu.wait_dma2 semaphore(%arg18 : memref<!tpu.dma_semaphore, #tpu.memory_space<semaphore_mem>>) src(%dma_wait3A_530 : memref<256xi32, #tpu.memory_space<hbm>>) dst(%arg12 : memref<256xi32, #tpu.memory_space<vmem>>)
      %dma_wait3A_531 = arith.constant 0 : i32
      %dma_wait3A_532 = tpu.memref_slice %arg3[%dma_wait3A_531] : memref<640000xi32, #tpu.memory_space<hbm>> -> memref<256xi32, #tpu.memory_space<hbm>>
      %dma_wait3A_533 = arith.constant 0 : i32
      %dma_wait3A_534 = tpu.memref_slice %arg3[%dma_wait3A_533] : memref<640000xi32, #tpu.memory_space<hbm>> -> memref<256xi32, #tpu.memory_space<hbm>>
      tpu.wait_dma2 semaphore(%arg18 : memref<!tpu.dma_semaphore, #tpu.memory_space<semaphore_mem>>) src(%dma_wait3A_534 : memref<256xi32, #tpu.memory_space<hbm>>) dst(%arg13 : memref<256xi32, #tpu.memory_space<vmem>>)
      %swap3A_535 = arith.constant 0 : i32
      %swap3A_536 = arith.index_cast %swap3A_535 : i32 to index
      %swap3A_537 = arith.constant 0 : index
      %swap3A_538 = tpu.vector_load %arg16[%swap3A_536, %swap3A_537] {strides = array<i32>} : memref<64x64xf32, #tpu.memory_space<vmem>>, vector<16xf32>,
      tpu.vector_store %arg16[%swap3A_536, %swap3A_537], %broadcast_in_dim3A_12 {strides = array<i32>} : memref<64x64xf32, #tpu.memory_space<vmem>>, vector<16xf32>,
      %swap3A_539 = arith.constant 0 : i32
      %swap3A_540 = arith.index_cast %swap3A_539 : i32 to index
      %swap3A_541 = arith.constant 16 : index
      %swap3A_542 = tpu.vector_load %arg16[%swap3A_540, %swap3A_541] {strides = array<i32>} : memref<64x64xf32, #tpu.memory_space<vmem>>, vector<16xf32>,
      tpu.vector_store %arg16[%swap3A_540, %swap3A_541], %broadcast_in_dim3A_12 {strides = array<i32>} : memref<64x64xf32, #tpu.memory_space<vmem>>, vector<16xf32>,
      %swap3A_543 = arith.constant 0 : i32
      %swap3A_544 = arith.index_cast %swap3A_543 : i32 to index
      %swap3A_545 = arith.constant 32 : index
      %swap3A_546 = tpu.vector_load %arg16[%swap3A_544, %swap3A_545] {strides = array<i32>} : memref<64x64xf32, #tpu.memory_space<vmem>>, vector<16xf32>,
      tpu.vector_store %arg16[%swap3A_544, %swap3A_545], %broadcast_in_dim3A_12 {strides = array<i32>} : memref<64x64xf32, #tpu.memory_space<vmem>>, vector<16xf32>,
      %swap3A_547 = arith.constant 0 : i32
      %swap3A_548 = arith.index_cast %swap3A_547 : i32 to index
      %swap3A_549 = arith.constant 48 : index
      %swap3A_550 = tpu.vector_load %arg16[%swap3A_548, %swap3A_549] {strides = array<i32>} : memref<64x64xf32, #tpu.memory_space<vmem>>, vector<16xf32>,
      tpu.vector_store %arg16[%swap3A_548, %swap3A_549], %broadcast_in_dim3A_12 {strides = array<i32>} : memref<64x64xf32, #tpu.memory_space<vmem>>, vector<16xf32>,
      %swap3A_551 = arith.constant 1 : i32
      %swap3A_552 = arith.index_cast %swap3A_551 : i32 to index
      %swap3A_553 = arith.constant 0 : index
      %swap3A_554 = tpu.vector_load %arg16[%swap3A_552, %swap3A_553] {strides = array<i32>} : memref<64x64xf32, #tpu.memory_space<vmem>>, vector<16xf32>,
      tpu.vector_store %arg16[%swap3A_552, %swap3A_553], %broadcast_in_dim3A_12 {strides = array<i32>} : memref<64x64xf32, #tpu.memory_space<vmem>>, vector<16xf32>,
      %swap3A_555 = arith.constant 1 : i32
      %swap3A_556 = arith.index_cast %swap3A_555 : i32 to index
      %swap3A_557 = arith.constant 16 : index
      %swap3A_558 = tpu.vector_load %arg16[%swap3A_556, %swap3A_557] {strides = array<i32>} : memref<64x64xf32, #tpu.memory_space<vmem>>, vector<16xf32>,
      tpu.vector_store %arg16[%swap3A_556, %swap3A_557], %broadcast_in_dim3A_12 {strides = array<i32>} : memref<64x64xf32, #tpu.memory_space<vmem>>, vector<16xf32>,
      %swap3A_559 = arith.constant 1 : i32
      %swap3A_560 = arith.index_cast %swap3A_559 : i32 to index
      %swap3A_561 = arith.constant 32 : index
      %swap3A_562 = tpu.vector_load %arg16[%swap3A_560, %swap3A_561] {strides = array<i32>} : memref<64x64xf32, #tpu.memory_space<vmem>>, vector<16xf32>,
      tpu.vector_store %arg16[%swap3A_560, %swap3A_561], %broadcast_in_dim3A_12 {strides = array<i32>} : memref<64x64xf32, #tpu.memory_space<vmem>>, vector<16xf32>,
      %swap3A_563 = arith.constant 1 : i32
      %swap3A_564 = arith.index_cast %swap3A_563 : i32 to index
      %swap3A_565 = arith.constant 48 : index
      %swap3A_566 = tpu.vector_load %arg16[%swap3A_564, %swap3A_565] {strides = array<i32>} : memref<64x64xf32, #tpu.memory_space<vmem>>, vector<16xf32>,
      tpu.vector_store %arg16[%swap3A_564, %swap3A_565], %broadcast_in_dim3A_12 {strides = array<i32>} : memref<64x64xf32, #tpu.memory_space<vmem>>, vector<16xf32>,
      %swap3A_567 = arith.constant 2 : i32
      %swap3A_568 = arith.index_cast %swap3A_567 : i32 to index
      %swap3A_569 = arith.constant 0 : index
      %swap3A_570 = tpu.vector_load %arg16[%swap3A_568, %swap3A_569] {strides = array<i32>} : memref<64x64xf32, #tpu.memory_space<vmem>>, vector<16xf32>,
      tpu.vector_store %arg16[%swap3A_568, %swap3A_569], %broadcast_in_dim3A_12 {strides = array<i32>} : memref<64x64xf32, #tpu.memory_space<vmem>>, vector<16xf32>,
      %swap3A_571 = arith.constant 2 : i32
      %swap3A_572 = arith.index_cast %swap3A_571 : i32 to index
      %swap3A_573 = arith.constant 16 : index
      %swap3A_574 = tpu.vector_load %arg16[%swap3A_572, %swap3A_573] {strides = array<i32>} : memref<64x64xf32, #tpu.memory_space<vmem>>, vector<16xf32>,
      tpu.vector_store %arg16[%swap3A_572, %swap3A_573], %broadcast_in_dim3A_12 {strides = array<i32>} : memref<64x64xf32, #tpu.memory_space<vmem>>, vector<16xf32>,
      %swap3A_575 = arith.constant 2 : i32
      %swap3A_576 = arith.index_cast %swap3A_575 : i32 to index
      %swap3A_577 = arith.constant 32 : index
      %swap3A_578 = tpu.vector_load %arg16[%swap3A_576, %swap3A_577] {strides = array<i32>} : memref<64x64xf32, #tpu.memory_space<vmem>>, vector<16xf32>,
      tpu.vector_store %arg16[%swap3A_576, %swap3A_577], %broadcast_in_dim3A_12 {strides = array<i32>} : memref<64x64xf32, #tpu.memory_space<vmem>>, vector<16xf32>,
      %swap3A_579 = arith.constant 2 : i32
      %swap3A_580 = arith.index_cast %swap3A_579 : i32 to index
      %swap3A_581 = arith.constant 48 : index
      %swap3A_582 = tpu.vector_load %arg16[%swap3A_580, %swap3A_581] {strides = array<i32>} : memref<64x64xf32, #tpu.memory_space<vmem>>, vector<16xf32>,
      tpu.vector_store %arg16[%swap3A_580, %swap3A_581], %broadcast_in_dim3A_12 {strides = array<i32>} : memref<64x64xf32, #tpu.memory_space<vmem>>, vector<16xf32>,
      %swap3A_583 = arith.constant 3 : i32
      %swap3A_584 = arith.index_cast %swap3A_583 : i32 to index
      %swap3A_585 = arith.constant 0 : index
      %swap3A_586 = tpu.vector_load %arg16[%swap3A_584, %swap3A_585] {strides = array<i32>} : memref<64x64xf32, #tpu.memory_space<vmem>>, vector<16xf32>,
      tpu.vector_store %arg16[%swap3A_584, %swap3A_585], %broadcast_in_dim3A_12 {strides = array<i32>} : memref<64x64xf32, #tpu.memory_space<vmem>>, vector<16xf32>,
      %swap3A_587 = arith.constant 3 : i32
      %swap3A_588 = arith.index_cast %swap3A_587 : i32 to index
      %swap3A_589 = arith.constant 16 : index
      %swap3A_590 = tpu.vector_load %arg16[%swap3A_588, %swap3A_589] {strides = array<i32>} : memref<64x64xf32, #tpu.memory_space<vmem>>, vector<16xf32>,
      tpu.vector_store %arg16[%swap3A_588, %swap3A_589], %broadcast_in_dim3A_12 {strides = array<i32>} : memref<64x64xf32, #tpu.memory_space<vmem>>, vector<16xf32>,
      %swap3A_591 = arith.constant 3 : i32
      %swap3A_592 = arith.index_cast %swap3A_591 : i32 to index
      %swap3A_593 = arith.constant 32 : index
      %swap3A_594 = tpu.vector_load %arg16[%swap3A_592, %swap3A_593] {strides = array<i32>} : memref<64x64xf32, #tpu.memory_space<vmem>>, vector<16xf32>,
      tpu.vector_store %arg16[%swap3A_592, %swap3A_593], %broadcast_in_dim3A_12 {strides = array<i32>} : memref<64x64xf32, #tpu.memory_space<vmem>>, vector<16xf32>,
      %swap3A_595 = arith.constant 3 : i32
      %swap3A_596 = arith.index_cast %swap3A_595 : i32 to index
      %swap3A_597 = arith.constant 48 : index
      %swap3A_598 = tpu.vector_load %arg16[%swap3A_596, %swap3A_597] {strides = array<i32>} : memref<64x64xf32, #tpu.memory_space<vmem>>, vector<16xf32>,
      tpu.vector_store %arg16[%swap3A_596, %swap3A_597], %broadcast_in_dim3A_12 {strides = array<i32>} : memref<64x64xf32, #tpu.memory_space<vmem>>, vector<16xf32>,
      %swap3A_599 = arith.constant 4 : i32
      %swap3A_600 = arith.index_cast %swap3A_599 : i32 to index
      %swap3A_601 = arith.constant 0 : index
      %swap3A_602 = tpu.vector_load %arg16[%swap3A_600, %swap3A_601] {strides = array<i32>} : memref<64x64xf32, #tpu.memory_space<vmem>>, vector<16xf32>,
      tpu.vector_store %arg16[%swap3A_600, %swap3A_601], %broadcast_in_dim3A_12 {strides = array<i32>} : memref<64x64xf32, #tpu.memory_space<vmem>>, vector<16xf32>,
      %swap3A_603 = arith.constant 4 : i32
      %swap3A_604 = arith.index_cast %swap3A_603 : i32 to index
      %swap3A_605 = arith.constant 16 : index
      %swap3A_606 = tpu.vector_load %arg16[%swap3A_604, %swap3A_605] {strides = array<i32>} : memref<64x64xf32, #tpu.memory_space<vmem>>, vector<16xf32>,
      tpu.vector_store %arg16[%swap3A_604, %swap3A_605], %broadcast_in_dim3A_12 {strides = array<i32>} : memref<64x64xf32, #tpu.memory_space<vmem>>, vector<16xf32>,
      %swap3A_607 = arith.constant 4 : i32
      %swap3A_608 = arith.index_cast %swap3A_607 : i32 to index
      %swap3A_609 = arith.constant 32 : index
      %swap3A_610 = tpu.vector_load %arg16[%swap3A_608, %swap3A_609] {strides = array<i32>} : memref<64x64xf32, #tpu.memory_space<vmem>>, vector<16xf32>,
      tpu.vector_store %arg16[%swap3A_608, %swap3A_609], %broadcast_in_dim3A_12 {strides = array<i32>} : memref<64x64xf32, #tpu.memory_space<vmem>>, vector<16xf32>,
      %swap3A_611 = arith.constant 4 : i32
      %swap3A_612 = arith.index_cast %swap3A_611 : i32 to index
      %swap3A_613 = arith.constant 48 : index
      %swap3A_614 = tpu.vector_load %arg16[%swap3A_612, %swap3A_613] {strides = array<i32>} : memref<64x64xf32, #tpu.memory_space<vmem>>, vector<16xf32>,
      tpu.vector_store %arg16[%swap3A_612, %swap3A_613], %broadcast_in_dim3A_12 {strides = array<i32>} : memref<64x64xf32, #tpu.memory_space<vmem>>, vector<16xf32>,
      %swap3A_615 = arith.constant 5 : i32
      %swap3A_616 = arith.index_cast %swap3A_615 : i32 to index
      %swap3A_617 = arith.constant 0 : index
      %swap3A_618 = tpu.vector_load %arg16[%swap3A_616, %swap3A_617] {strides = array<i32>} : memref<64x64xf32, #tpu.memory_space<vmem>>, vector<16xf32>,
      tpu.vector_store %arg16[%swap3A_616, %swap3A_617], %broadcast_in_dim3A_12 {strides = array<i32>} : memref<64x64xf32, #tpu.memory_space<vmem>>, vector<16xf32>,
      %swap3A_619 = arith.constant 5 : i32
      %swap3A_620 = arith.index_cast %swap3A_619 : i32 to index
      %swap3A_621 = arith.constant 16 : index
      %swap3A_622 = tpu.vector_load %arg16[%swap3A_620, %swap3A_621] {strides = array<i32>} : memref<64x64xf32, #tpu.memory_space<vmem>>, vector<16xf32>,
      tpu.vector_store %arg16[%swap3A_620, %swap3A_621], %broadcast_in_dim3A_12 {strides = array<i32>} : memref<64x64xf32, #tpu.memory_space<vmem>>, vector<16xf32>,
      %swap3A_623 = arith.constant 5 : i32
      %swap3A_624 = arith.index_cast %swap3A_623 : i32 to index
      %swap3A_625 = arith.constant 32 : index
      %swap3A_626 = tpu.vector_load %arg16[%swap3A_624, %swap3A_625] {strides = array<i32>} : memref<64x64xf32, #tpu.memory_space<vmem>>, vector<16xf32>,
      tpu.vector_store %arg16[%swap3A_624, %swap3A_625], %broadcast_in_dim3A_12 {strides = array<i32>} : memref<64x64xf32, #tpu.memory_space<vmem>>, vector<16xf32>,
      %swap3A_627 = arith.constant 5 : i32
      %swap3A_628 = arith.index_cast %swap3A_627 : i32 to index
      %swap3A_629 = arith.constant 48 : index
      %swap3A_630 = tpu.vector_load %arg16[%swap3A_628, %swap3A_629] {strides = array<i32>} : memref<64x64xf32, #tpu.memory_space<vmem>>, vector<16xf32>,
      tpu.vector_store %arg16[%swap3A_628, %swap3A_629], %broadcast_in_dim3A_12 {strides = array<i32>} : memref<64x64xf32, #tpu.memory_space<vmem>>, vector<16xf32>,
      %swap3A_631 = arith.constant 6 : i32
      %swap3A_632 = arith.index_cast %swap3A_631 : i32 to index
      %swap3A_633 = arith.constant 0 : index
      %swap3A_634 = tpu.vector_load %arg16[%swap3A_632, %swap3A_633] {strides = array<i32>} : memref<64x64xf32, #tpu.memory_space<vmem>>, vector<16xf32>,
      tpu.vector_store %arg16[%swap3A_632, %swap3A_633], %broadcast_in_dim3A_12 {strides = array<i32>} : memref<64x64xf32, #tpu.memory_space<vmem>>, vector<16xf32>,
      %swap3A_635 = arith.constant 6 : i32
      %swap3A_636 = arith.index_cast %swap3A_635 : i32 to index
      %swap3A_637 = arith.constant 16 : index
      %swap3A_638 = tpu.vector_load %arg16[%swap3A_636, %swap3A_637] {strides = array<i32>} : memref<64x64xf32, #tpu.memory_space<vmem>>, vector<16xf32>,
      tpu.vector_store %arg16[%swap3A_636, %swap3A_637], %broadcast_in_dim3A_12 {strides = array<i32>} : memref<64x64xf32, #tpu.memory_space<vmem>>, vector<16xf32>,
      %swap3A_639 = arith.constant 6 : i32
      %swap3A_640 = arith.index_cast %swap3A_639 : i32 to index
      %swap3A_641 = arith.constant 32 : index
      %swap3A_642 = tpu.vector_load %arg16[%swap3A_640, %swap3A_641] {strides = array<i32>} : memref<64x64xf32, #tpu.memory_space<vmem>>, vector<16xf32>,
      tpu.vector_store %arg16[%swap3A_640, %swap3A_641], %broadcast_in_dim3A_12 {strides = array<i32>} : memref<64x64xf32, #tpu.memory_space<vmem>>, vector<16xf32>,
      %swap3A_643 = arith.constant 6 : i32
      %swap3A_644 = arith.index_cast %swap3A_643 : i32 to index
      %swap3A_645 = arith.constant 48 : index
      %swap3A_646 = tpu.vector_load %arg16[%swap3A_644, %swap3A_645] {strides = array<i32>} : memref<64x64xf32, #tpu.memory_space<vmem>>, vector<16xf32>,
      tpu.vector_store %arg16[%swap3A_644, %swap3A_645], %broadcast_in_dim3A_12 {strides = array<i32>} : memref<64x64xf32, #tpu.memory_space<vmem>>, vector<16xf32>,
      %swap3A_647 = arith.constant 7 : i32
      %swap3A_648 = arith.index_cast %swap3A_647 : i32 to index
      %swap3A_649 = arith.constant 0 : index
      %swap3A_650 = tpu.vector_load %arg16[%swap3A_648, %swap3A_649] {strides = array<i32>} : memref<64x64xf32, #tpu.memory_space<vmem>>, vector<16xf32>,
      tpu.vector_store %arg16[%swap3A_648, %swap3A_649], %broadcast_in_dim3A_12 {strides = array<i32>} : memref<64x64xf32, #tpu.memory_space<vmem>>, vector<16xf32>,
      %swap3A_651 = arith.constant 7 : i32
      %swap3A_652 = arith.index_cast %swap3A_651 : i32 to index
      %swap3A_653 = arith.constant 16 : index
      %swap3A_654 = tpu.vector_load %arg16[%swap3A_652, %swap3A_653] {strides = array<i32>} : memref<64x64xf32, #tpu.memory_space<vmem>>, vector<16xf32>,
      tpu.vector_store %arg16[%swap3A_652, %swap3A_653], %broadcast_in_dim3A_12 {strides = array<i32>} : memref<64x64xf32, #tpu.memory_space<vmem>>, vector<16xf32>,
      %swap3A_655 = arith.constant 7 : i32
      %swap3A_656 = arith.index_cast %swap3A_655 : i32 to index
      %swap3A_657 = arith.constant 32 : index
      %swap3A_658 = tpu.vector_load %arg16[%swap3A_656, %swap3A_657] {strides = array<i32>} : memref<64x64xf32, #tpu.memory_space<vmem>>, vector<16xf32>,
      tpu.vector_store %arg16[%swap3A_656, %swap3A_657], %broadcast_in_dim3A_12 {strides = array<i32>} : memref<64x64xf32, #tpu.memory_space<vmem>>, vector<16xf32>,
      %swap3A_659 = arith.constant 7 : i32
      %swap3A_660 = arith.index_cast %swap3A_659 : i32 to index
      %swap3A_661 = arith.constant 48 : index
      %swap3A_662 = tpu.vector_load %arg16[%swap3A_660, %swap3A_661] {strides = array<i32>} : memref<64x64xf32, #tpu.memory_space<vmem>>, vector<16xf32>,
      tpu.vector_store %arg16[%swap3A_660, %swap3A_661], %broadcast_in_dim3A_12 {strides = array<i32>} : memref<64x64xf32, #tpu.memory_space<vmem>>, vector<16xf32>,
      %swap3A_663 = arith.constant 8 : i32
      %swap3A_664 = arith.index_cast %swap3A_663 : i32 to index
      %swap3A_665 = arith.constant 0 : index
      %swap3A_666 = tpu.vector_load %arg16[%swap3A_664, %swap3A_665] {strides = array<i32>} : memref<64x64xf32, #tpu.memory_space<vmem>>, vector<16xf32>,
      tpu.vector_store %arg16[%swap3A_664, %swap3A_665], %broadcast_in_dim3A_12 {strides = array<i32>} : memref<64x64xf32, #tpu.memory_space<vmem>>, vector<16xf32>,
      %swap3A_667 = arith.constant 8 : i32
      %swap3A_668 = arith.index_cast %swap3A_667 : i32 to index
      %swap3A_669 = arith.constant 16 : index
      %swap3A_670 = tpu.vector_load %arg16[%swap3A_668, %swap3A_669] {strides = array<i32>} : memref<64x64xf32, #tpu.memory_space<vmem>>, vector<16xf32>,
      tpu.vector_store %arg16[%swap3A_668, %swap3A_669], %broadcast_in_dim3A_12 {strides = array<i32>} : memref<64x64xf32, #tpu.memory_space<vmem>>, vector<16xf32>,
      %swap3A_671 = arith.constant 8 : i32
      %swap3A_672 = arith.index_cast %swap3A_671 : i32 to index
      %swap3A_673 = arith.constant 32 : index
      %swap3A_674 = tpu.vector_load %arg16[%swap3A_672, %swap3A_673] {strides = array<i32>} : memref<64x64xf32, #tpu.memory_space<vmem>>, vector<16xf32>,
      tpu.vector_store %arg16[%swap3A_672, %swap3A_673], %broadcast_in_dim3A_12 {strides = array<i32>} : memref<64x64xf32, #tpu.memory_space<vmem>>, vector<16xf32>,
      %swap3A_675 = arith.constant 8 : i32
      %swap3A_676 = arith.index_cast %swap3A_675 : i32 to index
      %swap3A_677 = arith.constant 48 : index
      %swap3A_678 = tpu.vector_load %arg16[%swap3A_676, %swap3A_677] {strides = array<i32>} : memref<64x64xf32, #tpu.memory_space<vmem>>, vector<16xf32>,
      tpu.vector_store %arg16[%swap3A_676, %swap3A_677], %broadcast_in_dim3A_12 {strides = array<i32>} : memref<64x64xf32, #tpu.memory_space<vmem>>, vector<16xf32>,
      %swap3A_679 = arith.constant 9 : i32
      %swap3A_680 = arith.index_cast %swap3A_679 : i32 to index
      %swap3A_681 = arith.constant 0 : index
      %swap3A_682 = tpu.vector_load %arg16[%swap3A_680, %swap3A_681] {strides = array<i32>} : memref<64x64xf32, #tpu.memory_space<vmem>>, vector<16xf32>,
      tpu.vector_store %arg16[%swap3A_680, %swap3A_681], %broadcast_in_dim3A_12 {strides = array<i32>} : memref<64x64xf32, #tpu.memory_space<vmem>>, vector<16xf32>,
      %swap3A_683 = arith.constant 9 : i32
      %swap3A_684 = arith.index_cast %swap3A_683 : i32 to index
      %swap3A_685 = arith.constant 16 : index
      %swap3A_686 = tpu.vector_load %arg16[%swap3A_684, %swap3A_685] {strides = array<i32>} : memref<64x64xf32, #tpu.memory_space<vmem>>, vector<16xf32>,
      tpu.vector_store %arg16[%swap3A_684, %swap3A_685], %broadcast_in_dim3A_12 {strides = array<i32>} : memref<64x64xf32, #tpu.memory_space<vmem>>, vector<16xf32>,
      %swap3A_687 = arith.constant 9 : i32
      %swap3A_688 = arith.index_cast %swap3A_687 : i32 to index
      %swap3A_689 = arith.constant 32 : index
      %swap3A_690 = tpu.vector_load %arg16[%swap3A_688, %swap3A_689] {strides = array<i32>} : memref<64x64xf32, #tpu.memory_space<vmem>>, vector<16xf32>,
      tpu.vector_store %arg16[%swap3A_688, %swap3A_689], %broadcast_in_dim3A_12 {strides = array<i32>} : memref<64x64xf32, #tpu.memory_space<vmem>>, vector<16xf32>,
      %swap3A_691 = arith.constant 9 : i32
      %swap3A_692 = arith.index_cast %swap3A_691 : i32 to index
      %swap3A_693 = arith.constant 48 : index
      %swap3A_694 = tpu.vector_load %arg16[%swap3A_692, %swap3A_693] {strides = array<i32>} : memref<64x64xf32, #tpu.memory_space<vmem>>, vector<16xf32>,
      tpu.vector_store %arg16[%swap3A_692, %swap3A_693], %broadcast_in_dim3A_12 {strides = array<i32>} : memref<64x64xf32, #tpu.memory_space<vmem>>, vector<16xf32>,
      %swap3A_695 = arith.constant 10 : i32
      %swap3A_696 = arith.index_cast %swap3A_695 : i32 to index
      %swap3A_697 = arith.constant 0 : index
      %swap3A_698 = tpu.vector_load %arg16[%swap3A_696, %swap3A_697] {strides = array<i32>} : memref<64x64xf32, #tpu.memory_space<vmem>>, vector<16xf32>,
      tpu.vector_store %arg16[%swap3A_696, %swap3A_697], %broadcast_in_dim3A_12 {strides = array<i32>} : memref<64x64xf32, #tpu.memory_space<vmem>>, vector<16xf32>,
      %swap3A_699 = arith.constant 10 : i32
      %swap3A_700 = arith.index_cast %swap3A_699 : i32 to index
      %swap3A_701 = arith.constant 16 : index
      %swap3A_702 = tpu.vector_load %arg16[%swap3A_700, %swap3A_701] {strides = array<i32>} : memref<64x64xf32, #tpu.memory_space<vmem>>, vector<16xf32>,
      tpu.vector_store %arg16[%swap3A_700, %swap3A_701], %broadcast_in_dim3A_12 {strides = array<i32>} : memref<64x64xf32, #tpu.memory_space<vmem>>, vector<16xf32>,
      %swap3A_703 = arith.constant 10 : i32
      %swap3A_704 = arith.index_cast %swap3A_703 : i32 to index
      %swap3A_705 = arith.constant 32 : index
      %swap3A_706 = tpu.vector_load %arg16[%swap3A_704, %swap3A_705] {strides = array<i32>} : memref<64x64xf32, #tpu.memory_space<vmem>>, vector<16xf32>,
      tpu.vector_store %arg16[%swap3A_704, %swap3A_705], %broadcast_in_dim3A_12 {strides = array<i32>} : memref<64x64xf32, #tpu.memory_space<vmem>>, vector<16xf32>,
      %swap3A_707 = arith.constant 10 : i32
      %swap3A_708 = arith.index_cast %swap3A_707 : i32 to index
      %swap3A_709 = arith.constant 48 : index
      %swap3A_710 = tpu.vector_load %arg16[%swap3A_708, %swap3A_709] {strides = array<i32>} : memref<64x64xf32, #tpu.memory_space<vmem>>, vector<16xf32>,
      tpu.vector_store %arg16[%swap3A_708, %swap3A_709], %broadcast_in_dim3A_12 {strides = array<i32>} : memref<64x64xf32, #tpu.memory_space<vmem>>, vector<16xf32>,
      %swap3A_711 = arith.constant 11 : i32
      %swap3A_712 = arith.index_cast %swap3A_711 : i32 to index
      %swap3A_713 = arith.constant 0 : index
      %swap3A_714 = tpu.vector_load %arg16[%swap3A_712, %swap3A_713] {strides = array<i32>} : memref<64x64xf32, #tpu.memory_space<vmem>>, vector<16xf32>,
      tpu.vector_store %arg16[%swap3A_712, %swap3A_713], %broadcast_in_dim3A_12 {strides = array<i32>} : memref<64x64xf32, #tpu.memory_space<vmem>>, vector<16xf32>,
      %swap3A_715 = arith.constant 11 : i32
      %swap3A_716 = arith.index_cast %swap3A_715 : i32 to index
      %swap3A_717 = arith.constant 16 : index
      %swap3A_718 = tpu.vector_load %arg16[%swap3A_716, %swap3A_717] {strides = array<i32>} : memref<64x64xf32, #tpu.memory_space<vmem>>, vector<16xf32>,
      tpu.vector_store %arg16[%swap3A_716, %swap3A_717], %broadcast_in_dim3A_12 {strides = array<i32>} : memref<64x64xf32, #tpu.memory_space<vmem>>, vector<16xf32>,
      %swap3A_719 = arith.constant 11 : i32
      %swap3A_720 = arith.index_cast %swap3A_719 : i32 to index
      %swap3A_721 = arith.constant 32 : index
      %swap3A_722 = tpu.vector_load %arg16[%swap3A_720, %swap3A_721] {strides = array<i32>} : memref<64x64xf32, #tpu.memory_space<vmem>>, vector<16xf32>,
      tpu.vector_store %arg16[%swap3A_720, %swap3A_721], %broadcast_in_dim3A_12 {strides = array<i32>} : memref<64x64xf32, #tpu.memory_space<vmem>>, vector<16xf32>,
      %swap3A_723 = arith.constant 11 : i32
      %swap3A_724 = arith.index_cast %swap3A_723 : i32 to index
      %swap3A_725 = arith.constant 48 : index
      %swap3A_726 = tpu.vector_load %arg16[%swap3A_724, %swap3A_725] {strides = array<i32>} : memref<64x64xf32, #tpu.memory_space<vmem>>, vector<16xf32>,
      tpu.vector_store %arg16[%swap3A_724, %swap3A_725], %broadcast_in_dim3A_12 {strides = array<i32>} : memref<64x64xf32, #tpu.memory_space<vmem>>, vector<16xf32>,
      %swap3A_727 = arith.constant 12 : i32
      %swap3A_728 = arith.index_cast %swap3A_727 : i32 to index
      %swap3A_729 = arith.constant 0 : index
      %swap3A_730 = tpu.vector_load %arg16[%swap3A_728, %swap3A_729] {strides = array<i32>} : memref<64x64xf32, #tpu.memory_space<vmem>>, vector<16xf32>,
      tpu.vector_store %arg16[%swap3A_728, %swap3A_729], %broadcast_in_dim3A_12 {strides = array<i32>} : memref<64x64xf32, #tpu.memory_space<vmem>>, vector<16xf32>,
      %swap3A_731 = arith.constant 12 : i32
      %swap3A_732 = arith.index_cast %swap3A_731 : i32 to index
      %swap3A_733 = arith.constant 16 : index
      %swap3A_734 = tpu.vector_load %arg16[%swap3A_732, %swap3A_733] {strides = array<i32>} : memref<64x64xf32, #tpu.memory_space<vmem>>, vector<16xf32>,
      tpu.vector_store %arg16[%swap3A_732, %swap3A_733], %broadcast_in_dim3A_12 {strides = array<i32>} : memref<64x64xf32, #tpu.memory_space<vmem>>, vector<16xf32>,
      %swap3A_735 = arith.constant 12 : i32
      %swap3A_736 = arith.index_cast %swap3A_735 : i32 to index
      %swap3A_737 = arith.constant 32 : index
      %swap3A_738 = tpu.vector_load %arg16[%swap3A_736, %swap3A_737] {strides = array<i32>} : memref<64x64xf32, #tpu.memory_space<vmem>>, vector<16xf32>,
      tpu.vector_store %arg16[%swap3A_736, %swap3A_737], %broadcast_in_dim3A_12 {strides = array<i32>} : memref<64x64xf32, #tpu.memory_space<vmem>>, vector<16xf32>,
      %swap3A_739 = arith.constant 12 : i32
      %swap3A_740 = arith.index_cast %swap3A_739 : i32 to index
      %swap3A_741 = arith.constant 48 : index
      %swap3A_742 = tpu.vector_load %arg16[%swap3A_740, %swap3A_741] {strides = array<i32>} : memref<64x64xf32, #tpu.memory_space<vmem>>, vector<16xf32>,
      tpu.vector_store %arg16[%swap3A_740, %swap3A_741], %broadcast_in_dim3A_12 {strides = array<i32>} : memref<64x64xf32, #tpu.memory_space<vmem>>, vector<16xf32>,
      %swap3A_743 = arith.constant 13 : i32
      %swap3A_744 = arith.index_cast %swap3A_743 : i32 to index
      %swap3A_745 = arith.constant 0 : index
      %swap3A_746 = tpu.vector_load %arg16[%swap3A_744, %swap3A_745] {strides = array<i32>} : memref<64x64xf32, #tpu.memory_space<vmem>>, vector<16xf32>,
      tpu.vector_store %arg16[%swap3A_744, %swap3A_745], %broadcast_in_dim3A_12 {strides = array<i32>} : memref<64x64xf32, #tpu.memory_space<vmem>>, vector<16xf32>,
      %swap3A_747 = arith.constant 13 : i32
      %swap3A_748 = arith.index_cast %swap3A_747 : i32 to index
      %swap3A_749 = arith.constant 16 : index
      %swap3A_750 = tpu.vector_load %arg16[%swap3A_748, %swap3A_749] {strides = array<i32>} : memref<64x64xf32, #tpu.memory_space<vmem>>, vector<16xf32>,
      tpu.vector_store %arg16[%swap3A_748, %swap3A_749], %broadcast_in_dim3A_12 {strides = array<i32>} : memref<64x64xf32, #tpu.memory_space<vmem>>, vector<16xf32>,
      %swap3A_751 = arith.constant 13 : i32
      %swap3A_752 = arith.index_cast %swap3A_751 : i32 to index
      %swap3A_753 = arith.constant 32 : index
      %swap3A_754 = tpu.vector_load %arg16[%swap3A_752, %swap3A_753] {strides = array<i32>} : memref<64x64xf32, #tpu.memory_space<vmem>>, vector<16xf32>,
      tpu.vector_store %arg16[%swap3A_752, %swap3A_753], %broadcast_in_dim3A_12 {strides = array<i32>} : memref<64x64xf32, #tpu.memory_space<vmem>>, vector<16xf32>,
      %swap3A_755 = arith.constant 13 : i32
      %swap3A_756 = arith.index_cast %swap3A_755 : i32 to index
      %swap3A_757 = arith.constant 48 : index
      %swap3A_758 = tpu.vector_load %arg16[%swap3A_756, %swap3A_757] {strides = array<i32>} : memref<64x64xf32, #tpu.memory_space<vmem>>, vector<16xf32>,
      tpu.vector_store %arg16[%swap3A_756, %swap3A_757], %broadcast_in_dim3A_12 {strides = array<i32>} : memref<64x64xf32, #tpu.memory_space<vmem>>, vector<16xf32>,
      %swap3A_759 = arith.constant 14 : i32
      %swap3A_760 = arith.index_cast %swap3A_759 : i32 to index
      %swap3A_761 = arith.constant 0 : index
      %swap3A_762 = tpu.vector_load %arg16[%swap3A_760, %swap3A_761] {strides = array<i32>} : memref<64x64xf32, #tpu.memory_space<vmem>>, vector<16xf32>,
      tpu.vector_store %arg16[%swap3A_760, %swap3A_761], %broadcast_in_dim3A_12 {strides = array<i32>} : memref<64x64xf32, #tpu.memory_space<vmem>>, vector<16xf32>,
      %swap3A_763 = arith.constant 14 : i32
      %swap3A_764 = arith.index_cast %swap3A_763 : i32 to index
      %swap3A_765 = arith.constant 16 : index
      %swap3A_766 = tpu.vector_load %arg16[%swap3A_764, %swap3A_765] {strides = array<i32>} : memref<64x64xf32, #tpu.memory_space<vmem>>, vector<16xf32>,
      tpu.vector_store %arg16[%swap3A_764, %swap3A_765], %broadcast_in_dim3A_12 {strides = array<i32>} : memref<64x64xf32, #tpu.memory_space<vmem>>, vector<16xf32>,
      %swap3A_767 = arith.constant 14 : i32
      %swap3A_768 = arith.index_cast %swap3A_767 : i32 to index
      %swap3A_769 = arith.constant 32 : index
      %swap3A_770 = tpu.vector_load %arg16[%swap3A_768, %swap3A_769] {strides = array<i32>} : memref<64x64xf32, #tpu.memory_space<vmem>>, vector<16xf32>,
      tpu.vector_store %arg16[%swap3A_768, %swap3A_769], %broadcast_in_dim3A_12 {strides = array<i32>} : memref<64x64xf32, #tpu.memory_space<vmem>>, vector<16xf32>,
      %swap3A_771 = arith.constant 14 : i32
      %swap3A_772 = arith.index_cast %swap3A_771 : i32 to index
      %swap3A_773 = arith.constant 48 : index
      %swap3A_774 = tpu.vector_load %arg16[%swap3A_772, %swap3A_773] {strides = array<i32>} : memref<64x64xf32, #tpu.memory_space<vmem>>, vector<16xf32>,
      tpu.vector_store %arg16[%swap3A_772, %swap3A_773], %broadcast_in_dim3A_12 {strides = array<i32>} : memref<64x64xf32, #tpu.memory_space<vmem>>, vector<16xf32>,
      %swap3A_775 = arith.constant 15 : i32
      %swap3A_776 = arith.index_cast %swap3A_775 : i32 to index
      %swap3A_777 = arith.constant 0 : index
      %swap3A_778 = tpu.vector_load %arg16[%swap3A_776, %swap3A_777] {strides = array<i32>} : memref<64x64xf32, #tpu.memory_space<vmem>>, vector<16xf32>,
      tpu.vector_store %arg16[%swap3A_776, %swap3A_777], %broadcast_in_dim3A_12 {strides = array<i32>} : memref<64x64xf32, #tpu.memory_space<vmem>>, vector<16xf32>,
      %swap3A_779 = arith.constant 15 : i32
      %swap3A_780 = arith.index_cast %swap3A_779 : i32 to index
      %swap3A_781 = arith.constant 16 : index
      %swap3A_782 = tpu.vector_load %arg16[%swap3A_780, %swap3A_781] {strides = array<i32>} : memref<64x64xf32, #tpu.memory_space<vmem>>, vector<16xf32>,
      tpu.vector_store %arg16[%swap3A_780, %swap3A_781], %broadcast_in_dim3A_12 {strides = array<i32>} : memref<64x64xf32, #tpu.memory_space<vmem>>, vector<16xf32>,
      %swap3A_783 = arith.constant 15 : i32
      %swap3A_784 = arith.index_cast %swap3A_783 : i32 to index
      %swap3A_785 = arith.constant 32 : index
      %swap3A_786 = tpu.vector_load %arg16[%swap3A_784, %swap3A_785] {strides = array<i32>} : memref<64x64xf32, #tpu.memory_space<vmem>>, vector<16xf32>,
      tpu.vector_store %arg16[%swap3A_784, %swap3A_785], %broadcast_in_dim3A_12 {strides = array<i32>} : memref<64x64xf32, #tpu.memory_space<vmem>>, vector<16xf32>,
      %swap3A_787 = arith.constant 15 : i32
      %swap3A_788 = arith.index_cast %swap3A_787 : i32 to index
      %swap3A_789 = arith.constant 48 : index
      %swap3A_790 = tpu.vector_load %arg16[%swap3A_788, %swap3A_789] {strides = array<i32>} : memref<64x64xf32, #tpu.memory_space<vmem>>, vector<16xf32>,
      tpu.vector_store %arg16[%swap3A_788, %swap3A_789], %broadcast_in_dim3A_12 {strides = array<i32>} : memref<64x64xf32, #tpu.memory_space<vmem>>, vector<16xf32>,
      %swap3A_791 = arith.constant 16 : i32
      %swap3A_792 = arith.index_cast %swap3A_791 : i32 to index
      %swap3A_793 = arith.constant 0 : index
      %swap3A_794 = tpu.vector_load %arg16[%swap3A_792, %swap3A_793] {strides = array<i32>} : memref<64x64xf32, #tpu.memory_space<vmem>>, vector<16xf32>,
      tpu.vector_store %arg16[%swap3A_792, %swap3A_793], %broadcast_in_dim3A_12 {strides = array<i32>} : memref<64x64xf32, #tpu.memory_space<vmem>>, vector<16xf32>,
      %swap3A_795 = arith.constant 16 : i32
      %swap3A_796 = arith.index_cast %swap3A_795 : i32 to index
      %swap3A_797 = arith.constant 16 : index
      %swap3A_798 = tpu.vector_load %arg16[%swap3A_796, %swap3A_797] {strides = array<i32>} : memref<64x64xf32, #tpu.memory_space<vmem>>, vector<16xf32>,
      tpu.vector_store %arg16[%swap3A_796, %swap3A_797], %broadcast_in_dim3A_12 {strides = array<i32>} : memref<64x64xf32, #tpu.memory_space<vmem>>, vector<16xf32>,
      %swap3A_799 = arith.constant 16 : i32
      %swap3A_800 = arith.index_cast %swap3A_799 : i32 to index
      %swap3A_801 = arith.constant 32 : index
      %swap3A_802 = tpu.vector_load %arg16[%swap3A_800, %swap3A_801] {strides = array<i32>} : memref<64x64xf32, #tpu.memory_space<vmem>>, vector<16xf32>,
      tpu.vector_store %arg16[%swap3A_800, %swap3A_801], %broadcast_in_dim3A_12 {strides = array<i32>} : memref<64x64xf32, #tpu.memory_space<vmem>>, vector<16xf32>,
      %swap3A_803 = arith.constant 16 : i32
      %swap3A_804 = arith.index_cast %swap3A_803 : i32 to index
      %swap3A_805 = arith.constant 48 : index
      %swap3A_806 = tpu.vector_load %arg16[%swap3A_804, %swap3A_805] {strides = array<i32>} : memref<64x64xf32, #tpu.memory_space<vmem>>, vector<16xf32>,
      tpu.vector_store %arg16[%swap3A_804, %swap3A_805], %broadcast_in_dim3A_12 {strides = array<i32>} : memref<64x64xf32, #tpu.memory_space<vmem>>, vector<16xf32>,
      %swap3A_807 = arith.constant 17 : i32
      %swap3A_808 = arith.index_cast %swap3A_807 : i32 to index
      %swap3A_809 = arith.constant 0 : index
      %swap3A_810 = tpu.vector_load %arg16[%swap3A_808, %swap3A_809] {strides = array<i32>} : memref<64x64xf32, #tpu.memory_space<vmem>>, vector<16xf32>,
      tpu.vector_store %arg16[%swap3A_808, %swap3A_809], %broadcast_in_dim3A_12 {strides = array<i32>} : memref<64x64xf32, #tpu.memory_space<vmem>>, vector<16xf32>,
      %swap3A_811 = arith.constant 17 : i32
      %swap3A_812 = arith.index_cast %swap3A_811 : i32 to index
      %swap3A_813 = arith.constant 16 : index
      %swap3A_814 = tpu.vector_load %arg16[%swap3A_812, %swap3A_813] {strides = array<i32>} : memref<64x64xf32, #tpu.memory_space<vmem>>, vector<16xf32>,
      tpu.vector_store %arg16[%swap3A_812, %swap3A_813], %broadcast_in_dim3A_12 {strides = array<i32>} : memref<64x64xf32, #tpu.memory_space<vmem>>, vector<16xf32>,
      %swap3A_815 = arith.constant 17 : i32
      %swap3A_816 = arith.index_cast %swap3A_815 : i32 to index
      %swap3A_817 = arith.constant 32 : index
      %swap3A_818 = tpu.vector_load %arg16[%swap3A_816, %swap3A_817] {strides = array<i32>} : memref<64x64xf32, #tpu.memory_space<vmem>>, vector<16xf32>,
      tpu.vector_store %arg16[%swap3A_816, %swap3A_817], %broadcast_in_dim3A_12 {strides = array<i32>} : memref<64x64xf32, #tpu.memory_space<vmem>>, vector<16xf32>,
      %swap3A_819 = arith.constant 17 : i32
      %swap3A_820 = arith.index_cast %swap3A_819 : i32 to index
      %swap3A_821 = arith.constant 48 : index
      %swap3A_822 = tpu.vector_load %arg16[%swap3A_820, %swap3A_821] {strides = array<i32>} : memref<64x64xf32, #tpu.memory_space<vmem>>, vector<16xf32>,
      tpu.vector_store %arg16[%swap3A_820, %swap3A_821], %broadcast_in_dim3A_12 {strides = array<i32>} : memref<64x64xf32, #tpu.memory_space<vmem>>, vector<16xf32>,
      %swap3A_823 = arith.constant 18 : i32
      %swap3A_824 = arith.index_cast %swap3A_823 : i32 to index
      %swap3A_825 = arith.constant 0 : index
      %swap3A_826 = tpu.vector_load %arg16[%swap3A_824, %swap3A_825] {strides = array<i32>} : memref<64x64xf32, #tpu.memory_space<vmem>>, vector<16xf32>,
      tpu.vector_store %arg16[%swap3A_824, %swap3A_825], %broadcast_in_dim3A_12 {strides = array<i32>} : memref<64x64xf32, #tpu.memory_space<vmem>>, vector<16xf32>,
      %swap3A_827 = arith.constant 18 : i32
      %swap3A_828 = arith.index_cast %swap3A_827 : i32 to index
      %swap3A_829 = arith.constant 16 : index
      %swap3A_830 = tpu.vector_load %arg16[%swap3A_828, %swap3A_829] {strides = array<i32>} : memref<64x64xf32, #tpu.memory_space<vmem>>, vector<16xf32>,
      tpu.vector_store %arg16[%swap3A_828, %swap3A_829], %broadcast_in_dim3A_12 {strides = array<i32>} : memref<64x64xf32, #tpu.memory_space<vmem>>, vector<16xf32>,
      %swap3A_831 = arith.constant 18 : i32
      %swap3A_832 = arith.index_cast %swap3A_831 : i32 to index
      %swap3A_833 = arith.constant 32 : index
      %swap3A_834 = tpu.vector_load %arg16[%swap3A_832, %swap3A_833] {strides = array<i32>} : memref<64x64xf32, #tpu.memory_space<vmem>>, vector<16xf32>,
      tpu.vector_store %arg16[%swap3A_832, %swap3A_833], %broadcast_in_dim3A_12 {strides = array<i32>} : memref<64x64xf32, #tpu.memory_space<vmem>>, vector<16xf32>,
      %swap3A_835 = arith.constant 18 : i32
      %swap3A_836 = arith.index_cast %swap3A_835 : i32 to index
      %swap3A_837 = arith.constant 48 : index
      %swap3A_838 = tpu.vector_load %arg16[%swap3A_836, %swap3A_837] {strides = array<i32>} : memref<64x64xf32, #tpu.memory_space<vmem>>, vector<16xf32>,
      tpu.vector_store %arg16[%swap3A_836, %swap3A_837], %broadcast_in_dim3A_12 {strides = array<i32>} : memref<64x64xf32, #tpu.memory_space<vmem>>, vector<16xf32>,
      %swap3A_839 = arith.constant 19 : i32
      %swap3A_840 = arith.index_cast %swap3A_839 : i32 to index
      %swap3A_841 = arith.constant 0 : index
      %swap3A_842 = tpu.vector_load %arg16[%swap3A_840, %swap3A_841] {strides = array<i32>} : memref<64x64xf32, #tpu.memory_space<vmem>>, vector<16xf32>,
      tpu.vector_store %arg16[%swap3A_840, %swap3A_841], %broadcast_in_dim3A_12 {strides = array<i32>} : memref<64x64xf32, #tpu.memory_space<vmem>>, vector<16xf32>,
      %swap3A_843 = arith.constant 19 : i32
      %swap3A_844 = arith.index_cast %swap3A_843 : i32 to index
      %swap3A_845 = arith.constant 16 : index
      %swap3A_846 = tpu.vector_load %arg16[%swap3A_844, %swap3A_845] {strides = array<i32>} : memref<64x64xf32, #tpu.memory_space<vmem>>, vector<16xf32>,
      tpu.vector_store %arg16[%swap3A_844, %swap3A_845], %broadcast_in_dim3A_12 {strides = array<i32>} : memref<64x64xf32, #tpu.memory_space<vmem>>, vector<16xf32>,
      %swap3A_847 = arith.constant 19 : i32
      %swap3A_848 = arith.index_cast %swap3A_847 : i32 to index
      %swap3A_849 = arith.constant 32 : index
      %swap3A_850 = tpu.vector_load %arg16[%swap3A_848, %swap3A_849] {strides = array<i32>} : memref<64x64xf32, #tpu.memory_space<vmem>>, vector<16xf32>,
      tpu.vector_store %arg16[%swap3A_848, %swap3A_849], %broadcast_in_dim3A_12 {strides = array<i32>} : memref<64x64xf32, #tpu.memory_space<vmem>>, vector<16xf32>,
      %swap3A_851 = arith.constant 19 : i32
      %swap3A_852 = arith.index_cast %swap3A_851 : i32 to index
      %swap3A_853 = arith.constant 48 : index
      %swap3A_854 = tpu.vector_load %arg16[%swap3A_852, %swap3A_853] {strides = array<i32>} : memref<64x64xf32, #tpu.memory_space<vmem>>, vector<16xf32>,
      tpu.vector_store %arg16[%swap3A_852, %swap3A_853], %broadcast_in_dim3A_12 {strides = array<i32>} : memref<64x64xf32, #tpu.memory_space<vmem>>, vector<16xf32>,
      %swap3A_855 = arith.constant 20 : i32
      %swap3A_856 = arith.index_cast %swap3A_855 : i32 to index
      %swap3A_857 = arith.constant 0 : index
      %swap3A_858 = tpu.vector_load %arg16[%swap3A_856, %swap3A_857] {strides = array<i32>} : memref<64x64xf32, #tpu.memory_space<vmem>>, vector<16xf32>,
      tpu.vector_store %arg16[%swap3A_856, %swap3A_857], %broadcast_in_dim3A_12 {strides = array<i32>} : memref<64x64xf32, #tpu.memory_space<vmem>>, vector<16xf32>,
      %swap3A_859 = arith.constant 20 : i32
      %swap3A_860 = arith.index_cast %swap3A_859 : i32 to index
      %swap3A_861 = arith.constant 16 : index
      %swap3A_862 = tpu.vector_load %arg16[%swap3A_860, %swap3A_861] {strides = array<i32>} : memref<64x64xf32, #tpu.memory_space<vmem>>, vector<16xf32>,
      tpu.vector_store %arg16[%swap3A_860, %swap3A_861], %broadcast_in_dim3A_12 {strides = array<i32>} : memref<64x64xf32, #tpu.memory_space<vmem>>, vector<16xf32>,
      %swap3A_863 = arith.constant 20 : i32
      %swap3A_864 = arith.index_cast %swap3A_863 : i32 to index
      %swap3A_865 = arith.constant 32 : index
      %swap3A_866 = tpu.vector_load %arg16[%swap3A_864, %swap3A_865] {strides = array<i32>} : memref<64x64xf32, #tpu.memory_space<vmem>>, vector<16xf32>,
      tpu.vector_store %arg16[%swap3A_864, %swap3A_865], %broadcast_in_dim3A_12 {strides = array<i32>} : memref<64x64xf32, #tpu.memory_space<vmem>>, vector<16xf32>,
      %swap3A_867 = arith.constant 20 : i32
      %swap3A_868 = arith.index_cast %swap3A_867 : i32 to index
      %swap3A_869 = arith.constant 48 : index
      %swap3A_870 = tpu.vector_load %arg16[%swap3A_868, %swap3A_869] {strides = array<i32>} : memref<64x64xf32, #tpu.memory_space<vmem>>, vector<16xf32>,
      tpu.vector_store %arg16[%swap3A_868, %swap3A_869], %broadcast_in_dim3A_12 {strides = array<i32>} : memref<64x64xf32, #tpu.memory_space<vmem>>, vector<16xf32>,
      %swap3A_871 = arith.constant 21 : i32
      %swap3A_872 = arith.index_cast %swap3A_871 : i32 to index
      %swap3A_873 = arith.constant 0 : index
      %swap3A_874 = tpu.vector_load %arg16[%swap3A_872, %swap3A_873] {strides = array<i32>} : memref<64x64xf32, #tpu.memory_space<vmem>>, vector<16xf32>,
      tpu.vector_store %arg16[%swap3A_872, %swap3A_873], %broadcast_in_dim3A_12 {strides = array<i32>} : memref<64x64xf32, #tpu.memory_space<vmem>>, vector<16xf32>,
      %swap3A_875 = arith.constant 21 : i32
      %swap3A_876 = arith.index_cast %swap3A_875 : i32 to index
      %swap3A_877 = arith.constant 16 : index
      %swap3A_878 = tpu.vector_load %arg16[%swap3A_876, %swap3A_877] {strides = array<i32>} : memref<64x64xf32, #tpu.memory_space<vmem>>, vector<16xf32>,
      tpu.vector_store %arg16[%swap3A_876, %swap3A_877], %broadcast_in_dim3A_12 {strides = array<i32>} : memref<64x64xf32, #tpu.memory_space<vmem>>, vector<16xf32>,
      %swap3A_879 = arith.constant 21 : i32
      %swap3A_880 = arith.index_cast %swap3A_879 : i32 to index
      %swap3A_881 = arith.constant 32 : index
      %swap3A_882 = tpu.vector_load %arg16[%swap3A_880, %swap3A_881] {strides = array<i32>} : memref<64x64xf32, #tpu.memory_space<vmem>>, vector<16xf32>,
      tpu.vector_store %arg16[%swap3A_880, %swap3A_881], %broadcast_in_dim3A_12 {strides = array<i32>} : memref<64x64xf32, #tpu.memory_space<vmem>>, vector<16xf32>,
      %swap3A_883 = arith.constant 21 : i32
      %swap3A_884 = arith.index_cast %swap3A_883 : i32 to index
      %swap3A_885 = arith.constant 48 : index
      %swap3A_886 = tpu.vector_load %arg16[%swap3A_884, %swap3A_885] {strides = array<i32>} : memref<64x64xf32, #tpu.memory_space<vmem>>, vector<16xf32>,
      tpu.vector_store %arg16[%swap3A_884, %swap3A_885], %broadcast_in_dim3A_12 {strides = array<i32>} : memref<64x64xf32, #tpu.memory_space<vmem>>, vector<16xf32>,
      %swap3A_887 = arith.constant 22 : i32
      %swap3A_888 = arith.index_cast %swap3A_887 : i32 to index
      %swap3A_889 = arith.constant 0 : index
      %swap3A_890 = tpu.vector_load %arg16[%swap3A_888, %swap3A_889] {strides = array<i32>} : memref<64x64xf32, #tpu.memory_space<vmem>>, vector<16xf32>,
      tpu.vector_store %arg16[%swap3A_888, %swap3A_889], %broadcast_in_dim3A_12 {strides = array<i32>} : memref<64x64xf32, #tpu.memory_space<vmem>>, vector<16xf32>,
      %swap3A_891 = arith.constant 22 : i32
      %swap3A_892 = arith.index_cast %swap3A_891 : i32 to index
      %swap3A_893 = arith.constant 16 : index
      %swap3A_894 = tpu.vector_load %arg16[%swap3A_892, %swap3A_893] {strides = array<i32>} : memref<64x64xf32, #tpu.memory_space<vmem>>, vector<16xf32>,
      tpu.vector_store %arg16[%swap3A_892, %swap3A_893], %broadcast_in_dim3A_12 {strides = array<i32>} : memref<64x64xf32, #tpu.memory_space<vmem>>, vector<16xf32>,
      %swap3A_895 = arith.constant 22 : i32
      %swap3A_896 = arith.index_cast %swap3A_895 : i32 to index
      %swap3A_897 = arith.constant 32 : index
      %swap3A_898 = tpu.vector_load %arg16[%swap3A_896, %swap3A_897] {strides = array<i32>} : memref<64x64xf32, #tpu.memory_space<vmem>>, vector<16xf32>,
      tpu.vector_store %arg16[%swap3A_896, %swap3A_897], %broadcast_in_dim3A_12 {strides = array<i32>} : memref<64x64xf32, #tpu.memory_space<vmem>>, vector<16xf32>,
      %swap3A_899 = arith.constant 22 : i32
      %swap3A_900 = arith.index_cast %swap3A_899 : i32 to index
      %swap3A_901 = arith.constant 48 : index
      %swap3A_902 = tpu.vector_load %arg16[%swap3A_900, %swap3A_901] {strides = array<i32>} : memref<64x64xf32, #tpu.memory_space<vmem>>, vector<16xf32>,
      tpu.vector_store %arg16[%swap3A_900, %swap3A_901], %broadcast_in_dim3A_12 {strides = array<i32>} : memref<64x64xf32, #tpu.memory_space<vmem>>, vector<16xf32>,
      %swap3A_903 = arith.constant 23 : i32
      %swap3A_904 = arith.index_cast %swap3A_903 : i32 to index
      %swap3A_905 = arith.constant 0 : index
      %swap3A_906 = tpu.vector_load %arg16[%swap3A_904, %swap3A_905] {strides = array<i32>} : memref<64x64xf32, #tpu.memory_space<vmem>>, vector<16xf32>,
      tpu.vector_store %arg16[%swap3A_904, %swap3A_905], %broadcast_in_dim3A_12 {strides = array<i32>} : memref<64x64xf32, #tpu.memory_space<vmem>>, vector<16xf32>,
      %swap3A_907 = arith.constant 23 : i32
      %swap3A_908 = arith.index_cast %swap3A_907 : i32 to index
      %swap3A_909 = arith.constant 16 : index
      %swap3A_910 = tpu.vector_load %arg16[%swap3A_908, %swap3A_909] {strides = array<i32>} : memref<64x64xf32, #tpu.memory_space<vmem>>, vector<16xf32>,
      tpu.vector_store %arg16[%swap3A_908, %swap3A_909], %broadcast_in_dim3A_12 {strides = array<i32>} : memref<64x64xf32, #tpu.memory_space<vmem>>, vector<16xf32>,
      %swap3A_911 = arith.constant 23 : i32
      %swap3A_912 = arith.index_cast %swap3A_911 : i32 to index
      %swap3A_913 = arith.constant 32 : index
      %swap3A_914 = tpu.vector_load %arg16[%swap3A_912, %swap3A_913] {strides = array<i32>} : memref<64x64xf32, #tpu.memory_space<vmem>>, vector<16xf32>,
      tpu.vector_store %arg16[%swap3A_912, %swap3A_913], %broadcast_in_dim3A_12 {strides = array<i32>} : memref<64x64xf32, #tpu.memory_space<vmem>>, vector<16xf32>,
      %swap3A_915 = arith.constant 23 : i32
      %swap3A_916 = arith.index_cast %swap3A_915 : i32 to index
      %swap3A_917 = arith.constant 48 : index
      %swap3A_918 = tpu.vector_load %arg16[%swap3A_916, %swap3A_917] {strides = array<i32>} : memref<64x64xf32, #tpu.memory_space<vmem>>, vector<16xf32>,
      tpu.vector_store %arg16[%swap3A_916, %swap3A_917], %broadcast_in_dim3A_12 {strides = array<i32>} : memref<64x64xf32, #tpu.memory_space<vmem>>, vector<16xf32>,
      %swap3A_919 = arith.constant 24 : i32
      %swap3A_920 = arith.index_cast %swap3A_919 : i32 to index
      %swap3A_921 = arith.constant 0 : index
      %swap3A_922 = tpu.vector_load %arg16[%swap3A_920, %swap3A_921] {strides = array<i32>} : memref<64x64xf32, #tpu.memory_space<vmem>>, vector<16xf32>,
      tpu.vector_store %arg16[%swap3A_920, %swap3A_921], %broadcast_in_dim3A_12 {strides = array<i32>} : memref<64x64xf32, #tpu.memory_space<vmem>>, vector<16xf32>,
      %swap3A_923 = arith.constant 24 : i32
      %swap3A_924 = arith.index_cast %swap3A_923 : i32 to index
      %swap3A_925 = arith.constant 16 : index
      %swap3A_926 = tpu.vector_load %arg16[%swap3A_924, %swap3A_925] {strides = array<i32>} : memref<64x64xf32, #tpu.memory_space<vmem>>, vector<16xf32>,
      tpu.vector_store %arg16[%swap3A_924, %swap3A_925], %broadcast_in_dim3A_12 {strides = array<i32>} : memref<64x64xf32, #tpu.memory_space<vmem>>, vector<16xf32>,
      %swap3A_927 = arith.constant 24 : i32
      %swap3A_928 = arith.index_cast %swap3A_927 : i32 to index
      %swap3A_929 = arith.constant 32 : index
      %swap3A_930 = tpu.vector_load %arg16[%swap3A_928, %swap3A_929] {strides = array<i32>} : memref<64x64xf32, #tpu.memory_space<vmem>>, vector<16xf32>,
      tpu.vector_store %arg16[%swap3A_928, %swap3A_929], %broadcast_in_dim3A_12 {strides = array<i32>} : memref<64x64xf32, #tpu.memory_space<vmem>>, vector<16xf32>,
      %swap3A_931 = arith.constant 24 : i32
      %swap3A_932 = arith.index_cast %swap3A_931 : i32 to index
      %swap3A_933 = arith.constant 48 : index
      %swap3A_934 = tpu.vector_load %arg16[%swap3A_932, %swap3A_933] {strides = array<i32>} : memref<64x64xf32, #tpu.memory_space<vmem>>, vector<16xf32>,
      tpu.vector_store %arg16[%swap3A_932, %swap3A_933], %broadcast_in_dim3A_12 {strides = array<i32>} : memref<64x64xf32, #tpu.memory_space<vmem>>, vector<16xf32>,
      %swap3A_935 = arith.constant 25 : i32
      %swap3A_936 = arith.index_cast %swap3A_935 : i32 to index
      %swap3A_937 = arith.constant 0 : index
      %swap3A_938 = tpu.vector_load %arg16[%swap3A_936, %swap3A_937] {strides = array<i32>} : memref<64x64xf32, #tpu.memory_space<vmem>>, vector<16xf32>,
      tpu.vector_store %arg16[%swap3A_936, %swap3A_937], %broadcast_in_dim3A_12 {strides = array<i32>} : memref<64x64xf32, #tpu.memory_space<vmem>>, vector<16xf32>,
      %swap3A_939 = arith.constant 25 : i32
      %swap3A_940 = arith.index_cast %swap3A_939 : i32 to index
      %swap3A_941 = arith.constant 16 : index
      %swap3A_942 = tpu.vector_load %arg16[%swap3A_940, %swap3A_941] {strides = array<i32>} : memref<64x64xf32, #tpu.memory_space<vmem>>, vector<16xf32>,
      tpu.vector_store %arg16[%swap3A_940, %swap3A_941], %broadcast_in_dim3A_12 {strides = array<i32>} : memref<64x64xf32, #tpu.memory_space<vmem>>, vector<16xf32>,
      %swap3A_943 = arith.constant 25 : i32
      %swap3A_944 = arith.index_cast %swap3A_943 : i32 to index
      %swap3A_945 = arith.constant 32 : index
      %swap3A_946 = tpu.vector_load %arg16[%swap3A_944, %swap3A_945] {strides = array<i32>} : memref<64x64xf32, #tpu.memory_space<vmem>>, vector<16xf32>,
      tpu.vector_store %arg16[%swap3A_944, %swap3A_945], %broadcast_in_dim3A_12 {strides = array<i32>} : memref<64x64xf32, #tpu.memory_space<vmem>>, vector<16xf32>,
      %swap3A_947 = arith.constant 25 : i32
      %swap3A_948 = arith.index_cast %swap3A_947 : i32 to index
      %swap3A_949 = arith.constant 48 : index
      %swap3A_950 = tpu.vector_load %arg16[%swap3A_948, %swap3A_949] {strides = array<i32>} : memref<64x64xf32, #tpu.memory_space<vmem>>, vector<16xf32>,
      tpu.vector_store %arg16[%swap3A_948, %swap3A_949], %broadcast_in_dim3A_12 {strides = array<i32>} : memref<64x64xf32, #tpu.memory_space<vmem>>, vector<16xf32>,
      %swap3A_951 = arith.constant 26 : i32
      %swap3A_952 = arith.index_cast %swap3A_951 : i32 to index
      %swap3A_953 = arith.constant 0 : index
      %swap3A_954 = tpu.vector_load %arg16[%swap3A_952, %swap3A_953] {strides = array<i32>} : memref<64x64xf32, #tpu.memory_space<vmem>>, vector<16xf32>,
      tpu.vector_store %arg16[%swap3A_952, %swap3A_953], %broadcast_in_dim3A_12 {strides = array<i32>} : memref<64x64xf32, #tpu.memory_space<vmem>>, vector<16xf32>,
      %swap3A_955 = arith.constant 26 : i32
      %swap3A_956 = arith.index_cast %swap3A_955 : i32 to index
      %swap3A_957 = arith.constant 16 : index
      %swap3A_958 = tpu.vector_load %arg16[%swap3A_956, %swap3A_957] {strides = array<i32>} : memref<64x64xf32, #tpu.memory_space<vmem>>, vector<16xf32>,
      tpu.vector_store %arg16[%swap3A_956, %swap3A_957], %broadcast_in_dim3A_12 {strides = array<i32>} : memref<64x64xf32, #tpu.memory_space<vmem>>, vector<16xf32>,
      %swap3A_959 = arith.constant 26 : i32
      %swap3A_960 = arith.index_cast %swap3A_959 : i32 to index
      %swap3A_961 = arith.constant 32 : index
      %swap3A_962 = tpu.vector_load %arg16[%swap3A_960, %swap3A_961] {strides = array<i32>} : memref<64x64xf32, #tpu.memory_space<vmem>>, vector<16xf32>,
      tpu.vector_store %arg16[%swap3A_960, %swap3A_961], %broadcast_in_dim3A_12 {strides = array<i32>} : memref<64x64xf32, #tpu.memory_space<vmem>>, vector<16xf32>,
      %swap3A_963 = arith.constant 26 : i32
      %swap3A_964 = arith.index_cast %swap3A_963 : i32 to index
      %swap3A_965 = arith.constant 48 : index
      %swap3A_966 = tpu.vector_load %arg16[%swap3A_964, %swap3A_965] {strides = array<i32>} : memref<64x64xf32, #tpu.memory_space<vmem>>, vector<16xf32>,
      tpu.vector_store %arg16[%swap3A_964, %swap3A_965], %broadcast_in_dim3A_12 {strides = array<i32>} : memref<64x64xf32, #tpu.memory_space<vmem>>, vector<16xf32>,
      %swap3A_967 = arith.constant 27 : i32
      %swap3A_968 = arith.index_cast %swap3A_967 : i32 to index
      %swap3A_969 = arith.constant 0 : index
      %swap3A_970 = tpu.vector_load %arg16[%swap3A_968, %swap3A_969] {strides = array<i32>} : memref<64x64xf32, #tpu.memory_space<vmem>>, vector<16xf32>,
      tpu.vector_store %arg16[%swap3A_968, %swap3A_969], %broadcast_in_dim3A_12 {strides = array<i32>} : memref<64x64xf32, #tpu.memory_space<vmem>>, vector<16xf32>,
      %swap3A_971 = arith.constant 27 : i32
      %swap3A_972 = arith.index_cast %swap3A_971 : i32 to index
      %swap3A_973 = arith.constant 16 : index
      %swap3A_974 = tpu.vector_load %arg16[%swap3A_972, %swap3A_973] {strides = array<i32>} : memref<64x64xf32, #tpu.memory_space<vmem>>, vector<16xf32>,
      tpu.vector_store %arg16[%swap3A_972, %swap3A_973], %broadcast_in_dim3A_12 {strides = array<i32>} : memref<64x64xf32, #tpu.memory_space<vmem>>, vector<16xf32>,
      %swap3A_975 = arith.constant 27 : i32
      %swap3A_976 = arith.index_cast %swap3A_975 : i32 to index
      %swap3A_977 = arith.constant 32 : index
      %swap3A_978 = tpu.vector_load %arg16[%swap3A_976, %swap3A_977] {strides = array<i32>} : memref<64x64xf32, #tpu.memory_space<vmem>>, vector<16xf32>,
      tpu.vector_store %arg16[%swap3A_976, %swap3A_977], %broadcast_in_dim3A_12 {strides = array<i32>} : memref<64x64xf32, #tpu.memory_space<vmem>>, vector<16xf32>,
      %swap3A_979 = arith.constant 27 : i32
      %swap3A_980 = arith.index_cast %swap3A_979 : i32 to index
      %swap3A_981 = arith.constant 48 : index
      %swap3A_982 = tpu.vector_load %arg16[%swap3A_980, %swap3A_981] {strides = array<i32>} : memref<64x64xf32, #tpu.memory_space<vmem>>, vector<16xf32>,
      tpu.vector_store %arg16[%swap3A_980, %swap3A_981], %broadcast_in_dim3A_12 {strides = array<i32>} : memref<64x64xf32, #tpu.memory_space<vmem>>, vector<16xf32>,
      %swap3A_983 = arith.constant 28 : i32
      %swap3A_984 = arith.index_cast %swap3A_983 : i32 to index
      %swap3A_985 = arith.constant 0 : index
      %swap3A_986 = tpu.vector_load %arg16[%swap3A_984, %swap3A_985] {strides = array<i32>} : memref<64x64xf32, #tpu.memory_space<vmem>>, vector<16xf32>,
      tpu.vector_store %arg16[%swap3A_984, %swap3A_985], %broadcast_in_dim3A_12 {strides = array<i32>} : memref<64x64xf32, #tpu.memory_space<vmem>>, vector<16xf32>,
      %swap3A_987 = arith.constant 28 : i32
      %swap3A_988 = arith.index_cast %swap3A_987 : i32 to index
      %swap3A_989 = arith.constant 16 : index
      %swap3A_990 = tpu.vector_load %arg16[%swap3A_988, %swap3A_989] {strides = array<i32>} : memref<64x64xf32, #tpu.memory_space<vmem>>, vector<16xf32>,
      tpu.vector_store %arg16[%swap3A_988, %swap3A_989], %broadcast_in_dim3A_12 {strides = array<i32>} : memref<64x64xf32, #tpu.memory_space<vmem>>, vector<16xf32>,
      %swap3A_991 = arith.constant 28 : i32
      %swap3A_992 = arith.index_cast %swap3A_991 : i32 to index
      %swap3A_993 = arith.constant 32 : index
      %swap3A_994 = tpu.vector_load %arg16[%swap3A_992, %swap3A_993] {strides = array<i32>} : memref<64x64xf32, #tpu.memory_space<vmem>>, vector<16xf32>,
      tpu.vector_store %arg16[%swap3A_992, %swap3A_993], %broadcast_in_dim3A_12 {strides = array<i32>} : memref<64x64xf32, #tpu.memory_space<vmem>>, vector<16xf32>,
      %swap3A_995 = arith.constant 28 : i32
      %swap3A_996 = arith.index_cast %swap3A_995 : i32 to index
      %swap3A_997 = arith.constant 48 : index
      %swap3A_998 = tpu.vector_load %arg16[%swap3A_996, %swap3A_997] {strides = array<i32>} : memref<64x64xf32, #tpu.memory_space<vmem>>, vector<16xf32>,
      tpu.vector_store %arg16[%swap3A_996, %swap3A_997], %broadcast_in_dim3A_12 {strides = array<i32>} : memref<64x64xf32, #tpu.memory_space<vmem>>, vector<16xf32>,
      %swap3A_999 = arith.constant 29 : i32
      %swap3A_1000 = arith.index_cast %swap3A_999 : i32 to index
      %swap3A_1001 = arith.constant 0 : index
      %swap3A_1002 = tpu.vector_load %arg16[%swap3A_1000, %swap3A_1001] {strides = array<i32>} : memref<64x64xf32, #tpu.memory_space<vmem>>, vector<16xf32>,
      tpu.vector_store %arg16[%swap3A_1000, %swap3A_1001], %broadcast_in_dim3A_12 {strides = array<i32>} : memref<64x64xf32, #tpu.memory_space<vmem>>, vector<16xf32>,
      %swap3A_1003 = arith.constant 29 : i32
      %swap3A_1004 = arith.index_cast %swap3A_1003 : i32 to index
      %swap3A_1005 = arith.constant 16 : index
      %swap3A_1006 = tpu.vector_load %arg16[%swap3A_1004, %swap3A_1005] {strides = array<i32>} : memref<64x64xf32, #tpu.memory_space<vmem>>, vector<16xf32>,
      tpu.vector_store %arg16[%swap3A_1004, %swap3A_1005], %broadcast_in_dim3A_12 {strides = array<i32>} : memref<64x64xf32, #tpu.memory_space<vmem>>, vector<16xf32>,
      %swap3A_1007 = arith.constant 29 : i32
      %swap3A_1008 = arith.index_cast %swap3A_1007 : i32 to index
      %swap3A_1009 = arith.constant 32 : index
      %swap3A_1010 = tpu.vector_load %arg16[%swap3A_1008, %swap3A_1009] {strides = array<i32>} : memref<64x64xf32, #tpu.memory_space<vmem>>, vector<16xf32>,
      tpu.vector_store %arg16[%swap3A_1008, %swap3A_1009], %broadcast_in_dim3A_12 {strides = array<i32>} : memref<64x64xf32, #tpu.memory_space<vmem>>, vector<16xf32>,
      %swap3A_1011 = arith.constant 29 : i32
      %swap3A_1012 = arith.index_cast %swap3A_1011 : i32 to index
      %swap3A_1013 = arith.constant 48 : index
      %swap3A_1014 = tpu.vector_load %arg16[%swap3A_1012, %swap3A_1013] {strides = array<i32>} : memref<64x64xf32, #tpu.memory_space<vmem>>, vector<16xf32>,
      tpu.vector_store %arg16[%swap3A_1012, %swap3A_1013], %broadcast_in_dim3A_12 {strides = array<i32>} : memref<64x64xf32, #tpu.memory_space<vmem>>, vector<16xf32>,
      %swap3A_1015 = arith.constant 30 : i32
      %swap3A_1016 = arith.index_cast %swap3A_1015 : i32 to index
      %swap3A_1017 = arith.constant 0 : index
      %swap3A_1018 = tpu.vector_load %arg16[%swap3A_1016, %swap3A_1017] {strides = array<i32>} : memref<64x64xf32, #tpu.memory_space<vmem>>, vector<16xf32>,
      tpu.vector_store %arg16[%swap3A_1016, %swap3A_1017], %broadcast_in_dim3A_12 {strides = array<i32>} : memref<64x64xf32, #tpu.memory_space<vmem>>, vector<16xf32>,
      %swap3A_1019 = arith.constant 30 : i32
      %swap3A_1020 = arith.index_cast %swap3A_1019 : i32 to index
      %swap3A_1021 = arith.constant 16 : index
      %swap3A_1022 = tpu.vector_load %arg16[%swap3A_1020, %swap3A_1021] {strides = array<i32>} : memref<64x64xf32, #tpu.memory_space<vmem>>, vector<16xf32>,
      tpu.vector_store %arg16[%swap3A_1020, %swap3A_1021], %broadcast_in_dim3A_12 {strides = array<i32>} : memref<64x64xf32, #tpu.memory_space<vmem>>, vector<16xf32>,
      %swap3A_1023 = arith.constant 30 : i32
      %swap3A_1024 = arith.index_cast %swap3A_1023 : i32 to index
      %swap3A_1025 = arith.constant 32 : index
      %swap3A_1026 = tpu.vector_load %arg16[%swap3A_1024, %swap3A_1025] {strides = array<i32>} : memref<64x64xf32, #tpu.memory_space<vmem>>, vector<16xf32>,
      tpu.vector_store %arg16[%swap3A_1024, %swap3A_1025], %broadcast_in_dim3A_12 {strides = array<i32>} : memref<64x64xf32, #tpu.memory_space<vmem>>, vector<16xf32>,
      %swap3A_1027 = arith.constant 30 : i32
      %swap3A_1028 = arith.index_cast %swap3A_1027 : i32 to index
      %swap3A_1029 = arith.constant 48 : index
      %swap3A_1030 = tpu.vector_load %arg16[%swap3A_1028, %swap3A_1029] {strides = array<i32>} : memref<64x64xf32, #tpu.memory_space<vmem>>, vector<16xf32>,
      tpu.vector_store %arg16[%swap3A_1028, %swap3A_1029], %broadcast_in_dim3A_12 {strides = array<i32>} : memref<64x64xf32, #tpu.memory_space<vmem>>, vector<16xf32>,
      %swap3A_1031 = arith.constant 31 : i32
      %swap3A_1032 = arith.index_cast %swap3A_1031 : i32 to index
      %swap3A_1033 = arith.constant 0 : index
      %swap3A_1034 = tpu.vector_load %arg16[%swap3A_1032, %swap3A_1033] {strides = array<i32>} : memref<64x64xf32, #tpu.memory_space<vmem>>, vector<16xf32>,
      tpu.vector_store %arg16[%swap3A_1032, %swap3A_1033], %broadcast_in_dim3A_12 {strides = array<i32>} : memref<64x64xf32, #tpu.memory_space<vmem>>, vector<16xf32>,
      %swap3A_1035 = arith.constant 31 : i32
      %swap3A_1036 = arith.index_cast %swap3A_1035 : i32 to index
      %swap3A_1037 = arith.constant 16 : index
      %swap3A_1038 = tpu.vector_load %arg16[%swap3A_1036, %swap3A_1037] {strides = array<i32>} : memref<64x64xf32, #tpu.memory_space<vmem>>, vector<16xf32>,
      tpu.vector_store %arg16[%swap3A_1036, %swap3A_1037], %broadcast_in_dim3A_12 {strides = array<i32>} : memref<64x64xf32, #tpu.memory_space<vmem>>, vector<16xf32>,
      %swap3A_1039 = arith.constant 31 : i32
      %swap3A_1040 = arith.index_cast %swap3A_1039 : i32 to index
      %swap3A_1041 = arith.constant 32 : index
      %swap3A_1042 = tpu.vector_load %arg16[%swap3A_1040, %swap3A_1041] {strides = array<i32>} : memref<64x64xf32, #tpu.memory_space<vmem>>, vector<16xf32>,
      tpu.vector_store %arg16[%swap3A_1040, %swap3A_1041], %broadcast_in_dim3A_12 {strides = array<i32>} : memref<64x64xf32, #tpu.memory_space<vmem>>, vector<16xf32>,
      %swap3A_1043 = arith.constant 31 : i32
      %swap3A_1044 = arith.index_cast %swap3A_1043 : i32 to index
      %swap3A_1045 = arith.constant 48 : index
      %swap3A_1046 = tpu.vector_load %arg16[%swap3A_1044, %swap3A_1045] {strides = array<i32>} : memref<64x64xf32, #tpu.memory_space<vmem>>, vector<16xf32>,
      tpu.vector_store %arg16[%swap3A_1044, %swap3A_1045], %broadcast_in_dim3A_12 {strides = array<i32>} : memref<64x64xf32, #tpu.memory_space<vmem>>, vector<16xf32>,
      %swap3A_1047 = arith.constant 32 : i32
      %swap3A_1048 = arith.index_cast %swap3A_1047 : i32 to index
      %swap3A_1049 = arith.constant 0 : index
      %swap3A_1050 = tpu.vector_load %arg16[%swap3A_1048, %swap3A_1049] {strides = array<i32>} : memref<64x64xf32, #tpu.memory_space<vmem>>, vector<16xf32>,
      tpu.vector_store %arg16[%swap3A_1048, %swap3A_1049], %broadcast_in_dim3A_12 {strides = array<i32>} : memref<64x64xf32, #tpu.memory_space<vmem>>, vector<16xf32>,
      %swap3A_1051 = arith.constant 32 : i32
      %swap3A_1052 = arith.index_cast %swap3A_1051 : i32 to index
      %swap3A_1053 = arith.constant 16 : index
      %swap3A_1054 = tpu.vector_load %arg16[%swap3A_1052, %swap3A_1053] {strides = array<i32>} : memref<64x64xf32, #tpu.memory_space<vmem>>, vector<16xf32>,
      tpu.vector_store %arg16[%swap3A_1052, %swap3A_1053], %broadcast_in_dim3A_12 {strides = array<i32>} : memref<64x64xf32, #tpu.memory_space<vmem>>, vector<16xf32>,
      %swap3A_1055 = arith.constant 32 : i32
      %swap3A_1056 = arith.index_cast %swap3A_1055 : i32 to index
      %swap3A_1057 = arith.constant 32 : index
      %swap3A_1058 = tpu.vector_load %arg16[%swap3A_1056, %swap3A_1057] {strides = array<i32>} : memref<64x64xf32, #tpu.memory_space<vmem>>, vector<16xf32>,
      tpu.vector_store %arg16[%swap3A_1056, %swap3A_1057], %broadcast_in_dim3A_12 {strides = array<i32>} : memref<64x64xf32, #tpu.memory_space<vmem>>, vector<16xf32>,
      %swap3A_1059 = arith.constant 32 : i32
      %swap3A_1060 = arith.index_cast %swap3A_1059 : i32 to index
      %swap3A_1061 = arith.constant 48 : index
      %swap3A_1062 = tpu.vector_load %arg16[%swap3A_1060, %swap3A_1061] {strides = array<i32>} : memref<64x64xf32, #tpu.memory_space<vmem>>, vector<16xf32>,
      tpu.vector_store %arg16[%swap3A_1060, %swap3A_1061], %broadcast_in_dim3A_12 {strides = array<i32>} : memref<64x64xf32, #tpu.memory_space<vmem>>, vector<16xf32>,
      %swap3A_1063 = arith.constant 33 : i32
      %swap3A_1064 = arith.index_cast %swap3A_1063 : i32 to index
      %swap3A_1065 = arith.constant 0 : index
      %swap3A_1066 = tpu.vector_load %arg16[%swap3A_1064, %swap3A_1065] {strides = array<i32>} : memref<64x64xf32, #tpu.memory_space<vmem>>, vector<16xf32>,
      tpu.vector_store %arg16[%swap3A_1064, %swap3A_1065], %broadcast_in_dim3A_12 {strides = array<i32>} : memref<64x64xf32, #tpu.memory_space<vmem>>, vector<16xf32>,
      %swap3A_1067 = arith.constant 33 : i32
      %swap3A_1068 = arith.index_cast %swap3A_1067 : i32 to index
      %swap3A_1069 = arith.constant 16 : index
      %swap3A_1070 = tpu.vector_load %arg16[%swap3A_1068, %swap3A_1069] {strides = array<i32>} : memref<64x64xf32, #tpu.memory_space<vmem>>, vector<16xf32>,
      tpu.vector_store %arg16[%swap3A_1068, %swap3A_1069], %broadcast_in_dim3A_12 {strides = array<i32>} : memref<64x64xf32, #tpu.memory_space<vmem>>, vector<16xf32>,
      %swap3A_1071 = arith.constant 33 : i32
      %swap3A_1072 = arith.index_cast %swap3A_1071 : i32 to index
      %swap3A_1073 = arith.constant 32 : index
      %swap3A_1074 = tpu.vector_load %arg16[%swap3A_1072, %swap3A_1073] {strides = array<i32>} : memref<64x64xf32, #tpu.memory_space<vmem>>, vector<16xf32>,
      tpu.vector_store %arg16[%swap3A_1072, %swap3A_1073], %broadcast_in_dim3A_12 {strides = array<i32>} : memref<64x64xf32, #tpu.memory_space<vmem>>, vector<16xf32>,
      %swap3A_1075 = arith.constant 33 : i32
      %swap3A_1076 = arith.index_cast %swap3A_1075 : i32 to index
      %swap3A_1077 = arith.constant 48 : index
      %swap3A_1078 = tpu.vector_load %arg16[%swap3A_1076, %swap3A_1077] {strides = array<i32>} : memref<64x64xf32, #tpu.memory_space<vmem>>, vector<16xf32>,
      tpu.vector_store %arg16[%swap3A_1076, %swap3A_1077], %broadcast_in_dim3A_12 {strides = array<i32>} : memref<64x64xf32, #tpu.memory_space<vmem>>, vector<16xf32>,
      %swap3A_1079 = arith.constant 34 : i32
      %swap3A_1080 = arith.index_cast %swap3A_1079 : i32 to index
      %swap3A_1081 = arith.constant 0 : index
      %swap3A_1082 = tpu.vector_load %arg16[%swap3A_1080, %swap3A_1081] {strides = array<i32>} : memref<64x64xf32, #tpu.memory_space<vmem>>, vector<16xf32>,
      tpu.vector_store %arg16[%swap3A_1080, %swap3A_1081], %broadcast_in_dim3A_12 {strides = array<i32>} : memref<64x64xf32, #tpu.memory_space<vmem>>, vector<16xf32>,
      %swap3A_1083 = arith.constant 34 : i32
      %swap3A_1084 = arith.index_cast %swap3A_1083 : i32 to index
      %swap3A_1085 = arith.constant 16 : index
      %swap3A_1086 = tpu.vector_load %arg16[%swap3A_1084, %swap3A_1085] {strides = array<i32>} : memref<64x64xf32, #tpu.memory_space<vmem>>, vector<16xf32>,
      tpu.vector_store %arg16[%swap3A_1084, %swap3A_1085], %broadcast_in_dim3A_12 {strides = array<i32>} : memref<64x64xf32, #tpu.memory_space<vmem>>, vector<16xf32>,
      %swap3A_1087 = arith.constant 34 : i32
      %swap3A_1088 = arith.index_cast %swap3A_1087 : i32 to index
      %swap3A_1089 = arith.constant 32 : index
      %swap3A_1090 = tpu.vector_load %arg16[%swap3A_1088, %swap3A_1089] {strides = array<i32>} : memref<64x64xf32, #tpu.memory_space<vmem>>, vector<16xf32>,
      tpu.vector_store %arg16[%swap3A_1088, %swap3A_1089], %broadcast_in_dim3A_12 {strides = array<i32>} : memref<64x64xf32, #tpu.memory_space<vmem>>, vector<16xf32>,
      %swap3A_1091 = arith.constant 34 : i32
      %swap3A_1092 = arith.index_cast %swap3A_1091 : i32 to index
      %swap3A_1093 = arith.constant 48 : index
      %swap3A_1094 = tpu.vector_load %arg16[%swap3A_1092, %swap3A_1093] {strides = array<i32>} : memref<64x64xf32, #tpu.memory_space<vmem>>, vector<16xf32>,
      tpu.vector_store %arg16[%swap3A_1092, %swap3A_1093], %broadcast_in_dim3A_12 {strides = array<i32>} : memref<64x64xf32, #tpu.memory_space<vmem>>, vector<16xf32>,
      %swap3A_1095 = arith.constant 35 : i32
      %swap3A_1096 = arith.index_cast %swap3A_1095 : i32 to index
      %swap3A_1097 = arith.constant 0 : index
      %swap3A_1098 = tpu.vector_load %arg16[%swap3A_1096, %swap3A_1097] {strides = array<i32>} : memref<64x64xf32, #tpu.memory_space<vmem>>, vector<16xf32>,
      tpu.vector_store %arg16[%swap3A_1096, %swap3A_1097], %broadcast_in_dim3A_12 {strides = array<i32>} : memref<64x64xf32, #tpu.memory_space<vmem>>, vector<16xf32>,
      %swap3A_1099 = arith.constant 35 : i32
      %swap3A_1100 = arith.index_cast %swap3A_1099 : i32 to index
      %swap3A_1101 = arith.constant 16 : index
      %swap3A_1102 = tpu.vector_load %arg16[%swap3A_1100, %swap3A_1101] {strides = array<i32>} : memref<64x64xf32, #tpu.memory_space<vmem>>, vector<16xf32>,
      tpu.vector_store %arg16[%swap3A_1100, %swap3A_1101], %broadcast_in_dim3A_12 {strides = array<i32>} : memref<64x64xf32, #tpu.memory_space<vmem>>, vector<16xf32>,
      %swap3A_1103 = arith.constant 35 : i32
      %swap3A_1104 = arith.index_cast %swap3A_1103 : i32 to index
      %swap3A_1105 = arith.constant 32 : index
      %swap3A_1106 = tpu.vector_load %arg16[%swap3A_1104, %swap3A_1105] {strides = array<i32>} : memref<64x64xf32, #tpu.memory_space<vmem>>, vector<16xf32>,
      tpu.vector_store %arg16[%swap3A_1104, %swap3A_1105], %broadcast_in_dim3A_12 {strides = array<i32>} : memref<64x64xf32, #tpu.memory_space<vmem>>, vector<16xf32>,
      %swap3A_1107 = arith.constant 35 : i32
      %swap3A_1108 = arith.index_cast %swap3A_1107 : i32 to index
      %swap3A_1109 = arith.constant 48 : index
      %swap3A_1110 = tpu.vector_load %arg16[%swap3A_1108, %swap3A_1109] {strides = array<i32>} : memref<64x64xf32, #tpu.memory_space<vmem>>, vector<16xf32>,
      tpu.vector_store %arg16[%swap3A_1108, %swap3A_1109], %broadcast_in_dim3A_12 {strides = array<i32>} : memref<64x64xf32, #tpu.memory_space<vmem>>, vector<16xf32>,
      %swap3A_1111 = arith.constant 36 : i32
      %swap3A_1112 = arith.index_cast %swap3A_1111 : i32 to index
      %swap3A_1113 = arith.constant 0 : index
      %swap3A_1114 = tpu.vector_load %arg16[%swap3A_1112, %swap3A_1113] {strides = array<i32>} : memref<64x64xf32, #tpu.memory_space<vmem>>, vector<16xf32>,
      tpu.vector_store %arg16[%swap3A_1112, %swap3A_1113], %broadcast_in_dim3A_12 {strides = array<i32>} : memref<64x64xf32, #tpu.memory_space<vmem>>, vector<16xf32>,
      %swap3A_1115 = arith.constant 36 : i32
      %swap3A_1116 = arith.index_cast %swap3A_1115 : i32 to index
      %swap3A_1117 = arith.constant 16 : index
      %swap3A_1118 = tpu.vector_load %arg16[%swap3A_1116, %swap3A_1117] {strides = array<i32>} : memref<64x64xf32, #tpu.memory_space<vmem>>, vector<16xf32>,
      tpu.vector_store %arg16[%swap3A_1116, %swap3A_1117], %broadcast_in_dim3A_12 {strides = array<i32>} : memref<64x64xf32, #tpu.memory_space<vmem>>, vector<16xf32>,
      %swap3A_1119 = arith.constant 36 : i32
      %swap3A_1120 = arith.index_cast %swap3A_1119 : i32 to index
      %swap3A_1121 = arith.constant 32 : index
      %swap3A_1122 = tpu.vector_load %arg16[%swap3A_1120, %swap3A_1121] {strides = array<i32>} : memref<64x64xf32, #tpu.memory_space<vmem>>, vector<16xf32>,
      tpu.vector_store %arg16[%swap3A_1120, %swap3A_1121], %broadcast_in_dim3A_12 {strides = array<i32>} : memref<64x64xf32, #tpu.memory_space<vmem>>, vector<16xf32>,
      %swap3A_1123 = arith.constant 36 : i32
      %swap3A_1124 = arith.index_cast %swap3A_1123 : i32 to index
      %swap3A_1125 = arith.constant 48 : index
      %swap3A_1126 = tpu.vector_load %arg16[%swap3A_1124, %swap3A_1125] {strides = array<i32>} : memref<64x64xf32, #tpu.memory_space<vmem>>, vector<16xf32>,
      tpu.vector_store %arg16[%swap3A_1124, %swap3A_1125], %broadcast_in_dim3A_12 {strides = array<i32>} : memref<64x64xf32, #tpu.memory_space<vmem>>, vector<16xf32>,
      %swap3A_1127 = arith.constant 37 : i32
      %swap3A_1128 = arith.index_cast %swap3A_1127 : i32 to index
      %swap3A_1129 = arith.constant 0 : index
      %swap3A_1130 = tpu.vector_load %arg16[%swap3A_1128, %swap3A_1129] {strides = array<i32>} : memref<64x64xf32, #tpu.memory_space<vmem>>, vector<16xf32>,
      tpu.vector_store %arg16[%swap3A_1128, %swap3A_1129], %broadcast_in_dim3A_12 {strides = array<i32>} : memref<64x64xf32, #tpu.memory_space<vmem>>, vector<16xf32>,
      %swap3A_1131 = arith.constant 37 : i32
      %swap3A_1132 = arith.index_cast %swap3A_1131 : i32 to index
      %swap3A_1133 = arith.constant 16 : index
      %swap3A_1134 = tpu.vector_load %arg16[%swap3A_1132, %swap3A_1133] {strides = array<i32>} : memref<64x64xf32, #tpu.memory_space<vmem>>, vector<16xf32>,
      tpu.vector_store %arg16[%swap3A_1132, %swap3A_1133], %broadcast_in_dim3A_12 {strides = array<i32>} : memref<64x64xf32, #tpu.memory_space<vmem>>, vector<16xf32>,
      %swap3A_1135 = arith.constant 37 : i32
      %swap3A_1136 = arith.index_cast %swap3A_1135 : i32 to index
      %swap3A_1137 = arith.constant 32 : index
      %swap3A_1138 = tpu.vector_load %arg16[%swap3A_1136, %swap3A_1137] {strides = array<i32>} : memref<64x64xf32, #tpu.memory_space<vmem>>, vector<16xf32>,
      tpu.vector_store %arg16[%swap3A_1136, %swap3A_1137], %broadcast_in_dim3A_12 {strides = array<i32>} : memref<64x64xf32, #tpu.memory_space<vmem>>, vector<16xf32>,
      %swap3A_1139 = arith.constant 37 : i32
      %swap3A_1140 = arith.index_cast %swap3A_1139 : i32 to index
      %swap3A_1141 = arith.constant 48 : index
      %swap3A_1142 = tpu.vector_load %arg16[%swap3A_1140, %swap3A_1141] {strides = array<i32>} : memref<64x64xf32, #tpu.memory_space<vmem>>, vector<16xf32>,
      tpu.vector_store %arg16[%swap3A_1140, %swap3A_1141], %broadcast_in_dim3A_12 {strides = array<i32>} : memref<64x64xf32, #tpu.memory_space<vmem>>, vector<16xf32>,
      %swap3A_1143 = arith.constant 38 : i32
      %swap3A_1144 = arith.index_cast %swap3A_1143 : i32 to index
      %swap3A_1145 = arith.constant 0 : index
      %swap3A_1146 = tpu.vector_load %arg16[%swap3A_1144, %swap3A_1145] {strides = array<i32>} : memref<64x64xf32, #tpu.memory_space<vmem>>, vector<16xf32>,
      tpu.vector_store %arg16[%swap3A_1144, %swap3A_1145], %broadcast_in_dim3A_12 {strides = array<i32>} : memref<64x64xf32, #tpu.memory_space<vmem>>, vector<16xf32>,
      %swap3A_1147 = arith.constant 38 : i32
      %swap3A_1148 = arith.index_cast %swap3A_1147 : i32 to index
      %swap3A_1149 = arith.constant 16 : index
      %swap3A_1150 = tpu.vector_load %arg16[%swap3A_1148, %swap3A_1149] {strides = array<i32>} : memref<64x64xf32, #tpu.memory_space<vmem>>, vector<16xf32>,
      tpu.vector_store %arg16[%swap3A_1148, %swap3A_1149], %broadcast_in_dim3A_12 {strides = array<i32>} : memref<64x64xf32, #tpu.memory_space<vmem>>, vector<16xf32>,
      %swap3A_1151 = arith.constant 38 : i32
      %swap3A_1152 = arith.index_cast %swap3A_1151 : i32 to index
      %swap3A_1153 = arith.constant 32 : index
      %swap3A_1154 = tpu.vector_load %arg16[%swap3A_1152, %swap3A_1153] {strides = array<i32>} : memref<64x64xf32, #tpu.memory_space<vmem>>, vector<16xf32>,
      tpu.vector_store %arg16[%swap3A_1152, %swap3A_1153], %broadcast_in_dim3A_12 {strides = array<i32>} : memref<64x64xf32, #tpu.memory_space<vmem>>, vector<16xf32>,
      %swap3A_1155 = arith.constant 38 : i32
      %swap3A_1156 = arith.index_cast %swap3A_1155 : i32 to index
      %swap3A_1157 = arith.constant 48 : index
      %swap3A_1158 = tpu.vector_load %arg16[%swap3A_1156, %swap3A_1157] {strides = array<i32>} : memref<64x64xf32, #tpu.memory_space<vmem>>, vector<16xf32>,
      tpu.vector_store %arg16[%swap3A_1156, %swap3A_1157], %broadcast_in_dim3A_12 {strides = array<i32>} : memref<64x64xf32, #tpu.memory_space<vmem>>, vector<16xf32>,
      %swap3A_1159 = arith.constant 39 : i32
      %swap3A_1160 = arith.index_cast %swap3A_1159 : i32 to index
      %swap3A_1161 = arith.constant 0 : index
      %swap3A_1162 = tpu.vector_load %arg16[%swap3A_1160, %swap3A_1161] {strides = array<i32>} : memref<64x64xf32, #tpu.memory_space<vmem>>, vector<16xf32>,
      tpu.vector_store %arg16[%swap3A_1160, %swap3A_1161], %broadcast_in_dim3A_12 {strides = array<i32>} : memref<64x64xf32, #tpu.memory_space<vmem>>, vector<16xf32>,
      %swap3A_1163 = arith.constant 39 : i32
      %swap3A_1164 = arith.index_cast %swap3A_1163 : i32 to index
      %swap3A_1165 = arith.constant 16 : index
      %swap3A_1166 = tpu.vector_load %arg16[%swap3A_1164, %swap3A_1165] {strides = array<i32>} : memref<64x64xf32, #tpu.memory_space<vmem>>, vector<16xf32>,
      tpu.vector_store %arg16[%swap3A_1164, %swap3A_1165], %broadcast_in_dim3A_12 {strides = array<i32>} : memref<64x64xf32, #tpu.memory_space<vmem>>, vector<16xf32>,
      %swap3A_1167 = arith.constant 39 : i32
      %swap3A_1168 = arith.index_cast %swap3A_1167 : i32 to index
      %swap3A_1169 = arith.constant 32 : index
      %swap3A_1170 = tpu.vector_load %arg16[%swap3A_1168, %swap3A_1169] {strides = array<i32>} : memref<64x64xf32, #tpu.memory_space<vmem>>, vector<16xf32>,
      tpu.vector_store %arg16[%swap3A_1168, %swap3A_1169], %broadcast_in_dim3A_12 {strides = array<i32>} : memref<64x64xf32, #tpu.memory_space<vmem>>, vector<16xf32>,
      %swap3A_1171 = arith.constant 39 : i32
      %swap3A_1172 = arith.index_cast %swap3A_1171 : i32 to index
      %swap3A_1173 = arith.constant 48 : index
      %swap3A_1174 = tpu.vector_load %arg16[%swap3A_1172, %swap3A_1173] {strides = array<i32>} : memref<64x64xf32, #tpu.memory_space<vmem>>, vector<16xf32>,
      tpu.vector_store %arg16[%swap3A_1172, %swap3A_1173], %broadcast_in_dim3A_12 {strides = array<i32>} : memref<64x64xf32, #tpu.memory_space<vmem>>, vector<16xf32>,
      %swap3A_1175 = arith.constant 40 : i32
      %swap3A_1176 = arith.index_cast %swap3A_1175 : i32 to index
      %swap3A_1177 = arith.constant 0 : index
      %swap3A_1178 = tpu.vector_load %arg16[%swap3A_1176, %swap3A_1177] {strides = array<i32>} : memref<64x64xf32, #tpu.memory_space<vmem>>, vector<16xf32>,
      tpu.vector_store %arg16[%swap3A_1176, %swap3A_1177], %broadcast_in_dim3A_12 {strides = array<i32>} : memref<64x64xf32, #tpu.memory_space<vmem>>, vector<16xf32>,
      %swap3A_1179 = arith.constant 40 : i32
      %swap3A_1180 = arith.index_cast %swap3A_1179 : i32 to index
      %swap3A_1181 = arith.constant 16 : index
      %swap3A_1182 = tpu.vector_load %arg16[%swap3A_1180, %swap3A_1181] {strides = array<i32>} : memref<64x64xf32, #tpu.memory_space<vmem>>, vector<16xf32>,
      tpu.vector_store %arg16[%swap3A_1180, %swap3A_1181], %broadcast_in_dim3A_12 {strides = array<i32>} : memref<64x64xf32, #tpu.memory_space<vmem>>, vector<16xf32>,
      %swap3A_1183 = arith.constant 40 : i32
      %swap3A_1184 = arith.index_cast %swap3A_1183 : i32 to index
      %swap3A_1185 = arith.constant 32 : index
      %swap3A_1186 = tpu.vector_load %arg16[%swap3A_1184, %swap3A_1185] {strides = array<i32>} : memref<64x64xf32, #tpu.memory_space<vmem>>, vector<16xf32>,
      tpu.vector_store %arg16[%swap3A_1184, %swap3A_1185], %broadcast_in_dim3A_12 {strides = array<i32>} : memref<64x64xf32, #tpu.memory_space<vmem>>, vector<16xf32>,
      %swap3A_1187 = arith.constant 40 : i32
      %swap3A_1188 = arith.index_cast %swap3A_1187 : i32 to index
      %swap3A_1189 = arith.constant 48 : index
      %swap3A_1190 = tpu.vector_load %arg16[%swap3A_1188, %swap3A_1189] {strides = array<i32>} : memref<64x64xf32, #tpu.memory_space<vmem>>, vector<16xf32>,
      tpu.vector_store %arg16[%swap3A_1188, %swap3A_1189], %broadcast_in_dim3A_12 {strides = array<i32>} : memref<64x64xf32, #tpu.memory_space<vmem>>, vector<16xf32>,
      %swap3A_1191 = arith.constant 41 : i32
      %swap3A_1192 = arith.index_cast %swap3A_1191 : i32 to index
      %swap3A_1193 = arith.constant 0 : index
      %swap3A_1194 = tpu.vector_load %arg16[%swap3A_1192, %swap3A_1193] {strides = array<i32>} : memref<64x64xf32, #tpu.memory_space<vmem>>, vector<16xf32>,
      tpu.vector_store %arg16[%swap3A_1192, %swap3A_1193], %broadcast_in_dim3A_12 {strides = array<i32>} : memref<64x64xf32, #tpu.memory_space<vmem>>, vector<16xf32>,
      %swap3A_1195 = arith.constant 41 : i32
      %swap3A_1196 = arith.index_cast %swap3A_1195 : i32 to index
      %swap3A_1197 = arith.constant 16 : index
      %swap3A_1198 = tpu.vector_load %arg16[%swap3A_1196, %swap3A_1197] {strides = array<i32>} : memref<64x64xf32, #tpu.memory_space<vmem>>, vector<16xf32>,
      tpu.vector_store %arg16[%swap3A_1196, %swap3A_1197], %broadcast_in_dim3A_12 {strides = array<i32>} : memref<64x64xf32, #tpu.memory_space<vmem>>, vector<16xf32>,
      %swap3A_1199 = arith.constant 41 : i32
      %swap3A_1200 = arith.index_cast %swap3A_1199 : i32 to index
      %swap3A_1201 = arith.constant 32 : index
      %swap3A_1202 = tpu.vector_load %arg16[%swap3A_1200, %swap3A_1201] {strides = array<i32>} : memref<64x64xf32, #tpu.memory_space<vmem>>, vector<16xf32>,
      tpu.vector_store %arg16[%swap3A_1200, %swap3A_1201], %broadcast_in_dim3A_12 {strides = array<i32>} : memref<64x64xf32, #tpu.memory_space<vmem>>, vector<16xf32>,
      %swap3A_1203 = arith.constant 41 : i32
      %swap3A_1204 = arith.index_cast %swap3A_1203 : i32 to index
      %swap3A_1205 = arith.constant 48 : index
      %swap3A_1206 = tpu.vector_load %arg16[%swap3A_1204, %swap3A_1205] {strides = array<i32>} : memref<64x64xf32, #tpu.memory_space<vmem>>, vector<16xf32>,
      tpu.vector_store %arg16[%swap3A_1204, %swap3A_1205], %broadcast_in_dim3A_12 {strides = array<i32>} : memref<64x64xf32, #tpu.memory_space<vmem>>, vector<16xf32>,
      %swap3A_1207 = arith.constant 42 : i32
      %swap3A_1208 = arith.index_cast %swap3A_1207 : i32 to index
      %swap3A_1209 = arith.constant 0 : index
      %swap3A_1210 = tpu.vector_load %arg16[%swap3A_1208, %swap3A_1209] {strides = array<i32>} : memref<64x64xf32, #tpu.memory_space<vmem>>, vector<16xf32>,
      tpu.vector_store %arg16[%swap3A_1208, %swap3A_1209], %broadcast_in_dim3A_12 {strides = array<i32>} : memref<64x64xf32, #tpu.memory_space<vmem>>, vector<16xf32>,
      %swap3A_1211 = arith.constant 42 : i32
      %swap3A_1212 = arith.index_cast %swap3A_1211 : i32 to index
      %swap3A_1213 = arith.constant 16 : index
      %swap3A_1214 = tpu.vector_load %arg16[%swap3A_1212, %swap3A_1213] {strides = array<i32>} : memref<64x64xf32, #tpu.memory_space<vmem>>, vector<16xf32>,
      tpu.vector_store %arg16[%swap3A_1212, %swap3A_1213], %broadcast_in_dim3A_12 {strides = array<i32>} : memref<64x64xf32, #tpu.memory_space<vmem>>, vector<16xf32>,
      %swap3A_1215 = arith.constant 42 : i32
      %swap3A_1216 = arith.index_cast %swap3A_1215 : i32 to index
      %swap3A_1217 = arith.constant 32 : index
      %swap3A_1218 = tpu.vector_load %arg16[%swap3A_1216, %swap3A_1217] {strides = array<i32>} : memref<64x64xf32, #tpu.memory_space<vmem>>, vector<16xf32>,
      tpu.vector_store %arg16[%swap3A_1216, %swap3A_1217], %broadcast_in_dim3A_12 {strides = array<i32>} : memref<64x64xf32, #tpu.memory_space<vmem>>, vector<16xf32>,
      %swap3A_1219 = arith.constant 42 : i32
      %swap3A_1220 = arith.index_cast %swap3A_1219 : i32 to index
      %swap3A_1221 = arith.constant 48 : index
      %swap3A_1222 = tpu.vector_load %arg16[%swap3A_1220, %swap3A_1221] {strides = array<i32>} : memref<64x64xf32, #tpu.memory_space<vmem>>, vector<16xf32>,
      tpu.vector_store %arg16[%swap3A_1220, %swap3A_1221], %broadcast_in_dim3A_12 {strides = array<i32>} : memref<64x64xf32, #tpu.memory_space<vmem>>, vector<16xf32>,
      %swap3A_1223 = arith.constant 43 : i32
      %swap3A_1224 = arith.index_cast %swap3A_1223 : i32 to index
      %swap3A_1225 = arith.constant 0 : index
      %swap3A_1226 = tpu.vector_load %arg16[%swap3A_1224, %swap3A_1225] {strides = array<i32>} : memref<64x64xf32, #tpu.memory_space<vmem>>, vector<16xf32>,
      tpu.vector_store %arg16[%swap3A_1224, %swap3A_1225], %broadcast_in_dim3A_12 {strides = array<i32>} : memref<64x64xf32, #tpu.memory_space<vmem>>, vector<16xf32>,
      %swap3A_1227 = arith.constant 43 : i32
      %swap3A_1228 = arith.index_cast %swap3A_1227 : i32 to index
      %swap3A_1229 = arith.constant 16 : index
      %swap3A_1230 = tpu.vector_load %arg16[%swap3A_1228, %swap3A_1229] {strides = array<i32>} : memref<64x64xf32, #tpu.memory_space<vmem>>, vector<16xf32>,
      tpu.vector_store %arg16[%swap3A_1228, %swap3A_1229], %broadcast_in_dim3A_12 {strides = array<i32>} : memref<64x64xf32, #tpu.memory_space<vmem>>, vector<16xf32>,
      %swap3A_1231 = arith.constant 43 : i32
      %swap3A_1232 = arith.index_cast %swap3A_1231 : i32 to index
      %swap3A_1233 = arith.constant 32 : index
      %swap3A_1234 = tpu.vector_load %arg16[%swap3A_1232, %swap3A_1233] {strides = array<i32>} : memref<64x64xf32, #tpu.memory_space<vmem>>, vector<16xf32>,
      tpu.vector_store %arg16[%swap3A_1232, %swap3A_1233], %broadcast_in_dim3A_12 {strides = array<i32>} : memref<64x64xf32, #tpu.memory_space<vmem>>, vector<16xf32>,
      %swap3A_1235 = arith.constant 43 : i32
      %swap3A_1236 = arith.index_cast %swap3A_1235 : i32 to index
      %swap3A_1237 = arith.constant 48 : index
      %swap3A_1238 = tpu.vector_load %arg16[%swap3A_1236, %swap3A_1237] {strides = array<i32>} : memref<64x64xf32, #tpu.memory_space<vmem>>, vector<16xf32>,
      tpu.vector_store %arg16[%swap3A_1236, %swap3A_1237], %broadcast_in_dim3A_12 {strides = array<i32>} : memref<64x64xf32, #tpu.memory_space<vmem>>, vector<16xf32>,
      %swap3A_1239 = arith.constant 44 : i32
      %swap3A_1240 = arith.index_cast %swap3A_1239 : i32 to index
      %swap3A_1241 = arith.constant 0 : index
      %swap3A_1242 = tpu.vector_load %arg16[%swap3A_1240, %swap3A_1241] {strides = array<i32>} : memref<64x64xf32, #tpu.memory_space<vmem>>, vector<16xf32>,
      tpu.vector_store %arg16[%swap3A_1240, %swap3A_1241], %broadcast_in_dim3A_12 {strides = array<i32>} : memref<64x64xf32, #tpu.memory_space<vmem>>, vector<16xf32>,
      %swap3A_1243 = arith.constant 44 : i32
      %swap3A_1244 = arith.index_cast %swap3A_1243 : i32 to index
      %swap3A_1245 = arith.constant 16 : index
      %swap3A_1246 = tpu.vector_load %arg16[%swap3A_1244, %swap3A_1245] {strides = array<i32>} : memref<64x64xf32, #tpu.memory_space<vmem>>, vector<16xf32>,
      tpu.vector_store %arg16[%swap3A_1244, %swap3A_1245], %broadcast_in_dim3A_12 {strides = array<i32>} : memref<64x64xf32, #tpu.memory_space<vmem>>, vector<16xf32>,
      %swap3A_1247 = arith.constant 44 : i32
      %swap3A_1248 = arith.index_cast %swap3A_1247 : i32 to index
      %swap3A_1249 = arith.constant 32 : index
      %swap3A_1250 = tpu.vector_load %arg16[%swap3A_1248, %swap3A_1249] {strides = array<i32>} : memref<64x64xf32, #tpu.memory_space<vmem>>, vector<16xf32>,
      tpu.vector_store %arg16[%swap3A_1248, %swap3A_1249], %broadcast_in_dim3A_12 {strides = array<i32>} : memref<64x64xf32, #tpu.memory_space<vmem>>, vector<16xf32>,
      %swap3A_1251 = arith.constant 44 : i32
      %swap3A_1252 = arith.index_cast %swap3A_1251 : i32 to index
      %swap3A_1253 = arith.constant 48 : index
      %swap3A_1254 = tpu.vector_load %arg16[%swap3A_1252, %swap3A_1253] {strides = array<i32>} : memref<64x64xf32, #tpu.memory_space<vmem>>, vector<16xf32>,
      tpu.vector_store %arg16[%swap3A_1252, %swap3A_1253], %broadcast_in_dim3A_12 {strides = array<i32>} : memref<64x64xf32, #tpu.memory_space<vmem>>, vector<16xf32>,
      %swap3A_1255 = arith.constant 45 : i32
      %swap3A_1256 = arith.index_cast %swap3A_1255 : i32 to index
      %swap3A_1257 = arith.constant 0 : index
      %swap3A_1258 = tpu.vector_load %arg16[%swap3A_1256, %swap3A_1257] {strides = array<i32>} : memref<64x64xf32, #tpu.memory_space<vmem>>, vector<16xf32>,
      tpu.vector_store %arg16[%swap3A_1256, %swap3A_1257], %broadcast_in_dim3A_12 {strides = array<i32>} : memref<64x64xf32, #tpu.memory_space<vmem>>, vector<16xf32>,
      %swap3A_1259 = arith.constant 45 : i32
      %swap3A_1260 = arith.index_cast %swap3A_1259 : i32 to index
      %swap3A_1261 = arith.constant 16 : index
      %swap3A_1262 = tpu.vector_load %arg16[%swap3A_1260, %swap3A_1261] {strides = array<i32>} : memref<64x64xf32, #tpu.memory_space<vmem>>, vector<16xf32>,
      tpu.vector_store %arg16[%swap3A_1260, %swap3A_1261], %broadcast_in_dim3A_12 {strides = array<i32>} : memref<64x64xf32, #tpu.memory_space<vmem>>, vector<16xf32>,
      %swap3A_1263 = arith.constant 45 : i32
      %swap3A_1264 = arith.index_cast %swap3A_1263 : i32 to index
      %swap3A_1265 = arith.constant 32 : index
      %swap3A_1266 = tpu.vector_load %arg16[%swap3A_1264, %swap3A_1265] {strides = array<i32>} : memref<64x64xf32, #tpu.memory_space<vmem>>, vector<16xf32>,
      tpu.vector_store %arg16[%swap3A_1264, %swap3A_1265], %broadcast_in_dim3A_12 {strides = array<i32>} : memref<64x64xf32, #tpu.memory_space<vmem>>, vector<16xf32>,
      %swap3A_1267 = arith.constant 45 : i32
      %swap3A_1268 = arith.index_cast %swap3A_1267 : i32 to index
      %swap3A_1269 = arith.constant 48 : index
      %swap3A_1270 = tpu.vector_load %arg16[%swap3A_1268, %swap3A_1269] {strides = array<i32>} : memref<64x64xf32, #tpu.memory_space<vmem>>, vector<16xf32>,
      tpu.vector_store %arg16[%swap3A_1268, %swap3A_1269], %broadcast_in_dim3A_12 {strides = array<i32>} : memref<64x64xf32, #tpu.memory_space<vmem>>, vector<16xf32>,
      %swap3A_1271 = arith.constant 46 : i32
      %swap3A_1272 = arith.index_cast %swap3A_1271 : i32 to index
      %swap3A_1273 = arith.constant 0 : index
      %swap3A_1274 = tpu.vector_load %arg16[%swap3A_1272, %swap3A_1273] {strides = array<i32>} : memref<64x64xf32, #tpu.memory_space<vmem>>, vector<16xf32>,
      tpu.vector_store %arg16[%swap3A_1272, %swap3A_1273], %broadcast_in_dim3A_12 {strides = array<i32>} : memref<64x64xf32, #tpu.memory_space<vmem>>, vector<16xf32>,
      %swap3A_1275 = arith.constant 46 : i32
      %swap3A_1276 = arith.index_cast %swap3A_1275 : i32 to index
      %swap3A_1277 = arith.constant 16 : index
      %swap3A_1278 = tpu.vector_load %arg16[%swap3A_1276, %swap3A_1277] {strides = array<i32>} : memref<64x64xf32, #tpu.memory_space<vmem>>, vector<16xf32>,
      tpu.vector_store %arg16[%swap3A_1276, %swap3A_1277], %broadcast_in_dim3A_12 {strides = array<i32>} : memref<64x64xf32, #tpu.memory_space<vmem>>, vector<16xf32>,
      %swap3A_1279 = arith.constant 46 : i32
      %swap3A_1280 = arith.index_cast %swap3A_1279 : i32 to index
      %swap3A_1281 = arith.constant 32 : index
      %swap3A_1282 = tpu.vector_load %arg16[%swap3A_1280, %swap3A_1281] {strides = array<i32>} : memref<64x64xf32, #tpu.memory_space<vmem>>, vector<16xf32>,
      tpu.vector_store %arg16[%swap3A_1280, %swap3A_1281], %broadcast_in_dim3A_12 {strides = array<i32>} : memref<64x64xf32, #tpu.memory_space<vmem>>, vector<16xf32>,
      %swap3A_1283 = arith.constant 46 : i32
      %swap3A_1284 = arith.index_cast %swap3A_1283 : i32 to index
      %swap3A_1285 = arith.constant 48 : index
      %swap3A_1286 = tpu.vector_load %arg16[%swap3A_1284, %swap3A_1285] {strides = array<i32>} : memref<64x64xf32, #tpu.memory_space<vmem>>, vector<16xf32>,
      tpu.vector_store %arg16[%swap3A_1284, %swap3A_1285], %broadcast_in_dim3A_12 {strides = array<i32>} : memref<64x64xf32, #tpu.memory_space<vmem>>, vector<16xf32>,
      %swap3A_1287 = arith.constant 47 : i32
      %swap3A_1288 = arith.index_cast %swap3A_1287 : i32 to index
      %swap3A_1289 = arith.constant 0 : index
      %swap3A_1290 = tpu.vector_load %arg16[%swap3A_1288, %swap3A_1289] {strides = array<i32>} : memref<64x64xf32, #tpu.memory_space<vmem>>, vector<16xf32>,
      tpu.vector_store %arg16[%swap3A_1288, %swap3A_1289], %broadcast_in_dim3A_12 {strides = array<i32>} : memref<64x64xf32, #tpu.memory_space<vmem>>, vector<16xf32>,
      %swap3A_1291 = arith.constant 47 : i32
      %swap3A_1292 = arith.index_cast %swap3A_1291 : i32 to index
      %swap3A_1293 = arith.constant 16 : index
      %swap3A_1294 = tpu.vector_load %arg16[%swap3A_1292, %swap3A_1293] {strides = array<i32>} : memref<64x64xf32, #tpu.memory_space<vmem>>, vector<16xf32>,
      tpu.vector_store %arg16[%swap3A_1292, %swap3A_1293], %broadcast_in_dim3A_12 {strides = array<i32>} : memref<64x64xf32, #tpu.memory_space<vmem>>, vector<16xf32>,
      %swap3A_1295 = arith.constant 47 : i32
      %swap3A_1296 = arith.index_cast %swap3A_1295 : i32 to index
      %swap3A_1297 = arith.constant 32 : index
      %swap3A_1298 = tpu.vector_load %arg16[%swap3A_1296, %swap3A_1297] {strides = array<i32>} : memref<64x64xf32, #tpu.memory_space<vmem>>, vector<16xf32>,
      tpu.vector_store %arg16[%swap3A_1296, %swap3A_1297], %broadcast_in_dim3A_12 {strides = array<i32>} : memref<64x64xf32, #tpu.memory_space<vmem>>, vector<16xf32>,
      %swap3A_1299 = arith.constant 47 : i32
      %swap3A_1300 = arith.index_cast %swap3A_1299 : i32 to index
      %swap3A_1301 = arith.constant 48 : index
      %swap3A_1302 = tpu.vector_load %arg16[%swap3A_1300, %swap3A_1301] {strides = array<i32>} : memref<64x64xf32, #tpu.memory_space<vmem>>, vector<16xf32>,
      tpu.vector_store %arg16[%swap3A_1300, %swap3A_1301], %broadcast_in_dim3A_12 {strides = array<i32>} : memref<64x64xf32, #tpu.memory_space<vmem>>, vector<16xf32>,
      %swap3A_1303 = arith.constant 48 : i32
      %swap3A_1304 = arith.index_cast %swap3A_1303 : i32 to index
      %swap3A_1305 = arith.constant 0 : index
      %swap3A_1306 = tpu.vector_load %arg16[%swap3A_1304, %swap3A_1305] {strides = array<i32>} : memref<64x64xf32, #tpu.memory_space<vmem>>, vector<16xf32>,
      tpu.vector_store %arg16[%swap3A_1304, %swap3A_1305], %broadcast_in_dim3A_12 {strides = array<i32>} : memref<64x64xf32, #tpu.memory_space<vmem>>, vector<16xf32>,
      %swap3A_1307 = arith.constant 48 : i32
      %swap3A_1308 = arith.index_cast %swap3A_1307 : i32 to index
      %swap3A_1309 = arith.constant 16 : index
      %swap3A_1310 = tpu.vector_load %arg16[%swap3A_1308, %swap3A_1309] {strides = array<i32>} : memref<64x64xf32, #tpu.memory_space<vmem>>, vector<16xf32>,
      tpu.vector_store %arg16[%swap3A_1308, %swap3A_1309], %broadcast_in_dim3A_12 {strides = array<i32>} : memref<64x64xf32, #tpu.memory_space<vmem>>, vector<16xf32>,
      %swap3A_1311 = arith.constant 48 : i32
      %swap3A_1312 = arith.index_cast %swap3A_1311 : i32 to index
      %swap3A_1313 = arith.constant 32 : index
      %swap3A_1314 = tpu.vector_load %arg16[%swap3A_1312, %swap3A_1313] {strides = array<i32>} : memref<64x64xf32, #tpu.memory_space<vmem>>, vector<16xf32>,
      tpu.vector_store %arg16[%swap3A_1312, %swap3A_1313], %broadcast_in_dim3A_12 {strides = array<i32>} : memref<64x64xf32, #tpu.memory_space<vmem>>, vector<16xf32>,
      %swap3A_1315 = arith.constant 48 : i32
      %swap3A_1316 = arith.index_cast %swap3A_1315 : i32 to index
      %swap3A_1317 = arith.constant 48 : index
      %swap3A_1318 = tpu.vector_load %arg16[%swap3A_1316, %swap3A_1317] {strides = array<i32>} : memref<64x64xf32, #tpu.memory_space<vmem>>, vector<16xf32>,
      tpu.vector_store %arg16[%swap3A_1316, %swap3A_1317], %broadcast_in_dim3A_12 {strides = array<i32>} : memref<64x64xf32, #tpu.memory_space<vmem>>, vector<16xf32>,
      %swap3A_1319 = arith.constant 49 : i32
      %swap3A_1320 = arith.index_cast %swap3A_1319 : i32 to index
      %swap3A_1321 = arith.constant 0 : index
      %swap3A_1322 = tpu.vector_load %arg16[%swap3A_1320, %swap3A_1321] {strides = array<i32>} : memref<64x64xf32, #tpu.memory_space<vmem>>, vector<16xf32>,
      tpu.vector_store %arg16[%swap3A_1320, %swap3A_1321], %broadcast_in_dim3A_12 {strides = array<i32>} : memref<64x64xf32, #tpu.memory_space<vmem>>, vector<16xf32>,
      %swap3A_1323 = arith.constant 49 : i32
      %swap3A_1324 = arith.index_cast %swap3A_1323 : i32 to index
      %swap3A_1325 = arith.constant 16 : index
      %swap3A_1326 = tpu.vector_load %arg16[%swap3A_1324, %swap3A_1325] {strides = array<i32>} : memref<64x64xf32, #tpu.memory_space<vmem>>, vector<16xf32>,
      tpu.vector_store %arg16[%swap3A_1324, %swap3A_1325], %broadcast_in_dim3A_12 {strides = array<i32>} : memref<64x64xf32, #tpu.memory_space<vmem>>, vector<16xf32>,
      %swap3A_1327 = arith.constant 49 : i32
      %swap3A_1328 = arith.index_cast %swap3A_1327 : i32 to index
      %swap3A_1329 = arith.constant 32 : index
      %swap3A_1330 = tpu.vector_load %arg16[%swap3A_1328, %swap3A_1329] {strides = array<i32>} : memref<64x64xf32, #tpu.memory_space<vmem>>, vector<16xf32>,
      tpu.vector_store %arg16[%swap3A_1328, %swap3A_1329], %broadcast_in_dim3A_12 {strides = array<i32>} : memref<64x64xf32, #tpu.memory_space<vmem>>, vector<16xf32>,
      %swap3A_1331 = arith.constant 49 : i32
      %swap3A_1332 = arith.index_cast %swap3A_1331 : i32 to index
      %swap3A_1333 = arith.constant 48 : index
      %swap3A_1334 = tpu.vector_load %arg16[%swap3A_1332, %swap3A_1333] {strides = array<i32>} : memref<64x64xf32, #tpu.memory_space<vmem>>, vector<16xf32>,
      tpu.vector_store %arg16[%swap3A_1332, %swap3A_1333], %broadcast_in_dim3A_12 {strides = array<i32>} : memref<64x64xf32, #tpu.memory_space<vmem>>, vector<16xf32>,
      %swap3A_1335 = arith.constant 50 : i32
      %swap3A_1336 = arith.index_cast %swap3A_1335 : i32 to index
      %swap3A_1337 = arith.constant 0 : index
      %swap3A_1338 = tpu.vector_load %arg16[%swap3A_1336, %swap3A_1337] {strides = array<i32>} : memref<64x64xf32, #tpu.memory_space<vmem>>, vector<16xf32>,
      tpu.vector_store %arg16[%swap3A_1336, %swap3A_1337], %broadcast_in_dim3A_12 {strides = array<i32>} : memref<64x64xf32, #tpu.memory_space<vmem>>, vector<16xf32>,
      %swap3A_1339 = arith.constant 50 : i32
      %swap3A_1340 = arith.index_cast %swap3A_1339 : i32 to index
      %swap3A_1341 = arith.constant 16 : index
      %swap3A_1342 = tpu.vector_load %arg16[%swap3A_1340, %swap3A_1341] {strides = array<i32>} : memref<64x64xf32, #tpu.memory_space<vmem>>, vector<16xf32>,
      tpu.vector_store %arg16[%swap3A_1340, %swap3A_1341], %broadcast_in_dim3A_12 {strides = array<i32>} : memref<64x64xf32, #tpu.memory_space<vmem>>, vector<16xf32>,
      %swap3A_1343 = arith.constant 50 : i32
      %swap3A_1344 = arith.index_cast %swap3A_1343 : i32 to index
      %swap3A_1345 = arith.constant 32 : index
      %swap3A_1346 = tpu.vector_load %arg16[%swap3A_1344, %swap3A_1345] {strides = array<i32>} : memref<64x64xf32, #tpu.memory_space<vmem>>, vector<16xf32>,
      tpu.vector_store %arg16[%swap3A_1344, %swap3A_1345], %broadcast_in_dim3A_12 {strides = array<i32>} : memref<64x64xf32, #tpu.memory_space<vmem>>, vector<16xf32>,
      %swap3A_1347 = arith.constant 50 : i32
      %swap3A_1348 = arith.index_cast %swap3A_1347 : i32 to index
      %swap3A_1349 = arith.constant 48 : index
      %swap3A_1350 = tpu.vector_load %arg16[%swap3A_1348, %swap3A_1349] {strides = array<i32>} : memref<64x64xf32, #tpu.memory_space<vmem>>, vector<16xf32>,
      tpu.vector_store %arg16[%swap3A_1348, %swap3A_1349], %broadcast_in_dim3A_12 {strides = array<i32>} : memref<64x64xf32, #tpu.memory_space<vmem>>, vector<16xf32>,
      %swap3A_1351 = arith.constant 51 : i32
      %swap3A_1352 = arith.index_cast %swap3A_1351 : i32 to index
      %swap3A_1353 = arith.constant 0 : index
      %swap3A_1354 = tpu.vector_load %arg16[%swap3A_1352, %swap3A_1353] {strides = array<i32>} : memref<64x64xf32, #tpu.memory_space<vmem>>, vector<16xf32>,
      tpu.vector_store %arg16[%swap3A_1352, %swap3A_1353], %broadcast_in_dim3A_12 {strides = array<i32>} : memref<64x64xf32, #tpu.memory_space<vmem>>, vector<16xf32>,
      %swap3A_1355 = arith.constant 51 : i32
      %swap3A_1356 = arith.index_cast %swap3A_1355 : i32 to index
      %swap3A_1357 = arith.constant 16 : index
      %swap3A_1358 = tpu.vector_load %arg16[%swap3A_1356, %swap3A_1357] {strides = array<i32>} : memref<64x64xf32, #tpu.memory_space<vmem>>, vector<16xf32>,
      tpu.vector_store %arg16[%swap3A_1356, %swap3A_1357], %broadcast_in_dim3A_12 {strides = array<i32>} : memref<64x64xf32, #tpu.memory_space<vmem>>, vector<16xf32>,
      %swap3A_1359 = arith.constant 51 : i32
      %swap3A_1360 = arith.index_cast %swap3A_1359 : i32 to index
      %swap3A_1361 = arith.constant 32 : index
      %swap3A_1362 = tpu.vector_load %arg16[%swap3A_1360, %swap3A_1361] {strides = array<i32>} : memref<64x64xf32, #tpu.memory_space<vmem>>, vector<16xf32>,
      tpu.vector_store %arg16[%swap3A_1360, %swap3A_1361], %broadcast_in_dim3A_12 {strides = array<i32>} : memref<64x64xf32, #tpu.memory_space<vmem>>, vector<16xf32>,
      %swap3A_1363 = arith.constant 51 : i32
      %swap3A_1364 = arith.index_cast %swap3A_1363 : i32 to index
      %swap3A_1365 = arith.constant 48 : index
      %swap3A_1366 = tpu.vector_load %arg16[%swap3A_1364, %swap3A_1365] {strides = array<i32>} : memref<64x64xf32, #tpu.memory_space<vmem>>, vector<16xf32>,
      tpu.vector_store %arg16[%swap3A_1364, %swap3A_1365], %broadcast_in_dim3A_12 {strides = array<i32>} : memref<64x64xf32, #tpu.memory_space<vmem>>, vector<16xf32>,
      %swap3A_1367 = arith.constant 52 : i32
      %swap3A_1368 = arith.index_cast %swap3A_1367 : i32 to index
      %swap3A_1369 = arith.constant 0 : index
      %swap3A_1370 = tpu.vector_load %arg16[%swap3A_1368, %swap3A_1369] {strides = array<i32>} : memref<64x64xf32, #tpu.memory_space<vmem>>, vector<16xf32>,
      tpu.vector_store %arg16[%swap3A_1368, %swap3A_1369], %broadcast_in_dim3A_12 {strides = array<i32>} : memref<64x64xf32, #tpu.memory_space<vmem>>, vector<16xf32>,
      %swap3A_1371 = arith.constant 52 : i32
      %swap3A_1372 = arith.index_cast %swap3A_1371 : i32 to index
      %swap3A_1373 = arith.constant 16 : index
      %swap3A_1374 = tpu.vector_load %arg16[%swap3A_1372, %swap3A_1373] {strides = array<i32>} : memref<64x64xf32, #tpu.memory_space<vmem>>, vector<16xf32>,
      tpu.vector_store %arg16[%swap3A_1372, %swap3A_1373], %broadcast_in_dim3A_12 {strides = array<i32>} : memref<64x64xf32, #tpu.memory_space<vmem>>, vector<16xf32>,
      %swap3A_1375 = arith.constant 52 : i32
      %swap3A_1376 = arith.index_cast %swap3A_1375 : i32 to index
      %swap3A_1377 = arith.constant 32 : index
      %swap3A_1378 = tpu.vector_load %arg16[%swap3A_1376, %swap3A_1377] {strides = array<i32>} : memref<64x64xf32, #tpu.memory_space<vmem>>, vector<16xf32>,
      tpu.vector_store %arg16[%swap3A_1376, %swap3A_1377], %broadcast_in_dim3A_12 {strides = array<i32>} : memref<64x64xf32, #tpu.memory_space<vmem>>, vector<16xf32>,
      %swap3A_1379 = arith.constant 52 : i32
      %swap3A_1380 = arith.index_cast %swap3A_1379 : i32 to index
      %swap3A_1381 = arith.constant 48 : index
      %swap3A_1382 = tpu.vector_load %arg16[%swap3A_1380, %swap3A_1381] {strides = array<i32>} : memref<64x64xf32, #tpu.memory_space<vmem>>, vector<16xf32>,
      tpu.vector_store %arg16[%swap3A_1380, %swap3A_1381], %broadcast_in_dim3A_12 {strides = array<i32>} : memref<64x64xf32, #tpu.memory_space<vmem>>, vector<16xf32>,
      %swap3A_1383 = arith.constant 53 : i32
      %swap3A_1384 = arith.index_cast %swap3A_1383 : i32 to index
      %swap3A_1385 = arith.constant 0 : index
      %swap3A_1386 = tpu.vector_load %arg16[%swap3A_1384, %swap3A_1385] {strides = array<i32>} : memref<64x64xf32, #tpu.memory_space<vmem>>, vector<16xf32>,
      tpu.vector_store %arg16[%swap3A_1384, %swap3A_1385], %broadcast_in_dim3A_12 {strides = array<i32>} : memref<64x64xf32, #tpu.memory_space<vmem>>, vector<16xf32>,
      %swap3A_1387 = arith.constant 53 : i32
      %swap3A_1388 = arith.index_cast %swap3A_1387 : i32 to index
      %swap3A_1389 = arith.constant 16 : index
      %swap3A_1390 = tpu.vector_load %arg16[%swap3A_1388, %swap3A_1389] {strides = array<i32>} : memref<64x64xf32, #tpu.memory_space<vmem>>, vector<16xf32>,
      tpu.vector_store %arg16[%swap3A_1388, %swap3A_1389], %broadcast_in_dim3A_12 {strides = array<i32>} : memref<64x64xf32, #tpu.memory_space<vmem>>, vector<16xf32>,
      %swap3A_1391 = arith.constant 53 : i32
      %swap3A_1392 = arith.index_cast %swap3A_1391 : i32 to index
      %swap3A_1393 = arith.constant 32 : index
      %swap3A_1394 = tpu.vector_load %arg16[%swap3A_1392, %swap3A_1393] {strides = array<i32>} : memref<64x64xf32, #tpu.memory_space<vmem>>, vector<16xf32>,
      tpu.vector_store %arg16[%swap3A_1392, %swap3A_1393], %broadcast_in_dim3A_12 {strides = array<i32>} : memref<64x64xf32, #tpu.memory_space<vmem>>, vector<16xf32>,
      %swap3A_1395 = arith.constant 53 : i32
      %swap3A_1396 = arith.index_cast %swap3A_1395 : i32 to index
      %swap3A_1397 = arith.constant 48 : index
      %swap3A_1398 = tpu.vector_load %arg16[%swap3A_1396, %swap3A_1397] {strides = array<i32>} : memref<64x64xf32, #tpu.memory_space<vmem>>, vector<16xf32>,
      tpu.vector_store %arg16[%swap3A_1396, %swap3A_1397], %broadcast_in_dim3A_12 {strides = array<i32>} : memref<64x64xf32, #tpu.memory_space<vmem>>, vector<16xf32>,
      %swap3A_1399 = arith.constant 54 : i32
      %swap3A_1400 = arith.index_cast %swap3A_1399 : i32 to index
      %swap3A_1401 = arith.constant 0 : index
      %swap3A_1402 = tpu.vector_load %arg16[%swap3A_1400, %swap3A_1401] {strides = array<i32>} : memref<64x64xf32, #tpu.memory_space<vmem>>, vector<16xf32>,
      tpu.vector_store %arg16[%swap3A_1400, %swap3A_1401], %broadcast_in_dim3A_12 {strides = array<i32>} : memref<64x64xf32, #tpu.memory_space<vmem>>, vector<16xf32>,
      %swap3A_1403 = arith.constant 54 : i32
      %swap3A_1404 = arith.index_cast %swap3A_1403 : i32 to index
      %swap3A_1405 = arith.constant 16 : index
      %swap3A_1406 = tpu.vector_load %arg16[%swap3A_1404, %swap3A_1405] {strides = array<i32>} : memref<64x64xf32, #tpu.memory_space<vmem>>, vector<16xf32>,
      tpu.vector_store %arg16[%swap3A_1404, %swap3A_1405], %broadcast_in_dim3A_12 {strides = array<i32>} : memref<64x64xf32, #tpu.memory_space<vmem>>, vector<16xf32>,
      %swap3A_1407 = arith.constant 54 : i32
      %swap3A_1408 = arith.index_cast %swap3A_1407 : i32 to index
      %swap3A_1409 = arith.constant 32 : index
      %swap3A_1410 = tpu.vector_load %arg16[%swap3A_1408, %swap3A_1409] {strides = array<i32>} : memref<64x64xf32, #tpu.memory_space<vmem>>, vector<16xf32>,
      tpu.vector_store %arg16[%swap3A_1408, %swap3A_1409], %broadcast_in_dim3A_12 {strides = array<i32>} : memref<64x64xf32, #tpu.memory_space<vmem>>, vector<16xf32>,
      %swap3A_1411 = arith.constant 54 : i32
      %swap3A_1412 = arith.index_cast %swap3A_1411 : i32 to index
      %swap3A_1413 = arith.constant 48 : index
      %swap3A_1414 = tpu.vector_load %arg16[%swap3A_1412, %swap3A_1413] {strides = array<i32>} : memref<64x64xf32, #tpu.memory_space<vmem>>, vector<16xf32>,
      tpu.vector_store %arg16[%swap3A_1412, %swap3A_1413], %broadcast_in_dim3A_12 {strides = array<i32>} : memref<64x64xf32, #tpu.memory_space<vmem>>, vector<16xf32>,
      %swap3A_1415 = arith.constant 55 : i32
      %swap3A_1416 = arith.index_cast %swap3A_1415 : i32 to index
      %swap3A_1417 = arith.constant 0 : index
      %swap3A_1418 = tpu.vector_load %arg16[%swap3A_1416, %swap3A_1417] {strides = array<i32>} : memref<64x64xf32, #tpu.memory_space<vmem>>, vector<16xf32>,
      tpu.vector_store %arg16[%swap3A_1416, %swap3A_1417], %broadcast_in_dim3A_12 {strides = array<i32>} : memref<64x64xf32, #tpu.memory_space<vmem>>, vector<16xf32>,
      %swap3A_1419 = arith.constant 55 : i32
      %swap3A_1420 = arith.index_cast %swap3A_1419 : i32 to index
      %swap3A_1421 = arith.constant 16 : index
      %swap3A_1422 = tpu.vector_load %arg16[%swap3A_1420, %swap3A_1421] {strides = array<i32>} : memref<64x64xf32, #tpu.memory_space<vmem>>, vector<16xf32>,
      tpu.vector_store %arg16[%swap3A_1420, %swap3A_1421], %broadcast_in_dim3A_12 {strides = array<i32>} : memref<64x64xf32, #tpu.memory_space<vmem>>, vector<16xf32>,
      %swap3A_1423 = arith.constant 55 : i32
      %swap3A_1424 = arith.index_cast %swap3A_1423 : i32 to index
      %swap3A_1425 = arith.constant 32 : index
      %swap3A_1426 = tpu.vector_load %arg16[%swap3A_1424, %swap3A_1425] {strides = array<i32>} : memref<64x64xf32, #tpu.memory_space<vmem>>, vector<16xf32>,
      tpu.vector_store %arg16[%swap3A_1424, %swap3A_1425], %broadcast_in_dim3A_12 {strides = array<i32>} : memref<64x64xf32, #tpu.memory_space<vmem>>, vector<16xf32>,
      %swap3A_1427 = arith.constant 55 : i32
      %swap3A_1428 = arith.index_cast %swap3A_1427 : i32 to index
      %swap3A_1429 = arith.constant 48 : index
      %swap3A_1430 = tpu.vector_load %arg16[%swap3A_1428, %swap3A_1429] {strides = array<i32>} : memref<64x64xf32, #tpu.memory_space<vmem>>, vector<16xf32>,
      tpu.vector_store %arg16[%swap3A_1428, %swap3A_1429], %broadcast_in_dim3A_12 {strides = array<i32>} : memref<64x64xf32, #tpu.memory_space<vmem>>, vector<16xf32>,
      %swap3A_1431 = arith.constant 56 : i32
      %swap3A_1432 = arith.index_cast %swap3A_1431 : i32 to index
      %swap3A_1433 = arith.constant 0 : index
      %swap3A_1434 = tpu.vector_load %arg16[%swap3A_1432, %swap3A_1433] {strides = array<i32>} : memref<64x64xf32, #tpu.memory_space<vmem>>, vector<16xf32>,
      tpu.vector_store %arg16[%swap3A_1432, %swap3A_1433], %broadcast_in_dim3A_12 {strides = array<i32>} : memref<64x64xf32, #tpu.memory_space<vmem>>, vector<16xf32>,
      %swap3A_1435 = arith.constant 56 : i32
      %swap3A_1436 = arith.index_cast %swap3A_1435 : i32 to index
      %swap3A_1437 = arith.constant 16 : index
      %swap3A_1438 = tpu.vector_load %arg16[%swap3A_1436, %swap3A_1437] {strides = array<i32>} : memref<64x64xf32, #tpu.memory_space<vmem>>, vector<16xf32>,
      tpu.vector_store %arg16[%swap3A_1436, %swap3A_1437], %broadcast_in_dim3A_12 {strides = array<i32>} : memref<64x64xf32, #tpu.memory_space<vmem>>, vector<16xf32>,
      %swap3A_1439 = arith.constant 56 : i32
      %swap3A_1440 = arith.index_cast %swap3A_1439 : i32 to index
      %swap3A_1441 = arith.constant 32 : index
      %swap3A_1442 = tpu.vector_load %arg16[%swap3A_1440, %swap3A_1441] {strides = array<i32>} : memref<64x64xf32, #tpu.memory_space<vmem>>, vector<16xf32>,
      tpu.vector_store %arg16[%swap3A_1440, %swap3A_1441], %broadcast_in_dim3A_12 {strides = array<i32>} : memref<64x64xf32, #tpu.memory_space<vmem>>, vector<16xf32>,
      %swap3A_1443 = arith.constant 56 : i32
      %swap3A_1444 = arith.index_cast %swap3A_1443 : i32 to index
      %swap3A_1445 = arith.constant 48 : index
      %swap3A_1446 = tpu.vector_load %arg16[%swap3A_1444, %swap3A_1445] {strides = array<i32>} : memref<64x64xf32, #tpu.memory_space<vmem>>, vector<16xf32>,
      tpu.vector_store %arg16[%swap3A_1444, %swap3A_1445], %broadcast_in_dim3A_12 {strides = array<i32>} : memref<64x64xf32, #tpu.memory_space<vmem>>, vector<16xf32>,
      %swap3A_1447 = arith.constant 57 : i32
      %swap3A_1448 = arith.index_cast %swap3A_1447 : i32 to index
      %swap3A_1449 = arith.constant 0 : index
      %swap3A_1450 = tpu.vector_load %arg16[%swap3A_1448, %swap3A_1449] {strides = array<i32>} : memref<64x64xf32, #tpu.memory_space<vmem>>, vector<16xf32>,
      tpu.vector_store %arg16[%swap3A_1448, %swap3A_1449], %broadcast_in_dim3A_12 {strides = array<i32>} : memref<64x64xf32, #tpu.memory_space<vmem>>, vector<16xf32>,
      %swap3A_1451 = arith.constant 57 : i32
      %swap3A_1452 = arith.index_cast %swap3A_1451 : i32 to index
      %swap3A_1453 = arith.constant 16 : index
      %swap3A_1454 = tpu.vector_load %arg16[%swap3A_1452, %swap3A_1453] {strides = array<i32>} : memref<64x64xf32, #tpu.memory_space<vmem>>, vector<16xf32>,
      tpu.vector_store %arg16[%swap3A_1452, %swap3A_1453], %broadcast_in_dim3A_12 {strides = array<i32>} : memref<64x64xf32, #tpu.memory_space<vmem>>, vector<16xf32>,
      %swap3A_1455 = arith.constant 57 : i32
      %swap3A_1456 = arith.index_cast %swap3A_1455 : i32 to index
      %swap3A_1457 = arith.constant 32 : index
      %swap3A_1458 = tpu.vector_load %arg16[%swap3A_1456, %swap3A_1457] {strides = array<i32>} : memref<64x64xf32, #tpu.memory_space<vmem>>, vector<16xf32>,
      tpu.vector_store %arg16[%swap3A_1456, %swap3A_1457], %broadcast_in_dim3A_12 {strides = array<i32>} : memref<64x64xf32, #tpu.memory_space<vmem>>, vector<16xf32>,
      %swap3A_1459 = arith.constant 57 : i32
      %swap3A_1460 = arith.index_cast %swap3A_1459 : i32 to index
      %swap3A_1461 = arith.constant 48 : index
      %swap3A_1462 = tpu.vector_load %arg16[%swap3A_1460, %swap3A_1461] {strides = array<i32>} : memref<64x64xf32, #tpu.memory_space<vmem>>, vector<16xf32>,
      tpu.vector_store %arg16[%swap3A_1460, %swap3A_1461], %broadcast_in_dim3A_12 {strides = array<i32>} : memref<64x64xf32, #tpu.memory_space<vmem>>, vector<16xf32>,
      %swap3A_1463 = arith.constant 58 : i32
      %swap3A_1464 = arith.index_cast %swap3A_1463 : i32 to index
      %swap3A_1465 = arith.constant 0 : index
      %swap3A_1466 = tpu.vector_load %arg16[%swap3A_1464, %swap3A_1465] {strides = array<i32>} : memref<64x64xf32, #tpu.memory_space<vmem>>, vector<16xf32>,
      tpu.vector_store %arg16[%swap3A_1464, %swap3A_1465], %broadcast_in_dim3A_12 {strides = array<i32>} : memref<64x64xf32, #tpu.memory_space<vmem>>, vector<16xf32>,
      %swap3A_1467 = arith.constant 58 : i32
      %swap3A_1468 = arith.index_cast %swap3A_1467 : i32 to index
      %swap3A_1469 = arith.constant 16 : index
      %swap3A_1470 = tpu.vector_load %arg16[%swap3A_1468, %swap3A_1469] {strides = array<i32>} : memref<64x64xf32, #tpu.memory_space<vmem>>, vector<16xf32>,
      tpu.vector_store %arg16[%swap3A_1468, %swap3A_1469], %broadcast_in_dim3A_12 {strides = array<i32>} : memref<64x64xf32, #tpu.memory_space<vmem>>, vector<16xf32>,
      %swap3A_1471 = arith.constant 58 : i32
      %swap3A_1472 = arith.index_cast %swap3A_1471 : i32 to index
      %swap3A_1473 = arith.constant 32 : index
      %swap3A_1474 = tpu.vector_load %arg16[%swap3A_1472, %swap3A_1473] {strides = array<i32>} : memref<64x64xf32, #tpu.memory_space<vmem>>, vector<16xf32>,
      tpu.vector_store %arg16[%swap3A_1472, %swap3A_1473], %broadcast_in_dim3A_12 {strides = array<i32>} : memref<64x64xf32, #tpu.memory_space<vmem>>, vector<16xf32>,
      %swap3A_1475 = arith.constant 58 : i32
      %swap3A_1476 = arith.index_cast %swap3A_1475 : i32 to index
      %swap3A_1477 = arith.constant 48 : index
      %swap3A_1478 = tpu.vector_load %arg16[%swap3A_1476, %swap3A_1477] {strides = array<i32>} : memref<64x64xf32, #tpu.memory_space<vmem>>, vector<16xf32>,
      tpu.vector_store %arg16[%swap3A_1476, %swap3A_1477], %broadcast_in_dim3A_12 {strides = array<i32>} : memref<64x64xf32, #tpu.memory_space<vmem>>, vector<16xf32>,
      %swap3A_1479 = arith.constant 59 : i32
      %swap3A_1480 = arith.index_cast %swap3A_1479 : i32 to index
      %swap3A_1481 = arith.constant 0 : index
      %swap3A_1482 = tpu.vector_load %arg16[%swap3A_1480, %swap3A_1481] {strides = array<i32>} : memref<64x64xf32, #tpu.memory_space<vmem>>, vector<16xf32>,
      tpu.vector_store %arg16[%swap3A_1480, %swap3A_1481], %broadcast_in_dim3A_12 {strides = array<i32>} : memref<64x64xf32, #tpu.memory_space<vmem>>, vector<16xf32>,
      %swap3A_1483 = arith.constant 59 : i32
      %swap3A_1484 = arith.index_cast %swap3A_1483 : i32 to index
      %swap3A_1485 = arith.constant 16 : index
      %swap3A_1486 = tpu.vector_load %arg16[%swap3A_1484, %swap3A_1485] {strides = array<i32>} : memref<64x64xf32, #tpu.memory_space<vmem>>, vector<16xf32>,
      tpu.vector_store %arg16[%swap3A_1484, %swap3A_1485], %broadcast_in_dim3A_12 {strides = array<i32>} : memref<64x64xf32, #tpu.memory_space<vmem>>, vector<16xf32>,
      %swap3A_1487 = arith.constant 59 : i32
      %swap3A_1488 = arith.index_cast %swap3A_1487 : i32 to index
      %swap3A_1489 = arith.constant 32 : index
      %swap3A_1490 = tpu.vector_load %arg16[%swap3A_1488, %swap3A_1489] {strides = array<i32>} : memref<64x64xf32, #tpu.memory_space<vmem>>, vector<16xf32>,
      tpu.vector_store %arg16[%swap3A_1488, %swap3A_1489], %broadcast_in_dim3A_12 {strides = array<i32>} : memref<64x64xf32, #tpu.memory_space<vmem>>, vector<16xf32>,
      %swap3A_1491 = arith.constant 59 : i32
      %swap3A_1492 = arith.index_cast %swap3A_1491 : i32 to index
      %swap3A_1493 = arith.constant 48 : index
      %swap3A_1494 = tpu.vector_load %arg16[%swap3A_1492, %swap3A_1493] {strides = array<i32>} : memref<64x64xf32, #tpu.memory_space<vmem>>, vector<16xf32>,
      tpu.vector_store %arg16[%swap3A_1492, %swap3A_1493], %broadcast_in_dim3A_12 {strides = array<i32>} : memref<64x64xf32, #tpu.memory_space<vmem>>, vector<16xf32>,
      %swap3A_1495 = arith.constant 60 : i32
      %swap3A_1496 = arith.index_cast %swap3A_1495 : i32 to index
      %swap3A_1497 = arith.constant 0 : index
      %swap3A_1498 = tpu.vector_load %arg16[%swap3A_1496, %swap3A_1497] {strides = array<i32>} : memref<64x64xf32, #tpu.memory_space<vmem>>, vector<16xf32>,
      tpu.vector_store %arg16[%swap3A_1496, %swap3A_1497], %broadcast_in_dim3A_12 {strides = array<i32>} : memref<64x64xf32, #tpu.memory_space<vmem>>, vector<16xf32>,
      %swap3A_1499 = arith.constant 60 : i32
      %swap3A_1500 = arith.index_cast %swap3A_1499 : i32 to index
      %swap3A_1501 = arith.constant 16 : index
      %swap3A_1502 = tpu.vector_load %arg16[%swap3A_1500, %swap3A_1501] {strides = array<i32>} : memref<64x64xf32, #tpu.memory_space<vmem>>, vector<16xf32>,
      tpu.vector_store %arg16[%swap3A_1500, %swap3A_1501], %broadcast_in_dim3A_12 {strides = array<i32>} : memref<64x64xf32, #tpu.memory_space<vmem>>, vector<16xf32>,
      %swap3A_1503 = arith.constant 60 : i32
      %swap3A_1504 = arith.index_cast %swap3A_1503 : i32 to index
      %swap3A_1505 = arith.constant 32 : index
      %swap3A_1506 = tpu.vector_load %arg16[%swap3A_1504, %swap3A_1505] {strides = array<i32>} : memref<64x64xf32, #tpu.memory_space<vmem>>, vector<16xf32>,
      tpu.vector_store %arg16[%swap3A_1504, %swap3A_1505], %broadcast_in_dim3A_12 {strides = array<i32>} : memref<64x64xf32, #tpu.memory_space<vmem>>, vector<16xf32>,
      %swap3A_1507 = arith.constant 60 : i32
      %swap3A_1508 = arith.index_cast %swap3A_1507 : i32 to index
      %swap3A_1509 = arith.constant 48 : index
      %swap3A_1510 = tpu.vector_load %arg16[%swap3A_1508, %swap3A_1509] {strides = array<i32>} : memref<64x64xf32, #tpu.memory_space<vmem>>, vector<16xf32>,
      tpu.vector_store %arg16[%swap3A_1508, %swap3A_1509], %broadcast_in_dim3A_12 {strides = array<i32>} : memref<64x64xf32, #tpu.memory_space<vmem>>, vector<16xf32>,
      %swap3A_1511 = arith.constant 61 : i32
      %swap3A_1512 = arith.index_cast %swap3A_1511 : i32 to index
      %swap3A_1513 = arith.constant 0 : index
      %swap3A_1514 = tpu.vector_load %arg16[%swap3A_1512, %swap3A_1513] {strides = array<i32>} : memref<64x64xf32, #tpu.memory_space<vmem>>, vector<16xf32>,
      tpu.vector_store %arg16[%swap3A_1512, %swap3A_1513], %broadcast_in_dim3A_12 {strides = array<i32>} : memref<64x64xf32, #tpu.memory_space<vmem>>, vector<16xf32>,
      %swap3A_1515 = arith.constant 61 : i32
      %swap3A_1516 = arith.index_cast %swap3A_1515 : i32 to index
      %swap3A_1517 = arith.constant 16 : index
      %swap3A_1518 = tpu.vector_load %arg16[%swap3A_1516, %swap3A_1517] {strides = array<i32>} : memref<64x64xf32, #tpu.memory_space<vmem>>, vector<16xf32>,
      tpu.vector_store %arg16[%swap3A_1516, %swap3A_1517], %broadcast_in_dim3A_12 {strides = array<i32>} : memref<64x64xf32, #tpu.memory_space<vmem>>, vector<16xf32>,
      %swap3A_1519 = arith.constant 61 : i32
      %swap3A_1520 = arith.index_cast %swap3A_1519 : i32 to index
      %swap3A_1521 = arith.constant 32 : index
      %swap3A_1522 = tpu.vector_load %arg16[%swap3A_1520, %swap3A_1521] {strides = array<i32>} : memref<64x64xf32, #tpu.memory_space<vmem>>, vector<16xf32>,
      tpu.vector_store %arg16[%swap3A_1520, %swap3A_1521], %broadcast_in_dim3A_12 {strides = array<i32>} : memref<64x64xf32, #tpu.memory_space<vmem>>, vector<16xf32>,
      %swap3A_1523 = arith.constant 61 : i32
      %swap3A_1524 = arith.index_cast %swap3A_1523 : i32 to index
      %swap3A_1525 = arith.constant 48 : index
      %swap3A_1526 = tpu.vector_load %arg16[%swap3A_1524, %swap3A_1525] {strides = array<i32>} : memref<64x64xf32, #tpu.memory_space<vmem>>, vector<16xf32>,
      tpu.vector_store %arg16[%swap3A_1524, %swap3A_1525], %broadcast_in_dim3A_12 {strides = array<i32>} : memref<64x64xf32, #tpu.memory_space<vmem>>, vector<16xf32>,
      %swap3A_1527 = arith.constant 62 : i32
      %swap3A_1528 = arith.index_cast %swap3A_1527 : i32 to index
      %swap3A_1529 = arith.constant 0 : index
      %swap3A_1530 = tpu.vector_load %arg16[%swap3A_1528, %swap3A_1529] {strides = array<i32>} : memref<64x64xf32, #tpu.memory_space<vmem>>, vector<16xf32>,
      tpu.vector_store %arg16[%swap3A_1528, %swap3A_1529], %broadcast_in_dim3A_12 {strides = array<i32>} : memref<64x64xf32, #tpu.memory_space<vmem>>, vector<16xf32>,
      %swap3A_1531 = arith.constant 62 : i32
      %swap3A_1532 = arith.index_cast %swap3A_1531 : i32 to index
      %swap3A_1533 = arith.constant 16 : index
      %swap3A_1534 = tpu.vector_load %arg16[%swap3A_1532, %swap3A_1533] {strides = array<i32>} : memref<64x64xf32, #tpu.memory_space<vmem>>, vector<16xf32>,
      tpu.vector_store %arg16[%swap3A_1532, %swap3A_1533], %broadcast_in_dim3A_12 {strides = array<i32>} : memref<64x64xf32, #tpu.memory_space<vmem>>, vector<16xf32>,
      %swap3A_1535 = arith.constant 62 : i32
      %swap3A_1536 = arith.index_cast %swap3A_1535 : i32 to index
      %swap3A_1537 = arith.constant 32 : index
      %swap3A_1538 = tpu.vector_load %arg16[%swap3A_1536, %swap3A_1537] {strides = array<i32>} : memref<64x64xf32, #tpu.memory_space<vmem>>, vector<16xf32>,
      tpu.vector_store %arg16[%swap3A_1536, %swap3A_1537], %broadcast_in_dim3A_12 {strides = array<i32>} : memref<64x64xf32, #tpu.memory_space<vmem>>, vector<16xf32>,
      %swap3A_1539 = arith.constant 62 : i32
      %swap3A_1540 = arith.index_cast %swap3A_1539 : i32 to index
      %swap3A_1541 = arith.constant 48 : index
      %swap3A_1542 = tpu.vector_load %arg16[%swap3A_1540, %swap3A_1541] {strides = array<i32>} : memref<64x64xf32, #tpu.memory_space<vmem>>, vector<16xf32>,
      tpu.vector_store %arg16[%swap3A_1540, %swap3A_1541], %broadcast_in_dim3A_12 {strides = array<i32>} : memref<64x64xf32, #tpu.memory_space<vmem>>, vector<16xf32>,
      %swap3A_1543 = arith.constant 63 : i32
      %swap3A_1544 = arith.index_cast %swap3A_1543 : i32 to index
      %swap3A_1545 = arith.constant 0 : index
      %swap3A_1546 = tpu.vector_load %arg16[%swap3A_1544, %swap3A_1545] {strides = array<i32>} : memref<64x64xf32, #tpu.memory_space<vmem>>, vector<16xf32>,
      tpu.vector_store %arg16[%swap3A_1544, %swap3A_1545], %broadcast_in_dim3A_12 {strides = array<i32>} : memref<64x64xf32, #tpu.memory_space<vmem>>, vector<16xf32>,
      %swap3A_1547 = arith.constant 63 : i32
      %swap3A_1548 = arith.index_cast %swap3A_1547 : i32 to index
      %swap3A_1549 = arith.constant 16 : index
      %swap3A_1550 = tpu.vector_load %arg16[%swap3A_1548, %swap3A_1549] {strides = array<i32>} : memref<64x64xf32, #tpu.memory_space<vmem>>, vector<16xf32>,
      tpu.vector_store %arg16[%swap3A_1548, %swap3A_1549], %broadcast_in_dim3A_12 {strides = array<i32>} : memref<64x64xf32, #tpu.memory_space<vmem>>, vector<16xf32>,
      %swap3A_1551 = arith.constant 63 : i32
      %swap3A_1552 = arith.index_cast %swap3A_1551 : i32 to index
      %swap3A_1553 = arith.constant 32 : index
      %swap3A_1554 = tpu.vector_load %arg16[%swap3A_1552, %swap3A_1553] {strides = array<i32>} : memref<64x64xf32, #tpu.memory_space<vmem>>, vector<16xf32>,
      tpu.vector_store %arg16[%swap3A_1552, %swap3A_1553], %broadcast_in_dim3A_12 {strides = array<i32>} : memref<64x64xf32, #tpu.memory_space<vmem>>, vector<16xf32>,
      %swap3A_1555 = arith.constant 63 : i32
      %swap3A_1556 = arith.index_cast %swap3A_1555 : i32 to index
      %swap3A_1557 = arith.constant 48 : index
      %swap3A_1558 = tpu.vector_load %arg16[%swap3A_1556, %swap3A_1557] {strides = array<i32>} : memref<64x64xf32, #tpu.memory_space<vmem>>, vector<16xf32>,
      tpu.vector_store %arg16[%swap3A_1556, %swap3A_1557], %broadcast_in_dim3A_12 {strides = array<i32>} : memref<64x64xf32, #tpu.memory_space<vmem>>, vector<16xf32>,
      %add3A_1559 = arith.constant 0 : i32
      %add3A_1560 = vector.broadcast %add3A_1559 : i32 to vector<16xi32>
      %add3A_1561 = arith.addi %shift_right_arithmetic3A_9, %add3A_1560 : vector<16xi32>
      %get3A_1562 = arith.constant 0 : index
      %get3A_1563 = tpu.vector_load %arg12[%get3A_1562] {strides = array<i32>} : memref<256xi32, #tpu.memory_space<vmem>>, vector<16xi32>,
      %gather3A = tpu.vector_load_idx %arg6[%get3A_1563] : memref<10000xi32, #tpu.memory_space<vmem>>[vector<16xi32>], vector<16xi32>,
      tpu.vector_store_idx %arg16[%add3A_1561, %gather3A], %broadcast_in_dim3A_10 {add = true} : memref<64x64xf32, #tpu.memory_space<vmem>>[vector<16xi32>, vector<16xi32>], vector<16xf32>,
      %get3A_1564 = arith.constant 0 : index
      %get3A_1565 = tpu.vector_load %arg13[%get3A_1564] {strides = array<i32>} : memref<256xi32, #tpu.memory_space<vmem>>, vector<16xi32>,
      %gather3A_1566 = tpu.vector_load_idx %arg6[%get3A_1565] : memref<10000xi32, #tpu.memory_space<vmem>>[vector<16xi32>], vector<16xi32>,
      tpu.vector_store_idx %arg16[%add3A_1561, %gather3A_1566], %broadcast_in_dim3A_10 {add = true} : memref<64x64xf32, #tpu.memory_space<vmem>>[vector<16xi32>, vector<16xi32>], vector<16xf32>,
      %add3A_1567 = arith.constant 4 : i32
      %add3A_1568 = vector.broadcast %add3A_1567 : i32 to vector<16xi32>
      %add3A_1569 = arith.addi %shift_right_arithmetic3A_9, %add3A_1568 : vector<16xi32>
      %get3A_1570 = arith.constant 16 : index
      %get3A_1571 = tpu.vector_load %arg12[%get3A_1570] {strides = array<i32>} : memref<256xi32, #tpu.memory_space<vmem>>, vector<16xi32>,
      %gather3A_1572 = tpu.vector_load_idx %arg6[%get3A_1571] : memref<10000xi32, #tpu.memory_space<vmem>>[vector<16xi32>], vector<16xi32>,
      tpu.vector_store_idx %arg16[%add3A_1569, %gather3A_1572], %broadcast_in_dim3A_10 {add = true} : memref<64x64xf32, #tpu.memory_space<vmem>>[vector<16xi32>, vector<16xi32>], vector<16xf32>,
      %get3A_1573 = arith.constant 16 : index
      %get3A_1574 = tpu.vector_load %arg13[%get3A_1573] {strides = array<i32>} : memref<256xi32, #tpu.memory_space<vmem>>, vector<16xi32>,
      %gather3A_1575 = tpu.vector_load_idx %arg6[%get3A_1574] : memref<10000xi32, #tpu.memory_space<vmem>>[vector<16xi32>], vector<16xi32>,
      tpu.vector_store_idx %arg16[%add3A_1569, %gather3A_1575], %broadcast_in_dim3A_10 {add = true} : memref<64x64xf32, #tpu.memory_space<vmem>>[vector<16xi32>, vector<16xi32>], vector<16xf32>,
      %add3A_1576 = arith.constant 8 : i32
      %add3A_1577 = vector.broadcast %add3A_1576 : i32 to vector<16xi32>
      %add3A_1578 = arith.addi %shift_right_arithmetic3A_9, %add3A_1577 : vector<16xi32>
      %get3A_1579 = arith.constant 32 : index
      %get3A_1580 = tpu.vector_load %arg12[%get3A_1579] {strides = array<i32>} : memref<256xi32, #tpu.memory_space<vmem>>, vector<16xi32>,
      %gather3A_1581 = tpu.vector_load_idx %arg6[%get3A_1580] : memref<10000xi32, #tpu.memory_space<vmem>>[vector<16xi32>], vector<16xi32>,
      tpu.vector_store_idx %arg16[%add3A_1578, %gather3A_1581], %broadcast_in_dim3A_10 {add = true} : memref<64x64xf32, #tpu.memory_space<vmem>>[vector<16xi32>, vector<16xi32>], vector<16xf32>,
      %get3A_1582 = arith.constant 32 : index
      %get3A_1583 = tpu.vector_load %arg13[%get3A_1582] {strides = array<i32>} : memref<256xi32, #tpu.memory_space<vmem>>, vector<16xi32>,
      %gather3A_1584 = tpu.vector_load_idx %arg6[%get3A_1583] : memref<10000xi32, #tpu.memory_space<vmem>>[vector<16xi32>], vector<16xi32>,
      tpu.vector_store_idx %arg16[%add3A_1578, %gather3A_1584], %broadcast_in_dim3A_10 {add = true} : memref<64x64xf32, #tpu.memory_space<vmem>>[vector<16xi32>, vector<16xi32>], vector<16xf32>,
      %add3A_1585 = arith.constant 12 : i32
      %add3A_1586 = vector.broadcast %add3A_1585 : i32 to vector<16xi32>
      %add3A_1587 = arith.addi %shift_right_arithmetic3A_9, %add3A_1586 : vector<16xi32>
      %get3A_1588 = arith.constant 48 : index
      %get3A_1589 = tpu.vector_load %arg12[%get3A_1588] {strides = array<i32>} : memref<256xi32, #tpu.memory_space<vmem>>, vector<16xi32>,
      %gather3A_1590 = tpu.vector_load_idx %arg6[%get3A_1589] : memref<10000xi32, #tpu.memory_space<vmem>>[vector<16xi32>], vector<16xi32>,
      tpu.vector_store_idx %arg16[%add3A_1587, %gather3A_1590], %broadcast_in_dim3A_10 {add = true} : memref<64x64xf32, #tpu.memory_space<vmem>>[vector<16xi32>, vector<16xi32>], vector<16xf32>,
      %get3A_1591 = arith.constant 48 : index
      %get3A_1592 = tpu.vector_load %arg13[%get3A_1591] {strides = array<i32>} : memref<256xi32, #tpu.memory_space<vmem>>, vector<16xi32>,
      %gather3A_1593 = tpu.vector_load_idx %arg6[%get3A_1592] : memref<10000xi32, #tpu.memory_space<vmem>>[vector<16xi32>], vector<16xi32>,
      tpu.vector_store_idx %arg16[%add3A_1587, %gather3A_1593], %broadcast_in_dim3A_10 {add = true} : memref<64x64xf32, #tpu.memory_space<vmem>>[vector<16xi32>, vector<16xi32>], vector<16xf32>,
      %add3A_1594 = arith.constant 16 : i32
      %add3A_1595 = vector.broadcast %add3A_1594 : i32 to vector<16xi32>
      %add3A_1596 = arith.addi %shift_right_arithmetic3A_9, %add3A_1595 : vector<16xi32>
      %get3A_1597 = arith.constant 64 : index
      %get3A_1598 = tpu.vector_load %arg12[%get3A_1597] {strides = array<i32>} : memref<256xi32, #tpu.memory_space<vmem>>, vector<16xi32>,
      %gather3A_1599 = tpu.vector_load_idx %arg6[%get3A_1598] : memref<10000xi32, #tpu.memory_space<vmem>>[vector<16xi32>], vector<16xi32>,
      tpu.vector_store_idx %arg16[%add3A_1596, %gather3A_1599], %broadcast_in_dim3A_10 {add = true} : memref<64x64xf32, #tpu.memory_space<vmem>>[vector<16xi32>, vector<16xi32>], vector<16xf32>,
      %get3A_1600 = arith.constant 64 : index
      %get3A_1601 = tpu.vector_load %arg13[%get3A_1600] {strides = array<i32>} : memref<256xi32, #tpu.memory_space<vmem>>, vector<16xi32>,
      %gather3A_1602 = tpu.vector_load_idx %arg6[%get3A_1601] : memref<10000xi32, #tpu.memory_space<vmem>>[vector<16xi32>], vector<16xi32>,
      tpu.vector_store_idx %arg16[%add3A_1596, %gather3A_1602], %broadcast_in_dim3A_10 {add = true} : memref<64x64xf32, #tpu.memory_space<vmem>>[vector<16xi32>, vector<16xi32>], vector<16xf32>,
      %add3A_1603 = arith.constant 20 : i32
      %add3A_1604 = vector.broadcast %add3A_1603 : i32 to vector<16xi32>
      %add3A_1605 = arith.addi %shift_right_arithmetic3A_9, %add3A_1604 : vector<16xi32>
      %get3A_1606 = arith.constant 80 : index
      %get3A_1607 = tpu.vector_load %arg12[%get3A_1606] {strides = array<i32>} : memref<256xi32, #tpu.memory_space<vmem>>, vector<16xi32>,
      %gather3A_1608 = tpu.vector_load_idx %arg6[%get3A_1607] : memref<10000xi32, #tpu.memory_space<vmem>>[vector<16xi32>], vector<16xi32>,
      tpu.vector_store_idx %arg16[%add3A_1605, %gather3A_1608], %broadcast_in_dim3A_10 {add = true} : memref<64x64xf32, #tpu.memory_space<vmem>>[vector<16xi32>, vector<16xi32>], vector<16xf32>,
      %get3A_1609 = arith.constant 80 : index
      %get3A_1610 = tpu.vector_load %arg13[%get3A_1609] {strides = array<i32>} : memref<256xi32, #tpu.memory_space<vmem>>, vector<16xi32>,
      %gather3A_1611 = tpu.vector_load_idx %arg6[%get3A_1610] : memref<10000xi32, #tpu.memory_space<vmem>>[vector<16xi32>], vector<16xi32>,
      tpu.vector_store_idx %arg16[%add3A_1605, %gather3A_1611], %broadcast_in_dim3A_10 {add = true} : memref<64x64xf32, #tpu.memory_space<vmem>>[vector<16xi32>, vector<16xi32>], vector<16xf32>,
      %add3A_1612 = arith.constant 24 : i32
      %add3A_1613 = vector.broadcast %add3A_1612 : i32 to vector<16xi32>
      %add3A_1614 = arith.addi %shift_right_arithmetic3A_9, %add3A_1613 : vector<16xi32>
      %get3A_1615 = arith.constant 96 : index
      %get3A_1616 = tpu.vector_load %arg12[%get3A_1615] {strides = array<i32>} : memref<256xi32, #tpu.memory_space<vmem>>, vector<16xi32>,
      %gather3A_1617 = tpu.vector_load_idx %arg6[%get3A_1616] : memref<10000xi32, #tpu.memory_space<vmem>>[vector<16xi32>], vector<16xi32>,
      tpu.vector_store_idx %arg16[%add3A_1614, %gather3A_1617], %broadcast_in_dim3A_10 {add = true} : memref<64x64xf32, #tpu.memory_space<vmem>>[vector<16xi32>, vector<16xi32>], vector<16xf32>,
      %get3A_1618 = arith.constant 96 : index
      %get3A_1619 = tpu.vector_load %arg13[%get3A_1618] {strides = array<i32>} : memref<256xi32, #tpu.memory_space<vmem>>, vector<16xi32>,
      %gather3A_1620 = tpu.vector_load_idx %arg6[%get3A_1619] : memref<10000xi32, #tpu.memory_space<vmem>>[vector<16xi32>], vector<16xi32>,
      tpu.vector_store_idx %arg16[%add3A_1614, %gather3A_1620], %broadcast_in_dim3A_10 {add = true} : memref<64x64xf32, #tpu.memory_space<vmem>>[vector<16xi32>, vector<16xi32>], vector<16xf32>,
      %add3A_1621 = arith.constant 28 : i32
      %add3A_1622 = vector.broadcast %add3A_1621 : i32 to vector<16xi32>
      %add3A_1623 = arith.addi %shift_right_arithmetic3A_9, %add3A_1622 : vector<16xi32>
      %get3A_1624 = arith.constant 112 : index
      %get3A_1625 = tpu.vector_load %arg12[%get3A_1624] {strides = array<i32>} : memref<256xi32, #tpu.memory_space<vmem>>, vector<16xi32>,
      %gather3A_1626 = tpu.vector_load_idx %arg6[%get3A_1625] : memref<10000xi32, #tpu.memory_space<vmem>>[vector<16xi32>], vector<16xi32>,
      tpu.vector_store_idx %arg16[%add3A_1623, %gather3A_1626], %broadcast_in_dim3A_10 {add = true} : memref<64x64xf32, #tpu.memory_space<vmem>>[vector<16xi32>, vector<16xi32>], vector<16xf32>,
      %get3A_1627 = arith.constant 112 : index
      %get3A_1628 = tpu.vector_load %arg13[%get3A_1627] {strides = array<i32>} : memref<256xi32, #tpu.memory_space<vmem>>, vector<16xi32>,
      %gather3A_1629 = tpu.vector_load_idx %arg6[%get3A_1628] : memref<10000xi32, #tpu.memory_space<vmem>>[vector<16xi32>], vector<16xi32>,
      tpu.vector_store_idx %arg16[%add3A_1623, %gather3A_1629], %broadcast_in_dim3A_10 {add = true} : memref<64x64xf32, #tpu.memory_space<vmem>>[vector<16xi32>, vector<16xi32>], vector<16xf32>,
      %add3A_1630 = arith.constant 32 : i32
      %add3A_1631 = vector.broadcast %add3A_1630 : i32 to vector<16xi32>
      %add3A_1632 = arith.addi %shift_right_arithmetic3A_9, %add3A_1631 : vector<16xi32>
      %get3A_1633 = arith.constant 128 : index
      %get3A_1634 = tpu.vector_load %arg12[%get3A_1633] {strides = array<i32>} : memref<256xi32, #tpu.memory_space<vmem>>, vector<16xi32>,
      %gather3A_1635 = tpu.vector_load_idx %arg6[%get3A_1634] : memref<10000xi32, #tpu.memory_space<vmem>>[vector<16xi32>], vector<16xi32>,
      tpu.vector_store_idx %arg16[%add3A_1632, %gather3A_1635], %broadcast_in_dim3A_10 {add = true} : memref<64x64xf32, #tpu.memory_space<vmem>>[vector<16xi32>, vector<16xi32>], vector<16xf32>,
      %get3A_1636 = arith.constant 128 : index
      %get3A_1637 = tpu.vector_load %arg13[%get3A_1636] {strides = array<i32>} : memref<256xi32, #tpu.memory_space<vmem>>, vector<16xi32>,
      %gather3A_1638 = tpu.vector_load_idx %arg6[%get3A_1637] : memref<10000xi32, #tpu.memory_space<vmem>>[vector<16xi32>], vector<16xi32>,
      tpu.vector_store_idx %arg16[%add3A_1632, %gather3A_1638], %broadcast_in_dim3A_10 {add = true} : memref<64x64xf32, #tpu.memory_space<vmem>>[vector<16xi32>, vector<16xi32>], vector<16xf32>,
      %add3A_1639 = arith.constant 36 : i32
      %add3A_1640 = vector.broadcast %add3A_1639 : i32 to vector<16xi32>
      %add3A_1641 = arith.addi %shift_right_arithmetic3A_9, %add3A_1640 : vector<16xi32>
      %get3A_1642 = arith.constant 144 : index
      %get3A_1643 = tpu.vector_load %arg12[%get3A_1642] {strides = array<i32>} : memref<256xi32, #tpu.memory_space<vmem>>, vector<16xi32>,
      %gather3A_1644 = tpu.vector_load_idx %arg6[%get3A_1643] : memref<10000xi32, #tpu.memory_space<vmem>>[vector<16xi32>], vector<16xi32>,
      tpu.vector_store_idx %arg16[%add3A_1641, %gather3A_1644], %broadcast_in_dim3A_10 {add = true} : memref<64x64xf32, #tpu.memory_space<vmem>>[vector<16xi32>, vector<16xi32>], vector<16xf32>,
      %get3A_1645 = arith.constant 144 : index
      %get3A_1646 = tpu.vector_load %arg13[%get3A_1645] {strides = array<i32>} : memref<256xi32, #tpu.memory_space<vmem>>, vector<16xi32>,
      %gather3A_1647 = tpu.vector_load_idx %arg6[%get3A_1646] : memref<10000xi32, #tpu.memory_space<vmem>>[vector<16xi32>], vector<16xi32>,
      tpu.vector_store_idx %arg16[%add3A_1641, %gather3A_1647], %broadcast_in_dim3A_10 {add = true} : memref<64x64xf32, #tpu.memory_space<vmem>>[vector<16xi32>, vector<16xi32>], vector<16xf32>,
      %add3A_1648 = arith.constant 40 : i32
      %add3A_1649 = vector.broadcast %add3A_1648 : i32 to vector<16xi32>
      %add3A_1650 = arith.addi %shift_right_arithmetic3A_9, %add3A_1649 : vector<16xi32>
      %get3A_1651 = arith.constant 160 : index
      %get3A_1652 = tpu.vector_load %arg12[%get3A_1651] {strides = array<i32>} : memref<256xi32, #tpu.memory_space<vmem>>, vector<16xi32>,
      %gather3A_1653 = tpu.vector_load_idx %arg6[%get3A_1652] : memref<10000xi32, #tpu.memory_space<vmem>>[vector<16xi32>], vector<16xi32>,
      tpu.vector_store_idx %arg16[%add3A_1650, %gather3A_1653], %broadcast_in_dim3A_10 {add = true} : memref<64x64xf32, #tpu.memory_space<vmem>>[vector<16xi32>, vector<16xi32>], vector<16xf32>,
      %get3A_1654 = arith.constant 160 : index
      %get3A_1655 = tpu.vector_load %arg13[%get3A_1654] {strides = array<i32>} : memref<256xi32, #tpu.memory_space<vmem>>, vector<16xi32>,
      %gather3A_1656 = tpu.vector_load_idx %arg6[%get3A_1655] : memref<10000xi32, #tpu.memory_space<vmem>>[vector<16xi32>], vector<16xi32>,
      tpu.vector_store_idx %arg16[%add3A_1650, %gather3A_1656], %broadcast_in_dim3A_10 {add = true} : memref<64x64xf32, #tpu.memory_space<vmem>>[vector<16xi32>, vector<16xi32>], vector<16xf32>,
      %add3A_1657 = arith.constant 44 : i32
      %add3A_1658 = vector.broadcast %add3A_1657 : i32 to vector<16xi32>
      %add3A_1659 = arith.addi %shift_right_arithmetic3A_9, %add3A_1658 : vector<16xi32>
      %get3A_1660 = arith.constant 176 : index
      %get3A_1661 = tpu.vector_load %arg12[%get3A_1660] {strides = array<i32>} : memref<256xi32, #tpu.memory_space<vmem>>, vector<16xi32>,
      %gather3A_1662 = tpu.vector_load_idx %arg6[%get3A_1661] : memref<10000xi32, #tpu.memory_space<vmem>>[vector<16xi32>], vector<16xi32>,
      tpu.vector_store_idx %arg16[%add3A_1659, %gather3A_1662], %broadcast_in_dim3A_10 {add = true} : memref<64x64xf32, #tpu.memory_space<vmem>>[vector<16xi32>, vector<16xi32>], vector<16xf32>,
      %get3A_1663 = arith.constant 176 : index
      %get3A_1664 = tpu.vector_load %arg13[%get3A_1663] {strides = array<i32>} : memref<256xi32, #tpu.memory_space<vmem>>, vector<16xi32>,
      %gather3A_1665 = tpu.vector_load_idx %arg6[%get3A_1664] : memref<10000xi32, #tpu.memory_space<vmem>>[vector<16xi32>], vector<16xi32>,
      tpu.vector_store_idx %arg16[%add3A_1659, %gather3A_1665], %broadcast_in_dim3A_10 {add = true} : memref<64x64xf32, #tpu.memory_space<vmem>>[vector<16xi32>, vector<16xi32>], vector<16xf32>,
      %add3A_1666 = arith.constant 48 : i32
      %add3A_1667 = vector.broadcast %add3A_1666 : i32 to vector<16xi32>
      %add3A_1668 = arith.addi %shift_right_arithmetic3A_9, %add3A_1667 : vector<16xi32>
      %get3A_1669 = arith.constant 192 : index
      %get3A_1670 = tpu.vector_load %arg12[%get3A_1669] {strides = array<i32>} : memref<256xi32, #tpu.memory_space<vmem>>, vector<16xi32>,
      %gather3A_1671 = tpu.vector_load_idx %arg6[%get3A_1670] : memref<10000xi32, #tpu.memory_space<vmem>>[vector<16xi32>], vector<16xi32>,
      tpu.vector_store_idx %arg16[%add3A_1668, %gather3A_1671], %broadcast_in_dim3A_10 {add = true} : memref<64x64xf32, #tpu.memory_space<vmem>>[vector<16xi32>, vector<16xi32>], vector<16xf32>,
      %get3A_1672 = arith.constant 192 : index
      %get3A_1673 = tpu.vector_load %arg13[%get3A_1672] {strides = array<i32>} : memref<256xi32, #tpu.memory_space<vmem>>, vector<16xi32>,
      %gather3A_1674 = tpu.vector_load_idx %arg6[%get3A_1673] : memref<10000xi32, #tpu.memory_space<vmem>>[vector<16xi32>], vector<16xi32>,
      tpu.vector_store_idx %arg16[%add3A_1668, %gather3A_1674], %broadcast_in_dim3A_10 {add = true} : memref<64x64xf32, #tpu.memory_space<vmem>>[vector<16xi32>, vector<16xi32>], vector<16xf32>,
      %add3A_1675 = arith.constant 52 : i32
      %add3A_1676 = vector.broadcast %add3A_1675 : i32 to vector<16xi32>
      %add3A_1677 = arith.addi %shift_right_arithmetic3A_9, %add3A_1676 : vector<16xi32>
      %get3A_1678 = arith.constant 208 : index
      %get3A_1679 = tpu.vector_load %arg12[%get3A_1678] {strides = array<i32>} : memref<256xi32, #tpu.memory_space<vmem>>, vector<16xi32>,
      %gather3A_1680 = tpu.vector_load_idx %arg6[%get3A_1679] : memref<10000xi32, #tpu.memory_space<vmem>>[vector<16xi32>], vector<16xi32>,
      tpu.vector_store_idx %arg16[%add3A_1677, %gather3A_1680], %broadcast_in_dim3A_10 {add = true} : memref<64x64xf32, #tpu.memory_space<vmem>>[vector<16xi32>, vector<16xi32>], vector<16xf32>,
      %get3A_1681 = arith.constant 208 : index
      %get3A_1682 = tpu.vector_load %arg13[%get3A_1681] {strides = array<i32>} : memref<256xi32, #tpu.memory_space<vmem>>, vector<16xi32>,
      %gather3A_1683 = tpu.vector_load_idx %arg6[%get3A_1682] : memref<10000xi32, #tpu.memory_space<vmem>>[vector<16xi32>], vector<16xi32>,
      tpu.vector_store_idx %arg16[%add3A_1677, %gather3A_1683], %broadcast_in_dim3A_10 {add = true} : memref<64x64xf32, #tpu.memory_space<vmem>>[vector<16xi32>, vector<16xi32>], vector<16xf32>,
      %add3A_1684 = arith.constant 56 : i32
      %add3A_1685 = vector.broadcast %add3A_1684 : i32 to vector<16xi32>
      %add3A_1686 = arith.addi %shift_right_arithmetic3A_9, %add3A_1685 : vector<16xi32>
      %get3A_1687 = arith.constant 224 : index
      %get3A_1688 = tpu.vector_load %arg12[%get3A_1687] {strides = array<i32>} : memref<256xi32, #tpu.memory_space<vmem>>, vector<16xi32>,
      %gather3A_1689 = tpu.vector_load_idx %arg6[%get3A_1688] : memref<10000xi32, #tpu.memory_space<vmem>>[vector<16xi32>], vector<16xi32>,
      tpu.vector_store_idx %arg16[%add3A_1686, %gather3A_1689], %broadcast_in_dim3A_10 {add = true} : memref<64x64xf32, #tpu.memory_space<vmem>>[vector<16xi32>, vector<16xi32>], vector<16xf32>,
      %get3A_1690 = arith.constant 224 : index
      %get3A_1691 = tpu.vector_load %arg13[%get3A_1690] {strides = array<i32>} : memref<256xi32, #tpu.memory_space<vmem>>, vector<16xi32>,
      %gather3A_1692 = tpu.vector_load_idx %arg6[%get3A_1691] : memref<10000xi32, #tpu.memory_space<vmem>>[vector<16xi32>], vector<16xi32>,
      tpu.vector_store_idx %arg16[%add3A_1686, %gather3A_1692], %broadcast_in_dim3A_10 {add = true} : memref<64x64xf32, #tpu.memory_space<vmem>>[vector<16xi32>, vector<16xi32>], vector<16xf32>,
      %add3A_1693 = arith.constant 60 : i32
      %add3A_1694 = vector.broadcast %add3A_1693 : i32 to vector<16xi32>
      %add3A_1695 = arith.addi %shift_right_arithmetic3A_9, %add3A_1694 : vector<16xi32>
      %get3A_1696 = arith.constant 240 : index
      %get3A_1697 = tpu.vector_load %arg12[%get3A_1696] {strides = array<i32>} : memref<256xi32, #tpu.memory_space<vmem>>, vector<16xi32>,
      %gather3A_1698 = tpu.vector_load_idx %arg6[%get3A_1697] : memref<10000xi32, #tpu.memory_space<vmem>>[vector<16xi32>], vector<16xi32>,
      tpu.vector_store_idx %arg16[%add3A_1695, %gather3A_1698], %broadcast_in_dim3A_10 {add = true} : memref<64x64xf32, #tpu.memory_space<vmem>>[vector<16xi32>, vector<16xi32>], vector<16xf32>,
      %get3A_1699 = arith.constant 240 : index
      %get3A_1700 = tpu.vector_load %arg13[%get3A_1699] {strides = array<i32>} : memref<256xi32, #tpu.memory_space<vmem>>, vector<16xi32>,
      %gather3A_1701 = tpu.vector_load_idx %arg6[%get3A_1700] : memref<10000xi32, #tpu.memory_space<vmem>>[vector<16xi32>], vector<16xi32>,
      tpu.vector_store_idx %arg16[%add3A_1695, %gather3A_1701], %broadcast_in_dim3A_10 {add = true} : memref<64x64xf32, #tpu.memory_space<vmem>>[vector<16xi32>, vector<16xi32>], vector<16xf32>,
      %ge3A = arith.constant 2 : i32
      %ge3A_1702 = arith.cmpi sge, %add3A_526, %ge3A : i32
      %convert_element_type3A = arith.extui %ge3A_1702 : i1 to i32
      %cond3A = arith.constant 0 : i32
      %cond3A_1703 = arith.cmpi ne, %convert_element_type3A, %cond3A : i32
      scf.if %cond3A_1703 {
        %dma_wait3A_2914 = arith.constant 0 : i32
        %dma_wait3A_2915 = arith.constant 0 : i32
        %dma_wait3A_2916 = tpu.memref_slice %arg5[%dma_wait3A_2914, %dma_wait3A_2915] : memref<100000x64xf32, #tpu.memory_space<hbm>> -> memref<64x64xf32, #tpu.memory_space<hbm>>
        %dma_wait3A_2917 = arith.constant 0 : i32
        %dma_wait3A_2918 = arith.constant 0 : i32
        %dma_wait3A_2919 = tpu.memref_slice %arg5[%dma_wait3A_2917, %dma_wait3A_2918] : memref<100000x64xf32, #tpu.memory_space<hbm>> -> memref<64x64xf32, #tpu.memory_space<hbm>>
        tpu.wait_dma2 semaphore(%arg20 : memref<!tpu.dma_semaphore, #tpu.memory_space<semaphore_mem>>) src(%arg16 : memref<64x64xf32, #tpu.memory_space<vmem>>) dst(%dma_wait3A_2919 : memref<64x64xf32, #tpu.memory_space<hbm>>)
      } else {
      }
      %mul3A_1704 = arith.constant 64 : i32
      %mul3A_1705 = arith.muli %add3A_526, %mul3A_1704 : i32
      %add3A_1706 = arith.addi %min3A_3, %mul3A_1705 : i32
      %dma_start3A_1707 = arith.constant 0 : i32
      %dma_start3A_1708 = tpu.memref_slice %arg5[%add3A_1706, %dma_start3A_1707] : memref<100000x64xf32, #tpu.memory_space<hbm>> -> memref<64x64xf32, #tpu.memory_space<hbm>>
      %dma_start3A_1709 = arith.constant 0 : i32
      %dma_start3A_1710 = tpu.memref_slice %arg5[%add3A_1706, %dma_start3A_1709] : memref<100000x64xf32, #tpu.memory_space<hbm>> -> memref<64x64xf32, #tpu.memory_space<hbm>>
      tpu.enqueue_dma source(%arg16 : memref<64x64xf32, #tpu.memory_space<vmem>>) target(%dma_start3A_1710 : memref<64x64xf32, #tpu.memory_space<hbm>>) target_semaphore(%arg20 : memref<!tpu.dma_semaphore, #tpu.memory_space<semaphore_mem>>)
      %add3A_1711 = arith.constant 2 : i32
      %add3A_1712 = arith.addi %add3A_526, %add3A_1711 : i32
      %lt3A = arith.constant 50 : i32
      %lt3A_1713 = arith.cmpi slt, %add3A_1712, %lt3A : i32
      %convert_element_type3A_1714 = arith.extui %lt3A_1713 : i1 to i32
      %cond3A_1715 = arith.constant 0 : i32
      %cond3A_1716 = arith.cmpi ne, %convert_element_type3A_1714, %cond3A_1715 : i32
      scf.if %cond3A_1716 {
        %add3A_2914 = arith.constant 2 : i32
        %add3A_2915 = arith.addi %add3A_526, %add3A_2914 : i32
        %mul3A_2916 = arith.constant 16 : i32
        %mul3A_2917 = arith.muli %add3A_2915, %mul3A_2916 : i32
        %add3A_2918 = arith.constant 0 : i32
        %add3A_2919 = arith.addi %mul3A_2917, %add3A_2918 : i32
        %get3A_2920 = arith.index_cast %add3A_2919 : i32 to index
        %get3A_2921 = arith.constant 0 : index
        %get3A_2922 = tpu.vector_load %arg7[%get3A_2920, %get3A_2921] {strides = array<i32>} : memref<800x16xi32, #tpu.memory_space<vmem>>, vector<16xi32>,
        %mul3A_2923 = arith.constant 2 : i32
        %mul3A_2924 = vector.broadcast %mul3A_2923 : i32 to vector<16xi32>
        %mul3A_2925 = arith.muli %get3A_2922, %mul3A_2924 : vector<16xi32>
        %swap3A_2926 = arith.constant 0 : index
        %swap3A_2927 = tpu.vector_load %arg8[%swap3A_2926] {strides = array<i32>} : memref<256xi32, #tpu.memory_space<vmem>>, vector<16xi32>,
        tpu.vector_store %arg8[%swap3A_2926], %mul3A_2925 {strides = array<i32>} : memref<256xi32, #tpu.memory_space<vmem>>, vector<16xi32>,
        %add3A_2928 = arith.constant 1 : i32
        %add3A_2929 = vector.broadcast %add3A_2928 : i32 to vector<16xi32>
        %add3A_2930 = arith.addi %mul3A_2925, %add3A_2929 : vector<16xi32>
        %swap3A_2931 = arith.constant 0 : index
        %swap3A_2932 = tpu.vector_load %arg10[%swap3A_2931] {strides = array<i32>} : memref<256xi32, #tpu.memory_space<vmem>>, vector<16xi32>,
        tpu.vector_store %arg10[%swap3A_2931], %add3A_2930 {strides = array<i32>} : memref<256xi32, #tpu.memory_space<vmem>>, vector<16xi32>,
        %mul3A_2933 = arith.constant 16 : i32
        %mul3A_2934 = arith.muli %add3A_2915, %mul3A_2933 : i32
        %add3A_2935 = arith.constant 1 : i32
        %add3A_2936 = arith.addi %mul3A_2934, %add3A_2935 : i32
        %get3A_2937 = arith.index_cast %add3A_2936 : i32 to index
        %get3A_2938 = arith.constant 0 : index
        %get3A_2939 = tpu.vector_load %arg7[%get3A_2937, %get3A_2938] {strides = array<i32>} : memref<800x16xi32, #tpu.memory_space<vmem>>, vector<16xi32>,
        %mul3A_2940 = arith.constant 2 : i32
        %mul3A_2941 = vector.broadcast %mul3A_2940 : i32 to vector<16xi32>
        %mul3A_2942 = arith.muli %get3A_2939, %mul3A_2941 : vector<16xi32>
        %swap3A_2943 = arith.constant 16 : index
        %swap3A_2944 = tpu.vector_load %arg8[%swap3A_2943] {strides = array<i32>} : memref<256xi32, #tpu.memory_space<vmem>>, vector<16xi32>,
        tpu.vector_store %arg8[%swap3A_2943], %mul3A_2942 {strides = array<i32>} : memref<256xi32, #tpu.memory_space<vmem>>, vector<16xi32>,
        %add3A_2945 = arith.constant 1 : i32
        %add3A_2946 = vector.broadcast %add3A_2945 : i32 to vector<16xi32>
        %add3A_2947 = arith.addi %mul3A_2942, %add3A_2946 : vector<16xi32>
        %swap3A_2948 = arith.constant 16 : index
        %swap3A_2949 = tpu.vector_load %arg10[%swap3A_2948] {strides = array<i32>} : memref<256xi32, #tpu.memory_space<vmem>>, vector<16xi32>,
        tpu.vector_store %arg10[%swap3A_2948], %add3A_2947 {strides = array<i32>} : memref<256xi32, #tpu.memory_space<vmem>>, vector<16xi32>,
        %mul3A_2950 = arith.constant 16 : i32
        %mul3A_2951 = arith.muli %add3A_2915, %mul3A_2950 : i32
        %add3A_2952 = arith.constant 2 : i32
        %add3A_2953 = arith.addi %mul3A_2951, %add3A_2952 : i32
        %get3A_2954 = arith.index_cast %add3A_2953 : i32 to index
        %get3A_2955 = arith.constant 0 : index
        %get3A_2956 = tpu.vector_load %arg7[%get3A_2954, %get3A_2955] {strides = array<i32>} : memref<800x16xi32, #tpu.memory_space<vmem>>, vector<16xi32>,
        %mul3A_2957 = arith.constant 2 : i32
        %mul3A_2958 = vector.broadcast %mul3A_2957 : i32 to vector<16xi32>
        %mul3A_2959 = arith.muli %get3A_2956, %mul3A_2958 : vector<16xi32>
        %swap3A_2960 = arith.constant 32 : index
        %swap3A_2961 = tpu.vector_load %arg8[%swap3A_2960] {strides = array<i32>} : memref<256xi32, #tpu.memory_space<vmem>>, vector<16xi32>,
        tpu.vector_store %arg8[%swap3A_2960], %mul3A_2959 {strides = array<i32>} : memref<256xi32, #tpu.memory_space<vmem>>, vector<16xi32>,
        %add3A_2962 = arith.constant 1 : i32
        %add3A_2963 = vector.broadcast %add3A_2962 : i32 to vector<16xi32>
        %add3A_2964 = arith.addi %mul3A_2959, %add3A_2963 : vector<16xi32>
        %swap3A_2965 = arith.constant 32 : index
        %swap3A_2966 = tpu.vector_load %arg10[%swap3A_2965] {strides = array<i32>} : memref<256xi32, #tpu.memory_space<vmem>>, vector<16xi32>,
        tpu.vector_store %arg10[%swap3A_2965], %add3A_2964 {strides = array<i32>} : memref<256xi32, #tpu.memory_space<vmem>>, vector<16xi32>,
        %mul3A_2967 = arith.constant 16 : i32
        %mul3A_2968 = arith.muli %add3A_2915, %mul3A_2967 : i32
        %add3A_2969 = arith.constant 3 : i32
        %add3A_2970 = arith.addi %mul3A_2968, %add3A_2969 : i32
        %get3A_2971 = arith.index_cast %add3A_2970 : i32 to index
        %get3A_2972 = arith.constant 0 : index
        %get3A_2973 = tpu.vector_load %arg7[%get3A_2971, %get3A_2972] {strides = array<i32>} : memref<800x16xi32, #tpu.memory_space<vmem>>, vector<16xi32>,
        %mul3A_2974 = arith.constant 2 : i32
        %mul3A_2975 = vector.broadcast %mul3A_2974 : i32 to vector<16xi32>
        %mul3A_2976 = arith.muli %get3A_2973, %mul3A_2975 : vector<16xi32>
        %swap3A_2977 = arith.constant 48 : index
        %swap3A_2978 = tpu.vector_load %arg8[%swap3A_2977] {strides = array<i32>} : memref<256xi32, #tpu.memory_space<vmem>>, vector<16xi32>,
        tpu.vector_store %arg8[%swap3A_2977], %mul3A_2976 {strides = array<i32>} : memref<256xi32, #tpu.memory_space<vmem>>, vector<16xi32>,
        %add3A_2979 = arith.constant 1 : i32
        %add3A_2980 = vector.broadcast %add3A_2979 : i32 to vector<16xi32>
        %add3A_2981 = arith.addi %mul3A_2976, %add3A_2980 : vector<16xi32>
        %swap3A_2982 = arith.constant 48 : index
        %swap3A_2983 = tpu.vector_load %arg10[%swap3A_2982] {strides = array<i32>} : memref<256xi32, #tpu.memory_space<vmem>>, vector<16xi32>,
        tpu.vector_store %arg10[%swap3A_2982], %add3A_2981 {strides = array<i32>} : memref<256xi32, #tpu.memory_space<vmem>>, vector<16xi32>,
        %mul3A_2984 = arith.constant 16 : i32
        %mul3A_2985 = arith.muli %add3A_2915, %mul3A_2984 : i32
        %add3A_2986 = arith.constant 4 : i32
        %add3A_2987 = arith.addi %mul3A_2985, %add3A_2986 : i32
        %get3A_2988 = arith.index_cast %add3A_2987 : i32 to index
        %get3A_2989 = arith.constant 0 : index
        %get3A_2990 = tpu.vector_load %arg7[%get3A_2988, %get3A_2989] {strides = array<i32>} : memref<800x16xi32, #tpu.memory_space<vmem>>, vector<16xi32>,
        %mul3A_2991 = arith.constant 2 : i32
        %mul3A_2992 = vector.broadcast %mul3A_2991 : i32 to vector<16xi32>
        %mul3A_2993 = arith.muli %get3A_2990, %mul3A_2992 : vector<16xi32>
        %swap3A_2994 = arith.constant 64 : index
        %swap3A_2995 = tpu.vector_load %arg8[%swap3A_2994] {strides = array<i32>} : memref<256xi32, #tpu.memory_space<vmem>>, vector<16xi32>,
        tpu.vector_store %arg8[%swap3A_2994], %mul3A_2993 {strides = array<i32>} : memref<256xi32, #tpu.memory_space<vmem>>, vector<16xi32>,
        %add3A_2996 = arith.constant 1 : i32
        %add3A_2997 = vector.broadcast %add3A_2996 : i32 to vector<16xi32>
        %add3A_2998 = arith.addi %mul3A_2993, %add3A_2997 : vector<16xi32>
        %swap3A_2999 = arith.constant 64 : index
        %swap3A_3000 = tpu.vector_load %arg10[%swap3A_2999] {strides = array<i32>} : memref<256xi32, #tpu.memory_space<vmem>>, vector<16xi32>,
        tpu.vector_store %arg10[%swap3A_2999], %add3A_2998 {strides = array<i32>} : memref<256xi32, #tpu.memory_space<vmem>>, vector<16xi32>,
        %mul3A_3001 = arith.constant 16 : i32
        %mul3A_3002 = arith.muli %add3A_2915, %mul3A_3001 : i32
        %add3A_3003 = arith.constant 5 : i32
        %add3A_3004 = arith.addi %mul3A_3002, %add3A_3003 : i32
        %get3A_3005 = arith.index_cast %add3A_3004 : i32 to index
        %get3A_3006 = arith.constant 0 : index
        %get3A_3007 = tpu.vector_load %arg7[%get3A_3005, %get3A_3006] {strides = array<i32>} : memref<800x16xi32, #tpu.memory_space<vmem>>, vector<16xi32>,
        %mul3A_3008 = arith.constant 2 : i32
        %mul3A_3009 = vector.broadcast %mul3A_3008 : i32 to vector<16xi32>
        %mul3A_3010 = arith.muli %get3A_3007, %mul3A_3009 : vector<16xi32>
        %swap3A_3011 = arith.constant 80 : index
        %swap3A_3012 = tpu.vector_load %arg8[%swap3A_3011] {strides = array<i32>} : memref<256xi32, #tpu.memory_space<vmem>>, vector<16xi32>,
        tpu.vector_store %arg8[%swap3A_3011], %mul3A_3010 {strides = array<i32>} : memref<256xi32, #tpu.memory_space<vmem>>, vector<16xi32>,
        %add3A_3013 = arith.constant 1 : i32
        %add3A_3014 = vector.broadcast %add3A_3013 : i32 to vector<16xi32>
        %add3A_3015 = arith.addi %mul3A_3010, %add3A_3014 : vector<16xi32>
        %swap3A_3016 = arith.constant 80 : index
        %swap3A_3017 = tpu.vector_load %arg10[%swap3A_3016] {strides = array<i32>} : memref<256xi32, #tpu.memory_space<vmem>>, vector<16xi32>,
        tpu.vector_store %arg10[%swap3A_3016], %add3A_3015 {strides = array<i32>} : memref<256xi32, #tpu.memory_space<vmem>>, vector<16xi32>,
        %mul3A_3018 = arith.constant 16 : i32
        %mul3A_3019 = arith.muli %add3A_2915, %mul3A_3018 : i32
        %add3A_3020 = arith.constant 6 : i32
        %add3A_3021 = arith.addi %mul3A_3019, %add3A_3020 : i32
        %get3A_3022 = arith.index_cast %add3A_3021 : i32 to index
        %get3A_3023 = arith.constant 0 : index
        %get3A_3024 = tpu.vector_load %arg7[%get3A_3022, %get3A_3023] {strides = array<i32>} : memref<800x16xi32, #tpu.memory_space<vmem>>, vector<16xi32>,
        %mul3A_3025 = arith.constant 2 : i32
        %mul3A_3026 = vector.broadcast %mul3A_3025 : i32 to vector<16xi32>
        %mul3A_3027 = arith.muli %get3A_3024, %mul3A_3026 : vector<16xi32>
        %swap3A_3028 = arith.constant 96 : index
        %swap3A_3029 = tpu.vector_load %arg8[%swap3A_3028] {strides = array<i32>} : memref<256xi32, #tpu.memory_space<vmem>>, vector<16xi32>,
        tpu.vector_store %arg8[%swap3A_3028], %mul3A_3027 {strides = array<i32>} : memref<256xi32, #tpu.memory_space<vmem>>, vector<16xi32>,
        %add3A_3030 = arith.constant 1 : i32
        %add3A_3031 = vector.broadcast %add3A_3030 : i32 to vector<16xi32>
        %add3A_3032 = arith.addi %mul3A_3027, %add3A_3031 : vector<16xi32>
        %swap3A_3033 = arith.constant 96 : index
        %swap3A_3034 = tpu.vector_load %arg10[%swap3A_3033] {strides = array<i32>} : memref<256xi32, #tpu.memory_space<vmem>>, vector<16xi32>,
        tpu.vector_store %arg10[%swap3A_3033], %add3A_3032 {strides = array<i32>} : memref<256xi32, #tpu.memory_space<vmem>>, vector<16xi32>,
        %mul3A_3035 = arith.constant 16 : i32
        %mul3A_3036 = arith.muli %add3A_2915, %mul3A_3035 : i32
        %add3A_3037 = arith.constant 7 : i32
        %add3A_3038 = arith.addi %mul3A_3036, %add3A_3037 : i32
        %get3A_3039 = arith.index_cast %add3A_3038 : i32 to index
        %get3A_3040 = arith.constant 0 : index
        %get3A_3041 = tpu.vector_load %arg7[%get3A_3039, %get3A_3040] {strides = array<i32>} : memref<800x16xi32, #tpu.memory_space<vmem>>, vector<16xi32>,
        %mul3A_3042 = arith.constant 2 : i32
        %mul3A_3043 = vector.broadcast %mul3A_3042 : i32 to vector<16xi32>
        %mul3A_3044 = arith.muli %get3A_3041, %mul3A_3043 : vector<16xi32>
        %swap3A_3045 = arith.constant 112 : index
        %swap3A_3046 = tpu.vector_load %arg8[%swap3A_3045] {strides = array<i32>} : memref<256xi32, #tpu.memory_space<vmem>>, vector<16xi32>,
        tpu.vector_store %arg8[%swap3A_3045], %mul3A_3044 {strides = array<i32>} : memref<256xi32, #tpu.memory_space<vmem>>, vector<16xi32>,
        %add3A_3047 = arith.constant 1 : i32
        %add3A_3048 = vector.broadcast %add3A_3047 : i32 to vector<16xi32>
        %add3A_3049 = arith.addi %mul3A_3044, %add3A_3048 : vector<16xi32>
        %swap3A_3050 = arith.constant 112 : index
        %swap3A_3051 = tpu.vector_load %arg10[%swap3A_3050] {strides = array<i32>} : memref<256xi32, #tpu.memory_space<vmem>>, vector<16xi32>,
        tpu.vector_store %arg10[%swap3A_3050], %add3A_3049 {strides = array<i32>} : memref<256xi32, #tpu.memory_space<vmem>>, vector<16xi32>,
        %mul3A_3052 = arith.constant 16 : i32
        %mul3A_3053 = arith.muli %add3A_2915, %mul3A_3052 : i32
        %add3A_3054 = arith.constant 8 : i32
        %add3A_3055 = arith.addi %mul3A_3053, %add3A_3054 : i32
        %get3A_3056 = arith.index_cast %add3A_3055 : i32 to index
        %get3A_3057 = arith.constant 0 : index
        %get3A_3058 = tpu.vector_load %arg7[%get3A_3056, %get3A_3057] {strides = array<i32>} : memref<800x16xi32, #tpu.memory_space<vmem>>, vector<16xi32>,
        %mul3A_3059 = arith.constant 2 : i32
        %mul3A_3060 = vector.broadcast %mul3A_3059 : i32 to vector<16xi32>
        %mul3A_3061 = arith.muli %get3A_3058, %mul3A_3060 : vector<16xi32>
        %swap3A_3062 = arith.constant 128 : index
        %swap3A_3063 = tpu.vector_load %arg8[%swap3A_3062] {strides = array<i32>} : memref<256xi32, #tpu.memory_space<vmem>>, vector<16xi32>,
        tpu.vector_store %arg8[%swap3A_3062], %mul3A_3061 {strides = array<i32>} : memref<256xi32, #tpu.memory_space<vmem>>, vector<16xi32>,
        %add3A_3064 = arith.constant 1 : i32
        %add3A_3065 = vector.broadcast %add3A_3064 : i32 to vector<16xi32>
        %add3A_3066 = arith.addi %mul3A_3061, %add3A_3065 : vector<16xi32>
        %swap3A_3067 = arith.constant 128 : index
        %swap3A_3068 = tpu.vector_load %arg10[%swap3A_3067] {strides = array<i32>} : memref<256xi32, #tpu.memory_space<vmem>>, vector<16xi32>,
        tpu.vector_store %arg10[%swap3A_3067], %add3A_3066 {strides = array<i32>} : memref<256xi32, #tpu.memory_space<vmem>>, vector<16xi32>,
        %mul3A_3069 = arith.constant 16 : i32
        %mul3A_3070 = arith.muli %add3A_2915, %mul3A_3069 : i32
        %add3A_3071 = arith.constant 9 : i32
        %add3A_3072 = arith.addi %mul3A_3070, %add3A_3071 : i32
        %get3A_3073 = arith.index_cast %add3A_3072 : i32 to index
        %get3A_3074 = arith.constant 0 : index
        %get3A_3075 = tpu.vector_load %arg7[%get3A_3073, %get3A_3074] {strides = array<i32>} : memref<800x16xi32, #tpu.memory_space<vmem>>, vector<16xi32>,
        %mul3A_3076 = arith.constant 2 : i32
        %mul3A_3077 = vector.broadcast %mul3A_3076 : i32 to vector<16xi32>
        %mul3A_3078 = arith.muli %get3A_3075, %mul3A_3077 : vector<16xi32>
        %swap3A_3079 = arith.constant 144 : index
        %swap3A_3080 = tpu.vector_load %arg8[%swap3A_3079] {strides = array<i32>} : memref<256xi32, #tpu.memory_space<vmem>>, vector<16xi32>,
        tpu.vector_store %arg8[%swap3A_3079], %mul3A_3078 {strides = array<i32>} : memref<256xi32, #tpu.memory_space<vmem>>, vector<16xi32>,
        %add3A_3081 = arith.constant 1 : i32
        %add3A_3082 = vector.broadcast %add3A_3081 : i32 to vector<16xi32>
        %add3A_3083 = arith.addi %mul3A_3078, %add3A_3082 : vector<16xi32>
        %swap3A_3084 = arith.constant 144 : index
        %swap3A_3085 = tpu.vector_load %arg10[%swap3A_3084] {strides = array<i32>} : memref<256xi32, #tpu.memory_space<vmem>>, vector<16xi32>,
        tpu.vector_store %arg10[%swap3A_3084], %add3A_3083 {strides = array<i32>} : memref<256xi32, #tpu.memory_space<vmem>>, vector<16xi32>,
        %mul3A_3086 = arith.constant 16 : i32
        %mul3A_3087 = arith.muli %add3A_2915, %mul3A_3086 : i32
        %add3A_3088 = arith.constant 10 : i32
        %add3A_3089 = arith.addi %mul3A_3087, %add3A_3088 : i32
        %get3A_3090 = arith.index_cast %add3A_3089 : i32 to index
        %get3A_3091 = arith.constant 0 : index
        %get3A_3092 = tpu.vector_load %arg7[%get3A_3090, %get3A_3091] {strides = array<i32>} : memref<800x16xi32, #tpu.memory_space<vmem>>, vector<16xi32>,
        %mul3A_3093 = arith.constant 2 : i32
        %mul3A_3094 = vector.broadcast %mul3A_3093 : i32 to vector<16xi32>
        %mul3A_3095 = arith.muli %get3A_3092, %mul3A_3094 : vector<16xi32>
        %swap3A_3096 = arith.constant 160 : index
        %swap3A_3097 = tpu.vector_load %arg8[%swap3A_3096] {strides = array<i32>} : memref<256xi32, #tpu.memory_space<vmem>>, vector<16xi32>,
        tpu.vector_store %arg8[%swap3A_3096], %mul3A_3095 {strides = array<i32>} : memref<256xi32, #tpu.memory_space<vmem>>, vector<16xi32>,
        %add3A_3098 = arith.constant 1 : i32
        %add3A_3099 = vector.broadcast %add3A_3098 : i32 to vector<16xi32>
        %add3A_3100 = arith.addi %mul3A_3095, %add3A_3099 : vector<16xi32>
        %swap3A_3101 = arith.constant 160 : index
        %swap3A_3102 = tpu.vector_load %arg10[%swap3A_3101] {strides = array<i32>} : memref<256xi32, #tpu.memory_space<vmem>>, vector<16xi32>,
        tpu.vector_store %arg10[%swap3A_3101], %add3A_3100 {strides = array<i32>} : memref<256xi32, #tpu.memory_space<vmem>>, vector<16xi32>,
        %mul3A_3103 = arith.constant 16 : i32
        %mul3A_3104 = arith.muli %add3A_2915, %mul3A_3103 : i32
        %add3A_3105 = arith.constant 11 : i32
        %add3A_3106 = arith.addi %mul3A_3104, %add3A_3105 : i32
        %get3A_3107 = arith.index_cast %add3A_3106 : i32 to index
        %get3A_3108 = arith.constant 0 : index
        %get3A_3109 = tpu.vector_load %arg7[%get3A_3107, %get3A_3108] {strides = array<i32>} : memref<800x16xi32, #tpu.memory_space<vmem>>, vector<16xi32>,
        %mul3A_3110 = arith.constant 2 : i32
        %mul3A_3111 = vector.broadcast %mul3A_3110 : i32 to vector<16xi32>
        %mul3A_3112 = arith.muli %get3A_3109, %mul3A_3111 : vector<16xi32>
        %swap3A_3113 = arith.constant 176 : index
        %swap3A_3114 = tpu.vector_load %arg8[%swap3A_3113] {strides = array<i32>} : memref<256xi32, #tpu.memory_space<vmem>>, vector<16xi32>,
        tpu.vector_store %arg8[%swap3A_3113], %mul3A_3112 {strides = array<i32>} : memref<256xi32, #tpu.memory_space<vmem>>, vector<16xi32>,
        %add3A_3115 = arith.constant 1 : i32
        %add3A_3116 = vector.broadcast %add3A_3115 : i32 to vector<16xi32>
        %add3A_3117 = arith.addi %mul3A_3112, %add3A_3116 : vector<16xi32>
        %swap3A_3118 = arith.constant 176 : index
        %swap3A_3119 = tpu.vector_load %arg10[%swap3A_3118] {strides = array<i32>} : memref<256xi32, #tpu.memory_space<vmem>>, vector<16xi32>,
        tpu.vector_store %arg10[%swap3A_3118], %add3A_3117 {strides = array<i32>} : memref<256xi32, #tpu.memory_space<vmem>>, vector<16xi32>,
        %mul3A_3120 = arith.constant 16 : i32
        %mul3A_3121 = arith.muli %add3A_2915, %mul3A_3120 : i32
        %add3A_3122 = arith.constant 12 : i32
        %add3A_3123 = arith.addi %mul3A_3121, %add3A_3122 : i32
        %get3A_3124 = arith.index_cast %add3A_3123 : i32 to index
        %get3A_3125 = arith.constant 0 : index
        %get3A_3126 = tpu.vector_load %arg7[%get3A_3124, %get3A_3125] {strides = array<i32>} : memref<800x16xi32, #tpu.memory_space<vmem>>, vector<16xi32>,
        %mul3A_3127 = arith.constant 2 : i32
        %mul3A_3128 = vector.broadcast %mul3A_3127 : i32 to vector<16xi32>
        %mul3A_3129 = arith.muli %get3A_3126, %mul3A_3128 : vector<16xi32>
        %swap3A_3130 = arith.constant 192 : index
        %swap3A_3131 = tpu.vector_load %arg8[%swap3A_3130] {strides = array<i32>} : memref<256xi32, #tpu.memory_space<vmem>>, vector<16xi32>,
        tpu.vector_store %arg8[%swap3A_3130], %mul3A_3129 {strides = array<i32>} : memref<256xi32, #tpu.memory_space<vmem>>, vector<16xi32>,
        %add3A_3132 = arith.constant 1 : i32
        %add3A_3133 = vector.broadcast %add3A_3132 : i32 to vector<16xi32>
        %add3A_3134 = arith.addi %mul3A_3129, %add3A_3133 : vector<16xi32>
        %swap3A_3135 = arith.constant 192 : index
        %swap3A_3136 = tpu.vector_load %arg10[%swap3A_3135] {strides = array<i32>} : memref<256xi32, #tpu.memory_space<vmem>>, vector<16xi32>,
        tpu.vector_store %arg10[%swap3A_3135], %add3A_3134 {strides = array<i32>} : memref<256xi32, #tpu.memory_space<vmem>>, vector<16xi32>,
        %mul3A_3137 = arith.constant 16 : i32
        %mul3A_3138 = arith.muli %add3A_2915, %mul3A_3137 : i32
        %add3A_3139 = arith.constant 13 : i32
        %add3A_3140 = arith.addi %mul3A_3138, %add3A_3139 : i32
        %get3A_3141 = arith.index_cast %add3A_3140 : i32 to index
        %get3A_3142 = arith.constant 0 : index
        %get3A_3143 = tpu.vector_load %arg7[%get3A_3141, %get3A_3142] {strides = array<i32>} : memref<800x16xi32, #tpu.memory_space<vmem>>, vector<16xi32>,
        %mul3A_3144 = arith.constant 2 : i32
        %mul3A_3145 = vector.broadcast %mul3A_3144 : i32 to vector<16xi32>
        %mul3A_3146 = arith.muli %get3A_3143, %mul3A_3145 : vector<16xi32>
        %swap3A_3147 = arith.constant 208 : index
        %swap3A_3148 = tpu.vector_load %arg8[%swap3A_3147] {strides = array<i32>} : memref<256xi32, #tpu.memory_space<vmem>>, vector<16xi32>,
        tpu.vector_store %arg8[%swap3A_3147], %mul3A_3146 {strides = array<i32>} : memref<256xi32, #tpu.memory_space<vmem>>, vector<16xi32>,
        %add3A_3149 = arith.constant 1 : i32
        %add3A_3150 = vector.broadcast %add3A_3149 : i32 to vector<16xi32>
        %add3A_3151 = arith.addi %mul3A_3146, %add3A_3150 : vector<16xi32>
        %swap3A_3152 = arith.constant 208 : index
        %swap3A_3153 = tpu.vector_load %arg10[%swap3A_3152] {strides = array<i32>} : memref<256xi32, #tpu.memory_space<vmem>>, vector<16xi32>,
        tpu.vector_store %arg10[%swap3A_3152], %add3A_3151 {strides = array<i32>} : memref<256xi32, #tpu.memory_space<vmem>>, vector<16xi32>,
        %mul3A_3154 = arith.constant 16 : i32
        %mul3A_3155 = arith.muli %add3A_2915, %mul3A_3154 : i32
        %add3A_3156 = arith.constant 14 : i32
        %add3A_3157 = arith.addi %mul3A_3155, %add3A_3156 : i32
        %get3A_3158 = arith.index_cast %add3A_3157 : i32 to index
        %get3A_3159 = arith.constant 0 : index
        %get3A_3160 = tpu.vector_load %arg7[%get3A_3158, %get3A_3159] {strides = array<i32>} : memref<800x16xi32, #tpu.memory_space<vmem>>, vector<16xi32>,
        %mul3A_3161 = arith.constant 2 : i32
        %mul3A_3162 = vector.broadcast %mul3A_3161 : i32 to vector<16xi32>
        %mul3A_3163 = arith.muli %get3A_3160, %mul3A_3162 : vector<16xi32>
        %swap3A_3164 = arith.constant 224 : index
        %swap3A_3165 = tpu.vector_load %arg8[%swap3A_3164] {strides = array<i32>} : memref<256xi32, #tpu.memory_space<vmem>>, vector<16xi32>,
        tpu.vector_store %arg8[%swap3A_3164], %mul3A_3163 {strides = array<i32>} : memref<256xi32, #tpu.memory_space<vmem>>, vector<16xi32>,
        %add3A_3166 = arith.constant 1 : i32
        %add3A_3167 = vector.broadcast %add3A_3166 : i32 to vector<16xi32>
        %add3A_3168 = arith.addi %mul3A_3163, %add3A_3167 : vector<16xi32>
        %swap3A_3169 = arith.constant 224 : index
        %swap3A_3170 = tpu.vector_load %arg10[%swap3A_3169] {strides = array<i32>} : memref<256xi32, #tpu.memory_space<vmem>>, vector<16xi32>,
        tpu.vector_store %arg10[%swap3A_3169], %add3A_3168 {strides = array<i32>} : memref<256xi32, #tpu.memory_space<vmem>>, vector<16xi32>,
        %mul3A_3171 = arith.constant 16 : i32
        %mul3A_3172 = arith.muli %add3A_2915, %mul3A_3171 : i32
        %add3A_3173 = arith.constant 15 : i32
        %add3A_3174 = arith.addi %mul3A_3172, %add3A_3173 : i32
        %get3A_3175 = arith.index_cast %add3A_3174 : i32 to index
        %get3A_3176 = arith.constant 0 : index
        %get3A_3177 = tpu.vector_load %arg7[%get3A_3175, %get3A_3176] {strides = array<i32>} : memref<800x16xi32, #tpu.memory_space<vmem>>, vector<16xi32>,
        %mul3A_3178 = arith.constant 2 : i32
        %mul3A_3179 = vector.broadcast %mul3A_3178 : i32 to vector<16xi32>
        %mul3A_3180 = arith.muli %get3A_3177, %mul3A_3179 : vector<16xi32>
        %swap3A_3181 = arith.constant 240 : index
        %swap3A_3182 = tpu.vector_load %arg8[%swap3A_3181] {strides = array<i32>} : memref<256xi32, #tpu.memory_space<vmem>>, vector<16xi32>,
        tpu.vector_store %arg8[%swap3A_3181], %mul3A_3180 {strides = array<i32>} : memref<256xi32, #tpu.memory_space<vmem>>, vector<16xi32>,
        %add3A_3183 = arith.constant 1 : i32
        %add3A_3184 = vector.broadcast %add3A_3183 : i32 to vector<16xi32>
        %add3A_3185 = arith.addi %mul3A_3180, %add3A_3184 : vector<16xi32>
        %swap3A_3186 = arith.constant 240 : index
        %swap3A_3187 = tpu.vector_load %arg10[%swap3A_3186] {strides = array<i32>} : memref<256xi32, #tpu.memory_space<vmem>>, vector<16xi32>,
        tpu.vector_store %arg10[%swap3A_3186], %add3A_3185 {strides = array<i32>} : memref<256xi32, #tpu.memory_space<vmem>>, vector<16xi32>,
        %dma_start3A_3188 = arith.constant 0 : i32
        %dma_start3A_3189 = tpu.memref_slice %arg12[%dma_start3A_3188] : memref<256xi32, #tpu.memory_space<vmem>> -> memref<128xi32, #tpu.memory_space<vmem>>
        %dma_start3A_3190 = arith.constant 0 : i32
        %dma_start3A_3191 = tpu.memref_slice %arg8[%dma_start3A_3190] : memref<256xi32, #tpu.memory_space<vmem>> -> memref<128xi32, #tpu.memory_space<vmem>>
        %dma_start3A_3192 = arith.constant 0 : i32
        %dma_start3A_3193 = tpu.memref_slice %arg3[%dma_start3A_3192] : memref<640000xi32, #tpu.memory_space<hbm>> -> memref<640000xi32, #tpu.memory_space<hbm>>
        tpu.enqueue_indirect_dma source(%dma_start3A_3193 : memref<640000xi32, #tpu.memory_space<hbm>>) target(%dma_start3A_3189 : memref<128xi32, #tpu.memory_space<vmem>>) offsets(%dma_start3A_3191 : memref<128xi32, #tpu.memory_space<vmem>>) semaphore(%arg18 : memref<!tpu.dma_semaphore, #tpu.memory_space<semaphore_mem>>)
        %dma_start3A_3194 = arith.constant 0 : i32
        %dma_start3A_3195 = tpu.memref_slice %arg13[%dma_start3A_3194] : memref<256xi32, #tpu.memory_space<vmem>> -> memref<128xi32, #tpu.memory_space<vmem>>
        %dma_start3A_3196 = arith.constant 0 : i32
        %dma_start3A_3197 = tpu.memref_slice %arg10[%dma_start3A_3196] : memref<256xi32, #tpu.memory_space<vmem>> -> memref<128xi32, #tpu.memory_space<vmem>>
        %dma_start3A_3198 = arith.constant 0 : i32
        %dma_start3A_3199 = tpu.memref_slice %arg3[%dma_start3A_3198] : memref<640000xi32, #tpu.memory_space<hbm>> -> memref<640000xi32, #tpu.memory_space<hbm>>
        tpu.enqueue_indirect_dma source(%dma_start3A_3199 : memref<640000xi32, #tpu.memory_space<hbm>>) target(%dma_start3A_3195 : memref<128xi32, #tpu.memory_space<vmem>>) offsets(%dma_start3A_3197 : memref<128xi32, #tpu.memory_space<vmem>>) semaphore(%arg18 : memref<!tpu.dma_semaphore, #tpu.memory_space<semaphore_mem>>)
        %dma_start3A_3200 = arith.constant 128 : i32
        %dma_start3A_3201 = tpu.memref_slice %arg12[%dma_start3A_3200] : memref<256xi32, #tpu.memory_space<vmem>> -> memref<128xi32, #tpu.memory_space<vmem>>
        %dma_start3A_3202 = arith.constant 128 : i32
        %dma_start3A_3203 = tpu.memref_slice %arg8[%dma_start3A_3202] : memref<256xi32, #tpu.memory_space<vmem>> -> memref<128xi32, #tpu.memory_space<vmem>>
        %dma_start3A_3204 = arith.constant 0 : i32
        %dma_start3A_3205 = tpu.memref_slice %arg3[%dma_start3A_3204] : memref<640000xi32, #tpu.memory_space<hbm>> -> memref<640000xi32, #tpu.memory_space<hbm>>
        tpu.enqueue_indirect_dma source(%dma_start3A_3205 : memref<640000xi32, #tpu.memory_space<hbm>>) target(%dma_start3A_3201 : memref<128xi32, #tpu.memory_space<vmem>>) offsets(%dma_start3A_3203 : memref<128xi32, #tpu.memory_space<vmem>>) semaphore(%arg18 : memref<!tpu.dma_semaphore, #tpu.memory_space<semaphore_mem>>)
        %dma_start3A_3206 = arith.constant 128 : i32
        %dma_start3A_3207 = tpu.memref_slice %arg13[%dma_start3A_3206] : memref<256xi32, #tpu.memory_space<vmem>> -> memref<128xi32, #tpu.memory_space<vmem>>
        %dma_start3A_3208 = arith.constant 128 : i32
        %dma_start3A_3209 = tpu.memref_slice %arg10[%dma_start3A_3208] : memref<256xi32, #tpu.memory_space<vmem>> -> memref<128xi32, #tpu.memory_space<vmem>>
        %dma_start3A_3210 = arith.constant 0 : i32
        %dma_start3A_3211 = tpu.memref_slice %arg3[%dma_start3A_3210] : memref<640000xi32, #tpu.memory_space<hbm>> -> memref<640000xi32, #tpu.memory_space<hbm>>
        tpu.enqueue_indirect_dma source(%dma_start3A_3211 : memref<640000xi32, #tpu.memory_space<hbm>>) target(%dma_start3A_3207 : memref<128xi32, #tpu.memory_space<vmem>>) offsets(%dma_start3A_3209 : memref<128xi32, #tpu.memory_space<vmem>>) semaphore(%arg18 : memref<!tpu.dma_semaphore, #tpu.memory_space<semaphore_mem>>)
      } else {
      }
      %add3A_1717 = arith.constant 1 : i32
      %add3A_1718 = arith.addi %mul3A_524, %add3A_1717 : i32
      %dma_wait3A_1719 = arith.constant 0 : i32
      %dma_wait3A_1720 = tpu.memref_slice %arg3[%dma_wait3A_1719] : memref<640000xi32, #tpu.memory_space<hbm>> -> memref<256xi32, #tpu.memory_space<hbm>>
      %dma_wait3A_1721 = arith.constant 0 : i32
      %dma_wait3A_1722 = tpu.memref_slice %arg3[%dma_wait3A_1721] : memref<640000xi32, #tpu.memory_space<hbm>> -> memref<256xi32, #tpu.memory_space<hbm>>
      tpu.wait_dma2 semaphore(%arg19 : memref<!tpu.dma_semaphore, #tpu.memory_space<semaphore_mem>>) src(%dma_wait3A_1722 : memref<256xi32, #tpu.memory_space<hbm>>) dst(%arg14 : memref<256xi32, #tpu.memory_space<vmem>>)
      %dma_wait3A_1723 = arith.constant 0 : i32
      %dma_wait3A_1724 = tpu.memref_slice %arg3[%dma_wait3A_1723] : memref<640000xi32, #tpu.memory_space<hbm>> -> memref<256xi32, #tpu.memory_space<hbm>>
      %dma_wait3A_1725 = arith.constant 0 : i32
      %dma_wait3A_1726 = tpu.memref_slice %arg3[%dma_wait3A_1725] : memref<640000xi32, #tpu.memory_space<hbm>> -> memref<256xi32, #tpu.memory_space<hbm>>
      tpu.wait_dma2 semaphore(%arg19 : memref<!tpu.dma_semaphore, #tpu.memory_space<semaphore_mem>>) src(%dma_wait3A_1726 : memref<256xi32, #tpu.memory_space<hbm>>) dst(%arg15 : memref<256xi32, #tpu.memory_space<vmem>>)
      %swap3A_1727 = arith.constant 0 : i32
      %swap3A_1728 = arith.index_cast %swap3A_1727 : i32 to index
      %swap3A_1729 = arith.constant 0 : index
      %swap3A_1730 = tpu.vector_load %arg17[%swap3A_1728, %swap3A_1729] {strides = array<i32>} : memref<64x64xf32, #tpu.memory_space<vmem>>, vector<16xf32>,
      tpu.vector_store %arg17[%swap3A_1728, %swap3A_1729], %broadcast_in_dim3A_12 {strides = array<i32>} : memref<64x64xf32, #tpu.memory_space<vmem>>, vector<16xf32>,
      %swap3A_1731 = arith.constant 0 : i32
      %swap3A_1732 = arith.index_cast %swap3A_1731 : i32 to index
      %swap3A_1733 = arith.constant 16 : index
      %swap3A_1734 = tpu.vector_load %arg17[%swap3A_1732, %swap3A_1733] {strides = array<i32>} : memref<64x64xf32, #tpu.memory_space<vmem>>, vector<16xf32>,
      tpu.vector_store %arg17[%swap3A_1732, %swap3A_1733], %broadcast_in_dim3A_12 {strides = array<i32>} : memref<64x64xf32, #tpu.memory_space<vmem>>, vector<16xf32>,
      %swap3A_1735 = arith.constant 0 : i32
      %swap3A_1736 = arith.index_cast %swap3A_1735 : i32 to index
      %swap3A_1737 = arith.constant 32 : index
      %swap3A_1738 = tpu.vector_load %arg17[%swap3A_1736, %swap3A_1737] {strides = array<i32>} : memref<64x64xf32, #tpu.memory_space<vmem>>, vector<16xf32>,
      tpu.vector_store %arg17[%swap3A_1736, %swap3A_1737], %broadcast_in_dim3A_12 {strides = array<i32>} : memref<64x64xf32, #tpu.memory_space<vmem>>, vector<16xf32>,
      %swap3A_1739 = arith.constant 0 : i32
      %swap3A_1740 = arith.index_cast %swap3A_1739 : i32 to index
      %swap3A_1741 = arith.constant 48 : index
      %swap3A_1742 = tpu.vector_load %arg17[%swap3A_1740, %swap3A_1741] {strides = array<i32>} : memref<64x64xf32, #tpu.memory_space<vmem>>, vector<16xf32>,
      tpu.vector_store %arg17[%swap3A_1740, %swap3A_1741], %broadcast_in_dim3A_12 {strides = array<i32>} : memref<64x64xf32, #tpu.memory_space<vmem>>, vector<16xf32>,
      %swap3A_1743 = arith.constant 1 : i32
      %swap3A_1744 = arith.index_cast %swap3A_1743 : i32 to index
      %swap3A_1745 = arith.constant 0 : index
      %swap3A_1746 = tpu.vector_load %arg17[%swap3A_1744, %swap3A_1745] {strides = array<i32>} : memref<64x64xf32, #tpu.memory_space<vmem>>, vector<16xf32>,
      tpu.vector_store %arg17[%swap3A_1744, %swap3A_1745], %broadcast_in_dim3A_12 {strides = array<i32>} : memref<64x64xf32, #tpu.memory_space<vmem>>, vector<16xf32>,
      %swap3A_1747 = arith.constant 1 : i32
      %swap3A_1748 = arith.index_cast %swap3A_1747 : i32 to index
      %swap3A_1749 = arith.constant 16 : index
      %swap3A_1750 = tpu.vector_load %arg17[%swap3A_1748, %swap3A_1749] {strides = array<i32>} : memref<64x64xf32, #tpu.memory_space<vmem>>, vector<16xf32>,
      tpu.vector_store %arg17[%swap3A_1748, %swap3A_1749], %broadcast_in_dim3A_12 {strides = array<i32>} : memref<64x64xf32, #tpu.memory_space<vmem>>, vector<16xf32>,
      %swap3A_1751 = arith.constant 1 : i32
      %swap3A_1752 = arith.index_cast %swap3A_1751 : i32 to index
      %swap3A_1753 = arith.constant 32 : index
      %swap3A_1754 = tpu.vector_load %arg17[%swap3A_1752, %swap3A_1753] {strides = array<i32>} : memref<64x64xf32, #tpu.memory_space<vmem>>, vector<16xf32>,
      tpu.vector_store %arg17[%swap3A_1752, %swap3A_1753], %broadcast_in_dim3A_12 {strides = array<i32>} : memref<64x64xf32, #tpu.memory_space<vmem>>, vector<16xf32>,
      %swap3A_1755 = arith.constant 1 : i32
      %swap3A_1756 = arith.index_cast %swap3A_1755 : i32 to index
      %swap3A_1757 = arith.constant 48 : index
      %swap3A_1758 = tpu.vector_load %arg17[%swap3A_1756, %swap3A_1757] {strides = array<i32>} : memref<64x64xf32, #tpu.memory_space<vmem>>, vector<16xf32>,
      tpu.vector_store %arg17[%swap3A_1756, %swap3A_1757], %broadcast_in_dim3A_12 {strides = array<i32>} : memref<64x64xf32, #tpu.memory_space<vmem>>, vector<16xf32>,
      %swap3A_1759 = arith.constant 2 : i32
      %swap3A_1760 = arith.index_cast %swap3A_1759 : i32 to index
      %swap3A_1761 = arith.constant 0 : index
      %swap3A_1762 = tpu.vector_load %arg17[%swap3A_1760, %swap3A_1761] {strides = array<i32>} : memref<64x64xf32, #tpu.memory_space<vmem>>, vector<16xf32>,
      tpu.vector_store %arg17[%swap3A_1760, %swap3A_1761], %broadcast_in_dim3A_12 {strides = array<i32>} : memref<64x64xf32, #tpu.memory_space<vmem>>, vector<16xf32>,
      %swap3A_1763 = arith.constant 2 : i32
      %swap3A_1764 = arith.index_cast %swap3A_1763 : i32 to index
      %swap3A_1765 = arith.constant 16 : index
      %swap3A_1766 = tpu.vector_load %arg17[%swap3A_1764, %swap3A_1765] {strides = array<i32>} : memref<64x64xf32, #tpu.memory_space<vmem>>, vector<16xf32>,
      tpu.vector_store %arg17[%swap3A_1764, %swap3A_1765], %broadcast_in_dim3A_12 {strides = array<i32>} : memref<64x64xf32, #tpu.memory_space<vmem>>, vector<16xf32>,
      %swap3A_1767 = arith.constant 2 : i32
      %swap3A_1768 = arith.index_cast %swap3A_1767 : i32 to index
      %swap3A_1769 = arith.constant 32 : index
      %swap3A_1770 = tpu.vector_load %arg17[%swap3A_1768, %swap3A_1769] {strides = array<i32>} : memref<64x64xf32, #tpu.memory_space<vmem>>, vector<16xf32>,
      tpu.vector_store %arg17[%swap3A_1768, %swap3A_1769], %broadcast_in_dim3A_12 {strides = array<i32>} : memref<64x64xf32, #tpu.memory_space<vmem>>, vector<16xf32>,
      %swap3A_1771 = arith.constant 2 : i32
      %swap3A_1772 = arith.index_cast %swap3A_1771 : i32 to index
      %swap3A_1773 = arith.constant 48 : index
      %swap3A_1774 = tpu.vector_load %arg17[%swap3A_1772, %swap3A_1773] {strides = array<i32>} : memref<64x64xf32, #tpu.memory_space<vmem>>, vector<16xf32>,
      tpu.vector_store %arg17[%swap3A_1772, %swap3A_1773], %broadcast_in_dim3A_12 {strides = array<i32>} : memref<64x64xf32, #tpu.memory_space<vmem>>, vector<16xf32>,
      %swap3A_1775 = arith.constant 3 : i32
      %swap3A_1776 = arith.index_cast %swap3A_1775 : i32 to index
      %swap3A_1777 = arith.constant 0 : index
      %swap3A_1778 = tpu.vector_load %arg17[%swap3A_1776, %swap3A_1777] {strides = array<i32>} : memref<64x64xf32, #tpu.memory_space<vmem>>, vector<16xf32>,
      tpu.vector_store %arg17[%swap3A_1776, %swap3A_1777], %broadcast_in_dim3A_12 {strides = array<i32>} : memref<64x64xf32, #tpu.memory_space<vmem>>, vector<16xf32>,
      %swap3A_1779 = arith.constant 3 : i32
      %swap3A_1780 = arith.index_cast %swap3A_1779 : i32 to index
      %swap3A_1781 = arith.constant 16 : index
      %swap3A_1782 = tpu.vector_load %arg17[%swap3A_1780, %swap3A_1781] {strides = array<i32>} : memref<64x64xf32, #tpu.memory_space<vmem>>, vector<16xf32>,
      tpu.vector_store %arg17[%swap3A_1780, %swap3A_1781], %broadcast_in_dim3A_12 {strides = array<i32>} : memref<64x64xf32, #tpu.memory_space<vmem>>, vector<16xf32>,
      %swap3A_1783 = arith.constant 3 : i32
      %swap3A_1784 = arith.index_cast %swap3A_1783 : i32 to index
      %swap3A_1785 = arith.constant 32 : index
      %swap3A_1786 = tpu.vector_load %arg17[%swap3A_1784, %swap3A_1785] {strides = array<i32>} : memref<64x64xf32, #tpu.memory_space<vmem>>, vector<16xf32>,
      tpu.vector_store %arg17[%swap3A_1784, %swap3A_1785], %broadcast_in_dim3A_12 {strides = array<i32>} : memref<64x64xf32, #tpu.memory_space<vmem>>, vector<16xf32>,
      %swap3A_1787 = arith.constant 3 : i32
      %swap3A_1788 = arith.index_cast %swap3A_1787 : i32 to index
      %swap3A_1789 = arith.constant 48 : index
      %swap3A_1790 = tpu.vector_load %arg17[%swap3A_1788, %swap3A_1789] {strides = array<i32>} : memref<64x64xf32, #tpu.memory_space<vmem>>, vector<16xf32>,
      tpu.vector_store %arg17[%swap3A_1788, %swap3A_1789], %broadcast_in_dim3A_12 {strides = array<i32>} : memref<64x64xf32, #tpu.memory_space<vmem>>, vector<16xf32>,
      %swap3A_1791 = arith.constant 4 : i32
      %swap3A_1792 = arith.index_cast %swap3A_1791 : i32 to index
      %swap3A_1793 = arith.constant 0 : index
      %swap3A_1794 = tpu.vector_load %arg17[%swap3A_1792, %swap3A_1793] {strides = array<i32>} : memref<64x64xf32, #tpu.memory_space<vmem>>, vector<16xf32>,
      tpu.vector_store %arg17[%swap3A_1792, %swap3A_1793], %broadcast_in_dim3A_12 {strides = array<i32>} : memref<64x64xf32, #tpu.memory_space<vmem>>, vector<16xf32>,
      %swap3A_1795 = arith.constant 4 : i32
      %swap3A_1796 = arith.index_cast %swap3A_1795 : i32 to index
      %swap3A_1797 = arith.constant 16 : index
      %swap3A_1798 = tpu.vector_load %arg17[%swap3A_1796, %swap3A_1797] {strides = array<i32>} : memref<64x64xf32, #tpu.memory_space<vmem>>, vector<16xf32>,
      tpu.vector_store %arg17[%swap3A_1796, %swap3A_1797], %broadcast_in_dim3A_12 {strides = array<i32>} : memref<64x64xf32, #tpu.memory_space<vmem>>, vector<16xf32>,
      %swap3A_1799 = arith.constant 4 : i32
      %swap3A_1800 = arith.index_cast %swap3A_1799 : i32 to index
      %swap3A_1801 = arith.constant 32 : index
      %swap3A_1802 = tpu.vector_load %arg17[%swap3A_1800, %swap3A_1801] {strides = array<i32>} : memref<64x64xf32, #tpu.memory_space<vmem>>, vector<16xf32>,
      tpu.vector_store %arg17[%swap3A_1800, %swap3A_1801], %broadcast_in_dim3A_12 {strides = array<i32>} : memref<64x64xf32, #tpu.memory_space<vmem>>, vector<16xf32>,
      %swap3A_1803 = arith.constant 4 : i32
      %swap3A_1804 = arith.index_cast %swap3A_1803 : i32 to index
      %swap3A_1805 = arith.constant 48 : index
      %swap3A_1806 = tpu.vector_load %arg17[%swap3A_1804, %swap3A_1805] {strides = array<i32>} : memref<64x64xf32, #tpu.memory_space<vmem>>, vector<16xf32>,
      tpu.vector_store %arg17[%swap3A_1804, %swap3A_1805], %broadcast_in_dim3A_12 {strides = array<i32>} : memref<64x64xf32, #tpu.memory_space<vmem>>, vector<16xf32>,
      %swap3A_1807 = arith.constant 5 : i32
      %swap3A_1808 = arith.index_cast %swap3A_1807 : i32 to index
      %swap3A_1809 = arith.constant 0 : index
      %swap3A_1810 = tpu.vector_load %arg17[%swap3A_1808, %swap3A_1809] {strides = array<i32>} : memref<64x64xf32, #tpu.memory_space<vmem>>, vector<16xf32>,
      tpu.vector_store %arg17[%swap3A_1808, %swap3A_1809], %broadcast_in_dim3A_12 {strides = array<i32>} : memref<64x64xf32, #tpu.memory_space<vmem>>, vector<16xf32>,
      %swap3A_1811 = arith.constant 5 : i32
      %swap3A_1812 = arith.index_cast %swap3A_1811 : i32 to index
      %swap3A_1813 = arith.constant 16 : index
      %swap3A_1814 = tpu.vector_load %arg17[%swap3A_1812, %swap3A_1813] {strides = array<i32>} : memref<64x64xf32, #tpu.memory_space<vmem>>, vector<16xf32>,
      tpu.vector_store %arg17[%swap3A_1812, %swap3A_1813], %broadcast_in_dim3A_12 {strides = array<i32>} : memref<64x64xf32, #tpu.memory_space<vmem>>, vector<16xf32>,
      %swap3A_1815 = arith.constant 5 : i32
      %swap3A_1816 = arith.index_cast %swap3A_1815 : i32 to index
      %swap3A_1817 = arith.constant 32 : index
      %swap3A_1818 = tpu.vector_load %arg17[%swap3A_1816, %swap3A_1817] {strides = array<i32>} : memref<64x64xf32, #tpu.memory_space<vmem>>, vector<16xf32>,
      tpu.vector_store %arg17[%swap3A_1816, %swap3A_1817], %broadcast_in_dim3A_12 {strides = array<i32>} : memref<64x64xf32, #tpu.memory_space<vmem>>, vector<16xf32>,
      %swap3A_1819 = arith.constant 5 : i32
      %swap3A_1820 = arith.index_cast %swap3A_1819 : i32 to index
      %swap3A_1821 = arith.constant 48 : index
      %swap3A_1822 = tpu.vector_load %arg17[%swap3A_1820, %swap3A_1821] {strides = array<i32>} : memref<64x64xf32, #tpu.memory_space<vmem>>, vector<16xf32>,
      tpu.vector_store %arg17[%swap3A_1820, %swap3A_1821], %broadcast_in_dim3A_12 {strides = array<i32>} : memref<64x64xf32, #tpu.memory_space<vmem>>, vector<16xf32>,
      %swap3A_1823 = arith.constant 6 : i32
      %swap3A_1824 = arith.index_cast %swap3A_1823 : i32 to index
      %swap3A_1825 = arith.constant 0 : index
      %swap3A_1826 = tpu.vector_load %arg17[%swap3A_1824, %swap3A_1825] {strides = array<i32>} : memref<64x64xf32, #tpu.memory_space<vmem>>, vector<16xf32>,
      tpu.vector_store %arg17[%swap3A_1824, %swap3A_1825], %broadcast_in_dim3A_12 {strides = array<i32>} : memref<64x64xf32, #tpu.memory_space<vmem>>, vector<16xf32>,
      %swap3A_1827 = arith.constant 6 : i32
      %swap3A_1828 = arith.index_cast %swap3A_1827 : i32 to index
      %swap3A_1829 = arith.constant 16 : index
      %swap3A_1830 = tpu.vector_load %arg17[%swap3A_1828, %swap3A_1829] {strides = array<i32>} : memref<64x64xf32, #tpu.memory_space<vmem>>, vector<16xf32>,
      tpu.vector_store %arg17[%swap3A_1828, %swap3A_1829], %broadcast_in_dim3A_12 {strides = array<i32>} : memref<64x64xf32, #tpu.memory_space<vmem>>, vector<16xf32>,
      %swap3A_1831 = arith.constant 6 : i32
      %swap3A_1832 = arith.index_cast %swap3A_1831 : i32 to index
      %swap3A_1833 = arith.constant 32 : index
      %swap3A_1834 = tpu.vector_load %arg17[%swap3A_1832, %swap3A_1833] {strides = array<i32>} : memref<64x64xf32, #tpu.memory_space<vmem>>, vector<16xf32>,
      tpu.vector_store %arg17[%swap3A_1832, %swap3A_1833], %broadcast_in_dim3A_12 {strides = array<i32>} : memref<64x64xf32, #tpu.memory_space<vmem>>, vector<16xf32>,
      %swap3A_1835 = arith.constant 6 : i32
      %swap3A_1836 = arith.index_cast %swap3A_1835 : i32 to index
      %swap3A_1837 = arith.constant 48 : index
      %swap3A_1838 = tpu.vector_load %arg17[%swap3A_1836, %swap3A_1837] {strides = array<i32>} : memref<64x64xf32, #tpu.memory_space<vmem>>, vector<16xf32>,
      tpu.vector_store %arg17[%swap3A_1836, %swap3A_1837], %broadcast_in_dim3A_12 {strides = array<i32>} : memref<64x64xf32, #tpu.memory_space<vmem>>, vector<16xf32>,
      %swap3A_1839 = arith.constant 7 : i32
      %swap3A_1840 = arith.index_cast %swap3A_1839 : i32 to index
      %swap3A_1841 = arith.constant 0 : index
      %swap3A_1842 = tpu.vector_load %arg17[%swap3A_1840, %swap3A_1841] {strides = array<i32>} : memref<64x64xf32, #tpu.memory_space<vmem>>, vector<16xf32>,
      tpu.vector_store %arg17[%swap3A_1840, %swap3A_1841], %broadcast_in_dim3A_12 {strides = array<i32>} : memref<64x64xf32, #tpu.memory_space<vmem>>, vector<16xf32>,
      %swap3A_1843 = arith.constant 7 : i32
      %swap3A_1844 = arith.index_cast %swap3A_1843 : i32 to index
      %swap3A_1845 = arith.constant 16 : index
      %swap3A_1846 = tpu.vector_load %arg17[%swap3A_1844, %swap3A_1845] {strides = array<i32>} : memref<64x64xf32, #tpu.memory_space<vmem>>, vector<16xf32>,
      tpu.vector_store %arg17[%swap3A_1844, %swap3A_1845], %broadcast_in_dim3A_12 {strides = array<i32>} : memref<64x64xf32, #tpu.memory_space<vmem>>, vector<16xf32>,
      %swap3A_1847 = arith.constant 7 : i32
      %swap3A_1848 = arith.index_cast %swap3A_1847 : i32 to index
      %swap3A_1849 = arith.constant 32 : index
      %swap3A_1850 = tpu.vector_load %arg17[%swap3A_1848, %swap3A_1849] {strides = array<i32>} : memref<64x64xf32, #tpu.memory_space<vmem>>, vector<16xf32>,
      tpu.vector_store %arg17[%swap3A_1848, %swap3A_1849], %broadcast_in_dim3A_12 {strides = array<i32>} : memref<64x64xf32, #tpu.memory_space<vmem>>, vector<16xf32>,
      %swap3A_1851 = arith.constant 7 : i32
      %swap3A_1852 = arith.index_cast %swap3A_1851 : i32 to index
      %swap3A_1853 = arith.constant 48 : index
      %swap3A_1854 = tpu.vector_load %arg17[%swap3A_1852, %swap3A_1853] {strides = array<i32>} : memref<64x64xf32, #tpu.memory_space<vmem>>, vector<16xf32>,
      tpu.vector_store %arg17[%swap3A_1852, %swap3A_1853], %broadcast_in_dim3A_12 {strides = array<i32>} : memref<64x64xf32, #tpu.memory_space<vmem>>, vector<16xf32>,
      %swap3A_1855 = arith.constant 8 : i32
      %swap3A_1856 = arith.index_cast %swap3A_1855 : i32 to index
      %swap3A_1857 = arith.constant 0 : index
      %swap3A_1858 = tpu.vector_load %arg17[%swap3A_1856, %swap3A_1857] {strides = array<i32>} : memref<64x64xf32, #tpu.memory_space<vmem>>, vector<16xf32>,
      tpu.vector_store %arg17[%swap3A_1856, %swap3A_1857], %broadcast_in_dim3A_12 {strides = array<i32>} : memref<64x64xf32, #tpu.memory_space<vmem>>, vector<16xf32>,
      %swap3A_1859 = arith.constant 8 : i32
      %swap3A_1860 = arith.index_cast %swap3A_1859 : i32 to index
      %swap3A_1861 = arith.constant 16 : index
      %swap3A_1862 = tpu.vector_load %arg17[%swap3A_1860, %swap3A_1861] {strides = array<i32>} : memref<64x64xf32, #tpu.memory_space<vmem>>, vector<16xf32>,
      tpu.vector_store %arg17[%swap3A_1860, %swap3A_1861], %broadcast_in_dim3A_12 {strides = array<i32>} : memref<64x64xf32, #tpu.memory_space<vmem>>, vector<16xf32>,
      %swap3A_1863 = arith.constant 8 : i32
      %swap3A_1864 = arith.index_cast %swap3A_1863 : i32 to index
      %swap3A_1865 = arith.constant 32 : index
      %swap3A_1866 = tpu.vector_load %arg17[%swap3A_1864, %swap3A_1865] {strides = array<i32>} : memref<64x64xf32, #tpu.memory_space<vmem>>, vector<16xf32>,
      tpu.vector_store %arg17[%swap3A_1864, %swap3A_1865], %broadcast_in_dim3A_12 {strides = array<i32>} : memref<64x64xf32, #tpu.memory_space<vmem>>, vector<16xf32>,
      %swap3A_1867 = arith.constant 8 : i32
      %swap3A_1868 = arith.index_cast %swap3A_1867 : i32 to index
      %swap3A_1869 = arith.constant 48 : index
      %swap3A_1870 = tpu.vector_load %arg17[%swap3A_1868, %swap3A_1869] {strides = array<i32>} : memref<64x64xf32, #tpu.memory_space<vmem>>, vector<16xf32>,
      tpu.vector_store %arg17[%swap3A_1868, %swap3A_1869], %broadcast_in_dim3A_12 {strides = array<i32>} : memref<64x64xf32, #tpu.memory_space<vmem>>, vector<16xf32>,
      %swap3A_1871 = arith.constant 9 : i32
      %swap3A_1872 = arith.index_cast %swap3A_1871 : i32 to index
      %swap3A_1873 = arith.constant 0 : index
      %swap3A_1874 = tpu.vector_load %arg17[%swap3A_1872, %swap3A_1873] {strides = array<i32>} : memref<64x64xf32, #tpu.memory_space<vmem>>, vector<16xf32>,
      tpu.vector_store %arg17[%swap3A_1872, %swap3A_1873], %broadcast_in_dim3A_12 {strides = array<i32>} : memref<64x64xf32, #tpu.memory_space<vmem>>, vector<16xf32>,
      %swap3A_1875 = arith.constant 9 : i32
      %swap3A_1876 = arith.index_cast %swap3A_1875 : i32 to index
      %swap3A_1877 = arith.constant 16 : index
      %swap3A_1878 = tpu.vector_load %arg17[%swap3A_1876, %swap3A_1877] {strides = array<i32>} : memref<64x64xf32, #tpu.memory_space<vmem>>, vector<16xf32>,
      tpu.vector_store %arg17[%swap3A_1876, %swap3A_1877], %broadcast_in_dim3A_12 {strides = array<i32>} : memref<64x64xf32, #tpu.memory_space<vmem>>, vector<16xf32>,
      %swap3A_1879 = arith.constant 9 : i32
      %swap3A_1880 = arith.index_cast %swap3A_1879 : i32 to index
      %swap3A_1881 = arith.constant 32 : index
      %swap3A_1882 = tpu.vector_load %arg17[%swap3A_1880, %swap3A_1881] {strides = array<i32>} : memref<64x64xf32, #tpu.memory_space<vmem>>, vector<16xf32>,
      tpu.vector_store %arg17[%swap3A_1880, %swap3A_1881], %broadcast_in_dim3A_12 {strides = array<i32>} : memref<64x64xf32, #tpu.memory_space<vmem>>, vector<16xf32>,
      %swap3A_1883 = arith.constant 9 : i32
      %swap3A_1884 = arith.index_cast %swap3A_1883 : i32 to index
      %swap3A_1885 = arith.constant 48 : index
      %swap3A_1886 = tpu.vector_load %arg17[%swap3A_1884, %swap3A_1885] {strides = array<i32>} : memref<64x64xf32, #tpu.memory_space<vmem>>, vector<16xf32>,
      tpu.vector_store %arg17[%swap3A_1884, %swap3A_1885], %broadcast_in_dim3A_12 {strides = array<i32>} : memref<64x64xf32, #tpu.memory_space<vmem>>, vector<16xf32>,
      %swap3A_1887 = arith.constant 10 : i32
      %swap3A_1888 = arith.index_cast %swap3A_1887 : i32 to index
      %swap3A_1889 = arith.constant 0 : index
      %swap3A_1890 = tpu.vector_load %arg17[%swap3A_1888, %swap3A_1889] {strides = array<i32>} : memref<64x64xf32, #tpu.memory_space<vmem>>, vector<16xf32>,
      tpu.vector_store %arg17[%swap3A_1888, %swap3A_1889], %broadcast_in_dim3A_12 {strides = array<i32>} : memref<64x64xf32, #tpu.memory_space<vmem>>, vector<16xf32>,
      %swap3A_1891 = arith.constant 10 : i32
      %swap3A_1892 = arith.index_cast %swap3A_1891 : i32 to index
      %swap3A_1893 = arith.constant 16 : index
      %swap3A_1894 = tpu.vector_load %arg17[%swap3A_1892, %swap3A_1893] {strides = array<i32>} : memref<64x64xf32, #tpu.memory_space<vmem>>, vector<16xf32>,
      tpu.vector_store %arg17[%swap3A_1892, %swap3A_1893], %broadcast_in_dim3A_12 {strides = array<i32>} : memref<64x64xf32, #tpu.memory_space<vmem>>, vector<16xf32>,
      %swap3A_1895 = arith.constant 10 : i32
      %swap3A_1896 = arith.index_cast %swap3A_1895 : i32 to index
      %swap3A_1897 = arith.constant 32 : index
      %swap3A_1898 = tpu.vector_load %arg17[%swap3A_1896, %swap3A_1897] {strides = array<i32>} : memref<64x64xf32, #tpu.memory_space<vmem>>, vector<16xf32>,
      tpu.vector_store %arg17[%swap3A_1896, %swap3A_1897], %broadcast_in_dim3A_12 {strides = array<i32>} : memref<64x64xf32, #tpu.memory_space<vmem>>, vector<16xf32>,
      %swap3A_1899 = arith.constant 10 : i32
      %swap3A_1900 = arith.index_cast %swap3A_1899 : i32 to index
      %swap3A_1901 = arith.constant 48 : index
      %swap3A_1902 = tpu.vector_load %arg17[%swap3A_1900, %swap3A_1901] {strides = array<i32>} : memref<64x64xf32, #tpu.memory_space<vmem>>, vector<16xf32>,
      tpu.vector_store %arg17[%swap3A_1900, %swap3A_1901], %broadcast_in_dim3A_12 {strides = array<i32>} : memref<64x64xf32, #tpu.memory_space<vmem>>, vector<16xf32>,
      %swap3A_1903 = arith.constant 11 : i32
      %swap3A_1904 = arith.index_cast %swap3A_1903 : i32 to index
      %swap3A_1905 = arith.constant 0 : index
      %swap3A_1906 = tpu.vector_load %arg17[%swap3A_1904, %swap3A_1905] {strides = array<i32>} : memref<64x64xf32, #tpu.memory_space<vmem>>, vector<16xf32>,
      tpu.vector_store %arg17[%swap3A_1904, %swap3A_1905], %broadcast_in_dim3A_12 {strides = array<i32>} : memref<64x64xf32, #tpu.memory_space<vmem>>, vector<16xf32>,
      %swap3A_1907 = arith.constant 11 : i32
      %swap3A_1908 = arith.index_cast %swap3A_1907 : i32 to index
      %swap3A_1909 = arith.constant 16 : index
      %swap3A_1910 = tpu.vector_load %arg17[%swap3A_1908, %swap3A_1909] {strides = array<i32>} : memref<64x64xf32, #tpu.memory_space<vmem>>, vector<16xf32>,
      tpu.vector_store %arg17[%swap3A_1908, %swap3A_1909], %broadcast_in_dim3A_12 {strides = array<i32>} : memref<64x64xf32, #tpu.memory_space<vmem>>, vector<16xf32>,
      %swap3A_1911 = arith.constant 11 : i32
      %swap3A_1912 = arith.index_cast %swap3A_1911 : i32 to index
      %swap3A_1913 = arith.constant 32 : index
      %swap3A_1914 = tpu.vector_load %arg17[%swap3A_1912, %swap3A_1913] {strides = array<i32>} : memref<64x64xf32, #tpu.memory_space<vmem>>, vector<16xf32>,
      tpu.vector_store %arg17[%swap3A_1912, %swap3A_1913], %broadcast_in_dim3A_12 {strides = array<i32>} : memref<64x64xf32, #tpu.memory_space<vmem>>, vector<16xf32>,
      %swap3A_1915 = arith.constant 11 : i32
      %swap3A_1916 = arith.index_cast %swap3A_1915 : i32 to index
      %swap3A_1917 = arith.constant 48 : index
      %swap3A_1918 = tpu.vector_load %arg17[%swap3A_1916, %swap3A_1917] {strides = array<i32>} : memref<64x64xf32, #tpu.memory_space<vmem>>, vector<16xf32>,
      tpu.vector_store %arg17[%swap3A_1916, %swap3A_1917], %broadcast_in_dim3A_12 {strides = array<i32>} : memref<64x64xf32, #tpu.memory_space<vmem>>, vector<16xf32>,
      %swap3A_1919 = arith.constant 12 : i32
      %swap3A_1920 = arith.index_cast %swap3A_1919 : i32 to index
      %swap3A_1921 = arith.constant 0 : index
      %swap3A_1922 = tpu.vector_load %arg17[%swap3A_1920, %swap3A_1921] {strides = array<i32>} : memref<64x64xf32, #tpu.memory_space<vmem>>, vector<16xf32>,
      tpu.vector_store %arg17[%swap3A_1920, %swap3A_1921], %broadcast_in_dim3A_12 {strides = array<i32>} : memref<64x64xf32, #tpu.memory_space<vmem>>, vector<16xf32>,
      %swap3A_1923 = arith.constant 12 : i32
      %swap3A_1924 = arith.index_cast %swap3A_1923 : i32 to index
      %swap3A_1925 = arith.constant 16 : index
      %swap3A_1926 = tpu.vector_load %arg17[%swap3A_1924, %swap3A_1925] {strides = array<i32>} : memref<64x64xf32, #tpu.memory_space<vmem>>, vector<16xf32>,
      tpu.vector_store %arg17[%swap3A_1924, %swap3A_1925], %broadcast_in_dim3A_12 {strides = array<i32>} : memref<64x64xf32, #tpu.memory_space<vmem>>, vector<16xf32>,
      %swap3A_1927 = arith.constant 12 : i32
      %swap3A_1928 = arith.index_cast %swap3A_1927 : i32 to index
      %swap3A_1929 = arith.constant 32 : index
      %swap3A_1930 = tpu.vector_load %arg17[%swap3A_1928, %swap3A_1929] {strides = array<i32>} : memref<64x64xf32, #tpu.memory_space<vmem>>, vector<16xf32>,
      tpu.vector_store %arg17[%swap3A_1928, %swap3A_1929], %broadcast_in_dim3A_12 {strides = array<i32>} : memref<64x64xf32, #tpu.memory_space<vmem>>, vector<16xf32>,
      %swap3A_1931 = arith.constant 12 : i32
      %swap3A_1932 = arith.index_cast %swap3A_1931 : i32 to index
      %swap3A_1933 = arith.constant 48 : index
      %swap3A_1934 = tpu.vector_load %arg17[%swap3A_1932, %swap3A_1933] {strides = array<i32>} : memref<64x64xf32, #tpu.memory_space<vmem>>, vector<16xf32>,
      tpu.vector_store %arg17[%swap3A_1932, %swap3A_1933], %broadcast_in_dim3A_12 {strides = array<i32>} : memref<64x64xf32, #tpu.memory_space<vmem>>, vector<16xf32>,
      %swap3A_1935 = arith.constant 13 : i32
      %swap3A_1936 = arith.index_cast %swap3A_1935 : i32 to index
      %swap3A_1937 = arith.constant 0 : index
      %swap3A_1938 = tpu.vector_load %arg17[%swap3A_1936, %swap3A_1937] {strides = array<i32>} : memref<64x64xf32, #tpu.memory_space<vmem>>, vector<16xf32>,
      tpu.vector_store %arg17[%swap3A_1936, %swap3A_1937], %broadcast_in_dim3A_12 {strides = array<i32>} : memref<64x64xf32, #tpu.memory_space<vmem>>, vector<16xf32>,
      %swap3A_1939 = arith.constant 13 : i32
      %swap3A_1940 = arith.index_cast %swap3A_1939 : i32 to index
      %swap3A_1941 = arith.constant 16 : index
      %swap3A_1942 = tpu.vector_load %arg17[%swap3A_1940, %swap3A_1941] {strides = array<i32>} : memref<64x64xf32, #tpu.memory_space<vmem>>, vector<16xf32>,
      tpu.vector_store %arg17[%swap3A_1940, %swap3A_1941], %broadcast_in_dim3A_12 {strides = array<i32>} : memref<64x64xf32, #tpu.memory_space<vmem>>, vector<16xf32>,
      %swap3A_1943 = arith.constant 13 : i32
      %swap3A_1944 = arith.index_cast %swap3A_1943 : i32 to index
      %swap3A_1945 = arith.constant 32 : index
      %swap3A_1946 = tpu.vector_load %arg17[%swap3A_1944, %swap3A_1945] {strides = array<i32>} : memref<64x64xf32, #tpu.memory_space<vmem>>, vector<16xf32>,
      tpu.vector_store %arg17[%swap3A_1944, %swap3A_1945], %broadcast_in_dim3A_12 {strides = array<i32>} : memref<64x64xf32, #tpu.memory_space<vmem>>, vector<16xf32>,
      %swap3A_1947 = arith.constant 13 : i32
      %swap3A_1948 = arith.index_cast %swap3A_1947 : i32 to index
      %swap3A_1949 = arith.constant 48 : index
      %swap3A_1950 = tpu.vector_load %arg17[%swap3A_1948, %swap3A_1949] {strides = array<i32>} : memref<64x64xf32, #tpu.memory_space<vmem>>, vector<16xf32>,
      tpu.vector_store %arg17[%swap3A_1948, %swap3A_1949], %broadcast_in_dim3A_12 {strides = array<i32>} : memref<64x64xf32, #tpu.memory_space<vmem>>, vector<16xf32>,
      %swap3A_1951 = arith.constant 14 : i32
      %swap3A_1952 = arith.index_cast %swap3A_1951 : i32 to index
      %swap3A_1953 = arith.constant 0 : index
      %swap3A_1954 = tpu.vector_load %arg17[%swap3A_1952, %swap3A_1953] {strides = array<i32>} : memref<64x64xf32, #tpu.memory_space<vmem>>, vector<16xf32>,
      tpu.vector_store %arg17[%swap3A_1952, %swap3A_1953], %broadcast_in_dim3A_12 {strides = array<i32>} : memref<64x64xf32, #tpu.memory_space<vmem>>, vector<16xf32>,
      %swap3A_1955 = arith.constant 14 : i32
      %swap3A_1956 = arith.index_cast %swap3A_1955 : i32 to index
      %swap3A_1957 = arith.constant 16 : index
      %swap3A_1958 = tpu.vector_load %arg17[%swap3A_1956, %swap3A_1957] {strides = array<i32>} : memref<64x64xf32, #tpu.memory_space<vmem>>, vector<16xf32>,
      tpu.vector_store %arg17[%swap3A_1956, %swap3A_1957], %broadcast_in_dim3A_12 {strides = array<i32>} : memref<64x64xf32, #tpu.memory_space<vmem>>, vector<16xf32>,
      %swap3A_1959 = arith.constant 14 : i32
      %swap3A_1960 = arith.index_cast %swap3A_1959 : i32 to index
      %swap3A_1961 = arith.constant 32 : index
      %swap3A_1962 = tpu.vector_load %arg17[%swap3A_1960, %swap3A_1961] {strides = array<i32>} : memref<64x64xf32, #tpu.memory_space<vmem>>, vector<16xf32>,
      tpu.vector_store %arg17[%swap3A_1960, %swap3A_1961], %broadcast_in_dim3A_12 {strides = array<i32>} : memref<64x64xf32, #tpu.memory_space<vmem>>, vector<16xf32>,
      %swap3A_1963 = arith.constant 14 : i32
      %swap3A_1964 = arith.index_cast %swap3A_1963 : i32 to index
      %swap3A_1965 = arith.constant 48 : index
      %swap3A_1966 = tpu.vector_load %arg17[%swap3A_1964, %swap3A_1965] {strides = array<i32>} : memref<64x64xf32, #tpu.memory_space<vmem>>, vector<16xf32>,
      tpu.vector_store %arg17[%swap3A_1964, %swap3A_1965], %broadcast_in_dim3A_12 {strides = array<i32>} : memref<64x64xf32, #tpu.memory_space<vmem>>, vector<16xf32>,
      %swap3A_1967 = arith.constant 15 : i32
      %swap3A_1968 = arith.index_cast %swap3A_1967 : i32 to index
      %swap3A_1969 = arith.constant 0 : index
      %swap3A_1970 = tpu.vector_load %arg17[%swap3A_1968, %swap3A_1969] {strides = array<i32>} : memref<64x64xf32, #tpu.memory_space<vmem>>, vector<16xf32>,
      tpu.vector_store %arg17[%swap3A_1968, %swap3A_1969], %broadcast_in_dim3A_12 {strides = array<i32>} : memref<64x64xf32, #tpu.memory_space<vmem>>, vector<16xf32>,
      %swap3A_1971 = arith.constant 15 : i32
      %swap3A_1972 = arith.index_cast %swap3A_1971 : i32 to index
      %swap3A_1973 = arith.constant 16 : index
      %swap3A_1974 = tpu.vector_load %arg17[%swap3A_1972, %swap3A_1973] {strides = array<i32>} : memref<64x64xf32, #tpu.memory_space<vmem>>, vector<16xf32>,
      tpu.vector_store %arg17[%swap3A_1972, %swap3A_1973], %broadcast_in_dim3A_12 {strides = array<i32>} : memref<64x64xf32, #tpu.memory_space<vmem>>, vector<16xf32>,
      %swap3A_1975 = arith.constant 15 : i32
      %swap3A_1976 = arith.index_cast %swap3A_1975 : i32 to index
      %swap3A_1977 = arith.constant 32 : index
      %swap3A_1978 = tpu.vector_load %arg17[%swap3A_1976, %swap3A_1977] {strides = array<i32>} : memref<64x64xf32, #tpu.memory_space<vmem>>, vector<16xf32>,
      tpu.vector_store %arg17[%swap3A_1976, %swap3A_1977], %broadcast_in_dim3A_12 {strides = array<i32>} : memref<64x64xf32, #tpu.memory_space<vmem>>, vector<16xf32>,
      %swap3A_1979 = arith.constant 15 : i32
      %swap3A_1980 = arith.index_cast %swap3A_1979 : i32 to index
      %swap3A_1981 = arith.constant 48 : index
      %swap3A_1982 = tpu.vector_load %arg17[%swap3A_1980, %swap3A_1981] {strides = array<i32>} : memref<64x64xf32, #tpu.memory_space<vmem>>, vector<16xf32>,
      tpu.vector_store %arg17[%swap3A_1980, %swap3A_1981], %broadcast_in_dim3A_12 {strides = array<i32>} : memref<64x64xf32, #tpu.memory_space<vmem>>, vector<16xf32>,
      %swap3A_1983 = arith.constant 16 : i32
      %swap3A_1984 = arith.index_cast %swap3A_1983 : i32 to index
      %swap3A_1985 = arith.constant 0 : index
      %swap3A_1986 = tpu.vector_load %arg17[%swap3A_1984, %swap3A_1985] {strides = array<i32>} : memref<64x64xf32, #tpu.memory_space<vmem>>, vector<16xf32>,
      tpu.vector_store %arg17[%swap3A_1984, %swap3A_1985], %broadcast_in_dim3A_12 {strides = array<i32>} : memref<64x64xf32, #tpu.memory_space<vmem>>, vector<16xf32>,
      %swap3A_1987 = arith.constant 16 : i32
      %swap3A_1988 = arith.index_cast %swap3A_1987 : i32 to index
      %swap3A_1989 = arith.constant 16 : index
      %swap3A_1990 = tpu.vector_load %arg17[%swap3A_1988, %swap3A_1989] {strides = array<i32>} : memref<64x64xf32, #tpu.memory_space<vmem>>, vector<16xf32>,
      tpu.vector_store %arg17[%swap3A_1988, %swap3A_1989], %broadcast_in_dim3A_12 {strides = array<i32>} : memref<64x64xf32, #tpu.memory_space<vmem>>, vector<16xf32>,
      %swap3A_1991 = arith.constant 16 : i32
      %swap3A_1992 = arith.index_cast %swap3A_1991 : i32 to index
      %swap3A_1993 = arith.constant 32 : index
      %swap3A_1994 = tpu.vector_load %arg17[%swap3A_1992, %swap3A_1993] {strides = array<i32>} : memref<64x64xf32, #tpu.memory_space<vmem>>, vector<16xf32>,
      tpu.vector_store %arg17[%swap3A_1992, %swap3A_1993], %broadcast_in_dim3A_12 {strides = array<i32>} : memref<64x64xf32, #tpu.memory_space<vmem>>, vector<16xf32>,
      %swap3A_1995 = arith.constant 16 : i32
      %swap3A_1996 = arith.index_cast %swap3A_1995 : i32 to index
      %swap3A_1997 = arith.constant 48 : index
      %swap3A_1998 = tpu.vector_load %arg17[%swap3A_1996, %swap3A_1997] {strides = array<i32>} : memref<64x64xf32, #tpu.memory_space<vmem>>, vector<16xf32>,
      tpu.vector_store %arg17[%swap3A_1996, %swap3A_1997], %broadcast_in_dim3A_12 {strides = array<i32>} : memref<64x64xf32, #tpu.memory_space<vmem>>, vector<16xf32>,
      %swap3A_1999 = arith.constant 17 : i32
      %swap3A_2000 = arith.index_cast %swap3A_1999 : i32 to index
      %swap3A_2001 = arith.constant 0 : index
      %swap3A_2002 = tpu.vector_load %arg17[%swap3A_2000, %swap3A_2001] {strides = array<i32>} : memref<64x64xf32, #tpu.memory_space<vmem>>, vector<16xf32>,
      tpu.vector_store %arg17[%swap3A_2000, %swap3A_2001], %broadcast_in_dim3A_12 {strides = array<i32>} : memref<64x64xf32, #tpu.memory_space<vmem>>, vector<16xf32>,
      %swap3A_2003 = arith.constant 17 : i32
      %swap3A_2004 = arith.index_cast %swap3A_2003 : i32 to index
      %swap3A_2005 = arith.constant 16 : index
      %swap3A_2006 = tpu.vector_load %arg17[%swap3A_2004, %swap3A_2005] {strides = array<i32>} : memref<64x64xf32, #tpu.memory_space<vmem>>, vector<16xf32>,
      tpu.vector_store %arg17[%swap3A_2004, %swap3A_2005], %broadcast_in_dim3A_12 {strides = array<i32>} : memref<64x64xf32, #tpu.memory_space<vmem>>, vector<16xf32>,
      %swap3A_2007 = arith.constant 17 : i32
      %swap3A_2008 = arith.index_cast %swap3A_2007 : i32 to index
      %swap3A_2009 = arith.constant 32 : index
      %swap3A_2010 = tpu.vector_load %arg17[%swap3A_2008, %swap3A_2009] {strides = array<i32>} : memref<64x64xf32, #tpu.memory_space<vmem>>, vector<16xf32>,
      tpu.vector_store %arg17[%swap3A_2008, %swap3A_2009], %broadcast_in_dim3A_12 {strides = array<i32>} : memref<64x64xf32, #tpu.memory_space<vmem>>, vector<16xf32>,
      %swap3A_2011 = arith.constant 17 : i32
      %swap3A_2012 = arith.index_cast %swap3A_2011 : i32 to index
      %swap3A_2013 = arith.constant 48 : index
      %swap3A_2014 = tpu.vector_load %arg17[%swap3A_2012, %swap3A_2013] {strides = array<i32>} : memref<64x64xf32, #tpu.memory_space<vmem>>, vector<16xf32>,
      tpu.vector_store %arg17[%swap3A_2012, %swap3A_2013], %broadcast_in_dim3A_12 {strides = array<i32>} : memref<64x64xf32, #tpu.memory_space<vmem>>, vector<16xf32>,
      %swap3A_2015 = arith.constant 18 : i32
      %swap3A_2016 = arith.index_cast %swap3A_2015 : i32 to index
      %swap3A_2017 = arith.constant 0 : index
      %swap3A_2018 = tpu.vector_load %arg17[%swap3A_2016, %swap3A_2017] {strides = array<i32>} : memref<64x64xf32, #tpu.memory_space<vmem>>, vector<16xf32>,
      tpu.vector_store %arg17[%swap3A_2016, %swap3A_2017], %broadcast_in_dim3A_12 {strides = array<i32>} : memref<64x64xf32, #tpu.memory_space<vmem>>, vector<16xf32>,
      %swap3A_2019 = arith.constant 18 : i32
      %swap3A_2020 = arith.index_cast %swap3A_2019 : i32 to index
      %swap3A_2021 = arith.constant 16 : index
      %swap3A_2022 = tpu.vector_load %arg17[%swap3A_2020, %swap3A_2021] {strides = array<i32>} : memref<64x64xf32, #tpu.memory_space<vmem>>, vector<16xf32>,
      tpu.vector_store %arg17[%swap3A_2020, %swap3A_2021], %broadcast_in_dim3A_12 {strides = array<i32>} : memref<64x64xf32, #tpu.memory_space<vmem>>, vector<16xf32>,
      %swap3A_2023 = arith.constant 18 : i32
      %swap3A_2024 = arith.index_cast %swap3A_2023 : i32 to index
      %swap3A_2025 = arith.constant 32 : index
      %swap3A_2026 = tpu.vector_load %arg17[%swap3A_2024, %swap3A_2025] {strides = array<i32>} : memref<64x64xf32, #tpu.memory_space<vmem>>, vector<16xf32>,
      tpu.vector_store %arg17[%swap3A_2024, %swap3A_2025], %broadcast_in_dim3A_12 {strides = array<i32>} : memref<64x64xf32, #tpu.memory_space<vmem>>, vector<16xf32>,
      %swap3A_2027 = arith.constant 18 : i32
      %swap3A_2028 = arith.index_cast %swap3A_2027 : i32 to index
      %swap3A_2029 = arith.constant 48 : index
      %swap3A_2030 = tpu.vector_load %arg17[%swap3A_2028, %swap3A_2029] {strides = array<i32>} : memref<64x64xf32, #tpu.memory_space<vmem>>, vector<16xf32>,
      tpu.vector_store %arg17[%swap3A_2028, %swap3A_2029], %broadcast_in_dim3A_12 {strides = array<i32>} : memref<64x64xf32, #tpu.memory_space<vmem>>, vector<16xf32>,
      %swap3A_2031 = arith.constant 19 : i32
      %swap3A_2032 = arith.index_cast %swap3A_2031 : i32 to index
      %swap3A_2033 = arith.constant 0 : index
      %swap3A_2034 = tpu.vector_load %arg17[%swap3A_2032, %swap3A_2033] {strides = array<i32>} : memref<64x64xf32, #tpu.memory_space<vmem>>, vector<16xf32>,
      tpu.vector_store %arg17[%swap3A_2032, %swap3A_2033], %broadcast_in_dim3A_12 {strides = array<i32>} : memref<64x64xf32, #tpu.memory_space<vmem>>, vector<16xf32>,
      %swap3A_2035 = arith.constant 19 : i32
      %swap3A_2036 = arith.index_cast %swap3A_2035 : i32 to index
      %swap3A_2037 = arith.constant 16 : index
      %swap3A_2038 = tpu.vector_load %arg17[%swap3A_2036, %swap3A_2037] {strides = array<i32>} : memref<64x64xf32, #tpu.memory_space<vmem>>, vector<16xf32>,
      tpu.vector_store %arg17[%swap3A_2036, %swap3A_2037], %broadcast_in_dim3A_12 {strides = array<i32>} : memref<64x64xf32, #tpu.memory_space<vmem>>, vector<16xf32>,
      %swap3A_2039 = arith.constant 19 : i32
      %swap3A_2040 = arith.index_cast %swap3A_2039 : i32 to index
      %swap3A_2041 = arith.constant 32 : index
      %swap3A_2042 = tpu.vector_load %arg17[%swap3A_2040, %swap3A_2041] {strides = array<i32>} : memref<64x64xf32, #tpu.memory_space<vmem>>, vector<16xf32>,
      tpu.vector_store %arg17[%swap3A_2040, %swap3A_2041], %broadcast_in_dim3A_12 {strides = array<i32>} : memref<64x64xf32, #tpu.memory_space<vmem>>, vector<16xf32>,
      %swap3A_2043 = arith.constant 19 : i32
      %swap3A_2044 = arith.index_cast %swap3A_2043 : i32 to index
      %swap3A_2045 = arith.constant 48 : index
      %swap3A_2046 = tpu.vector_load %arg17[%swap3A_2044, %swap3A_2045] {strides = array<i32>} : memref<64x64xf32, #tpu.memory_space<vmem>>, vector<16xf32>,
      tpu.vector_store %arg17[%swap3A_2044, %swap3A_2045], %broadcast_in_dim3A_12 {strides = array<i32>} : memref<64x64xf32, #tpu.memory_space<vmem>>, vector<16xf32>,
      %swap3A_2047 = arith.constant 20 : i32
      %swap3A_2048 = arith.index_cast %swap3A_2047 : i32 to index
      %swap3A_2049 = arith.constant 0 : index
      %swap3A_2050 = tpu.vector_load %arg17[%swap3A_2048, %swap3A_2049] {strides = array<i32>} : memref<64x64xf32, #tpu.memory_space<vmem>>, vector<16xf32>,
      tpu.vector_store %arg17[%swap3A_2048, %swap3A_2049], %broadcast_in_dim3A_12 {strides = array<i32>} : memref<64x64xf32, #tpu.memory_space<vmem>>, vector<16xf32>,
      %swap3A_2051 = arith.constant 20 : i32
      %swap3A_2052 = arith.index_cast %swap3A_2051 : i32 to index
      %swap3A_2053 = arith.constant 16 : index
      %swap3A_2054 = tpu.vector_load %arg17[%swap3A_2052, %swap3A_2053] {strides = array<i32>} : memref<64x64xf32, #tpu.memory_space<vmem>>, vector<16xf32>,
      tpu.vector_store %arg17[%swap3A_2052, %swap3A_2053], %broadcast_in_dim3A_12 {strides = array<i32>} : memref<64x64xf32, #tpu.memory_space<vmem>>, vector<16xf32>,
      %swap3A_2055 = arith.constant 20 : i32
      %swap3A_2056 = arith.index_cast %swap3A_2055 : i32 to index
      %swap3A_2057 = arith.constant 32 : index
      %swap3A_2058 = tpu.vector_load %arg17[%swap3A_2056, %swap3A_2057] {strides = array<i32>} : memref<64x64xf32, #tpu.memory_space<vmem>>, vector<16xf32>,
      tpu.vector_store %arg17[%swap3A_2056, %swap3A_2057], %broadcast_in_dim3A_12 {strides = array<i32>} : memref<64x64xf32, #tpu.memory_space<vmem>>, vector<16xf32>,
      %swap3A_2059 = arith.constant 20 : i32
      %swap3A_2060 = arith.index_cast %swap3A_2059 : i32 to index
      %swap3A_2061 = arith.constant 48 : index
      %swap3A_2062 = tpu.vector_load %arg17[%swap3A_2060, %swap3A_2061] {strides = array<i32>} : memref<64x64xf32, #tpu.memory_space<vmem>>, vector<16xf32>,
      tpu.vector_store %arg17[%swap3A_2060, %swap3A_2061], %broadcast_in_dim3A_12 {strides = array<i32>} : memref<64x64xf32, #tpu.memory_space<vmem>>, vector<16xf32>,
      %swap3A_2063 = arith.constant 21 : i32
      %swap3A_2064 = arith.index_cast %swap3A_2063 : i32 to index
      %swap3A_2065 = arith.constant 0 : index
      %swap3A_2066 = tpu.vector_load %arg17[%swap3A_2064, %swap3A_2065] {strides = array<i32>} : memref<64x64xf32, #tpu.memory_space<vmem>>, vector<16xf32>,
      tpu.vector_store %arg17[%swap3A_2064, %swap3A_2065], %broadcast_in_dim3A_12 {strides = array<i32>} : memref<64x64xf32, #tpu.memory_space<vmem>>, vector<16xf32>,
      %swap3A_2067 = arith.constant 21 : i32
      %swap3A_2068 = arith.index_cast %swap3A_2067 : i32 to index
      %swap3A_2069 = arith.constant 16 : index
      %swap3A_2070 = tpu.vector_load %arg17[%swap3A_2068, %swap3A_2069] {strides = array<i32>} : memref<64x64xf32, #tpu.memory_space<vmem>>, vector<16xf32>,
      tpu.vector_store %arg17[%swap3A_2068, %swap3A_2069], %broadcast_in_dim3A_12 {strides = array<i32>} : memref<64x64xf32, #tpu.memory_space<vmem>>, vector<16xf32>,
      %swap3A_2071 = arith.constant 21 : i32
      %swap3A_2072 = arith.index_cast %swap3A_2071 : i32 to index
      %swap3A_2073 = arith.constant 32 : index
      %swap3A_2074 = tpu.vector_load %arg17[%swap3A_2072, %swap3A_2073] {strides = array<i32>} : memref<64x64xf32, #tpu.memory_space<vmem>>, vector<16xf32>,
      tpu.vector_store %arg17[%swap3A_2072, %swap3A_2073], %broadcast_in_dim3A_12 {strides = array<i32>} : memref<64x64xf32, #tpu.memory_space<vmem>>, vector<16xf32>,
      %swap3A_2075 = arith.constant 21 : i32
      %swap3A_2076 = arith.index_cast %swap3A_2075 : i32 to index
      %swap3A_2077 = arith.constant 48 : index
      %swap3A_2078 = tpu.vector_load %arg17[%swap3A_2076, %swap3A_2077] {strides = array<i32>} : memref<64x64xf32, #tpu.memory_space<vmem>>, vector<16xf32>,
      tpu.vector_store %arg17[%swap3A_2076, %swap3A_2077], %broadcast_in_dim3A_12 {strides = array<i32>} : memref<64x64xf32, #tpu.memory_space<vmem>>, vector<16xf32>,
      %swap3A_2079 = arith.constant 22 : i32
      %swap3A_2080 = arith.index_cast %swap3A_2079 : i32 to index
      %swap3A_2081 = arith.constant 0 : index
      %swap3A_2082 = tpu.vector_load %arg17[%swap3A_2080, %swap3A_2081] {strides = array<i32>} : memref<64x64xf32, #tpu.memory_space<vmem>>, vector<16xf32>,
      tpu.vector_store %arg17[%swap3A_2080, %swap3A_2081], %broadcast_in_dim3A_12 {strides = array<i32>} : memref<64x64xf32, #tpu.memory_space<vmem>>, vector<16xf32>,
      %swap3A_2083 = arith.constant 22 : i32
      %swap3A_2084 = arith.index_cast %swap3A_2083 : i32 to index
      %swap3A_2085 = arith.constant 16 : index
      %swap3A_2086 = tpu.vector_load %arg17[%swap3A_2084, %swap3A_2085] {strides = array<i32>} : memref<64x64xf32, #tpu.memory_space<vmem>>, vector<16xf32>,
      tpu.vector_store %arg17[%swap3A_2084, %swap3A_2085], %broadcast_in_dim3A_12 {strides = array<i32>} : memref<64x64xf32, #tpu.memory_space<vmem>>, vector<16xf32>,
      %swap3A_2087 = arith.constant 22 : i32
      %swap3A_2088 = arith.index_cast %swap3A_2087 : i32 to index
      %swap3A_2089 = arith.constant 32 : index
      %swap3A_2090 = tpu.vector_load %arg17[%swap3A_2088, %swap3A_2089] {strides = array<i32>} : memref<64x64xf32, #tpu.memory_space<vmem>>, vector<16xf32>,
      tpu.vector_store %arg17[%swap3A_2088, %swap3A_2089], %broadcast_in_dim3A_12 {strides = array<i32>} : memref<64x64xf32, #tpu.memory_space<vmem>>, vector<16xf32>,
      %swap3A_2091 = arith.constant 22 : i32
      %swap3A_2092 = arith.index_cast %swap3A_2091 : i32 to index
      %swap3A_2093 = arith.constant 48 : index
      %swap3A_2094 = tpu.vector_load %arg17[%swap3A_2092, %swap3A_2093] {strides = array<i32>} : memref<64x64xf32, #tpu.memory_space<vmem>>, vector<16xf32>,
      tpu.vector_store %arg17[%swap3A_2092, %swap3A_2093], %broadcast_in_dim3A_12 {strides = array<i32>} : memref<64x64xf32, #tpu.memory_space<vmem>>, vector<16xf32>,
      %swap3A_2095 = arith.constant 23 : i32
      %swap3A_2096 = arith.index_cast %swap3A_2095 : i32 to index
      %swap3A_2097 = arith.constant 0 : index
      %swap3A_2098 = tpu.vector_load %arg17[%swap3A_2096, %swap3A_2097] {strides = array<i32>} : memref<64x64xf32, #tpu.memory_space<vmem>>, vector<16xf32>,
      tpu.vector_store %arg17[%swap3A_2096, %swap3A_2097], %broadcast_in_dim3A_12 {strides = array<i32>} : memref<64x64xf32, #tpu.memory_space<vmem>>, vector<16xf32>,
      %swap3A_2099 = arith.constant 23 : i32
      %swap3A_2100 = arith.index_cast %swap3A_2099 : i32 to index
      %swap3A_2101 = arith.constant 16 : index
      %swap3A_2102 = tpu.vector_load %arg17[%swap3A_2100, %swap3A_2101] {strides = array<i32>} : memref<64x64xf32, #tpu.memory_space<vmem>>, vector<16xf32>,
      tpu.vector_store %arg17[%swap3A_2100, %swap3A_2101], %broadcast_in_dim3A_12 {strides = array<i32>} : memref<64x64xf32, #tpu.memory_space<vmem>>, vector<16xf32>,
      %swap3A_2103 = arith.constant 23 : i32
      %swap3A_2104 = arith.index_cast %swap3A_2103 : i32 to index
      %swap3A_2105 = arith.constant 32 : index
      %swap3A_2106 = tpu.vector_load %arg17[%swap3A_2104, %swap3A_2105] {strides = array<i32>} : memref<64x64xf32, #tpu.memory_space<vmem>>, vector<16xf32>,
      tpu.vector_store %arg17[%swap3A_2104, %swap3A_2105], %broadcast_in_dim3A_12 {strides = array<i32>} : memref<64x64xf32, #tpu.memory_space<vmem>>, vector<16xf32>,
      %swap3A_2107 = arith.constant 23 : i32
      %swap3A_2108 = arith.index_cast %swap3A_2107 : i32 to index
      %swap3A_2109 = arith.constant 48 : index
      %swap3A_2110 = tpu.vector_load %arg17[%swap3A_2108, %swap3A_2109] {strides = array<i32>} : memref<64x64xf32, #tpu.memory_space<vmem>>, vector<16xf32>,
      tpu.vector_store %arg17[%swap3A_2108, %swap3A_2109], %broadcast_in_dim3A_12 {strides = array<i32>} : memref<64x64xf32, #tpu.memory_space<vmem>>, vector<16xf32>,
      %swap3A_2111 = arith.constant 24 : i32
      %swap3A_2112 = arith.index_cast %swap3A_2111 : i32 to index
      %swap3A_2113 = arith.constant 0 : index
      %swap3A_2114 = tpu.vector_load %arg17[%swap3A_2112, %swap3A_2113] {strides = array<i32>} : memref<64x64xf32, #tpu.memory_space<vmem>>, vector<16xf32>,
      tpu.vector_store %arg17[%swap3A_2112, %swap3A_2113], %broadcast_in_dim3A_12 {strides = array<i32>} : memref<64x64xf32, #tpu.memory_space<vmem>>, vector<16xf32>,
      %swap3A_2115 = arith.constant 24 : i32
      %swap3A_2116 = arith.index_cast %swap3A_2115 : i32 to index
      %swap3A_2117 = arith.constant 16 : index
      %swap3A_2118 = tpu.vector_load %arg17[%swap3A_2116, %swap3A_2117] {strides = array<i32>} : memref<64x64xf32, #tpu.memory_space<vmem>>, vector<16xf32>,
      tpu.vector_store %arg17[%swap3A_2116, %swap3A_2117], %broadcast_in_dim3A_12 {strides = array<i32>} : memref<64x64xf32, #tpu.memory_space<vmem>>, vector<16xf32>,
      %swap3A_2119 = arith.constant 24 : i32
      %swap3A_2120 = arith.index_cast %swap3A_2119 : i32 to index
      %swap3A_2121 = arith.constant 32 : index
      %swap3A_2122 = tpu.vector_load %arg17[%swap3A_2120, %swap3A_2121] {strides = array<i32>} : memref<64x64xf32, #tpu.memory_space<vmem>>, vector<16xf32>,
      tpu.vector_store %arg17[%swap3A_2120, %swap3A_2121], %broadcast_in_dim3A_12 {strides = array<i32>} : memref<64x64xf32, #tpu.memory_space<vmem>>, vector<16xf32>,
      %swap3A_2123 = arith.constant 24 : i32
      %swap3A_2124 = arith.index_cast %swap3A_2123 : i32 to index
      %swap3A_2125 = arith.constant 48 : index
      %swap3A_2126 = tpu.vector_load %arg17[%swap3A_2124, %swap3A_2125] {strides = array<i32>} : memref<64x64xf32, #tpu.memory_space<vmem>>, vector<16xf32>,
      tpu.vector_store %arg17[%swap3A_2124, %swap3A_2125], %broadcast_in_dim3A_12 {strides = array<i32>} : memref<64x64xf32, #tpu.memory_space<vmem>>, vector<16xf32>,
      %swap3A_2127 = arith.constant 25 : i32
      %swap3A_2128 = arith.index_cast %swap3A_2127 : i32 to index
      %swap3A_2129 = arith.constant 0 : index
      %swap3A_2130 = tpu.vector_load %arg17[%swap3A_2128, %swap3A_2129] {strides = array<i32>} : memref<64x64xf32, #tpu.memory_space<vmem>>, vector<16xf32>,
      tpu.vector_store %arg17[%swap3A_2128, %swap3A_2129], %broadcast_in_dim3A_12 {strides = array<i32>} : memref<64x64xf32, #tpu.memory_space<vmem>>, vector<16xf32>,
      %swap3A_2131 = arith.constant 25 : i32
      %swap3A_2132 = arith.index_cast %swap3A_2131 : i32 to index
      %swap3A_2133 = arith.constant 16 : index
      %swap3A_2134 = tpu.vector_load %arg17[%swap3A_2132, %swap3A_2133] {strides = array<i32>} : memref<64x64xf32, #tpu.memory_space<vmem>>, vector<16xf32>,
      tpu.vector_store %arg17[%swap3A_2132, %swap3A_2133], %broadcast_in_dim3A_12 {strides = array<i32>} : memref<64x64xf32, #tpu.memory_space<vmem>>, vector<16xf32>,
      %swap3A_2135 = arith.constant 25 : i32
      %swap3A_2136 = arith.index_cast %swap3A_2135 : i32 to index
      %swap3A_2137 = arith.constant 32 : index
      %swap3A_2138 = tpu.vector_load %arg17[%swap3A_2136, %swap3A_2137] {strides = array<i32>} : memref<64x64xf32, #tpu.memory_space<vmem>>, vector<16xf32>,
      tpu.vector_store %arg17[%swap3A_2136, %swap3A_2137], %broadcast_in_dim3A_12 {strides = array<i32>} : memref<64x64xf32, #tpu.memory_space<vmem>>, vector<16xf32>,
      %swap3A_2139 = arith.constant 25 : i32
      %swap3A_2140 = arith.index_cast %swap3A_2139 : i32 to index
      %swap3A_2141 = arith.constant 48 : index
      %swap3A_2142 = tpu.vector_load %arg17[%swap3A_2140, %swap3A_2141] {strides = array<i32>} : memref<64x64xf32, #tpu.memory_space<vmem>>, vector<16xf32>,
      tpu.vector_store %arg17[%swap3A_2140, %swap3A_2141], %broadcast_in_dim3A_12 {strides = array<i32>} : memref<64x64xf32, #tpu.memory_space<vmem>>, vector<16xf32>,
      %swap3A_2143 = arith.constant 26 : i32
      %swap3A_2144 = arith.index_cast %swap3A_2143 : i32 to index
      %swap3A_2145 = arith.constant 0 : index
      %swap3A_2146 = tpu.vector_load %arg17[%swap3A_2144, %swap3A_2145] {strides = array<i32>} : memref<64x64xf32, #tpu.memory_space<vmem>>, vector<16xf32>,
      tpu.vector_store %arg17[%swap3A_2144, %swap3A_2145], %broadcast_in_dim3A_12 {strides = array<i32>} : memref<64x64xf32, #tpu.memory_space<vmem>>, vector<16xf32>,
      %swap3A_2147 = arith.constant 26 : i32
      %swap3A_2148 = arith.index_cast %swap3A_2147 : i32 to index
      %swap3A_2149 = arith.constant 16 : index
      %swap3A_2150 = tpu.vector_load %arg17[%swap3A_2148, %swap3A_2149] {strides = array<i32>} : memref<64x64xf32, #tpu.memory_space<vmem>>, vector<16xf32>,
      tpu.vector_store %arg17[%swap3A_2148, %swap3A_2149], %broadcast_in_dim3A_12 {strides = array<i32>} : memref<64x64xf32, #tpu.memory_space<vmem>>, vector<16xf32>,
      %swap3A_2151 = arith.constant 26 : i32
      %swap3A_2152 = arith.index_cast %swap3A_2151 : i32 to index
      %swap3A_2153 = arith.constant 32 : index
      %swap3A_2154 = tpu.vector_load %arg17[%swap3A_2152, %swap3A_2153] {strides = array<i32>} : memref<64x64xf32, #tpu.memory_space<vmem>>, vector<16xf32>,
      tpu.vector_store %arg17[%swap3A_2152, %swap3A_2153], %broadcast_in_dim3A_12 {strides = array<i32>} : memref<64x64xf32, #tpu.memory_space<vmem>>, vector<16xf32>,
      %swap3A_2155 = arith.constant 26 : i32
      %swap3A_2156 = arith.index_cast %swap3A_2155 : i32 to index
      %swap3A_2157 = arith.constant 48 : index
      %swap3A_2158 = tpu.vector_load %arg17[%swap3A_2156, %swap3A_2157] {strides = array<i32>} : memref<64x64xf32, #tpu.memory_space<vmem>>, vector<16xf32>,
      tpu.vector_store %arg17[%swap3A_2156, %swap3A_2157], %broadcast_in_dim3A_12 {strides = array<i32>} : memref<64x64xf32, #tpu.memory_space<vmem>>, vector<16xf32>,
      %swap3A_2159 = arith.constant 27 : i32
      %swap3A_2160 = arith.index_cast %swap3A_2159 : i32 to index
      %swap3A_2161 = arith.constant 0 : index
      %swap3A_2162 = tpu.vector_load %arg17[%swap3A_2160, %swap3A_2161] {strides = array<i32>} : memref<64x64xf32, #tpu.memory_space<vmem>>, vector<16xf32>,
      tpu.vector_store %arg17[%swap3A_2160, %swap3A_2161], %broadcast_in_dim3A_12 {strides = array<i32>} : memref<64x64xf32, #tpu.memory_space<vmem>>, vector<16xf32>,
      %swap3A_2163 = arith.constant 27 : i32
      %swap3A_2164 = arith.index_cast %swap3A_2163 : i32 to index
      %swap3A_2165 = arith.constant 16 : index
      %swap3A_2166 = tpu.vector_load %arg17[%swap3A_2164, %swap3A_2165] {strides = array<i32>} : memref<64x64xf32, #tpu.memory_space<vmem>>, vector<16xf32>,
      tpu.vector_store %arg17[%swap3A_2164, %swap3A_2165], %broadcast_in_dim3A_12 {strides = array<i32>} : memref<64x64xf32, #tpu.memory_space<vmem>>, vector<16xf32>,
      %swap3A_2167 = arith.constant 27 : i32
      %swap3A_2168 = arith.index_cast %swap3A_2167 : i32 to index
      %swap3A_2169 = arith.constant 32 : index
      %swap3A_2170 = tpu.vector_load %arg17[%swap3A_2168, %swap3A_2169] {strides = array<i32>} : memref<64x64xf32, #tpu.memory_space<vmem>>, vector<16xf32>,
      tpu.vector_store %arg17[%swap3A_2168, %swap3A_2169], %broadcast_in_dim3A_12 {strides = array<i32>} : memref<64x64xf32, #tpu.memory_space<vmem>>, vector<16xf32>,
      %swap3A_2171 = arith.constant 27 : i32
      %swap3A_2172 = arith.index_cast %swap3A_2171 : i32 to index
      %swap3A_2173 = arith.constant 48 : index
      %swap3A_2174 = tpu.vector_load %arg17[%swap3A_2172, %swap3A_2173] {strides = array<i32>} : memref<64x64xf32, #tpu.memory_space<vmem>>, vector<16xf32>,
      tpu.vector_store %arg17[%swap3A_2172, %swap3A_2173], %broadcast_in_dim3A_12 {strides = array<i32>} : memref<64x64xf32, #tpu.memory_space<vmem>>, vector<16xf32>,
      %swap3A_2175 = arith.constant 28 : i32
      %swap3A_2176 = arith.index_cast %swap3A_2175 : i32 to index
      %swap3A_2177 = arith.constant 0 : index
      %swap3A_2178 = tpu.vector_load %arg17[%swap3A_2176, %swap3A_2177] {strides = array<i32>} : memref<64x64xf32, #tpu.memory_space<vmem>>, vector<16xf32>,
      tpu.vector_store %arg17[%swap3A_2176, %swap3A_2177], %broadcast_in_dim3A_12 {strides = array<i32>} : memref<64x64xf32, #tpu.memory_space<vmem>>, vector<16xf32>,
      %swap3A_2179 = arith.constant 28 : i32
      %swap3A_2180 = arith.index_cast %swap3A_2179 : i32 to index
      %swap3A_2181 = arith.constant 16 : index
      %swap3A_2182 = tpu.vector_load %arg17[%swap3A_2180, %swap3A_2181] {strides = array<i32>} : memref<64x64xf32, #tpu.memory_space<vmem>>, vector<16xf32>,
      tpu.vector_store %arg17[%swap3A_2180, %swap3A_2181], %broadcast_in_dim3A_12 {strides = array<i32>} : memref<64x64xf32, #tpu.memory_space<vmem>>, vector<16xf32>,
      %swap3A_2183 = arith.constant 28 : i32
      %swap3A_2184 = arith.index_cast %swap3A_2183 : i32 to index
      %swap3A_2185 = arith.constant 32 : index
      %swap3A_2186 = tpu.vector_load %arg17[%swap3A_2184, %swap3A_2185] {strides = array<i32>} : memref<64x64xf32, #tpu.memory_space<vmem>>, vector<16xf32>,
      tpu.vector_store %arg17[%swap3A_2184, %swap3A_2185], %broadcast_in_dim3A_12 {strides = array<i32>} : memref<64x64xf32, #tpu.memory_space<vmem>>, vector<16xf32>,
      %swap3A_2187 = arith.constant 28 : i32
      %swap3A_2188 = arith.index_cast %swap3A_2187 : i32 to index
      %swap3A_2189 = arith.constant 48 : index
      %swap3A_2190 = tpu.vector_load %arg17[%swap3A_2188, %swap3A_2189] {strides = array<i32>} : memref<64x64xf32, #tpu.memory_space<vmem>>, vector<16xf32>,
      tpu.vector_store %arg17[%swap3A_2188, %swap3A_2189], %broadcast_in_dim3A_12 {strides = array<i32>} : memref<64x64xf32, #tpu.memory_space<vmem>>, vector<16xf32>,
      %swap3A_2191 = arith.constant 29 : i32
      %swap3A_2192 = arith.index_cast %swap3A_2191 : i32 to index
      %swap3A_2193 = arith.constant 0 : index
      %swap3A_2194 = tpu.vector_load %arg17[%swap3A_2192, %swap3A_2193] {strides = array<i32>} : memref<64x64xf32, #tpu.memory_space<vmem>>, vector<16xf32>,
      tpu.vector_store %arg17[%swap3A_2192, %swap3A_2193], %broadcast_in_dim3A_12 {strides = array<i32>} : memref<64x64xf32, #tpu.memory_space<vmem>>, vector<16xf32>,
      %swap3A_2195 = arith.constant 29 : i32
      %swap3A_2196 = arith.index_cast %swap3A_2195 : i32 to index
      %swap3A_2197 = arith.constant 16 : index
      %swap3A_2198 = tpu.vector_load %arg17[%swap3A_2196, %swap3A_2197] {strides = array<i32>} : memref<64x64xf32, #tpu.memory_space<vmem>>, vector<16xf32>,
      tpu.vector_store %arg17[%swap3A_2196, %swap3A_2197], %broadcast_in_dim3A_12 {strides = array<i32>} : memref<64x64xf32, #tpu.memory_space<vmem>>, vector<16xf32>,
      %swap3A_2199 = arith.constant 29 : i32
      %swap3A_2200 = arith.index_cast %swap3A_2199 : i32 to index
      %swap3A_2201 = arith.constant 32 : index
      %swap3A_2202 = tpu.vector_load %arg17[%swap3A_2200, %swap3A_2201] {strides = array<i32>} : memref<64x64xf32, #tpu.memory_space<vmem>>, vector<16xf32>,
      tpu.vector_store %arg17[%swap3A_2200, %swap3A_2201], %broadcast_in_dim3A_12 {strides = array<i32>} : memref<64x64xf32, #tpu.memory_space<vmem>>, vector<16xf32>,
      %swap3A_2203 = arith.constant 29 : i32
      %swap3A_2204 = arith.index_cast %swap3A_2203 : i32 to index
      %swap3A_2205 = arith.constant 48 : index
      %swap3A_2206 = tpu.vector_load %arg17[%swap3A_2204, %swap3A_2205] {strides = array<i32>} : memref<64x64xf32, #tpu.memory_space<vmem>>, vector<16xf32>,
      tpu.vector_store %arg17[%swap3A_2204, %swap3A_2205], %broadcast_in_dim3A_12 {strides = array<i32>} : memref<64x64xf32, #tpu.memory_space<vmem>>, vector<16xf32>,
      %swap3A_2207 = arith.constant 30 : i32
      %swap3A_2208 = arith.index_cast %swap3A_2207 : i32 to index
      %swap3A_2209 = arith.constant 0 : index
      %swap3A_2210 = tpu.vector_load %arg17[%swap3A_2208, %swap3A_2209] {strides = array<i32>} : memref<64x64xf32, #tpu.memory_space<vmem>>, vector<16xf32>,
      tpu.vector_store %arg17[%swap3A_2208, %swap3A_2209], %broadcast_in_dim3A_12 {strides = array<i32>} : memref<64x64xf32, #tpu.memory_space<vmem>>, vector<16xf32>,
      %swap3A_2211 = arith.constant 30 : i32
      %swap3A_2212 = arith.index_cast %swap3A_2211 : i32 to index
      %swap3A_2213 = arith.constant 16 : index
      %swap3A_2214 = tpu.vector_load %arg17[%swap3A_2212, %swap3A_2213] {strides = array<i32>} : memref<64x64xf32, #tpu.memory_space<vmem>>, vector<16xf32>,
      tpu.vector_store %arg17[%swap3A_2212, %swap3A_2213], %broadcast_in_dim3A_12 {strides = array<i32>} : memref<64x64xf32, #tpu.memory_space<vmem>>, vector<16xf32>,
      %swap3A_2215 = arith.constant 30 : i32
      %swap3A_2216 = arith.index_cast %swap3A_2215 : i32 to index
      %swap3A_2217 = arith.constant 32 : index
      %swap3A_2218 = tpu.vector_load %arg17[%swap3A_2216, %swap3A_2217] {strides = array<i32>} : memref<64x64xf32, #tpu.memory_space<vmem>>, vector<16xf32>,
      tpu.vector_store %arg17[%swap3A_2216, %swap3A_2217], %broadcast_in_dim3A_12 {strides = array<i32>} : memref<64x64xf32, #tpu.memory_space<vmem>>, vector<16xf32>,
      %swap3A_2219 = arith.constant 30 : i32
      %swap3A_2220 = arith.index_cast %swap3A_2219 : i32 to index
      %swap3A_2221 = arith.constant 48 : index
      %swap3A_2222 = tpu.vector_load %arg17[%swap3A_2220, %swap3A_2221] {strides = array<i32>} : memref<64x64xf32, #tpu.memory_space<vmem>>, vector<16xf32>,
      tpu.vector_store %arg17[%swap3A_2220, %swap3A_2221], %broadcast_in_dim3A_12 {strides = array<i32>} : memref<64x64xf32, #tpu.memory_space<vmem>>, vector<16xf32>,
      %swap3A_2223 = arith.constant 31 : i32
      %swap3A_2224 = arith.index_cast %swap3A_2223 : i32 to index
      %swap3A_2225 = arith.constant 0 : index
      %swap3A_2226 = tpu.vector_load %arg17[%swap3A_2224, %swap3A_2225] {strides = array<i32>} : memref<64x64xf32, #tpu.memory_space<vmem>>, vector<16xf32>,
      tpu.vector_store %arg17[%swap3A_2224, %swap3A_2225], %broadcast_in_dim3A_12 {strides = array<i32>} : memref<64x64xf32, #tpu.memory_space<vmem>>, vector<16xf32>,
      %swap3A_2227 = arith.constant 31 : i32
      %swap3A_2228 = arith.index_cast %swap3A_2227 : i32 to index
      %swap3A_2229 = arith.constant 16 : index
      %swap3A_2230 = tpu.vector_load %arg17[%swap3A_2228, %swap3A_2229] {strides = array<i32>} : memref<64x64xf32, #tpu.memory_space<vmem>>, vector<16xf32>,
      tpu.vector_store %arg17[%swap3A_2228, %swap3A_2229], %broadcast_in_dim3A_12 {strides = array<i32>} : memref<64x64xf32, #tpu.memory_space<vmem>>, vector<16xf32>,
      %swap3A_2231 = arith.constant 31 : i32
      %swap3A_2232 = arith.index_cast %swap3A_2231 : i32 to index
      %swap3A_2233 = arith.constant 32 : index
      %swap3A_2234 = tpu.vector_load %arg17[%swap3A_2232, %swap3A_2233] {strides = array<i32>} : memref<64x64xf32, #tpu.memory_space<vmem>>, vector<16xf32>,
      tpu.vector_store %arg17[%swap3A_2232, %swap3A_2233], %broadcast_in_dim3A_12 {strides = array<i32>} : memref<64x64xf32, #tpu.memory_space<vmem>>, vector<16xf32>,
      %swap3A_2235 = arith.constant 31 : i32
      %swap3A_2236 = arith.index_cast %swap3A_2235 : i32 to index
      %swap3A_2237 = arith.constant 48 : index
      %swap3A_2238 = tpu.vector_load %arg17[%swap3A_2236, %swap3A_2237] {strides = array<i32>} : memref<64x64xf32, #tpu.memory_space<vmem>>, vector<16xf32>,
      tpu.vector_store %arg17[%swap3A_2236, %swap3A_2237], %broadcast_in_dim3A_12 {strides = array<i32>} : memref<64x64xf32, #tpu.memory_space<vmem>>, vector<16xf32>,
      %swap3A_2239 = arith.constant 32 : i32
      %swap3A_2240 = arith.index_cast %swap3A_2239 : i32 to index
      %swap3A_2241 = arith.constant 0 : index
      %swap3A_2242 = tpu.vector_load %arg17[%swap3A_2240, %swap3A_2241] {strides = array<i32>} : memref<64x64xf32, #tpu.memory_space<vmem>>, vector<16xf32>,
      tpu.vector_store %arg17[%swap3A_2240, %swap3A_2241], %broadcast_in_dim3A_12 {strides = array<i32>} : memref<64x64xf32, #tpu.memory_space<vmem>>, vector<16xf32>,
      %swap3A_2243 = arith.constant 32 : i32
      %swap3A_2244 = arith.index_cast %swap3A_2243 : i32 to index
      %swap3A_2245 = arith.constant 16 : index
      %swap3A_2246 = tpu.vector_load %arg17[%swap3A_2244, %swap3A_2245] {strides = array<i32>} : memref<64x64xf32, #tpu.memory_space<vmem>>, vector<16xf32>,
      tpu.vector_store %arg17[%swap3A_2244, %swap3A_2245], %broadcast_in_dim3A_12 {strides = array<i32>} : memref<64x64xf32, #tpu.memory_space<vmem>>, vector<16xf32>,
      %swap3A_2247 = arith.constant 32 : i32
      %swap3A_2248 = arith.index_cast %swap3A_2247 : i32 to index
      %swap3A_2249 = arith.constant 32 : index
      %swap3A_2250 = tpu.vector_load %arg17[%swap3A_2248, %swap3A_2249] {strides = array<i32>} : memref<64x64xf32, #tpu.memory_space<vmem>>, vector<16xf32>,
      tpu.vector_store %arg17[%swap3A_2248, %swap3A_2249], %broadcast_in_dim3A_12 {strides = array<i32>} : memref<64x64xf32, #tpu.memory_space<vmem>>, vector<16xf32>,
      %swap3A_2251 = arith.constant 32 : i32
      %swap3A_2252 = arith.index_cast %swap3A_2251 : i32 to index
      %swap3A_2253 = arith.constant 48 : index
      %swap3A_2254 = tpu.vector_load %arg17[%swap3A_2252, %swap3A_2253] {strides = array<i32>} : memref<64x64xf32, #tpu.memory_space<vmem>>, vector<16xf32>,
      tpu.vector_store %arg17[%swap3A_2252, %swap3A_2253], %broadcast_in_dim3A_12 {strides = array<i32>} : memref<64x64xf32, #tpu.memory_space<vmem>>, vector<16xf32>,
      %swap3A_2255 = arith.constant 33 : i32
      %swap3A_2256 = arith.index_cast %swap3A_2255 : i32 to index
      %swap3A_2257 = arith.constant 0 : index
      %swap3A_2258 = tpu.vector_load %arg17[%swap3A_2256, %swap3A_2257] {strides = array<i32>} : memref<64x64xf32, #tpu.memory_space<vmem>>, vector<16xf32>,
      tpu.vector_store %arg17[%swap3A_2256, %swap3A_2257], %broadcast_in_dim3A_12 {strides = array<i32>} : memref<64x64xf32, #tpu.memory_space<vmem>>, vector<16xf32>,
      %swap3A_2259 = arith.constant 33 : i32
      %swap3A_2260 = arith.index_cast %swap3A_2259 : i32 to index
      %swap3A_2261 = arith.constant 16 : index
      %swap3A_2262 = tpu.vector_load %arg17[%swap3A_2260, %swap3A_2261] {strides = array<i32>} : memref<64x64xf32, #tpu.memory_space<vmem>>, vector<16xf32>,
      tpu.vector_store %arg17[%swap3A_2260, %swap3A_2261], %broadcast_in_dim3A_12 {strides = array<i32>} : memref<64x64xf32, #tpu.memory_space<vmem>>, vector<16xf32>,
      %swap3A_2263 = arith.constant 33 : i32
      %swap3A_2264 = arith.index_cast %swap3A_2263 : i32 to index
      %swap3A_2265 = arith.constant 32 : index
      %swap3A_2266 = tpu.vector_load %arg17[%swap3A_2264, %swap3A_2265] {strides = array<i32>} : memref<64x64xf32, #tpu.memory_space<vmem>>, vector<16xf32>,
      tpu.vector_store %arg17[%swap3A_2264, %swap3A_2265], %broadcast_in_dim3A_12 {strides = array<i32>} : memref<64x64xf32, #tpu.memory_space<vmem>>, vector<16xf32>,
      %swap3A_2267 = arith.constant 33 : i32
      %swap3A_2268 = arith.index_cast %swap3A_2267 : i32 to index
      %swap3A_2269 = arith.constant 48 : index
      %swap3A_2270 = tpu.vector_load %arg17[%swap3A_2268, %swap3A_2269] {strides = array<i32>} : memref<64x64xf32, #tpu.memory_space<vmem>>, vector<16xf32>,
      tpu.vector_store %arg17[%swap3A_2268, %swap3A_2269], %broadcast_in_dim3A_12 {strides = array<i32>} : memref<64x64xf32, #tpu.memory_space<vmem>>, vector<16xf32>,
      %swap3A_2271 = arith.constant 34 : i32
      %swap3A_2272 = arith.index_cast %swap3A_2271 : i32 to index
      %swap3A_2273 = arith.constant 0 : index
      %swap3A_2274 = tpu.vector_load %arg17[%swap3A_2272, %swap3A_2273] {strides = array<i32>} : memref<64x64xf32, #tpu.memory_space<vmem>>, vector<16xf32>,
      tpu.vector_store %arg17[%swap3A_2272, %swap3A_2273], %broadcast_in_dim3A_12 {strides = array<i32>} : memref<64x64xf32, #tpu.memory_space<vmem>>, vector<16xf32>,
      %swap3A_2275 = arith.constant 34 : i32
      %swap3A_2276 = arith.index_cast %swap3A_2275 : i32 to index
      %swap3A_2277 = arith.constant 16 : index
      %swap3A_2278 = tpu.vector_load %arg17[%swap3A_2276, %swap3A_2277] {strides = array<i32>} : memref<64x64xf32, #tpu.memory_space<vmem>>, vector<16xf32>,
      tpu.vector_store %arg17[%swap3A_2276, %swap3A_2277], %broadcast_in_dim3A_12 {strides = array<i32>} : memref<64x64xf32, #tpu.memory_space<vmem>>, vector<16xf32>,
      %swap3A_2279 = arith.constant 34 : i32
      %swap3A_2280 = arith.index_cast %swap3A_2279 : i32 to index
      %swap3A_2281 = arith.constant 32 : index
      %swap3A_2282 = tpu.vector_load %arg17[%swap3A_2280, %swap3A_2281] {strides = array<i32>} : memref<64x64xf32, #tpu.memory_space<vmem>>, vector<16xf32>,
      tpu.vector_store %arg17[%swap3A_2280, %swap3A_2281], %broadcast_in_dim3A_12 {strides = array<i32>} : memref<64x64xf32, #tpu.memory_space<vmem>>, vector<16xf32>,
      %swap3A_2283 = arith.constant 34 : i32
      %swap3A_2284 = arith.index_cast %swap3A_2283 : i32 to index
      %swap3A_2285 = arith.constant 48 : index
      %swap3A_2286 = tpu.vector_load %arg17[%swap3A_2284, %swap3A_2285] {strides = array<i32>} : memref<64x64xf32, #tpu.memory_space<vmem>>, vector<16xf32>,
      tpu.vector_store %arg17[%swap3A_2284, %swap3A_2285], %broadcast_in_dim3A_12 {strides = array<i32>} : memref<64x64xf32, #tpu.memory_space<vmem>>, vector<16xf32>,
      %swap3A_2287 = arith.constant 35 : i32
      %swap3A_2288 = arith.index_cast %swap3A_2287 : i32 to index
      %swap3A_2289 = arith.constant 0 : index
      %swap3A_2290 = tpu.vector_load %arg17[%swap3A_2288, %swap3A_2289] {strides = array<i32>} : memref<64x64xf32, #tpu.memory_space<vmem>>, vector<16xf32>,
      tpu.vector_store %arg17[%swap3A_2288, %swap3A_2289], %broadcast_in_dim3A_12 {strides = array<i32>} : memref<64x64xf32, #tpu.memory_space<vmem>>, vector<16xf32>,
      %swap3A_2291 = arith.constant 35 : i32
      %swap3A_2292 = arith.index_cast %swap3A_2291 : i32 to index
      %swap3A_2293 = arith.constant 16 : index
      %swap3A_2294 = tpu.vector_load %arg17[%swap3A_2292, %swap3A_2293] {strides = array<i32>} : memref<64x64xf32, #tpu.memory_space<vmem>>, vector<16xf32>,
      tpu.vector_store %arg17[%swap3A_2292, %swap3A_2293], %broadcast_in_dim3A_12 {strides = array<i32>} : memref<64x64xf32, #tpu.memory_space<vmem>>, vector<16xf32>,
      %swap3A_2295 = arith.constant 35 : i32
      %swap3A_2296 = arith.index_cast %swap3A_2295 : i32 to index
      %swap3A_2297 = arith.constant 32 : index
      %swap3A_2298 = tpu.vector_load %arg17[%swap3A_2296, %swap3A_2297] {strides = array<i32>} : memref<64x64xf32, #tpu.memory_space<vmem>>, vector<16xf32>,
      tpu.vector_store %arg17[%swap3A_2296, %swap3A_2297], %broadcast_in_dim3A_12 {strides = array<i32>} : memref<64x64xf32, #tpu.memory_space<vmem>>, vector<16xf32>,
      %swap3A_2299 = arith.constant 35 : i32
      %swap3A_2300 = arith.index_cast %swap3A_2299 : i32 to index
      %swap3A_2301 = arith.constant 48 : index
      %swap3A_2302 = tpu.vector_load %arg17[%swap3A_2300, %swap3A_2301] {strides = array<i32>} : memref<64x64xf32, #tpu.memory_space<vmem>>, vector<16xf32>,
      tpu.vector_store %arg17[%swap3A_2300, %swap3A_2301], %broadcast_in_dim3A_12 {strides = array<i32>} : memref<64x64xf32, #tpu.memory_space<vmem>>, vector<16xf32>,
      %swap3A_2303 = arith.constant 36 : i32
      %swap3A_2304 = arith.index_cast %swap3A_2303 : i32 to index
      %swap3A_2305 = arith.constant 0 : index
      %swap3A_2306 = tpu.vector_load %arg17[%swap3A_2304, %swap3A_2305] {strides = array<i32>} : memref<64x64xf32, #tpu.memory_space<vmem>>, vector<16xf32>,
      tpu.vector_store %arg17[%swap3A_2304, %swap3A_2305], %broadcast_in_dim3A_12 {strides = array<i32>} : memref<64x64xf32, #tpu.memory_space<vmem>>, vector<16xf32>,
      %swap3A_2307 = arith.constant 36 : i32
      %swap3A_2308 = arith.index_cast %swap3A_2307 : i32 to index
      %swap3A_2309 = arith.constant 16 : index
      %swap3A_2310 = tpu.vector_load %arg17[%swap3A_2308, %swap3A_2309] {strides = array<i32>} : memref<64x64xf32, #tpu.memory_space<vmem>>, vector<16xf32>,
      tpu.vector_store %arg17[%swap3A_2308, %swap3A_2309], %broadcast_in_dim3A_12 {strides = array<i32>} : memref<64x64xf32, #tpu.memory_space<vmem>>, vector<16xf32>,
      %swap3A_2311 = arith.constant 36 : i32
      %swap3A_2312 = arith.index_cast %swap3A_2311 : i32 to index
      %swap3A_2313 = arith.constant 32 : index
      %swap3A_2314 = tpu.vector_load %arg17[%swap3A_2312, %swap3A_2313] {strides = array<i32>} : memref<64x64xf32, #tpu.memory_space<vmem>>, vector<16xf32>,
      tpu.vector_store %arg17[%swap3A_2312, %swap3A_2313], %broadcast_in_dim3A_12 {strides = array<i32>} : memref<64x64xf32, #tpu.memory_space<vmem>>, vector<16xf32>,
      %swap3A_2315 = arith.constant 36 : i32
      %swap3A_2316 = arith.index_cast %swap3A_2315 : i32 to index
      %swap3A_2317 = arith.constant 48 : index
      %swap3A_2318 = tpu.vector_load %arg17[%swap3A_2316, %swap3A_2317] {strides = array<i32>} : memref<64x64xf32, #tpu.memory_space<vmem>>, vector<16xf32>,
      tpu.vector_store %arg17[%swap3A_2316, %swap3A_2317], %broadcast_in_dim3A_12 {strides = array<i32>} : memref<64x64xf32, #tpu.memory_space<vmem>>, vector<16xf32>,
      %swap3A_2319 = arith.constant 37 : i32
      %swap3A_2320 = arith.index_cast %swap3A_2319 : i32 to index
      %swap3A_2321 = arith.constant 0 : index
      %swap3A_2322 = tpu.vector_load %arg17[%swap3A_2320, %swap3A_2321] {strides = array<i32>} : memref<64x64xf32, #tpu.memory_space<vmem>>, vector<16xf32>,
      tpu.vector_store %arg17[%swap3A_2320, %swap3A_2321], %broadcast_in_dim3A_12 {strides = array<i32>} : memref<64x64xf32, #tpu.memory_space<vmem>>, vector<16xf32>,
      %swap3A_2323 = arith.constant 37 : i32
      %swap3A_2324 = arith.index_cast %swap3A_2323 : i32 to index
      %swap3A_2325 = arith.constant 16 : index
      %swap3A_2326 = tpu.vector_load %arg17[%swap3A_2324, %swap3A_2325] {strides = array<i32>} : memref<64x64xf32, #tpu.memory_space<vmem>>, vector<16xf32>,
      tpu.vector_store %arg17[%swap3A_2324, %swap3A_2325], %broadcast_in_dim3A_12 {strides = array<i32>} : memref<64x64xf32, #tpu.memory_space<vmem>>, vector<16xf32>,
      %swap3A_2327 = arith.constant 37 : i32
      %swap3A_2328 = arith.index_cast %swap3A_2327 : i32 to index
      %swap3A_2329 = arith.constant 32 : index
      %swap3A_2330 = tpu.vector_load %arg17[%swap3A_2328, %swap3A_2329] {strides = array<i32>} : memref<64x64xf32, #tpu.memory_space<vmem>>, vector<16xf32>,
      tpu.vector_store %arg17[%swap3A_2328, %swap3A_2329], %broadcast_in_dim3A_12 {strides = array<i32>} : memref<64x64xf32, #tpu.memory_space<vmem>>, vector<16xf32>,
      %swap3A_2331 = arith.constant 37 : i32
      %swap3A_2332 = arith.index_cast %swap3A_2331 : i32 to index
      %swap3A_2333 = arith.constant 48 : index
      %swap3A_2334 = tpu.vector_load %arg17[%swap3A_2332, %swap3A_2333] {strides = array<i32>} : memref<64x64xf32, #tpu.memory_space<vmem>>, vector<16xf32>,
      tpu.vector_store %arg17[%swap3A_2332, %swap3A_2333], %broadcast_in_dim3A_12 {strides = array<i32>} : memref<64x64xf32, #tpu.memory_space<vmem>>, vector<16xf32>,
      %swap3A_2335 = arith.constant 38 : i32
      %swap3A_2336 = arith.index_cast %swap3A_2335 : i32 to index
      %swap3A_2337 = arith.constant 0 : index
      %swap3A_2338 = tpu.vector_load %arg17[%swap3A_2336, %swap3A_2337] {strides = array<i32>} : memref<64x64xf32, #tpu.memory_space<vmem>>, vector<16xf32>,
      tpu.vector_store %arg17[%swap3A_2336, %swap3A_2337], %broadcast_in_dim3A_12 {strides = array<i32>} : memref<64x64xf32, #tpu.memory_space<vmem>>, vector<16xf32>,
      %swap3A_2339 = arith.constant 38 : i32
      %swap3A_2340 = arith.index_cast %swap3A_2339 : i32 to index
      %swap3A_2341 = arith.constant 16 : index
      %swap3A_2342 = tpu.vector_load %arg17[%swap3A_2340, %swap3A_2341] {strides = array<i32>} : memref<64x64xf32, #tpu.memory_space<vmem>>, vector<16xf32>,
      tpu.vector_store %arg17[%swap3A_2340, %swap3A_2341], %broadcast_in_dim3A_12 {strides = array<i32>} : memref<64x64xf32, #tpu.memory_space<vmem>>, vector<16xf32>,
      %swap3A_2343 = arith.constant 38 : i32
      %swap3A_2344 = arith.index_cast %swap3A_2343 : i32 to index
      %swap3A_2345 = arith.constant 32 : index
      %swap3A_2346 = tpu.vector_load %arg17[%swap3A_2344, %swap3A_2345] {strides = array<i32>} : memref<64x64xf32, #tpu.memory_space<vmem>>, vector<16xf32>,
      tpu.vector_store %arg17[%swap3A_2344, %swap3A_2345], %broadcast_in_dim3A_12 {strides = array<i32>} : memref<64x64xf32, #tpu.memory_space<vmem>>, vector<16xf32>,
      %swap3A_2347 = arith.constant 38 : i32
      %swap3A_2348 = arith.index_cast %swap3A_2347 : i32 to index
      %swap3A_2349 = arith.constant 48 : index
      %swap3A_2350 = tpu.vector_load %arg17[%swap3A_2348, %swap3A_2349] {strides = array<i32>} : memref<64x64xf32, #tpu.memory_space<vmem>>, vector<16xf32>,
      tpu.vector_store %arg17[%swap3A_2348, %swap3A_2349], %broadcast_in_dim3A_12 {strides = array<i32>} : memref<64x64xf32, #tpu.memory_space<vmem>>, vector<16xf32>,
      %swap3A_2351 = arith.constant 39 : i32
      %swap3A_2352 = arith.index_cast %swap3A_2351 : i32 to index
      %swap3A_2353 = arith.constant 0 : index
      %swap3A_2354 = tpu.vector_load %arg17[%swap3A_2352, %swap3A_2353] {strides = array<i32>} : memref<64x64xf32, #tpu.memory_space<vmem>>, vector<16xf32>,
      tpu.vector_store %arg17[%swap3A_2352, %swap3A_2353], %broadcast_in_dim3A_12 {strides = array<i32>} : memref<64x64xf32, #tpu.memory_space<vmem>>, vector<16xf32>,
      %swap3A_2355 = arith.constant 39 : i32
      %swap3A_2356 = arith.index_cast %swap3A_2355 : i32 to index
      %swap3A_2357 = arith.constant 16 : index
      %swap3A_2358 = tpu.vector_load %arg17[%swap3A_2356, %swap3A_2357] {strides = array<i32>} : memref<64x64xf32, #tpu.memory_space<vmem>>, vector<16xf32>,
      tpu.vector_store %arg17[%swap3A_2356, %swap3A_2357], %broadcast_in_dim3A_12 {strides = array<i32>} : memref<64x64xf32, #tpu.memory_space<vmem>>, vector<16xf32>,
      %swap3A_2359 = arith.constant 39 : i32
      %swap3A_2360 = arith.index_cast %swap3A_2359 : i32 to index
      %swap3A_2361 = arith.constant 32 : index
      %swap3A_2362 = tpu.vector_load %arg17[%swap3A_2360, %swap3A_2361] {strides = array<i32>} : memref<64x64xf32, #tpu.memory_space<vmem>>, vector<16xf32>,
      tpu.vector_store %arg17[%swap3A_2360, %swap3A_2361], %broadcast_in_dim3A_12 {strides = array<i32>} : memref<64x64xf32, #tpu.memory_space<vmem>>, vector<16xf32>,
      %swap3A_2363 = arith.constant 39 : i32
      %swap3A_2364 = arith.index_cast %swap3A_2363 : i32 to index
      %swap3A_2365 = arith.constant 48 : index
      %swap3A_2366 = tpu.vector_load %arg17[%swap3A_2364, %swap3A_2365] {strides = array<i32>} : memref<64x64xf32, #tpu.memory_space<vmem>>, vector<16xf32>,
      tpu.vector_store %arg17[%swap3A_2364, %swap3A_2365], %broadcast_in_dim3A_12 {strides = array<i32>} : memref<64x64xf32, #tpu.memory_space<vmem>>, vector<16xf32>,
      %swap3A_2367 = arith.constant 40 : i32
      %swap3A_2368 = arith.index_cast %swap3A_2367 : i32 to index
      %swap3A_2369 = arith.constant 0 : index
      %swap3A_2370 = tpu.vector_load %arg17[%swap3A_2368, %swap3A_2369] {strides = array<i32>} : memref<64x64xf32, #tpu.memory_space<vmem>>, vector<16xf32>,
      tpu.vector_store %arg17[%swap3A_2368, %swap3A_2369], %broadcast_in_dim3A_12 {strides = array<i32>} : memref<64x64xf32, #tpu.memory_space<vmem>>, vector<16xf32>,
      %swap3A_2371 = arith.constant 40 : i32
      %swap3A_2372 = arith.index_cast %swap3A_2371 : i32 to index
      %swap3A_2373 = arith.constant 16 : index
      %swap3A_2374 = tpu.vector_load %arg17[%swap3A_2372, %swap3A_2373] {strides = array<i32>} : memref<64x64xf32, #tpu.memory_space<vmem>>, vector<16xf32>,
      tpu.vector_store %arg17[%swap3A_2372, %swap3A_2373], %broadcast_in_dim3A_12 {strides = array<i32>} : memref<64x64xf32, #tpu.memory_space<vmem>>, vector<16xf32>,
      %swap3A_2375 = arith.constant 40 : i32
      %swap3A_2376 = arith.index_cast %swap3A_2375 : i32 to index
      %swap3A_2377 = arith.constant 32 : index
      %swap3A_2378 = tpu.vector_load %arg17[%swap3A_2376, %swap3A_2377] {strides = array<i32>} : memref<64x64xf32, #tpu.memory_space<vmem>>, vector<16xf32>,
      tpu.vector_store %arg17[%swap3A_2376, %swap3A_2377], %broadcast_in_dim3A_12 {strides = array<i32>} : memref<64x64xf32, #tpu.memory_space<vmem>>, vector<16xf32>,
      %swap3A_2379 = arith.constant 40 : i32
      %swap3A_2380 = arith.index_cast %swap3A_2379 : i32 to index
      %swap3A_2381 = arith.constant 48 : index
      %swap3A_2382 = tpu.vector_load %arg17[%swap3A_2380, %swap3A_2381] {strides = array<i32>} : memref<64x64xf32, #tpu.memory_space<vmem>>, vector<16xf32>,
      tpu.vector_store %arg17[%swap3A_2380, %swap3A_2381], %broadcast_in_dim3A_12 {strides = array<i32>} : memref<64x64xf32, #tpu.memory_space<vmem>>, vector<16xf32>,
      %swap3A_2383 = arith.constant 41 : i32
      %swap3A_2384 = arith.index_cast %swap3A_2383 : i32 to index
      %swap3A_2385 = arith.constant 0 : index
      %swap3A_2386 = tpu.vector_load %arg17[%swap3A_2384, %swap3A_2385] {strides = array<i32>} : memref<64x64xf32, #tpu.memory_space<vmem>>, vector<16xf32>,
      tpu.vector_store %arg17[%swap3A_2384, %swap3A_2385], %broadcast_in_dim3A_12 {strides = array<i32>} : memref<64x64xf32, #tpu.memory_space<vmem>>, vector<16xf32>,
      %swap3A_2387 = arith.constant 41 : i32
      %swap3A_2388 = arith.index_cast %swap3A_2387 : i32 to index
      %swap3A_2389 = arith.constant 16 : index
      %swap3A_2390 = tpu.vector_load %arg17[%swap3A_2388, %swap3A_2389] {strides = array<i32>} : memref<64x64xf32, #tpu.memory_space<vmem>>, vector<16xf32>,
      tpu.vector_store %arg17[%swap3A_2388, %swap3A_2389], %broadcast_in_dim3A_12 {strides = array<i32>} : memref<64x64xf32, #tpu.memory_space<vmem>>, vector<16xf32>,
      %swap3A_2391 = arith.constant 41 : i32
      %swap3A_2392 = arith.index_cast %swap3A_2391 : i32 to index
      %swap3A_2393 = arith.constant 32 : index
      %swap3A_2394 = tpu.vector_load %arg17[%swap3A_2392, %swap3A_2393] {strides = array<i32>} : memref<64x64xf32, #tpu.memory_space<vmem>>, vector<16xf32>,
      tpu.vector_store %arg17[%swap3A_2392, %swap3A_2393], %broadcast_in_dim3A_12 {strides = array<i32>} : memref<64x64xf32, #tpu.memory_space<vmem>>, vector<16xf32>,
      %swap3A_2395 = arith.constant 41 : i32
      %swap3A_2396 = arith.index_cast %swap3A_2395 : i32 to index
      %swap3A_2397 = arith.constant 48 : index
      %swap3A_2398 = tpu.vector_load %arg17[%swap3A_2396, %swap3A_2397] {strides = array<i32>} : memref<64x64xf32, #tpu.memory_space<vmem>>, vector<16xf32>,
      tpu.vector_store %arg17[%swap3A_2396, %swap3A_2397], %broadcast_in_dim3A_12 {strides = array<i32>} : memref<64x64xf32, #tpu.memory_space<vmem>>, vector<16xf32>,
      %swap3A_2399 = arith.constant 42 : i32
      %swap3A_2400 = arith.index_cast %swap3A_2399 : i32 to index
      %swap3A_2401 = arith.constant 0 : index
      %swap3A_2402 = tpu.vector_load %arg17[%swap3A_2400, %swap3A_2401] {strides = array<i32>} : memref<64x64xf32, #tpu.memory_space<vmem>>, vector<16xf32>,
      tpu.vector_store %arg17[%swap3A_2400, %swap3A_2401], %broadcast_in_dim3A_12 {strides = array<i32>} : memref<64x64xf32, #tpu.memory_space<vmem>>, vector<16xf32>,
      %swap3A_2403 = arith.constant 42 : i32
      %swap3A_2404 = arith.index_cast %swap3A_2403 : i32 to index
      %swap3A_2405 = arith.constant 16 : index
      %swap3A_2406 = tpu.vector_load %arg17[%swap3A_2404, %swap3A_2405] {strides = array<i32>} : memref<64x64xf32, #tpu.memory_space<vmem>>, vector<16xf32>,
      tpu.vector_store %arg17[%swap3A_2404, %swap3A_2405], %broadcast_in_dim3A_12 {strides = array<i32>} : memref<64x64xf32, #tpu.memory_space<vmem>>, vector<16xf32>,
      %swap3A_2407 = arith.constant 42 : i32
      %swap3A_2408 = arith.index_cast %swap3A_2407 : i32 to index
      %swap3A_2409 = arith.constant 32 : index
      %swap3A_2410 = tpu.vector_load %arg17[%swap3A_2408, %swap3A_2409] {strides = array<i32>} : memref<64x64xf32, #tpu.memory_space<vmem>>, vector<16xf32>,
      tpu.vector_store %arg17[%swap3A_2408, %swap3A_2409], %broadcast_in_dim3A_12 {strides = array<i32>} : memref<64x64xf32, #tpu.memory_space<vmem>>, vector<16xf32>,
      %swap3A_2411 = arith.constant 42 : i32
      %swap3A_2412 = arith.index_cast %swap3A_2411 : i32 to index
      %swap3A_2413 = arith.constant 48 : index
      %swap3A_2414 = tpu.vector_load %arg17[%swap3A_2412, %swap3A_2413] {strides = array<i32>} : memref<64x64xf32, #tpu.memory_space<vmem>>, vector<16xf32>,
      tpu.vector_store %arg17[%swap3A_2412, %swap3A_2413], %broadcast_in_dim3A_12 {strides = array<i32>} : memref<64x64xf32, #tpu.memory_space<vmem>>, vector<16xf32>,
      %swap3A_2415 = arith.constant 43 : i32
      %swap3A_2416 = arith.index_cast %swap3A_2415 : i32 to index
      %swap3A_2417 = arith.constant 0 : index
      %swap3A_2418 = tpu.vector_load %arg17[%swap3A_2416, %swap3A_2417] {strides = array<i32>} : memref<64x64xf32, #tpu.memory_space<vmem>>, vector<16xf32>,
      tpu.vector_store %arg17[%swap3A_2416, %swap3A_2417], %broadcast_in_dim3A_12 {strides = array<i32>} : memref<64x64xf32, #tpu.memory_space<vmem>>, vector<16xf32>,
      %swap3A_2419 = arith.constant 43 : i32
      %swap3A_2420 = arith.index_cast %swap3A_2419 : i32 to index
      %swap3A_2421 = arith.constant 16 : index
      %swap3A_2422 = tpu.vector_load %arg17[%swap3A_2420, %swap3A_2421] {strides = array<i32>} : memref<64x64xf32, #tpu.memory_space<vmem>>, vector<16xf32>,
      tpu.vector_store %arg17[%swap3A_2420, %swap3A_2421], %broadcast_in_dim3A_12 {strides = array<i32>} : memref<64x64xf32, #tpu.memory_space<vmem>>, vector<16xf32>,
      %swap3A_2423 = arith.constant 43 : i32
      %swap3A_2424 = arith.index_cast %swap3A_2423 : i32 to index
      %swap3A_2425 = arith.constant 32 : index
      %swap3A_2426 = tpu.vector_load %arg17[%swap3A_2424, %swap3A_2425] {strides = array<i32>} : memref<64x64xf32, #tpu.memory_space<vmem>>, vector<16xf32>,
      tpu.vector_store %arg17[%swap3A_2424, %swap3A_2425], %broadcast_in_dim3A_12 {strides = array<i32>} : memref<64x64xf32, #tpu.memory_space<vmem>>, vector<16xf32>,
      %swap3A_2427 = arith.constant 43 : i32
      %swap3A_2428 = arith.index_cast %swap3A_2427 : i32 to index
      %swap3A_2429 = arith.constant 48 : index
      %swap3A_2430 = tpu.vector_load %arg17[%swap3A_2428, %swap3A_2429] {strides = array<i32>} : memref<64x64xf32, #tpu.memory_space<vmem>>, vector<16xf32>,
      tpu.vector_store %arg17[%swap3A_2428, %swap3A_2429], %broadcast_in_dim3A_12 {strides = array<i32>} : memref<64x64xf32, #tpu.memory_space<vmem>>, vector<16xf32>,
      %swap3A_2431 = arith.constant 44 : i32
      %swap3A_2432 = arith.index_cast %swap3A_2431 : i32 to index
      %swap3A_2433 = arith.constant 0 : index
      %swap3A_2434 = tpu.vector_load %arg17[%swap3A_2432, %swap3A_2433] {strides = array<i32>} : memref<64x64xf32, #tpu.memory_space<vmem>>, vector<16xf32>,
      tpu.vector_store %arg17[%swap3A_2432, %swap3A_2433], %broadcast_in_dim3A_12 {strides = array<i32>} : memref<64x64xf32, #tpu.memory_space<vmem>>, vector<16xf32>,
      %swap3A_2435 = arith.constant 44 : i32
      %swap3A_2436 = arith.index_cast %swap3A_2435 : i32 to index
      %swap3A_2437 = arith.constant 16 : index
      %swap3A_2438 = tpu.vector_load %arg17[%swap3A_2436, %swap3A_2437] {strides = array<i32>} : memref<64x64xf32, #tpu.memory_space<vmem>>, vector<16xf32>,
      tpu.vector_store %arg17[%swap3A_2436, %swap3A_2437], %broadcast_in_dim3A_12 {strides = array<i32>} : memref<64x64xf32, #tpu.memory_space<vmem>>, vector<16xf32>,
      %swap3A_2439 = arith.constant 44 : i32
      %swap3A_2440 = arith.index_cast %swap3A_2439 : i32 to index
      %swap3A_2441 = arith.constant 32 : index
      %swap3A_2442 = tpu.vector_load %arg17[%swap3A_2440, %swap3A_2441] {strides = array<i32>} : memref<64x64xf32, #tpu.memory_space<vmem>>, vector<16xf32>,
      tpu.vector_store %arg17[%swap3A_2440, %swap3A_2441], %broadcast_in_dim3A_12 {strides = array<i32>} : memref<64x64xf32, #tpu.memory_space<vmem>>, vector<16xf32>,
      %swap3A_2443 = arith.constant 44 : i32
      %swap3A_2444 = arith.index_cast %swap3A_2443 : i32 to index
      %swap3A_2445 = arith.constant 48 : index
      %swap3A_2446 = tpu.vector_load %arg17[%swap3A_2444, %swap3A_2445] {strides = array<i32>} : memref<64x64xf32, #tpu.memory_space<vmem>>, vector<16xf32>,
      tpu.vector_store %arg17[%swap3A_2444, %swap3A_2445], %broadcast_in_dim3A_12 {strides = array<i32>} : memref<64x64xf32, #tpu.memory_space<vmem>>, vector<16xf32>,
      %swap3A_2447 = arith.constant 45 : i32
      %swap3A_2448 = arith.index_cast %swap3A_2447 : i32 to index
      %swap3A_2449 = arith.constant 0 : index
      %swap3A_2450 = tpu.vector_load %arg17[%swap3A_2448, %swap3A_2449] {strides = array<i32>} : memref<64x64xf32, #tpu.memory_space<vmem>>, vector<16xf32>,
      tpu.vector_store %arg17[%swap3A_2448, %swap3A_2449], %broadcast_in_dim3A_12 {strides = array<i32>} : memref<64x64xf32, #tpu.memory_space<vmem>>, vector<16xf32>,
      %swap3A_2451 = arith.constant 45 : i32
      %swap3A_2452 = arith.index_cast %swap3A_2451 : i32 to index
      %swap3A_2453 = arith.constant 16 : index
      %swap3A_2454 = tpu.vector_load %arg17[%swap3A_2452, %swap3A_2453] {strides = array<i32>} : memref<64x64xf32, #tpu.memory_space<vmem>>, vector<16xf32>,
      tpu.vector_store %arg17[%swap3A_2452, %swap3A_2453], %broadcast_in_dim3A_12 {strides = array<i32>} : memref<64x64xf32, #tpu.memory_space<vmem>>, vector<16xf32>,
      %swap3A_2455 = arith.constant 45 : i32
      %swap3A_2456 = arith.index_cast %swap3A_2455 : i32 to index
      %swap3A_2457 = arith.constant 32 : index
      %swap3A_2458 = tpu.vector_load %arg17[%swap3A_2456, %swap3A_2457] {strides = array<i32>} : memref<64x64xf32, #tpu.memory_space<vmem>>, vector<16xf32>,
      tpu.vector_store %arg17[%swap3A_2456, %swap3A_2457], %broadcast_in_dim3A_12 {strides = array<i32>} : memref<64x64xf32, #tpu.memory_space<vmem>>, vector<16xf32>,
      %swap3A_2459 = arith.constant 45 : i32
      %swap3A_2460 = arith.index_cast %swap3A_2459 : i32 to index
      %swap3A_2461 = arith.constant 48 : index
      %swap3A_2462 = tpu.vector_load %arg17[%swap3A_2460, %swap3A_2461] {strides = array<i32>} : memref<64x64xf32, #tpu.memory_space<vmem>>, vector<16xf32>,
      tpu.vector_store %arg17[%swap3A_2460, %swap3A_2461], %broadcast_in_dim3A_12 {strides = array<i32>} : memref<64x64xf32, #tpu.memory_space<vmem>>, vector<16xf32>,
      %swap3A_2463 = arith.constant 46 : i32
      %swap3A_2464 = arith.index_cast %swap3A_2463 : i32 to index
      %swap3A_2465 = arith.constant 0 : index
      %swap3A_2466 = tpu.vector_load %arg17[%swap3A_2464, %swap3A_2465] {strides = array<i32>} : memref<64x64xf32, #tpu.memory_space<vmem>>, vector<16xf32>,
      tpu.vector_store %arg17[%swap3A_2464, %swap3A_2465], %broadcast_in_dim3A_12 {strides = array<i32>} : memref<64x64xf32, #tpu.memory_space<vmem>>, vector<16xf32>,
      %swap3A_2467 = arith.constant 46 : i32
      %swap3A_2468 = arith.index_cast %swap3A_2467 : i32 to index
      %swap3A_2469 = arith.constant 16 : index
      %swap3A_2470 = tpu.vector_load %arg17[%swap3A_2468, %swap3A_2469] {strides = array<i32>} : memref<64x64xf32, #tpu.memory_space<vmem>>, vector<16xf32>,
      tpu.vector_store %arg17[%swap3A_2468, %swap3A_2469], %broadcast_in_dim3A_12 {strides = array<i32>} : memref<64x64xf32, #tpu.memory_space<vmem>>, vector<16xf32>,
      %swap3A_2471 = arith.constant 46 : i32
      %swap3A_2472 = arith.index_cast %swap3A_2471 : i32 to index
      %swap3A_2473 = arith.constant 32 : index
      %swap3A_2474 = tpu.vector_load %arg17[%swap3A_2472, %swap3A_2473] {strides = array<i32>} : memref<64x64xf32, #tpu.memory_space<vmem>>, vector<16xf32>,
      tpu.vector_store %arg17[%swap3A_2472, %swap3A_2473], %broadcast_in_dim3A_12 {strides = array<i32>} : memref<64x64xf32, #tpu.memory_space<vmem>>, vector<16xf32>,
      %swap3A_2475 = arith.constant 46 : i32
      %swap3A_2476 = arith.index_cast %swap3A_2475 : i32 to index
      %swap3A_2477 = arith.constant 48 : index
      %swap3A_2478 = tpu.vector_load %arg17[%swap3A_2476, %swap3A_2477] {strides = array<i32>} : memref<64x64xf32, #tpu.memory_space<vmem>>, vector<16xf32>,
      tpu.vector_store %arg17[%swap3A_2476, %swap3A_2477], %broadcast_in_dim3A_12 {strides = array<i32>} : memref<64x64xf32, #tpu.memory_space<vmem>>, vector<16xf32>,
      %swap3A_2479 = arith.constant 47 : i32
      %swap3A_2480 = arith.index_cast %swap3A_2479 : i32 to index
      %swap3A_2481 = arith.constant 0 : index
      %swap3A_2482 = tpu.vector_load %arg17[%swap3A_2480, %swap3A_2481] {strides = array<i32>} : memref<64x64xf32, #tpu.memory_space<vmem>>, vector<16xf32>,
      tpu.vector_store %arg17[%swap3A_2480, %swap3A_2481], %broadcast_in_dim3A_12 {strides = array<i32>} : memref<64x64xf32, #tpu.memory_space<vmem>>, vector<16xf32>,
      %swap3A_2483 = arith.constant 47 : i32
      %swap3A_2484 = arith.index_cast %swap3A_2483 : i32 to index
      %swap3A_2485 = arith.constant 16 : index
      %swap3A_2486 = tpu.vector_load %arg17[%swap3A_2484, %swap3A_2485] {strides = array<i32>} : memref<64x64xf32, #tpu.memory_space<vmem>>, vector<16xf32>,
      tpu.vector_store %arg17[%swap3A_2484, %swap3A_2485], %broadcast_in_dim3A_12 {strides = array<i32>} : memref<64x64xf32, #tpu.memory_space<vmem>>, vector<16xf32>,
      %swap3A_2487 = arith.constant 47 : i32
      %swap3A_2488 = arith.index_cast %swap3A_2487 : i32 to index
      %swap3A_2489 = arith.constant 32 : index
      %swap3A_2490 = tpu.vector_load %arg17[%swap3A_2488, %swap3A_2489] {strides = array<i32>} : memref<64x64xf32, #tpu.memory_space<vmem>>, vector<16xf32>,
      tpu.vector_store %arg17[%swap3A_2488, %swap3A_2489], %broadcast_in_dim3A_12 {strides = array<i32>} : memref<64x64xf32, #tpu.memory_space<vmem>>, vector<16xf32>,
      %swap3A_2491 = arith.constant 47 : i32
      %swap3A_2492 = arith.index_cast %swap3A_2491 : i32 to index
      %swap3A_2493 = arith.constant 48 : index
      %swap3A_2494 = tpu.vector_load %arg17[%swap3A_2492, %swap3A_2493] {strides = array<i32>} : memref<64x64xf32, #tpu.memory_space<vmem>>, vector<16xf32>,
      tpu.vector_store %arg17[%swap3A_2492, %swap3A_2493], %broadcast_in_dim3A_12 {strides = array<i32>} : memref<64x64xf32, #tpu.memory_space<vmem>>, vector<16xf32>,
      %swap3A_2495 = arith.constant 48 : i32
      %swap3A_2496 = arith.index_cast %swap3A_2495 : i32 to index
      %swap3A_2497 = arith.constant 0 : index
      %swap3A_2498 = tpu.vector_load %arg17[%swap3A_2496, %swap3A_2497] {strides = array<i32>} : memref<64x64xf32, #tpu.memory_space<vmem>>, vector<16xf32>,
      tpu.vector_store %arg17[%swap3A_2496, %swap3A_2497], %broadcast_in_dim3A_12 {strides = array<i32>} : memref<64x64xf32, #tpu.memory_space<vmem>>, vector<16xf32>,
      %swap3A_2499 = arith.constant 48 : i32
      %swap3A_2500 = arith.index_cast %swap3A_2499 : i32 to index
      %swap3A_2501 = arith.constant 16 : index
      %swap3A_2502 = tpu.vector_load %arg17[%swap3A_2500, %swap3A_2501] {strides = array<i32>} : memref<64x64xf32, #tpu.memory_space<vmem>>, vector<16xf32>,
      tpu.vector_store %arg17[%swap3A_2500, %swap3A_2501], %broadcast_in_dim3A_12 {strides = array<i32>} : memref<64x64xf32, #tpu.memory_space<vmem>>, vector<16xf32>,
      %swap3A_2503 = arith.constant 48 : i32
      %swap3A_2504 = arith.index_cast %swap3A_2503 : i32 to index
      %swap3A_2505 = arith.constant 32 : index
      %swap3A_2506 = tpu.vector_load %arg17[%swap3A_2504, %swap3A_2505] {strides = array<i32>} : memref<64x64xf32, #tpu.memory_space<vmem>>, vector<16xf32>,
      tpu.vector_store %arg17[%swap3A_2504, %swap3A_2505], %broadcast_in_dim3A_12 {strides = array<i32>} : memref<64x64xf32, #tpu.memory_space<vmem>>, vector<16xf32>,
      %swap3A_2507 = arith.constant 48 : i32
      %swap3A_2508 = arith.index_cast %swap3A_2507 : i32 to index
      %swap3A_2509 = arith.constant 48 : index
      %swap3A_2510 = tpu.vector_load %arg17[%swap3A_2508, %swap3A_2509] {strides = array<i32>} : memref<64x64xf32, #tpu.memory_space<vmem>>, vector<16xf32>,
      tpu.vector_store %arg17[%swap3A_2508, %swap3A_2509], %broadcast_in_dim3A_12 {strides = array<i32>} : memref<64x64xf32, #tpu.memory_space<vmem>>, vector<16xf32>,
      %swap3A_2511 = arith.constant 49 : i32
      %swap3A_2512 = arith.index_cast %swap3A_2511 : i32 to index
      %swap3A_2513 = arith.constant 0 : index
      %swap3A_2514 = tpu.vector_load %arg17[%swap3A_2512, %swap3A_2513] {strides = array<i32>} : memref<64x64xf32, #tpu.memory_space<vmem>>, vector<16xf32>,
      tpu.vector_store %arg17[%swap3A_2512, %swap3A_2513], %broadcast_in_dim3A_12 {strides = array<i32>} : memref<64x64xf32, #tpu.memory_space<vmem>>, vector<16xf32>,
      %swap3A_2515 = arith.constant 49 : i32
      %swap3A_2516 = arith.index_cast %swap3A_2515 : i32 to index
      %swap3A_2517 = arith.constant 16 : index
      %swap3A_2518 = tpu.vector_load %arg17[%swap3A_2516, %swap3A_2517] {strides = array<i32>} : memref<64x64xf32, #tpu.memory_space<vmem>>, vector<16xf32>,
      tpu.vector_store %arg17[%swap3A_2516, %swap3A_2517], %broadcast_in_dim3A_12 {strides = array<i32>} : memref<64x64xf32, #tpu.memory_space<vmem>>, vector<16xf32>,
      %swap3A_2519 = arith.constant 49 : i32
      %swap3A_2520 = arith.index_cast %swap3A_2519 : i32 to index
      %swap3A_2521 = arith.constant 32 : index
      %swap3A_2522 = tpu.vector_load %arg17[%swap3A_2520, %swap3A_2521] {strides = array<i32>} : memref<64x64xf32, #tpu.memory_space<vmem>>, vector<16xf32>,
      tpu.vector_store %arg17[%swap3A_2520, %swap3A_2521], %broadcast_in_dim3A_12 {strides = array<i32>} : memref<64x64xf32, #tpu.memory_space<vmem>>, vector<16xf32>,
      %swap3A_2523 = arith.constant 49 : i32
      %swap3A_2524 = arith.index_cast %swap3A_2523 : i32 to index
      %swap3A_2525 = arith.constant 48 : index
      %swap3A_2526 = tpu.vector_load %arg17[%swap3A_2524, %swap3A_2525] {strides = array<i32>} : memref<64x64xf32, #tpu.memory_space<vmem>>, vector<16xf32>,
      tpu.vector_store %arg17[%swap3A_2524, %swap3A_2525], %broadcast_in_dim3A_12 {strides = array<i32>} : memref<64x64xf32, #tpu.memory_space<vmem>>, vector<16xf32>,
      %swap3A_2527 = arith.constant 50 : i32
      %swap3A_2528 = arith.index_cast %swap3A_2527 : i32 to index
      %swap3A_2529 = arith.constant 0 : index
      %swap3A_2530 = tpu.vector_load %arg17[%swap3A_2528, %swap3A_2529] {strides = array<i32>} : memref<64x64xf32, #tpu.memory_space<vmem>>, vector<16xf32>,
      tpu.vector_store %arg17[%swap3A_2528, %swap3A_2529], %broadcast_in_dim3A_12 {strides = array<i32>} : memref<64x64xf32, #tpu.memory_space<vmem>>, vector<16xf32>,
      %swap3A_2531 = arith.constant 50 : i32
      %swap3A_2532 = arith.index_cast %swap3A_2531 : i32 to index
      %swap3A_2533 = arith.constant 16 : index
      %swap3A_2534 = tpu.vector_load %arg17[%swap3A_2532, %swap3A_2533] {strides = array<i32>} : memref<64x64xf32, #tpu.memory_space<vmem>>, vector<16xf32>,
      tpu.vector_store %arg17[%swap3A_2532, %swap3A_2533], %broadcast_in_dim3A_12 {strides = array<i32>} : memref<64x64xf32, #tpu.memory_space<vmem>>, vector<16xf32>,
      %swap3A_2535 = arith.constant 50 : i32
      %swap3A_2536 = arith.index_cast %swap3A_2535 : i32 to index
      %swap3A_2537 = arith.constant 32 : index
      %swap3A_2538 = tpu.vector_load %arg17[%swap3A_2536, %swap3A_2537] {strides = array<i32>} : memref<64x64xf32, #tpu.memory_space<vmem>>, vector<16xf32>,
      tpu.vector_store %arg17[%swap3A_2536, %swap3A_2537], %broadcast_in_dim3A_12 {strides = array<i32>} : memref<64x64xf32, #tpu.memory_space<vmem>>, vector<16xf32>,
      %swap3A_2539 = arith.constant 50 : i32
      %swap3A_2540 = arith.index_cast %swap3A_2539 : i32 to index
      %swap3A_2541 = arith.constant 48 : index
      %swap3A_2542 = tpu.vector_load %arg17[%swap3A_2540, %swap3A_2541] {strides = array<i32>} : memref<64x64xf32, #tpu.memory_space<vmem>>, vector<16xf32>,
      tpu.vector_store %arg17[%swap3A_2540, %swap3A_2541], %broadcast_in_dim3A_12 {strides = array<i32>} : memref<64x64xf32, #tpu.memory_space<vmem>>, vector<16xf32>,
      %swap3A_2543 = arith.constant 51 : i32
      %swap3A_2544 = arith.index_cast %swap3A_2543 : i32 to index
      %swap3A_2545 = arith.constant 0 : index
      %swap3A_2546 = tpu.vector_load %arg17[%swap3A_2544, %swap3A_2545] {strides = array<i32>} : memref<64x64xf32, #tpu.memory_space<vmem>>, vector<16xf32>,
      tpu.vector_store %arg17[%swap3A_2544, %swap3A_2545], %broadcast_in_dim3A_12 {strides = array<i32>} : memref<64x64xf32, #tpu.memory_space<vmem>>, vector<16xf32>,
      %swap3A_2547 = arith.constant 51 : i32
      %swap3A_2548 = arith.index_cast %swap3A_2547 : i32 to index
      %swap3A_2549 = arith.constant 16 : index
      %swap3A_2550 = tpu.vector_load %arg17[%swap3A_2548, %swap3A_2549] {strides = array<i32>} : memref<64x64xf32, #tpu.memory_space<vmem>>, vector<16xf32>,
      tpu.vector_store %arg17[%swap3A_2548, %swap3A_2549], %broadcast_in_dim3A_12 {strides = array<i32>} : memref<64x64xf32, #tpu.memory_space<vmem>>, vector<16xf32>,
      %swap3A_2551 = arith.constant 51 : i32
      %swap3A_2552 = arith.index_cast %swap3A_2551 : i32 to index
      %swap3A_2553 = arith.constant 32 : index
      %swap3A_2554 = tpu.vector_load %arg17[%swap3A_2552, %swap3A_2553] {strides = array<i32>} : memref<64x64xf32, #tpu.memory_space<vmem>>, vector<16xf32>,
      tpu.vector_store %arg17[%swap3A_2552, %swap3A_2553], %broadcast_in_dim3A_12 {strides = array<i32>} : memref<64x64xf32, #tpu.memory_space<vmem>>, vector<16xf32>,
      %swap3A_2555 = arith.constant 51 : i32
      %swap3A_2556 = arith.index_cast %swap3A_2555 : i32 to index
      %swap3A_2557 = arith.constant 48 : index
      %swap3A_2558 = tpu.vector_load %arg17[%swap3A_2556, %swap3A_2557] {strides = array<i32>} : memref<64x64xf32, #tpu.memory_space<vmem>>, vector<16xf32>,
      tpu.vector_store %arg17[%swap3A_2556, %swap3A_2557], %broadcast_in_dim3A_12 {strides = array<i32>} : memref<64x64xf32, #tpu.memory_space<vmem>>, vector<16xf32>,
      %swap3A_2559 = arith.constant 52 : i32
      %swap3A_2560 = arith.index_cast %swap3A_2559 : i32 to index
      %swap3A_2561 = arith.constant 0 : index
      %swap3A_2562 = tpu.vector_load %arg17[%swap3A_2560, %swap3A_2561] {strides = array<i32>} : memref<64x64xf32, #tpu.memory_space<vmem>>, vector<16xf32>,
      tpu.vector_store %arg17[%swap3A_2560, %swap3A_2561], %broadcast_in_dim3A_12 {strides = array<i32>} : memref<64x64xf32, #tpu.memory_space<vmem>>, vector<16xf32>,
      %swap3A_2563 = arith.constant 52 : i32
      %swap3A_2564 = arith.index_cast %swap3A_2563 : i32 to index
      %swap3A_2565 = arith.constant 16 : index
      %swap3A_2566 = tpu.vector_load %arg17[%swap3A_2564, %swap3A_2565] {strides = array<i32>} : memref<64x64xf32, #tpu.memory_space<vmem>>, vector<16xf32>,
      tpu.vector_store %arg17[%swap3A_2564, %swap3A_2565], %broadcast_in_dim3A_12 {strides = array<i32>} : memref<64x64xf32, #tpu.memory_space<vmem>>, vector<16xf32>,
      %swap3A_2567 = arith.constant 52 : i32
      %swap3A_2568 = arith.index_cast %swap3A_2567 : i32 to index
      %swap3A_2569 = arith.constant 32 : index
      %swap3A_2570 = tpu.vector_load %arg17[%swap3A_2568, %swap3A_2569] {strides = array<i32>} : memref<64x64xf32, #tpu.memory_space<vmem>>, vector<16xf32>,
      tpu.vector_store %arg17[%swap3A_2568, %swap3A_2569], %broadcast_in_dim3A_12 {strides = array<i32>} : memref<64x64xf32, #tpu.memory_space<vmem>>, vector<16xf32>,
      %swap3A_2571 = arith.constant 52 : i32
      %swap3A_2572 = arith.index_cast %swap3A_2571 : i32 to index
      %swap3A_2573 = arith.constant 48 : index
      %swap3A_2574 = tpu.vector_load %arg17[%swap3A_2572, %swap3A_2573] {strides = array<i32>} : memref<64x64xf32, #tpu.memory_space<vmem>>, vector<16xf32>,
      tpu.vector_store %arg17[%swap3A_2572, %swap3A_2573], %broadcast_in_dim3A_12 {strides = array<i32>} : memref<64x64xf32, #tpu.memory_space<vmem>>, vector<16xf32>,
      %swap3A_2575 = arith.constant 53 : i32
      %swap3A_2576 = arith.index_cast %swap3A_2575 : i32 to index
      %swap3A_2577 = arith.constant 0 : index
      %swap3A_2578 = tpu.vector_load %arg17[%swap3A_2576, %swap3A_2577] {strides = array<i32>} : memref<64x64xf32, #tpu.memory_space<vmem>>, vector<16xf32>,
      tpu.vector_store %arg17[%swap3A_2576, %swap3A_2577], %broadcast_in_dim3A_12 {strides = array<i32>} : memref<64x64xf32, #tpu.memory_space<vmem>>, vector<16xf32>,
      %swap3A_2579 = arith.constant 53 : i32
      %swap3A_2580 = arith.index_cast %swap3A_2579 : i32 to index
      %swap3A_2581 = arith.constant 16 : index
      %swap3A_2582 = tpu.vector_load %arg17[%swap3A_2580, %swap3A_2581] {strides = array<i32>} : memref<64x64xf32, #tpu.memory_space<vmem>>, vector<16xf32>,
      tpu.vector_store %arg17[%swap3A_2580, %swap3A_2581], %broadcast_in_dim3A_12 {strides = array<i32>} : memref<64x64xf32, #tpu.memory_space<vmem>>, vector<16xf32>,
      %swap3A_2583 = arith.constant 53 : i32
      %swap3A_2584 = arith.index_cast %swap3A_2583 : i32 to index
      %swap3A_2585 = arith.constant 32 : index
      %swap3A_2586 = tpu.vector_load %arg17[%swap3A_2584, %swap3A_2585] {strides = array<i32>} : memref<64x64xf32, #tpu.memory_space<vmem>>, vector<16xf32>,
      tpu.vector_store %arg17[%swap3A_2584, %swap3A_2585], %broadcast_in_dim3A_12 {strides = array<i32>} : memref<64x64xf32, #tpu.memory_space<vmem>>, vector<16xf32>,
      %swap3A_2587 = arith.constant 53 : i32
      %swap3A_2588 = arith.index_cast %swap3A_2587 : i32 to index
      %swap3A_2589 = arith.constant 48 : index
      %swap3A_2590 = tpu.vector_load %arg17[%swap3A_2588, %swap3A_2589] {strides = array<i32>} : memref<64x64xf32, #tpu.memory_space<vmem>>, vector<16xf32>,
      tpu.vector_store %arg17[%swap3A_2588, %swap3A_2589], %broadcast_in_dim3A_12 {strides = array<i32>} : memref<64x64xf32, #tpu.memory_space<vmem>>, vector<16xf32>,
      %swap3A_2591 = arith.constant 54 : i32
      %swap3A_2592 = arith.index_cast %swap3A_2591 : i32 to index
      %swap3A_2593 = arith.constant 0 : index
      %swap3A_2594 = tpu.vector_load %arg17[%swap3A_2592, %swap3A_2593] {strides = array<i32>} : memref<64x64xf32, #tpu.memory_space<vmem>>, vector<16xf32>,
      tpu.vector_store %arg17[%swap3A_2592, %swap3A_2593], %broadcast_in_dim3A_12 {strides = array<i32>} : memref<64x64xf32, #tpu.memory_space<vmem>>, vector<16xf32>,
      %swap3A_2595 = arith.constant 54 : i32
      %swap3A_2596 = arith.index_cast %swap3A_2595 : i32 to index
      %swap3A_2597 = arith.constant 16 : index
      %swap3A_2598 = tpu.vector_load %arg17[%swap3A_2596, %swap3A_2597] {strides = array<i32>} : memref<64x64xf32, #tpu.memory_space<vmem>>, vector<16xf32>,
      tpu.vector_store %arg17[%swap3A_2596, %swap3A_2597], %broadcast_in_dim3A_12 {strides = array<i32>} : memref<64x64xf32, #tpu.memory_space<vmem>>, vector<16xf32>,
      %swap3A_2599 = arith.constant 54 : i32
      %swap3A_2600 = arith.index_cast %swap3A_2599 : i32 to index
      %swap3A_2601 = arith.constant 32 : index
      %swap3A_2602 = tpu.vector_load %arg17[%swap3A_2600, %swap3A_2601] {strides = array<i32>} : memref<64x64xf32, #tpu.memory_space<vmem>>, vector<16xf32>,
      tpu.vector_store %arg17[%swap3A_2600, %swap3A_2601], %broadcast_in_dim3A_12 {strides = array<i32>} : memref<64x64xf32, #tpu.memory_space<vmem>>, vector<16xf32>,
      %swap3A_2603 = arith.constant 54 : i32
      %swap3A_2604 = arith.index_cast %swap3A_2603 : i32 to index
      %swap3A_2605 = arith.constant 48 : index
      %swap3A_2606 = tpu.vector_load %arg17[%swap3A_2604, %swap3A_2605] {strides = array<i32>} : memref<64x64xf32, #tpu.memory_space<vmem>>, vector<16xf32>,
      tpu.vector_store %arg17[%swap3A_2604, %swap3A_2605], %broadcast_in_dim3A_12 {strides = array<i32>} : memref<64x64xf32, #tpu.memory_space<vmem>>, vector<16xf32>,
      %swap3A_2607 = arith.constant 55 : i32
      %swap3A_2608 = arith.index_cast %swap3A_2607 : i32 to index
      %swap3A_2609 = arith.constant 0 : index
      %swap3A_2610 = tpu.vector_load %arg17[%swap3A_2608, %swap3A_2609] {strides = array<i32>} : memref<64x64xf32, #tpu.memory_space<vmem>>, vector<16xf32>,
      tpu.vector_store %arg17[%swap3A_2608, %swap3A_2609], %broadcast_in_dim3A_12 {strides = array<i32>} : memref<64x64xf32, #tpu.memory_space<vmem>>, vector<16xf32>,
      %swap3A_2611 = arith.constant 55 : i32
      %swap3A_2612 = arith.index_cast %swap3A_2611 : i32 to index
      %swap3A_2613 = arith.constant 16 : index
      %swap3A_2614 = tpu.vector_load %arg17[%swap3A_2612, %swap3A_2613] {strides = array<i32>} : memref<64x64xf32, #tpu.memory_space<vmem>>, vector<16xf32>,
      tpu.vector_store %arg17[%swap3A_2612, %swap3A_2613], %broadcast_in_dim3A_12 {strides = array<i32>} : memref<64x64xf32, #tpu.memory_space<vmem>>, vector<16xf32>,
      %swap3A_2615 = arith.constant 55 : i32
      %swap3A_2616 = arith.index_cast %swap3A_2615 : i32 to index
      %swap3A_2617 = arith.constant 32 : index
      %swap3A_2618 = tpu.vector_load %arg17[%swap3A_2616, %swap3A_2617] {strides = array<i32>} : memref<64x64xf32, #tpu.memory_space<vmem>>, vector<16xf32>,
      tpu.vector_store %arg17[%swap3A_2616, %swap3A_2617], %broadcast_in_dim3A_12 {strides = array<i32>} : memref<64x64xf32, #tpu.memory_space<vmem>>, vector<16xf32>,
      %swap3A_2619 = arith.constant 55 : i32
      %swap3A_2620 = arith.index_cast %swap3A_2619 : i32 to index
      %swap3A_2621 = arith.constant 48 : index
      %swap3A_2622 = tpu.vector_load %arg17[%swap3A_2620, %swap3A_2621] {strides = array<i32>} : memref<64x64xf32, #tpu.memory_space<vmem>>, vector<16xf32>,
      tpu.vector_store %arg17[%swap3A_2620, %swap3A_2621], %broadcast_in_dim3A_12 {strides = array<i32>} : memref<64x64xf32, #tpu.memory_space<vmem>>, vector<16xf32>,
      %swap3A_2623 = arith.constant 56 : i32
      %swap3A_2624 = arith.index_cast %swap3A_2623 : i32 to index
      %swap3A_2625 = arith.constant 0 : index
      %swap3A_2626 = tpu.vector_load %arg17[%swap3A_2624, %swap3A_2625] {strides = array<i32>} : memref<64x64xf32, #tpu.memory_space<vmem>>, vector<16xf32>,
      tpu.vector_store %arg17[%swap3A_2624, %swap3A_2625], %broadcast_in_dim3A_12 {strides = array<i32>} : memref<64x64xf32, #tpu.memory_space<vmem>>, vector<16xf32>,
      %swap3A_2627 = arith.constant 56 : i32
      %swap3A_2628 = arith.index_cast %swap3A_2627 : i32 to index
      %swap3A_2629 = arith.constant 16 : index
      %swap3A_2630 = tpu.vector_load %arg17[%swap3A_2628, %swap3A_2629] {strides = array<i32>} : memref<64x64xf32, #tpu.memory_space<vmem>>, vector<16xf32>,
      tpu.vector_store %arg17[%swap3A_2628, %swap3A_2629], %broadcast_in_dim3A_12 {strides = array<i32>} : memref<64x64xf32, #tpu.memory_space<vmem>>, vector<16xf32>,
      %swap3A_2631 = arith.constant 56 : i32
      %swap3A_2632 = arith.index_cast %swap3A_2631 : i32 to index
      %swap3A_2633 = arith.constant 32 : index
      %swap3A_2634 = tpu.vector_load %arg17[%swap3A_2632, %swap3A_2633] {strides = array<i32>} : memref<64x64xf32, #tpu.memory_space<vmem>>, vector<16xf32>,
      tpu.vector_store %arg17[%swap3A_2632, %swap3A_2633], %broadcast_in_dim3A_12 {strides = array<i32>} : memref<64x64xf32, #tpu.memory_space<vmem>>, vector<16xf32>,
      %swap3A_2635 = arith.constant 56 : i32
      %swap3A_2636 = arith.index_cast %swap3A_2635 : i32 to index
      %swap3A_2637 = arith.constant 48 : index
      %swap3A_2638 = tpu.vector_load %arg17[%swap3A_2636, %swap3A_2637] {strides = array<i32>} : memref<64x64xf32, #tpu.memory_space<vmem>>, vector<16xf32>,
      tpu.vector_store %arg17[%swap3A_2636, %swap3A_2637], %broadcast_in_dim3A_12 {strides = array<i32>} : memref<64x64xf32, #tpu.memory_space<vmem>>, vector<16xf32>,
      %swap3A_2639 = arith.constant 57 : i32
      %swap3A_2640 = arith.index_cast %swap3A_2639 : i32 to index
      %swap3A_2641 = arith.constant 0 : index
      %swap3A_2642 = tpu.vector_load %arg17[%swap3A_2640, %swap3A_2641] {strides = array<i32>} : memref<64x64xf32, #tpu.memory_space<vmem>>, vector<16xf32>,
      tpu.vector_store %arg17[%swap3A_2640, %swap3A_2641], %broadcast_in_dim3A_12 {strides = array<i32>} : memref<64x64xf32, #tpu.memory_space<vmem>>, vector<16xf32>,
      %swap3A_2643 = arith.constant 57 : i32
      %swap3A_2644 = arith.index_cast %swap3A_2643 : i32 to index
      %swap3A_2645 = arith.constant 16 : index
      %swap3A_2646 = tpu.vector_load %arg17[%swap3A_2644, %swap3A_2645] {strides = array<i32>} : memref<64x64xf32, #tpu.memory_space<vmem>>, vector<16xf32>,
      tpu.vector_store %arg17[%swap3A_2644, %swap3A_2645], %broadcast_in_dim3A_12 {strides = array<i32>} : memref<64x64xf32, #tpu.memory_space<vmem>>, vector<16xf32>,
      %swap3A_2647 = arith.constant 57 : i32
      %swap3A_2648 = arith.index_cast %swap3A_2647 : i32 to index
      %swap3A_2649 = arith.constant 32 : index
      %swap3A_2650 = tpu.vector_load %arg17[%swap3A_2648, %swap3A_2649] {strides = array<i32>} : memref<64x64xf32, #tpu.memory_space<vmem>>, vector<16xf32>,
      tpu.vector_store %arg17[%swap3A_2648, %swap3A_2649], %broadcast_in_dim3A_12 {strides = array<i32>} : memref<64x64xf32, #tpu.memory_space<vmem>>, vector<16xf32>,
      %swap3A_2651 = arith.constant 57 : i32
      %swap3A_2652 = arith.index_cast %swap3A_2651 : i32 to index
      %swap3A_2653 = arith.constant 48 : index
      %swap3A_2654 = tpu.vector_load %arg17[%swap3A_2652, %swap3A_2653] {strides = array<i32>} : memref<64x64xf32, #tpu.memory_space<vmem>>, vector<16xf32>,
      tpu.vector_store %arg17[%swap3A_2652, %swap3A_2653], %broadcast_in_dim3A_12 {strides = array<i32>} : memref<64x64xf32, #tpu.memory_space<vmem>>, vector<16xf32>,
      %swap3A_2655 = arith.constant 58 : i32
      %swap3A_2656 = arith.index_cast %swap3A_2655 : i32 to index
      %swap3A_2657 = arith.constant 0 : index
      %swap3A_2658 = tpu.vector_load %arg17[%swap3A_2656, %swap3A_2657] {strides = array<i32>} : memref<64x64xf32, #tpu.memory_space<vmem>>, vector<16xf32>,
      tpu.vector_store %arg17[%swap3A_2656, %swap3A_2657], %broadcast_in_dim3A_12 {strides = array<i32>} : memref<64x64xf32, #tpu.memory_space<vmem>>, vector<16xf32>,
      %swap3A_2659 = arith.constant 58 : i32
      %swap3A_2660 = arith.index_cast %swap3A_2659 : i32 to index
      %swap3A_2661 = arith.constant 16 : index
      %swap3A_2662 = tpu.vector_load %arg17[%swap3A_2660, %swap3A_2661] {strides = array<i32>} : memref<64x64xf32, #tpu.memory_space<vmem>>, vector<16xf32>,
      tpu.vector_store %arg17[%swap3A_2660, %swap3A_2661], %broadcast_in_dim3A_12 {strides = array<i32>} : memref<64x64xf32, #tpu.memory_space<vmem>>, vector<16xf32>,
      %swap3A_2663 = arith.constant 58 : i32
      %swap3A_2664 = arith.index_cast %swap3A_2663 : i32 to index
      %swap3A_2665 = arith.constant 32 : index
      %swap3A_2666 = tpu.vector_load %arg17[%swap3A_2664, %swap3A_2665] {strides = array<i32>} : memref<64x64xf32, #tpu.memory_space<vmem>>, vector<16xf32>,
      tpu.vector_store %arg17[%swap3A_2664, %swap3A_2665], %broadcast_in_dim3A_12 {strides = array<i32>} : memref<64x64xf32, #tpu.memory_space<vmem>>, vector<16xf32>,
      %swap3A_2667 = arith.constant 58 : i32
      %swap3A_2668 = arith.index_cast %swap3A_2667 : i32 to index
      %swap3A_2669 = arith.constant 48 : index
      %swap3A_2670 = tpu.vector_load %arg17[%swap3A_2668, %swap3A_2669] {strides = array<i32>} : memref<64x64xf32, #tpu.memory_space<vmem>>, vector<16xf32>,
      tpu.vector_store %arg17[%swap3A_2668, %swap3A_2669], %broadcast_in_dim3A_12 {strides = array<i32>} : memref<64x64xf32, #tpu.memory_space<vmem>>, vector<16xf32>,
      %swap3A_2671 = arith.constant 59 : i32
      %swap3A_2672 = arith.index_cast %swap3A_2671 : i32 to index
      %swap3A_2673 = arith.constant 0 : index
      %swap3A_2674 = tpu.vector_load %arg17[%swap3A_2672, %swap3A_2673] {strides = array<i32>} : memref<64x64xf32, #tpu.memory_space<vmem>>, vector<16xf32>,
      tpu.vector_store %arg17[%swap3A_2672, %swap3A_2673], %broadcast_in_dim3A_12 {strides = array<i32>} : memref<64x64xf32, #tpu.memory_space<vmem>>, vector<16xf32>,
      %swap3A_2675 = arith.constant 59 : i32
      %swap3A_2676 = arith.index_cast %swap3A_2675 : i32 to index
      %swap3A_2677 = arith.constant 16 : index
      %swap3A_2678 = tpu.vector_load %arg17[%swap3A_2676, %swap3A_2677] {strides = array<i32>} : memref<64x64xf32, #tpu.memory_space<vmem>>, vector<16xf32>,
      tpu.vector_store %arg17[%swap3A_2676, %swap3A_2677], %broadcast_in_dim3A_12 {strides = array<i32>} : memref<64x64xf32, #tpu.memory_space<vmem>>, vector<16xf32>,
      %swap3A_2679 = arith.constant 59 : i32
      %swap3A_2680 = arith.index_cast %swap3A_2679 : i32 to index
      %swap3A_2681 = arith.constant 32 : index
      %swap3A_2682 = tpu.vector_load %arg17[%swap3A_2680, %swap3A_2681] {strides = array<i32>} : memref<64x64xf32, #tpu.memory_space<vmem>>, vector<16xf32>,
      tpu.vector_store %arg17[%swap3A_2680, %swap3A_2681], %broadcast_in_dim3A_12 {strides = array<i32>} : memref<64x64xf32, #tpu.memory_space<vmem>>, vector<16xf32>,
      %swap3A_2683 = arith.constant 59 : i32
      %swap3A_2684 = arith.index_cast %swap3A_2683 : i32 to index
      %swap3A_2685 = arith.constant 48 : index
      %swap3A_2686 = tpu.vector_load %arg17[%swap3A_2684, %swap3A_2685] {strides = array<i32>} : memref<64x64xf32, #tpu.memory_space<vmem>>, vector<16xf32>,
      tpu.vector_store %arg17[%swap3A_2684, %swap3A_2685], %broadcast_in_dim3A_12 {strides = array<i32>} : memref<64x64xf32, #tpu.memory_space<vmem>>, vector<16xf32>,
      %swap3A_2687 = arith.constant 60 : i32
      %swap3A_2688 = arith.index_cast %swap3A_2687 : i32 to index
      %swap3A_2689 = arith.constant 0 : index
      %swap3A_2690 = tpu.vector_load %arg17[%swap3A_2688, %swap3A_2689] {strides = array<i32>} : memref<64x64xf32, #tpu.memory_space<vmem>>, vector<16xf32>,
      tpu.vector_store %arg17[%swap3A_2688, %swap3A_2689], %broadcast_in_dim3A_12 {strides = array<i32>} : memref<64x64xf32, #tpu.memory_space<vmem>>, vector<16xf32>,
      %swap3A_2691 = arith.constant 60 : i32
      %swap3A_2692 = arith.index_cast %swap3A_2691 : i32 to index
      %swap3A_2693 = arith.constant 16 : index
      %swap3A_2694 = tpu.vector_load %arg17[%swap3A_2692, %swap3A_2693] {strides = array<i32>} : memref<64x64xf32, #tpu.memory_space<vmem>>, vector<16xf32>,
      tpu.vector_store %arg17[%swap3A_2692, %swap3A_2693], %broadcast_in_dim3A_12 {strides = array<i32>} : memref<64x64xf32, #tpu.memory_space<vmem>>, vector<16xf32>,
      %swap3A_2695 = arith.constant 60 : i32
      %swap3A_2696 = arith.index_cast %swap3A_2695 : i32 to index
      %swap3A_2697 = arith.constant 32 : index
      %swap3A_2698 = tpu.vector_load %arg17[%swap3A_2696, %swap3A_2697] {strides = array<i32>} : memref<64x64xf32, #tpu.memory_space<vmem>>, vector<16xf32>,
      tpu.vector_store %arg17[%swap3A_2696, %swap3A_2697], %broadcast_in_dim3A_12 {strides = array<i32>} : memref<64x64xf32, #tpu.memory_space<vmem>>, vector<16xf32>,
      %swap3A_2699 = arith.constant 60 : i32
      %swap3A_2700 = arith.index_cast %swap3A_2699 : i32 to index
      %swap3A_2701 = arith.constant 48 : index
      %swap3A_2702 = tpu.vector_load %arg17[%swap3A_2700, %swap3A_2701] {strides = array<i32>} : memref<64x64xf32, #tpu.memory_space<vmem>>, vector<16xf32>,
      tpu.vector_store %arg17[%swap3A_2700, %swap3A_2701], %broadcast_in_dim3A_12 {strides = array<i32>} : memref<64x64xf32, #tpu.memory_space<vmem>>, vector<16xf32>,
      %swap3A_2703 = arith.constant 61 : i32
      %swap3A_2704 = arith.index_cast %swap3A_2703 : i32 to index
      %swap3A_2705 = arith.constant 0 : index
      %swap3A_2706 = tpu.vector_load %arg17[%swap3A_2704, %swap3A_2705] {strides = array<i32>} : memref<64x64xf32, #tpu.memory_space<vmem>>, vector<16xf32>,
      tpu.vector_store %arg17[%swap3A_2704, %swap3A_2705], %broadcast_in_dim3A_12 {strides = array<i32>} : memref<64x64xf32, #tpu.memory_space<vmem>>, vector<16xf32>,
      %swap3A_2707 = arith.constant 61 : i32
      %swap3A_2708 = arith.index_cast %swap3A_2707 : i32 to index
      %swap3A_2709 = arith.constant 16 : index
      %swap3A_2710 = tpu.vector_load %arg17[%swap3A_2708, %swap3A_2709] {strides = array<i32>} : memref<64x64xf32, #tpu.memory_space<vmem>>, vector<16xf32>,
      tpu.vector_store %arg17[%swap3A_2708, %swap3A_2709], %broadcast_in_dim3A_12 {strides = array<i32>} : memref<64x64xf32, #tpu.memory_space<vmem>>, vector<16xf32>,
      %swap3A_2711 = arith.constant 61 : i32
      %swap3A_2712 = arith.index_cast %swap3A_2711 : i32 to index
      %swap3A_2713 = arith.constant 32 : index
      %swap3A_2714 = tpu.vector_load %arg17[%swap3A_2712, %swap3A_2713] {strides = array<i32>} : memref<64x64xf32, #tpu.memory_space<vmem>>, vector<16xf32>,
      tpu.vector_store %arg17[%swap3A_2712, %swap3A_2713], %broadcast_in_dim3A_12 {strides = array<i32>} : memref<64x64xf32, #tpu.memory_space<vmem>>, vector<16xf32>,
      %swap3A_2715 = arith.constant 61 : i32
      %swap3A_2716 = arith.index_cast %swap3A_2715 : i32 to index
      %swap3A_2717 = arith.constant 48 : index
      %swap3A_2718 = tpu.vector_load %arg17[%swap3A_2716, %swap3A_2717] {strides = array<i32>} : memref<64x64xf32, #tpu.memory_space<vmem>>, vector<16xf32>,
      tpu.vector_store %arg17[%swap3A_2716, %swap3A_2717], %broadcast_in_dim3A_12 {strides = array<i32>} : memref<64x64xf32, #tpu.memory_space<vmem>>, vector<16xf32>,
      %swap3A_2719 = arith.constant 62 : i32
      %swap3A_2720 = arith.index_cast %swap3A_2719 : i32 to index
      %swap3A_2721 = arith.constant 0 : index
      %swap3A_2722 = tpu.vector_load %arg17[%swap3A_2720, %swap3A_2721] {strides = array<i32>} : memref<64x64xf32, #tpu.memory_space<vmem>>, vector<16xf32>,
      tpu.vector_store %arg17[%swap3A_2720, %swap3A_2721], %broadcast_in_dim3A_12 {strides = array<i32>} : memref<64x64xf32, #tpu.memory_space<vmem>>, vector<16xf32>,
      %swap3A_2723 = arith.constant 62 : i32
      %swap3A_2724 = arith.index_cast %swap3A_2723 : i32 to index
      %swap3A_2725 = arith.constant 16 : index
      %swap3A_2726 = tpu.vector_load %arg17[%swap3A_2724, %swap3A_2725] {strides = array<i32>} : memref<64x64xf32, #tpu.memory_space<vmem>>, vector<16xf32>,
      tpu.vector_store %arg17[%swap3A_2724, %swap3A_2725], %broadcast_in_dim3A_12 {strides = array<i32>} : memref<64x64xf32, #tpu.memory_space<vmem>>, vector<16xf32>,
      %swap3A_2727 = arith.constant 62 : i32
      %swap3A_2728 = arith.index_cast %swap3A_2727 : i32 to index
      %swap3A_2729 = arith.constant 32 : index
      %swap3A_2730 = tpu.vector_load %arg17[%swap3A_2728, %swap3A_2729] {strides = array<i32>} : memref<64x64xf32, #tpu.memory_space<vmem>>, vector<16xf32>,
      tpu.vector_store %arg17[%swap3A_2728, %swap3A_2729], %broadcast_in_dim3A_12 {strides = array<i32>} : memref<64x64xf32, #tpu.memory_space<vmem>>, vector<16xf32>,
      %swap3A_2731 = arith.constant 62 : i32
      %swap3A_2732 = arith.index_cast %swap3A_2731 : i32 to index
      %swap3A_2733 = arith.constant 48 : index
      %swap3A_2734 = tpu.vector_load %arg17[%swap3A_2732, %swap3A_2733] {strides = array<i32>} : memref<64x64xf32, #tpu.memory_space<vmem>>, vector<16xf32>,
      tpu.vector_store %arg17[%swap3A_2732, %swap3A_2733], %broadcast_in_dim3A_12 {strides = array<i32>} : memref<64x64xf32, #tpu.memory_space<vmem>>, vector<16xf32>,
      %swap3A_2735 = arith.constant 63 : i32
      %swap3A_2736 = arith.index_cast %swap3A_2735 : i32 to index
      %swap3A_2737 = arith.constant 0 : index
      %swap3A_2738 = tpu.vector_load %arg17[%swap3A_2736, %swap3A_2737] {strides = array<i32>} : memref<64x64xf32, #tpu.memory_space<vmem>>, vector<16xf32>,
      tpu.vector_store %arg17[%swap3A_2736, %swap3A_2737], %broadcast_in_dim3A_12 {strides = array<i32>} : memref<64x64xf32, #tpu.memory_space<vmem>>, vector<16xf32>,
      %swap3A_2739 = arith.constant 63 : i32
      %swap3A_2740 = arith.index_cast %swap3A_2739 : i32 to index
      %swap3A_2741 = arith.constant 16 : index
      %swap3A_2742 = tpu.vector_load %arg17[%swap3A_2740, %swap3A_2741] {strides = array<i32>} : memref<64x64xf32, #tpu.memory_space<vmem>>, vector<16xf32>,
      tpu.vector_store %arg17[%swap3A_2740, %swap3A_2741], %broadcast_in_dim3A_12 {strides = array<i32>} : memref<64x64xf32, #tpu.memory_space<vmem>>, vector<16xf32>,
      %swap3A_2743 = arith.constant 63 : i32
      %swap3A_2744 = arith.index_cast %swap3A_2743 : i32 to index
      %swap3A_2745 = arith.constant 32 : index
      %swap3A_2746 = tpu.vector_load %arg17[%swap3A_2744, %swap3A_2745] {strides = array<i32>} : memref<64x64xf32, #tpu.memory_space<vmem>>, vector<16xf32>,
      tpu.vector_store %arg17[%swap3A_2744, %swap3A_2745], %broadcast_in_dim3A_12 {strides = array<i32>} : memref<64x64xf32, #tpu.memory_space<vmem>>, vector<16xf32>,
      %swap3A_2747 = arith.constant 63 : i32
      %swap3A_2748 = arith.index_cast %swap3A_2747 : i32 to index
      %swap3A_2749 = arith.constant 48 : index
      %swap3A_2750 = tpu.vector_load %arg17[%swap3A_2748, %swap3A_2749] {strides = array<i32>} : memref<64x64xf32, #tpu.memory_space<vmem>>, vector<16xf32>,
      tpu.vector_store %arg17[%swap3A_2748, %swap3A_2749], %broadcast_in_dim3A_12 {strides = array<i32>} : memref<64x64xf32, #tpu.memory_space<vmem>>, vector<16xf32>,
      %add3A_2751 = arith.constant 0 : i32
      %add3A_2752 = vector.broadcast %add3A_2751 : i32 to vector<16xi32>
      %add3A_2753 = arith.addi %shift_right_arithmetic3A_9, %add3A_2752 : vector<16xi32>
      %get3A_2754 = arith.constant 0 : index
      %get3A_2755 = tpu.vector_load %arg14[%get3A_2754] {strides = array<i32>} : memref<256xi32, #tpu.memory_space<vmem>>, vector<16xi32>,
      %gather3A_2756 = tpu.vector_load_idx %arg6[%get3A_2755] : memref<10000xi32, #tpu.memory_space<vmem>>[vector<16xi32>], vector<16xi32>,
      tpu.vector_store_idx %arg17[%add3A_2753, %gather3A_2756], %broadcast_in_dim3A_10 {add = true} : memref<64x64xf32, #tpu.memory_space<vmem>>[vector<16xi32>, vector<16xi32>], vector<16xf32>,
      %get3A_2757 = arith.constant 0 : index
      %get3A_2758 = tpu.vector_load %arg15[%get3A_2757] {strides = array<i32>} : memref<256xi32, #tpu.memory_space<vmem>>, vector<16xi32>,
      %gather3A_2759 = tpu.vector_load_idx %arg6[%get3A_2758] : memref<10000xi32, #tpu.memory_space<vmem>>[vector<16xi32>], vector<16xi32>,
      tpu.vector_store_idx %arg17[%add3A_2753, %gather3A_2759], %broadcast_in_dim3A_10 {add = true} : memref<64x64xf32, #tpu.memory_space<vmem>>[vector<16xi32>, vector<16xi32>], vector<16xf32>,
      %add3A_2760 = arith.constant 4 : i32
      %add3A_2761 = vector.broadcast %add3A_2760 : i32 to vector<16xi32>
      %add3A_2762 = arith.addi %shift_right_arithmetic3A_9, %add3A_2761 : vector<16xi32>
      %get3A_2763 = arith.constant 16 : index
      %get3A_2764 = tpu.vector_load %arg14[%get3A_2763] {strides = array<i32>} : memref<256xi32, #tpu.memory_space<vmem>>, vector<16xi32>,
      %gather3A_2765 = tpu.vector_load_idx %arg6[%get3A_2764] : memref<10000xi32, #tpu.memory_space<vmem>>[vector<16xi32>], vector<16xi32>,
      tpu.vector_store_idx %arg17[%add3A_2762, %gather3A_2765], %broadcast_in_dim3A_10 {add = true} : memref<64x64xf32, #tpu.memory_space<vmem>>[vector<16xi32>, vector<16xi32>], vector<16xf32>,
      %get3A_2766 = arith.constant 16 : index
      %get3A_2767 = tpu.vector_load %arg15[%get3A_2766] {strides = array<i32>} : memref<256xi32, #tpu.memory_space<vmem>>, vector<16xi32>,
      %gather3A_2768 = tpu.vector_load_idx %arg6[%get3A_2767] : memref<10000xi32, #tpu.memory_space<vmem>>[vector<16xi32>], vector<16xi32>,
      tpu.vector_store_idx %arg17[%add3A_2762, %gather3A_2768], %broadcast_in_dim3A_10 {add = true} : memref<64x64xf32, #tpu.memory_space<vmem>>[vector<16xi32>, vector<16xi32>], vector<16xf32>,
      %add3A_2769 = arith.constant 8 : i32
      %add3A_2770 = vector.broadcast %add3A_2769 : i32 to vector<16xi32>
      %add3A_2771 = arith.addi %shift_right_arithmetic3A_9, %add3A_2770 : vector<16xi32>
      %get3A_2772 = arith.constant 32 : index
      %get3A_2773 = tpu.vector_load %arg14[%get3A_2772] {strides = array<i32>} : memref<256xi32, #tpu.memory_space<vmem>>, vector<16xi32>,
      %gather3A_2774 = tpu.vector_load_idx %arg6[%get3A_2773] : memref<10000xi32, #tpu.memory_space<vmem>>[vector<16xi32>], vector<16xi32>,
      tpu.vector_store_idx %arg17[%add3A_2771, %gather3A_2774], %broadcast_in_dim3A_10 {add = true} : memref<64x64xf32, #tpu.memory_space<vmem>>[vector<16xi32>, vector<16xi32>], vector<16xf32>,
      %get3A_2775 = arith.constant 32 : index
      %get3A_2776 = tpu.vector_load %arg15[%get3A_2775] {strides = array<i32>} : memref<256xi32, #tpu.memory_space<vmem>>, vector<16xi32>,
      %gather3A_2777 = tpu.vector_load_idx %arg6[%get3A_2776] : memref<10000xi32, #tpu.memory_space<vmem>>[vector<16xi32>], vector<16xi32>,
      tpu.vector_store_idx %arg17[%add3A_2771, %gather3A_2777], %broadcast_in_dim3A_10 {add = true} : memref<64x64xf32, #tpu.memory_space<vmem>>[vector<16xi32>, vector<16xi32>], vector<16xf32>,
      %add3A_2778 = arith.constant 12 : i32
      %add3A_2779 = vector.broadcast %add3A_2778 : i32 to vector<16xi32>
      %add3A_2780 = arith.addi %shift_right_arithmetic3A_9, %add3A_2779 : vector<16xi32>
      %get3A_2781 = arith.constant 48 : index
      %get3A_2782 = tpu.vector_load %arg14[%get3A_2781] {strides = array<i32>} : memref<256xi32, #tpu.memory_space<vmem>>, vector<16xi32>,
      %gather3A_2783 = tpu.vector_load_idx %arg6[%get3A_2782] : memref<10000xi32, #tpu.memory_space<vmem>>[vector<16xi32>], vector<16xi32>,
      tpu.vector_store_idx %arg17[%add3A_2780, %gather3A_2783], %broadcast_in_dim3A_10 {add = true} : memref<64x64xf32, #tpu.memory_space<vmem>>[vector<16xi32>, vector<16xi32>], vector<16xf32>,
      %get3A_2784 = arith.constant 48 : index
      %get3A_2785 = tpu.vector_load %arg15[%get3A_2784] {strides = array<i32>} : memref<256xi32, #tpu.memory_space<vmem>>, vector<16xi32>,
      %gather3A_2786 = tpu.vector_load_idx %arg6[%get3A_2785] : memref<10000xi32, #tpu.memory_space<vmem>>[vector<16xi32>], vector<16xi32>,
      tpu.vector_store_idx %arg17[%add3A_2780, %gather3A_2786], %broadcast_in_dim3A_10 {add = true} : memref<64x64xf32, #tpu.memory_space<vmem>>[vector<16xi32>, vector<16xi32>], vector<16xf32>,
      %add3A_2787 = arith.constant 16 : i32
      %add3A_2788 = vector.broadcast %add3A_2787 : i32 to vector<16xi32>
      %add3A_2789 = arith.addi %shift_right_arithmetic3A_9, %add3A_2788 : vector<16xi32>
      %get3A_2790 = arith.constant 64 : index
      %get3A_2791 = tpu.vector_load %arg14[%get3A_2790] {strides = array<i32>} : memref<256xi32, #tpu.memory_space<vmem>>, vector<16xi32>,
      %gather3A_2792 = tpu.vector_load_idx %arg6[%get3A_2791] : memref<10000xi32, #tpu.memory_space<vmem>>[vector<16xi32>], vector<16xi32>,
      tpu.vector_store_idx %arg17[%add3A_2789, %gather3A_2792], %broadcast_in_dim3A_10 {add = true} : memref<64x64xf32, #tpu.memory_space<vmem>>[vector<16xi32>, vector<16xi32>], vector<16xf32>,
      %get3A_2793 = arith.constant 64 : index
      %get3A_2794 = tpu.vector_load %arg15[%get3A_2793] {strides = array<i32>} : memref<256xi32, #tpu.memory_space<vmem>>, vector<16xi32>,
      %gather3A_2795 = tpu.vector_load_idx %arg6[%get3A_2794] : memref<10000xi32, #tpu.memory_space<vmem>>[vector<16xi32>], vector<16xi32>,
      tpu.vector_store_idx %arg17[%add3A_2789, %gather3A_2795], %broadcast_in_dim3A_10 {add = true} : memref<64x64xf32, #tpu.memory_space<vmem>>[vector<16xi32>, vector<16xi32>], vector<16xf32>,
      %add3A_2796 = arith.constant 20 : i32
      %add3A_2797 = vector.broadcast %add3A_2796 : i32 to vector<16xi32>
      %add3A_2798 = arith.addi %shift_right_arithmetic3A_9, %add3A_2797 : vector<16xi32>
      %get3A_2799 = arith.constant 80 : index
      %get3A_2800 = tpu.vector_load %arg14[%get3A_2799] {strides = array<i32>} : memref<256xi32, #tpu.memory_space<vmem>>, vector<16xi32>,
      %gather3A_2801 = tpu.vector_load_idx %arg6[%get3A_2800] : memref<10000xi32, #tpu.memory_space<vmem>>[vector<16xi32>], vector<16xi32>,
      tpu.vector_store_idx %arg17[%add3A_2798, %gather3A_2801], %broadcast_in_dim3A_10 {add = true} : memref<64x64xf32, #tpu.memory_space<vmem>>[vector<16xi32>, vector<16xi32>], vector<16xf32>,
      %get3A_2802 = arith.constant 80 : index
      %get3A_2803 = tpu.vector_load %arg15[%get3A_2802] {strides = array<i32>} : memref<256xi32, #tpu.memory_space<vmem>>, vector<16xi32>,
      %gather3A_2804 = tpu.vector_load_idx %arg6[%get3A_2803] : memref<10000xi32, #tpu.memory_space<vmem>>[vector<16xi32>], vector<16xi32>,
      tpu.vector_store_idx %arg17[%add3A_2798, %gather3A_2804], %broadcast_in_dim3A_10 {add = true} : memref<64x64xf32, #tpu.memory_space<vmem>>[vector<16xi32>, vector<16xi32>], vector<16xf32>,
      %add3A_2805 = arith.constant 24 : i32
      %add3A_2806 = vector.broadcast %add3A_2805 : i32 to vector<16xi32>
      %add3A_2807 = arith.addi %shift_right_arithmetic3A_9, %add3A_2806 : vector<16xi32>
      %get3A_2808 = arith.constant 96 : index
      %get3A_2809 = tpu.vector_load %arg14[%get3A_2808] {strides = array<i32>} : memref<256xi32, #tpu.memory_space<vmem>>, vector<16xi32>,
      %gather3A_2810 = tpu.vector_load_idx %arg6[%get3A_2809] : memref<10000xi32, #tpu.memory_space<vmem>>[vector<16xi32>], vector<16xi32>,
      tpu.vector_store_idx %arg17[%add3A_2807, %gather3A_2810], %broadcast_in_dim3A_10 {add = true} : memref<64x64xf32, #tpu.memory_space<vmem>>[vector<16xi32>, vector<16xi32>], vector<16xf32>,
      %get3A_2811 = arith.constant 96 : index
      %get3A_2812 = tpu.vector_load %arg15[%get3A_2811] {strides = array<i32>} : memref<256xi32, #tpu.memory_space<vmem>>, vector<16xi32>,
      %gather3A_2813 = tpu.vector_load_idx %arg6[%get3A_2812] : memref<10000xi32, #tpu.memory_space<vmem>>[vector<16xi32>], vector<16xi32>,
      tpu.vector_store_idx %arg17[%add3A_2807, %gather3A_2813], %broadcast_in_dim3A_10 {add = true} : memref<64x64xf32, #tpu.memory_space<vmem>>[vector<16xi32>, vector<16xi32>], vector<16xf32>,
      %add3A_2814 = arith.constant 28 : i32
      %add3A_2815 = vector.broadcast %add3A_2814 : i32 to vector<16xi32>
      %add3A_2816 = arith.addi %shift_right_arithmetic3A_9, %add3A_2815 : vector<16xi32>
      %get3A_2817 = arith.constant 112 : index
      %get3A_2818 = tpu.vector_load %arg14[%get3A_2817] {strides = array<i32>} : memref<256xi32, #tpu.memory_space<vmem>>, vector<16xi32>,
      %gather3A_2819 = tpu.vector_load_idx %arg6[%get3A_2818] : memref<10000xi32, #tpu.memory_space<vmem>>[vector<16xi32>], vector<16xi32>,
      tpu.vector_store_idx %arg17[%add3A_2816, %gather3A_2819], %broadcast_in_dim3A_10 {add = true} : memref<64x64xf32, #tpu.memory_space<vmem>>[vector<16xi32>, vector<16xi32>], vector<16xf32>,
      %get3A_2820 = arith.constant 112 : index
      %get3A_2821 = tpu.vector_load %arg15[%get3A_2820] {strides = array<i32>} : memref<256xi32, #tpu.memory_space<vmem>>, vector<16xi32>,
      %gather3A_2822 = tpu.vector_load_idx %arg6[%get3A_2821] : memref<10000xi32, #tpu.memory_space<vmem>>[vector<16xi32>], vector<16xi32>,
      tpu.vector_store_idx %arg17[%add3A_2816, %gather3A_2822], %broadcast_in_dim3A_10 {add = true} : memref<64x64xf32, #tpu.memory_space<vmem>>[vector<16xi32>, vector<16xi32>], vector<16xf32>,
      %add3A_2823 = arith.constant 32 : i32
      %add3A_2824 = vector.broadcast %add3A_2823 : i32 to vector<16xi32>
      %add3A_2825 = arith.addi %shift_right_arithmetic3A_9, %add3A_2824 : vector<16xi32>
      %get3A_2826 = arith.constant 128 : index
      %get3A_2827 = tpu.vector_load %arg14[%get3A_2826] {strides = array<i32>} : memref<256xi32, #tpu.memory_space<vmem>>, vector<16xi32>,
      %gather3A_2828 = tpu.vector_load_idx %arg6[%get3A_2827] : memref<10000xi32, #tpu.memory_space<vmem>>[vector<16xi32>], vector<16xi32>,
      tpu.vector_store_idx %arg17[%add3A_2825, %gather3A_2828], %broadcast_in_dim3A_10 {add = true} : memref<64x64xf32, #tpu.memory_space<vmem>>[vector<16xi32>, vector<16xi32>], vector<16xf32>,
      %get3A_2829 = arith.constant 128 : index
      %get3A_2830 = tpu.vector_load %arg15[%get3A_2829] {strides = array<i32>} : memref<256xi32, #tpu.memory_space<vmem>>, vector<16xi32>,
      %gather3A_2831 = tpu.vector_load_idx %arg6[%get3A_2830] : memref<10000xi32, #tpu.memory_space<vmem>>[vector<16xi32>], vector<16xi32>,
      tpu.vector_store_idx %arg17[%add3A_2825, %gather3A_2831], %broadcast_in_dim3A_10 {add = true} : memref<64x64xf32, #tpu.memory_space<vmem>>[vector<16xi32>, vector<16xi32>], vector<16xf32>,
      %add3A_2832 = arith.constant 36 : i32
      %add3A_2833 = vector.broadcast %add3A_2832 : i32 to vector<16xi32>
      %add3A_2834 = arith.addi %shift_right_arithmetic3A_9, %add3A_2833 : vector<16xi32>
      %get3A_2835 = arith.constant 144 : index
      %get3A_2836 = tpu.vector_load %arg14[%get3A_2835] {strides = array<i32>} : memref<256xi32, #tpu.memory_space<vmem>>, vector<16xi32>,
      %gather3A_2837 = tpu.vector_load_idx %arg6[%get3A_2836] : memref<10000xi32, #tpu.memory_space<vmem>>[vector<16xi32>], vector<16xi32>,
      tpu.vector_store_idx %arg17[%add3A_2834, %gather3A_2837], %broadcast_in_dim3A_10 {add = true} : memref<64x64xf32, #tpu.memory_space<vmem>>[vector<16xi32>, vector<16xi32>], vector<16xf32>,
      %get3A_2838 = arith.constant 144 : index
      %get3A_2839 = tpu.vector_load %arg15[%get3A_2838] {strides = array<i32>} : memref<256xi32, #tpu.memory_space<vmem>>, vector<16xi32>,
      %gather3A_2840 = tpu.vector_load_idx %arg6[%get3A_2839] : memref<10000xi32, #tpu.memory_space<vmem>>[vector<16xi32>], vector<16xi32>,
      tpu.vector_store_idx %arg17[%add3A_2834, %gather3A_2840], %broadcast_in_dim3A_10 {add = true} : memref<64x64xf32, #tpu.memory_space<vmem>>[vector<16xi32>, vector<16xi32>], vector<16xf32>,
      %add3A_2841 = arith.constant 40 : i32
      %add3A_2842 = vector.broadcast %add3A_2841 : i32 to vector<16xi32>
      %add3A_2843 = arith.addi %shift_right_arithmetic3A_9, %add3A_2842 : vector<16xi32>
      %get3A_2844 = arith.constant 160 : index
      %get3A_2845 = tpu.vector_load %arg14[%get3A_2844] {strides = array<i32>} : memref<256xi32, #tpu.memory_space<vmem>>, vector<16xi32>,
      %gather3A_2846 = tpu.vector_load_idx %arg6[%get3A_2845] : memref<10000xi32, #tpu.memory_space<vmem>>[vector<16xi32>], vector<16xi32>,
      tpu.vector_store_idx %arg17[%add3A_2843, %gather3A_2846], %broadcast_in_dim3A_10 {add = true} : memref<64x64xf32, #tpu.memory_space<vmem>>[vector<16xi32>, vector<16xi32>], vector<16xf32>,
      %get3A_2847 = arith.constant 160 : index
      %get3A_2848 = tpu.vector_load %arg15[%get3A_2847] {strides = array<i32>} : memref<256xi32, #tpu.memory_space<vmem>>, vector<16xi32>,
      %gather3A_2849 = tpu.vector_load_idx %arg6[%get3A_2848] : memref<10000xi32, #tpu.memory_space<vmem>>[vector<16xi32>], vector<16xi32>,
      tpu.vector_store_idx %arg17[%add3A_2843, %gather3A_2849], %broadcast_in_dim3A_10 {add = true} : memref<64x64xf32, #tpu.memory_space<vmem>>[vector<16xi32>, vector<16xi32>], vector<16xf32>,
      %add3A_2850 = arith.constant 44 : i32
      %add3A_2851 = vector.broadcast %add3A_2850 : i32 to vector<16xi32>
      %add3A_2852 = arith.addi %shift_right_arithmetic3A_9, %add3A_2851 : vector<16xi32>
      %get3A_2853 = arith.constant 176 : index
      %get3A_2854 = tpu.vector_load %arg14[%get3A_2853] {strides = array<i32>} : memref<256xi32, #tpu.memory_space<vmem>>, vector<16xi32>,
      %gather3A_2855 = tpu.vector_load_idx %arg6[%get3A_2854] : memref<10000xi32, #tpu.memory_space<vmem>>[vector<16xi32>], vector<16xi32>,
      tpu.vector_store_idx %arg17[%add3A_2852, %gather3A_2855], %broadcast_in_dim3A_10 {add = true} : memref<64x64xf32, #tpu.memory_space<vmem>>[vector<16xi32>, vector<16xi32>], vector<16xf32>,
      %get3A_2856 = arith.constant 176 : index
      %get3A_2857 = tpu.vector_load %arg15[%get3A_2856] {strides = array<i32>} : memref<256xi32, #tpu.memory_space<vmem>>, vector<16xi32>,
      %gather3A_2858 = tpu.vector_load_idx %arg6[%get3A_2857] : memref<10000xi32, #tpu.memory_space<vmem>>[vector<16xi32>], vector<16xi32>,
      tpu.vector_store_idx %arg17[%add3A_2852, %gather3A_2858], %broadcast_in_dim3A_10 {add = true} : memref<64x64xf32, #tpu.memory_space<vmem>>[vector<16xi32>, vector<16xi32>], vector<16xf32>,
      %add3A_2859 = arith.constant 48 : i32
      %add3A_2860 = vector.broadcast %add3A_2859 : i32 to vector<16xi32>
      %add3A_2861 = arith.addi %shift_right_arithmetic3A_9, %add3A_2860 : vector<16xi32>
      %get3A_2862 = arith.constant 192 : index
      %get3A_2863 = tpu.vector_load %arg14[%get3A_2862] {strides = array<i32>} : memref<256xi32, #tpu.memory_space<vmem>>, vector<16xi32>,
      %gather3A_2864 = tpu.vector_load_idx %arg6[%get3A_2863] : memref<10000xi32, #tpu.memory_space<vmem>>[vector<16xi32>], vector<16xi32>,
      tpu.vector_store_idx %arg17[%add3A_2861, %gather3A_2864], %broadcast_in_dim3A_10 {add = true} : memref<64x64xf32, #tpu.memory_space<vmem>>[vector<16xi32>, vector<16xi32>], vector<16xf32>,
      %get3A_2865 = arith.constant 192 : index
      %get3A_2866 = tpu.vector_load %arg15[%get3A_2865] {strides = array<i32>} : memref<256xi32, #tpu.memory_space<vmem>>, vector<16xi32>,
      %gather3A_2867 = tpu.vector_load_idx %arg6[%get3A_2866] : memref<10000xi32, #tpu.memory_space<vmem>>[vector<16xi32>], vector<16xi32>,
      tpu.vector_store_idx %arg17[%add3A_2861, %gather3A_2867], %broadcast_in_dim3A_10 {add = true} : memref<64x64xf32, #tpu.memory_space<vmem>>[vector<16xi32>, vector<16xi32>], vector<16xf32>,
      %add3A_2868 = arith.constant 52 : i32
      %add3A_2869 = vector.broadcast %add3A_2868 : i32 to vector<16xi32>
      %add3A_2870 = arith.addi %shift_right_arithmetic3A_9, %add3A_2869 : vector<16xi32>
      %get3A_2871 = arith.constant 208 : index
      %get3A_2872 = tpu.vector_load %arg14[%get3A_2871] {strides = array<i32>} : memref<256xi32, #tpu.memory_space<vmem>>, vector<16xi32>,
      %gather3A_2873 = tpu.vector_load_idx %arg6[%get3A_2872] : memref<10000xi32, #tpu.memory_space<vmem>>[vector<16xi32>], vector<16xi32>,
      tpu.vector_store_idx %arg17[%add3A_2870, %gather3A_2873], %broadcast_in_dim3A_10 {add = true} : memref<64x64xf32, #tpu.memory_space<vmem>>[vector<16xi32>, vector<16xi32>], vector<16xf32>,
      %get3A_2874 = arith.constant 208 : index
      %get3A_2875 = tpu.vector_load %arg15[%get3A_2874] {strides = array<i32>} : memref<256xi32, #tpu.memory_space<vmem>>, vector<16xi32>,
      %gather3A_2876 = tpu.vector_load_idx %arg6[%get3A_2875] : memref<10000xi32, #tpu.memory_space<vmem>>[vector<16xi32>], vector<16xi32>,
      tpu.vector_store_idx %arg17[%add3A_2870, %gather3A_2876], %broadcast_in_dim3A_10 {add = true} : memref<64x64xf32, #tpu.memory_space<vmem>>[vector<16xi32>, vector<16xi32>], vector<16xf32>,
      %add3A_2877 = arith.constant 56 : i32
      %add3A_2878 = vector.broadcast %add3A_2877 : i32 to vector<16xi32>
      %add3A_2879 = arith.addi %shift_right_arithmetic3A_9, %add3A_2878 : vector<16xi32>
      %get3A_2880 = arith.constant 224 : index
      %get3A_2881 = tpu.vector_load %arg14[%get3A_2880] {strides = array<i32>} : memref<256xi32, #tpu.memory_space<vmem>>, vector<16xi32>,
      %gather3A_2882 = tpu.vector_load_idx %arg6[%get3A_2881] : memref<10000xi32, #tpu.memory_space<vmem>>[vector<16xi32>], vector<16xi32>,
      tpu.vector_store_idx %arg17[%add3A_2879, %gather3A_2882], %broadcast_in_dim3A_10 {add = true} : memref<64x64xf32, #tpu.memory_space<vmem>>[vector<16xi32>, vector<16xi32>], vector<16xf32>,
      %get3A_2883 = arith.constant 224 : index
      %get3A_2884 = tpu.vector_load %arg15[%get3A_2883] {strides = array<i32>} : memref<256xi32, #tpu.memory_space<vmem>>, vector<16xi32>,
      %gather3A_2885 = tpu.vector_load_idx %arg6[%get3A_2884] : memref<10000xi32, #tpu.memory_space<vmem>>[vector<16xi32>], vector<16xi32>,
      tpu.vector_store_idx %arg17[%add3A_2879, %gather3A_2885], %broadcast_in_dim3A_10 {add = true} : memref<64x64xf32, #tpu.memory_space<vmem>>[vector<16xi32>, vector<16xi32>], vector<16xf32>,
      %add3A_2886 = arith.constant 60 : i32
      %add3A_2887 = vector.broadcast %add3A_2886 : i32 to vector<16xi32>
      %add3A_2888 = arith.addi %shift_right_arithmetic3A_9, %add3A_2887 : vector<16xi32>
      %get3A_2889 = arith.constant 240 : index
      %get3A_2890 = tpu.vector_load %arg14[%get3A_2889] {strides = array<i32>} : memref<256xi32, #tpu.memory_space<vmem>>, vector<16xi32>,
      %gather3A_2891 = tpu.vector_load_idx %arg6[%get3A_2890] : memref<10000xi32, #tpu.memory_space<vmem>>[vector<16xi32>], vector<16xi32>,
      tpu.vector_store_idx %arg17[%add3A_2888, %gather3A_2891], %broadcast_in_dim3A_10 {add = true} : memref<64x64xf32, #tpu.memory_space<vmem>>[vector<16xi32>, vector<16xi32>], vector<16xf32>,
      %get3A_2892 = arith.constant 240 : index
      %get3A_2893 = tpu.vector_load %arg15[%get3A_2892] {strides = array<i32>} : memref<256xi32, #tpu.memory_space<vmem>>, vector<16xi32>,
      %gather3A_2894 = tpu.vector_load_idx %arg6[%get3A_2893] : memref<10000xi32, #tpu.memory_space<vmem>>[vector<16xi32>], vector<16xi32>,
      tpu.vector_store_idx %arg17[%add3A_2888, %gather3A_2894], %broadcast_in_dim3A_10 {add = true} : memref<64x64xf32, #tpu.memory_space<vmem>>[vector<16xi32>, vector<16xi32>], vector<16xf32>,
      %ge3A_2895 = arith.constant 2 : i32
      %ge3A_2896 = arith.cmpi sge, %add3A_1718, %ge3A_2895 : i32
      %convert_element_type3A_2897 = arith.extui %ge3A_2896 : i1 to i32
      %cond3A_2898 = arith.constant 0 : i32
      %cond3A_2899 = arith.cmpi ne, %convert_element_type3A_2897, %cond3A_2898 : i32
      scf.if %cond3A_2899 {
        %dma_wait3A_2914 = arith.constant 0 : i32
        %dma_wait3A_2915 = arith.constant 0 : i32
        %dma_wait3A_2916 = tpu.memref_slice %arg5[%dma_wait3A_2914, %dma_wait3A_2915] : memref<100000x64xf32, #tpu.memory_space<hbm>> -> memref<64x64xf32, #tpu.memory_space<hbm>>
        %dma_wait3A_2917 = arith.constant 0 : i32
        %dma_wait3A_2918 = arith.constant 0 : i32
        %dma_wait3A_2919 = tpu.memref_slice %arg5[%dma_wait3A_2917, %dma_wait3A_2918] : memref<100000x64xf32, #tpu.memory_space<hbm>> -> memref<64x64xf32, #tpu.memory_space<hbm>>
        tpu.wait_dma2 semaphore(%arg21 : memref<!tpu.dma_semaphore, #tpu.memory_space<semaphore_mem>>) src(%arg17 : memref<64x64xf32, #tpu.memory_space<vmem>>) dst(%dma_wait3A_2919 : memref<64x64xf32, #tpu.memory_space<hbm>>)
      } else {
      }
      %mul3A_2900 = arith.constant 64 : i32
      %mul3A_2901 = arith.muli %add3A_1718, %mul3A_2900 : i32
      %add3A_2902 = arith.addi %min3A_3, %mul3A_2901 : i32
      %dma_start3A_2903 = arith.constant 0 : i32
      %dma_start3A_2904 = tpu.memref_slice %arg5[%add3A_2902, %dma_start3A_2903] : memref<100000x64xf32, #tpu.memory_space<hbm>> -> memref<64x64xf32, #tpu.memory_space<hbm>>
      %dma_start3A_2905 = arith.constant 0 : i32
      %dma_start3A_2906 = tpu.memref_slice %arg5[%add3A_2902, %dma_start3A_2905] : memref<100000x64xf32, #tpu.memory_space<hbm>> -> memref<64x64xf32, #tpu.memory_space<hbm>>
      tpu.enqueue_dma source(%arg17 : memref<64x64xf32, #tpu.memory_space<vmem>>) target(%dma_start3A_2906 : memref<64x64xf32, #tpu.memory_space<hbm>>) target_semaphore(%arg21 : memref<!tpu.dma_semaphore, #tpu.memory_space<semaphore_mem>>)
      %add3A_2907 = arith.constant 2 : i32
      %add3A_2908 = arith.addi %add3A_1718, %add3A_2907 : i32
      %lt3A_2909 = arith.constant 50 : i32
      %lt3A_2910 = arith.cmpi slt, %add3A_2908, %lt3A_2909 : i32
      %convert_element_type3A_2911 = arith.extui %lt3A_2910 : i1 to i32
      %cond3A_2912 = arith.constant 0 : i32
      %cond3A_2913 = arith.cmpi ne, %convert_element_type3A_2911, %cond3A_2912 : i32
      scf.if %cond3A_2913 {
        %add3A_2914 = arith.constant 2 : i32
        %add3A_2915 = arith.addi %add3A_1718, %add3A_2914 : i32
        %mul3A_2916 = arith.constant 16 : i32
        %mul3A_2917 = arith.muli %add3A_2915, %mul3A_2916 : i32
        %add3A_2918 = arith.constant 0 : i32
        %add3A_2919 = arith.addi %mul3A_2917, %add3A_2918 : i32
        %get3A_2920 = arith.index_cast %add3A_2919 : i32 to index
        %get3A_2921 = arith.constant 0 : index
        %get3A_2922 = tpu.vector_load %arg7[%get3A_2920, %get3A_2921] {strides = array<i32>} : memref<800x16xi32, #tpu.memory_space<vmem>>, vector<16xi32>,
        %mul3A_2923 = arith.constant 2 : i32
        %mul3A_2924 = vector.broadcast %mul3A_2923 : i32 to vector<16xi32>
        %mul3A_2925 = arith.muli %get3A_2922, %mul3A_2924 : vector<16xi32>
        %swap3A_2926 = arith.constant 0 : index
        %swap3A_2927 = tpu.vector_load %arg9[%swap3A_2926] {strides = array<i32>} : memref<256xi32, #tpu.memory_space<vmem>>, vector<16xi32>,
        tpu.vector_store %arg9[%swap3A_2926], %mul3A_2925 {strides = array<i32>} : memref<256xi32, #tpu.memory_space<vmem>>, vector<16xi32>,
        %add3A_2928 = arith.constant 1 : i32
        %add3A_2929 = vector.broadcast %add3A_2928 : i32 to vector<16xi32>
        %add3A_2930 = arith.addi %mul3A_2925, %add3A_2929 : vector<16xi32>
        %swap3A_2931 = arith.constant 0 : index
        %swap3A_2932 = tpu.vector_load %arg11[%swap3A_2931] {strides = array<i32>} : memref<256xi32, #tpu.memory_space<vmem>>, vector<16xi32>,
        tpu.vector_store %arg11[%swap3A_2931], %add3A_2930 {strides = array<i32>} : memref<256xi32, #tpu.memory_space<vmem>>, vector<16xi32>,
        %mul3A_2933 = arith.constant 16 : i32
        %mul3A_2934 = arith.muli %add3A_2915, %mul3A_2933 : i32
        %add3A_2935 = arith.constant 1 : i32
        %add3A_2936 = arith.addi %mul3A_2934, %add3A_2935 : i32
        %get3A_2937 = arith.index_cast %add3A_2936 : i32 to index
        %get3A_2938 = arith.constant 0 : index
        %get3A_2939 = tpu.vector_load %arg7[%get3A_2937, %get3A_2938] {strides = array<i32>} : memref<800x16xi32, #tpu.memory_space<vmem>>, vector<16xi32>,
        %mul3A_2940 = arith.constant 2 : i32
        %mul3A_2941 = vector.broadcast %mul3A_2940 : i32 to vector<16xi32>
        %mul3A_2942 = arith.muli %get3A_2939, %mul3A_2941 : vector<16xi32>
        %swap3A_2943 = arith.constant 16 : index
        %swap3A_2944 = tpu.vector_load %arg9[%swap3A_2943] {strides = array<i32>} : memref<256xi32, #tpu.memory_space<vmem>>, vector<16xi32>,
        tpu.vector_store %arg9[%swap3A_2943], %mul3A_2942 {strides = array<i32>} : memref<256xi32, #tpu.memory_space<vmem>>, vector<16xi32>,
        %add3A_2945 = arith.constant 1 : i32
        %add3A_2946 = vector.broadcast %add3A_2945 : i32 to vector<16xi32>
        %add3A_2947 = arith.addi %mul3A_2942, %add3A_2946 : vector<16xi32>
        %swap3A_2948 = arith.constant 16 : index
        %swap3A_2949 = tpu.vector_load %arg11[%swap3A_2948] {strides = array<i32>} : memref<256xi32, #tpu.memory_space<vmem>>, vector<16xi32>,
        tpu.vector_store %arg11[%swap3A_2948], %add3A_2947 {strides = array<i32>} : memref<256xi32, #tpu.memory_space<vmem>>, vector<16xi32>,
        %mul3A_2950 = arith.constant 16 : i32
        %mul3A_2951 = arith.muli %add3A_2915, %mul3A_2950 : i32
        %add3A_2952 = arith.constant 2 : i32
        %add3A_2953 = arith.addi %mul3A_2951, %add3A_2952 : i32
        %get3A_2954 = arith.index_cast %add3A_2953 : i32 to index
        %get3A_2955 = arith.constant 0 : index
        %get3A_2956 = tpu.vector_load %arg7[%get3A_2954, %get3A_2955] {strides = array<i32>} : memref<800x16xi32, #tpu.memory_space<vmem>>, vector<16xi32>,
        %mul3A_2957 = arith.constant 2 : i32
        %mul3A_2958 = vector.broadcast %mul3A_2957 : i32 to vector<16xi32>
        %mul3A_2959 = arith.muli %get3A_2956, %mul3A_2958 : vector<16xi32>
        %swap3A_2960 = arith.constant 32 : index
        %swap3A_2961 = tpu.vector_load %arg9[%swap3A_2960] {strides = array<i32>} : memref<256xi32, #tpu.memory_space<vmem>>, vector<16xi32>,
        tpu.vector_store %arg9[%swap3A_2960], %mul3A_2959 {strides = array<i32>} : memref<256xi32, #tpu.memory_space<vmem>>, vector<16xi32>,
        %add3A_2962 = arith.constant 1 : i32
        %add3A_2963 = vector.broadcast %add3A_2962 : i32 to vector<16xi32>
        %add3A_2964 = arith.addi %mul3A_2959, %add3A_2963 : vector<16xi32>
        %swap3A_2965 = arith.constant 32 : index
        %swap3A_2966 = tpu.vector_load %arg11[%swap3A_2965] {strides = array<i32>} : memref<256xi32, #tpu.memory_space<vmem>>, vector<16xi32>,
        tpu.vector_store %arg11[%swap3A_2965], %add3A_2964 {strides = array<i32>} : memref<256xi32, #tpu.memory_space<vmem>>, vector<16xi32>,
        %mul3A_2967 = arith.constant 16 : i32
        %mul3A_2968 = arith.muli %add3A_2915, %mul3A_2967 : i32
        %add3A_2969 = arith.constant 3 : i32
        %add3A_2970 = arith.addi %mul3A_2968, %add3A_2969 : i32
        %get3A_2971 = arith.index_cast %add3A_2970 : i32 to index
        %get3A_2972 = arith.constant 0 : index
        %get3A_2973 = tpu.vector_load %arg7[%get3A_2971, %get3A_2972] {strides = array<i32>} : memref<800x16xi32, #tpu.memory_space<vmem>>, vector<16xi32>,
        %mul3A_2974 = arith.constant 2 : i32
        %mul3A_2975 = vector.broadcast %mul3A_2974 : i32 to vector<16xi32>
        %mul3A_2976 = arith.muli %get3A_2973, %mul3A_2975 : vector<16xi32>
        %swap3A_2977 = arith.constant 48 : index
        %swap3A_2978 = tpu.vector_load %arg9[%swap3A_2977] {strides = array<i32>} : memref<256xi32, #tpu.memory_space<vmem>>, vector<16xi32>,
        tpu.vector_store %arg9[%swap3A_2977], %mul3A_2976 {strides = array<i32>} : memref<256xi32, #tpu.memory_space<vmem>>, vector<16xi32>,
        %add3A_2979 = arith.constant 1 : i32
        %add3A_2980 = vector.broadcast %add3A_2979 : i32 to vector<16xi32>
        %add3A_2981 = arith.addi %mul3A_2976, %add3A_2980 : vector<16xi32>
        %swap3A_2982 = arith.constant 48 : index
        %swap3A_2983 = tpu.vector_load %arg11[%swap3A_2982] {strides = array<i32>} : memref<256xi32, #tpu.memory_space<vmem>>, vector<16xi32>,
        tpu.vector_store %arg11[%swap3A_2982], %add3A_2981 {strides = array<i32>} : memref<256xi32, #tpu.memory_space<vmem>>, vector<16xi32>,
        %mul3A_2984 = arith.constant 16 : i32
        %mul3A_2985 = arith.muli %add3A_2915, %mul3A_2984 : i32
        %add3A_2986 = arith.constant 4 : i32
        %add3A_2987 = arith.addi %mul3A_2985, %add3A_2986 : i32
        %get3A_2988 = arith.index_cast %add3A_2987 : i32 to index
        %get3A_2989 = arith.constant 0 : index
        %get3A_2990 = tpu.vector_load %arg7[%get3A_2988, %get3A_2989] {strides = array<i32>} : memref<800x16xi32, #tpu.memory_space<vmem>>, vector<16xi32>,
        %mul3A_2991 = arith.constant 2 : i32
        %mul3A_2992 = vector.broadcast %mul3A_2991 : i32 to vector<16xi32>
        %mul3A_2993 = arith.muli %get3A_2990, %mul3A_2992 : vector<16xi32>
        %swap3A_2994 = arith.constant 64 : index
        %swap3A_2995 = tpu.vector_load %arg9[%swap3A_2994] {strides = array<i32>} : memref<256xi32, #tpu.memory_space<vmem>>, vector<16xi32>,
        tpu.vector_store %arg9[%swap3A_2994], %mul3A_2993 {strides = array<i32>} : memref<256xi32, #tpu.memory_space<vmem>>, vector<16xi32>,
        %add3A_2996 = arith.constant 1 : i32
        %add3A_2997 = vector.broadcast %add3A_2996 : i32 to vector<16xi32>
        %add3A_2998 = arith.addi %mul3A_2993, %add3A_2997 : vector<16xi32>
        %swap3A_2999 = arith.constant 64 : index
        %swap3A_3000 = tpu.vector_load %arg11[%swap3A_2999] {strides = array<i32>} : memref<256xi32, #tpu.memory_space<vmem>>, vector<16xi32>,
        tpu.vector_store %arg11[%swap3A_2999], %add3A_2998 {strides = array<i32>} : memref<256xi32, #tpu.memory_space<vmem>>, vector<16xi32>,
        %mul3A_3001 = arith.constant 16 : i32
        %mul3A_3002 = arith.muli %add3A_2915, %mul3A_3001 : i32
        %add3A_3003 = arith.constant 5 : i32
        %add3A_3004 = arith.addi %mul3A_3002, %add3A_3003 : i32
        %get3A_3005 = arith.index_cast %add3A_3004 : i32 to index
        %get3A_3006 = arith.constant 0 : index
        %get3A_3007 = tpu.vector_load %arg7[%get3A_3005, %get3A_3006] {strides = array<i32>} : memref<800x16xi32, #tpu.memory_space<vmem>>, vector<16xi32>,
        %mul3A_3008 = arith.constant 2 : i32
        %mul3A_3009 = vector.broadcast %mul3A_3008 : i32 to vector<16xi32>
        %mul3A_3010 = arith.muli %get3A_3007, %mul3A_3009 : vector<16xi32>
        %swap3A_3011 = arith.constant 80 : index
        %swap3A_3012 = tpu.vector_load %arg9[%swap3A_3011] {strides = array<i32>} : memref<256xi32, #tpu.memory_space<vmem>>, vector<16xi32>,
        tpu.vector_store %arg9[%swap3A_3011], %mul3A_3010 {strides = array<i32>} : memref<256xi32, #tpu.memory_space<vmem>>, vector<16xi32>,
        %add3A_3013 = arith.constant 1 : i32
        %add3A_3014 = vector.broadcast %add3A_3013 : i32 to vector<16xi32>
        %add3A_3015 = arith.addi %mul3A_3010, %add3A_3014 : vector<16xi32>
        %swap3A_3016 = arith.constant 80 : index
        %swap3A_3017 = tpu.vector_load %arg11[%swap3A_3016] {strides = array<i32>} : memref<256xi32, #tpu.memory_space<vmem>>, vector<16xi32>,
        tpu.vector_store %arg11[%swap3A_3016], %add3A_3015 {strides = array<i32>} : memref<256xi32, #tpu.memory_space<vmem>>, vector<16xi32>,
        %mul3A_3018 = arith.constant 16 : i32
        %mul3A_3019 = arith.muli %add3A_2915, %mul3A_3018 : i32
        %add3A_3020 = arith.constant 6 : i32
        %add3A_3021 = arith.addi %mul3A_3019, %add3A_3020 : i32
        %get3A_3022 = arith.index_cast %add3A_3021 : i32 to index
        %get3A_3023 = arith.constant 0 : index
        %get3A_3024 = tpu.vector_load %arg7[%get3A_3022, %get3A_3023] {strides = array<i32>} : memref<800x16xi32, #tpu.memory_space<vmem>>, vector<16xi32>,
        %mul3A_3025 = arith.constant 2 : i32
        %mul3A_3026 = vector.broadcast %mul3A_3025 : i32 to vector<16xi32>
        %mul3A_3027 = arith.muli %get3A_3024, %mul3A_3026 : vector<16xi32>
        %swap3A_3028 = arith.constant 96 : index
        %swap3A_3029 = tpu.vector_load %arg9[%swap3A_3028] {strides = array<i32>} : memref<256xi32, #tpu.memory_space<vmem>>, vector<16xi32>,
        tpu.vector_store %arg9[%swap3A_3028], %mul3A_3027 {strides = array<i32>} : memref<256xi32, #tpu.memory_space<vmem>>, vector<16xi32>,
        %add3A_3030 = arith.constant 1 : i32
        %add3A_3031 = vector.broadcast %add3A_3030 : i32 to vector<16xi32>
        %add3A_3032 = arith.addi %mul3A_3027, %add3A_3031 : vector<16xi32>
        %swap3A_3033 = arith.constant 96 : index
        %swap3A_3034 = tpu.vector_load %arg11[%swap3A_3033] {strides = array<i32>} : memref<256xi32, #tpu.memory_space<vmem>>, vector<16xi32>,
        tpu.vector_store %arg11[%swap3A_3033], %add3A_3032 {strides = array<i32>} : memref<256xi32, #tpu.memory_space<vmem>>, vector<16xi32>,
        %mul3A_3035 = arith.constant 16 : i32
        %mul3A_3036 = arith.muli %add3A_2915, %mul3A_3035 : i32
        %add3A_3037 = arith.constant 7 : i32
        %add3A_3038 = arith.addi %mul3A_3036, %add3A_3037 : i32
        %get3A_3039 = arith.index_cast %add3A_3038 : i32 to index
        %get3A_3040 = arith.constant 0 : index
        %get3A_3041 = tpu.vector_load %arg7[%get3A_3039, %get3A_3040] {strides = array<i32>} : memref<800x16xi32, #tpu.memory_space<vmem>>, vector<16xi32>,
        %mul3A_3042 = arith.constant 2 : i32
        %mul3A_3043 = vector.broadcast %mul3A_3042 : i32 to vector<16xi32>
        %mul3A_3044 = arith.muli %get3A_3041, %mul3A_3043 : vector<16xi32>
        %swap3A_3045 = arith.constant 112 : index
        %swap3A_3046 = tpu.vector_load %arg9[%swap3A_3045] {strides = array<i32>} : memref<256xi32, #tpu.memory_space<vmem>>, vector<16xi32>,
        tpu.vector_store %arg9[%swap3A_3045], %mul3A_3044 {strides = array<i32>} : memref<256xi32, #tpu.memory_space<vmem>>, vector<16xi32>,
        %add3A_3047 = arith.constant 1 : i32
        %add3A_3048 = vector.broadcast %add3A_3047 : i32 to vector<16xi32>
        %add3A_3049 = arith.addi %mul3A_3044, %add3A_3048 : vector<16xi32>
        %swap3A_3050 = arith.constant 112 : index
        %swap3A_3051 = tpu.vector_load %arg11[%swap3A_3050] {strides = array<i32>} : memref<256xi32, #tpu.memory_space<vmem>>, vector<16xi32>,
        tpu.vector_store %arg11[%swap3A_3050], %add3A_3049 {strides = array<i32>} : memref<256xi32, #tpu.memory_space<vmem>>, vector<16xi32>,
        %mul3A_3052 = arith.constant 16 : i32
        %mul3A_3053 = arith.muli %add3A_2915, %mul3A_3052 : i32
        %add3A_3054 = arith.constant 8 : i32
        %add3A_3055 = arith.addi %mul3A_3053, %add3A_3054 : i32
        %get3A_3056 = arith.index_cast %add3A_3055 : i32 to index
        %get3A_3057 = arith.constant 0 : index
        %get3A_3058 = tpu.vector_load %arg7[%get3A_3056, %get3A_3057] {strides = array<i32>} : memref<800x16xi32, #tpu.memory_space<vmem>>, vector<16xi32>,
        %mul3A_3059 = arith.constant 2 : i32
        %mul3A_3060 = vector.broadcast %mul3A_3059 : i32 to vector<16xi32>
        %mul3A_3061 = arith.muli %get3A_3058, %mul3A_3060 : vector<16xi32>
        %swap3A_3062 = arith.constant 128 : index
        %swap3A_3063 = tpu.vector_load %arg9[%swap3A_3062] {strides = array<i32>} : memref<256xi32, #tpu.memory_space<vmem>>, vector<16xi32>,
        tpu.vector_store %arg9[%swap3A_3062], %mul3A_3061 {strides = array<i32>} : memref<256xi32, #tpu.memory_space<vmem>>, vector<16xi32>,
        %add3A_3064 = arith.constant 1 : i32
        %add3A_3065 = vector.broadcast %add3A_3064 : i32 to vector<16xi32>
        %add3A_3066 = arith.addi %mul3A_3061, %add3A_3065 : vector<16xi32>
        %swap3A_3067 = arith.constant 128 : index
        %swap3A_3068 = tpu.vector_load %arg11[%swap3A_3067] {strides = array<i32>} : memref<256xi32, #tpu.memory_space<vmem>>, vector<16xi32>,
        tpu.vector_store %arg11[%swap3A_3067], %add3A_3066 {strides = array<i32>} : memref<256xi32, #tpu.memory_space<vmem>>, vector<16xi32>,
        %mul3A_3069 = arith.constant 16 : i32
        %mul3A_3070 = arith.muli %add3A_2915, %mul3A_3069 : i32
        %add3A_3071 = arith.constant 9 : i32
        %add3A_3072 = arith.addi %mul3A_3070, %add3A_3071 : i32
        %get3A_3073 = arith.index_cast %add3A_3072 : i32 to index
        %get3A_3074 = arith.constant 0 : index
        %get3A_3075 = tpu.vector_load %arg7[%get3A_3073, %get3A_3074] {strides = array<i32>} : memref<800x16xi32, #tpu.memory_space<vmem>>, vector<16xi32>,
        %mul3A_3076 = arith.constant 2 : i32
        %mul3A_3077 = vector.broadcast %mul3A_3076 : i32 to vector<16xi32>
        %mul3A_3078 = arith.muli %get3A_3075, %mul3A_3077 : vector<16xi32>
        %swap3A_3079 = arith.constant 144 : index
        %swap3A_3080 = tpu.vector_load %arg9[%swap3A_3079] {strides = array<i32>} : memref<256xi32, #tpu.memory_space<vmem>>, vector<16xi32>,
        tpu.vector_store %arg9[%swap3A_3079], %mul3A_3078 {strides = array<i32>} : memref<256xi32, #tpu.memory_space<vmem>>, vector<16xi32>,
        %add3A_3081 = arith.constant 1 : i32
        %add3A_3082 = vector.broadcast %add3A_3081 : i32 to vector<16xi32>
        %add3A_3083 = arith.addi %mul3A_3078, %add3A_3082 : vector<16xi32>
        %swap3A_3084 = arith.constant 144 : index
        %swap3A_3085 = tpu.vector_load %arg11[%swap3A_3084] {strides = array<i32>} : memref<256xi32, #tpu.memory_space<vmem>>, vector<16xi32>,
        tpu.vector_store %arg11[%swap3A_3084], %add3A_3083 {strides = array<i32>} : memref<256xi32, #tpu.memory_space<vmem>>, vector<16xi32>,
        %mul3A_3086 = arith.constant 16 : i32
        %mul3A_3087 = arith.muli %add3A_2915, %mul3A_3086 : i32
        %add3A_3088 = arith.constant 10 : i32
        %add3A_3089 = arith.addi %mul3A_3087, %add3A_3088 : i32
        %get3A_3090 = arith.index_cast %add3A_3089 : i32 to index
        %get3A_3091 = arith.constant 0 : index
        %get3A_3092 = tpu.vector_load %arg7[%get3A_3090, %get3A_3091] {strides = array<i32>} : memref<800x16xi32, #tpu.memory_space<vmem>>, vector<16xi32>,
        %mul3A_3093 = arith.constant 2 : i32
        %mul3A_3094 = vector.broadcast %mul3A_3093 : i32 to vector<16xi32>
        %mul3A_3095 = arith.muli %get3A_3092, %mul3A_3094 : vector<16xi32>
        %swap3A_3096 = arith.constant 160 : index
        %swap3A_3097 = tpu.vector_load %arg9[%swap3A_3096] {strides = array<i32>} : memref<256xi32, #tpu.memory_space<vmem>>, vector<16xi32>,
        tpu.vector_store %arg9[%swap3A_3096], %mul3A_3095 {strides = array<i32>} : memref<256xi32, #tpu.memory_space<vmem>>, vector<16xi32>,
        %add3A_3098 = arith.constant 1 : i32
        %add3A_3099 = vector.broadcast %add3A_3098 : i32 to vector<16xi32>
        %add3A_3100 = arith.addi %mul3A_3095, %add3A_3099 : vector<16xi32>
        %swap3A_3101 = arith.constant 160 : index
        %swap3A_3102 = tpu.vector_load %arg11[%swap3A_3101] {strides = array<i32>} : memref<256xi32, #tpu.memory_space<vmem>>, vector<16xi32>,
        tpu.vector_store %arg11[%swap3A_3101], %add3A_3100 {strides = array<i32>} : memref<256xi32, #tpu.memory_space<vmem>>, vector<16xi32>,
        %mul3A_3103 = arith.constant 16 : i32
        %mul3A_3104 = arith.muli %add3A_2915, %mul3A_3103 : i32
        %add3A_3105 = arith.constant 11 : i32
        %add3A_3106 = arith.addi %mul3A_3104, %add3A_3105 : i32
        %get3A_3107 = arith.index_cast %add3A_3106 : i32 to index
        %get3A_3108 = arith.constant 0 : index
        %get3A_3109 = tpu.vector_load %arg7[%get3A_3107, %get3A_3108] {strides = array<i32>} : memref<800x16xi32, #tpu.memory_space<vmem>>, vector<16xi32>,
        %mul3A_3110 = arith.constant 2 : i32
        %mul3A_3111 = vector.broadcast %mul3A_3110 : i32 to vector<16xi32>
        %mul3A_3112 = arith.muli %get3A_3109, %mul3A_3111 : vector<16xi32>
        %swap3A_3113 = arith.constant 176 : index
        %swap3A_3114 = tpu.vector_load %arg9[%swap3A_3113] {strides = array<i32>} : memref<256xi32, #tpu.memory_space<vmem>>, vector<16xi32>,
        tpu.vector_store %arg9[%swap3A_3113], %mul3A_3112 {strides = array<i32>} : memref<256xi32, #tpu.memory_space<vmem>>, vector<16xi32>,
        %add3A_3115 = arith.constant 1 : i32
        %add3A_3116 = vector.broadcast %add3A_3115 : i32 to vector<16xi32>
        %add3A_3117 = arith.addi %mul3A_3112, %add3A_3116 : vector<16xi32>
        %swap3A_3118 = arith.constant 176 : index
        %swap3A_3119 = tpu.vector_load %arg11[%swap3A_3118] {strides = array<i32>} : memref<256xi32, #tpu.memory_space<vmem>>, vector<16xi32>,
        tpu.vector_store %arg11[%swap3A_3118], %add3A_3117 {strides = array<i32>} : memref<256xi32, #tpu.memory_space<vmem>>, vector<16xi32>,
        %mul3A_3120 = arith.constant 16 : i32
        %mul3A_3121 = arith.muli %add3A_2915, %mul3A_3120 : i32
        %add3A_3122 = arith.constant 12 : i32
        %add3A_3123 = arith.addi %mul3A_3121, %add3A_3122 : i32
        %get3A_3124 = arith.index_cast %add3A_3123 : i32 to index
        %get3A_3125 = arith.constant 0 : index
        %get3A_3126 = tpu.vector_load %arg7[%get3A_3124, %get3A_3125] {strides = array<i32>} : memref<800x16xi32, #tpu.memory_space<vmem>>, vector<16xi32>,
        %mul3A_3127 = arith.constant 2 : i32
        %mul3A_3128 = vector.broadcast %mul3A_3127 : i32 to vector<16xi32>
        %mul3A_3129 = arith.muli %get3A_3126, %mul3A_3128 : vector<16xi32>
        %swap3A_3130 = arith.constant 192 : index
        %swap3A_3131 = tpu.vector_load %arg9[%swap3A_3130] {strides = array<i32>} : memref<256xi32, #tpu.memory_space<vmem>>, vector<16xi32>,
        tpu.vector_store %arg9[%swap3A_3130], %mul3A_3129 {strides = array<i32>} : memref<256xi32, #tpu.memory_space<vmem>>, vector<16xi32>,
        %add3A_3132 = arith.constant 1 : i32
        %add3A_3133 = vector.broadcast %add3A_3132 : i32 to vector<16xi32>
        %add3A_3134 = arith.addi %mul3A_3129, %add3A_3133 : vector<16xi32>
        %swap3A_3135 = arith.constant 192 : index
        %swap3A_3136 = tpu.vector_load %arg11[%swap3A_3135] {strides = array<i32>} : memref<256xi32, #tpu.memory_space<vmem>>, vector<16xi32>,
        tpu.vector_store %arg11[%swap3A_3135], %add3A_3134 {strides = array<i32>} : memref<256xi32, #tpu.memory_space<vmem>>, vector<16xi32>,
        %mul3A_3137 = arith.constant 16 : i32
        %mul3A_3138 = arith.muli %add3A_2915, %mul3A_3137 : i32
        %add3A_3139 = arith.constant 13 : i32
        %add3A_3140 = arith.addi %mul3A_3138, %add3A_3139 : i32
        %get3A_3141 = arith.index_cast %add3A_3140 : i32 to index
        %get3A_3142 = arith.constant 0 : index
        %get3A_3143 = tpu.vector_load %arg7[%get3A_3141, %get3A_3142] {strides = array<i32>} : memref<800x16xi32, #tpu.memory_space<vmem>>, vector<16xi32>,
        %mul3A_3144 = arith.constant 2 : i32
        %mul3A_3145 = vector.broadcast %mul3A_3144 : i32 to vector<16xi32>
        %mul3A_3146 = arith.muli %get3A_3143, %mul3A_3145 : vector<16xi32>
        %swap3A_3147 = arith.constant 208 : index
        %swap3A_3148 = tpu.vector_load %arg9[%swap3A_3147] {strides = array<i32>} : memref<256xi32, #tpu.memory_space<vmem>>, vector<16xi32>,
        tpu.vector_store %arg9[%swap3A_3147], %mul3A_3146 {strides = array<i32>} : memref<256xi32, #tpu.memory_space<vmem>>, vector<16xi32>,
        %add3A_3149 = arith.constant 1 : i32
        %add3A_3150 = vector.broadcast %add3A_3149 : i32 to vector<16xi32>
        %add3A_3151 = arith.addi %mul3A_3146, %add3A_3150 : vector<16xi32>
        %swap3A_3152 = arith.constant 208 : index
        %swap3A_3153 = tpu.vector_load %arg11[%swap3A_3152] {strides = array<i32>} : memref<256xi32, #tpu.memory_space<vmem>>, vector<16xi32>,
        tpu.vector_store %arg11[%swap3A_3152], %add3A_3151 {strides = array<i32>} : memref<256xi32, #tpu.memory_space<vmem>>, vector<16xi32>,
        %mul3A_3154 = arith.constant 16 : i32
        %mul3A_3155 = arith.muli %add3A_2915, %mul3A_3154 : i32
        %add3A_3156 = arith.constant 14 : i32
        %add3A_3157 = arith.addi %mul3A_3155, %add3A_3156 : i32
        %get3A_3158 = arith.index_cast %add3A_3157 : i32 to index
        %get3A_3159 = arith.constant 0 : index
        %get3A_3160 = tpu.vector_load %arg7[%get3A_3158, %get3A_3159] {strides = array<i32>} : memref<800x16xi32, #tpu.memory_space<vmem>>, vector<16xi32>,
        %mul3A_3161 = arith.constant 2 : i32
        %mul3A_3162 = vector.broadcast %mul3A_3161 : i32 to vector<16xi32>
        %mul3A_3163 = arith.muli %get3A_3160, %mul3A_3162 : vector<16xi32>
        %swap3A_3164 = arith.constant 224 : index
        %swap3A_3165 = tpu.vector_load %arg9[%swap3A_3164] {strides = array<i32>} : memref<256xi32, #tpu.memory_space<vmem>>, vector<16xi32>,
        tpu.vector_store %arg9[%swap3A_3164], %mul3A_3163 {strides = array<i32>} : memref<256xi32, #tpu.memory_space<vmem>>, vector<16xi32>,
        %add3A_3166 = arith.constant 1 : i32
        %add3A_3167 = vector.broadcast %add3A_3166 : i32 to vector<16xi32>
        %add3A_3168 = arith.addi %mul3A_3163, %add3A_3167 : vector<16xi32>
        %swap3A_3169 = arith.constant 224 : index
        %swap3A_3170 = tpu.vector_load %arg11[%swap3A_3169] {strides = array<i32>} : memref<256xi32, #tpu.memory_space<vmem>>, vector<16xi32>,
        tpu.vector_store %arg11[%swap3A_3169], %add3A_3168 {strides = array<i32>} : memref<256xi32, #tpu.memory_space<vmem>>, vector<16xi32>,
        %mul3A_3171 = arith.constant 16 : i32
        %mul3A_3172 = arith.muli %add3A_2915, %mul3A_3171 : i32
        %add3A_3173 = arith.constant 15 : i32
        %add3A_3174 = arith.addi %mul3A_3172, %add3A_3173 : i32
        %get3A_3175 = arith.index_cast %add3A_3174 : i32 to index
        %get3A_3176 = arith.constant 0 : index
        %get3A_3177 = tpu.vector_load %arg7[%get3A_3175, %get3A_3176] {strides = array<i32>} : memref<800x16xi32, #tpu.memory_space<vmem>>, vector<16xi32>,
        %mul3A_3178 = arith.constant 2 : i32
        %mul3A_3179 = vector.broadcast %mul3A_3178 : i32 to vector<16xi32>
        %mul3A_3180 = arith.muli %get3A_3177, %mul3A_3179 : vector<16xi32>
        %swap3A_3181 = arith.constant 240 : index
        %swap3A_3182 = tpu.vector_load %arg9[%swap3A_3181] {strides = array<i32>} : memref<256xi32, #tpu.memory_space<vmem>>, vector<16xi32>,
        tpu.vector_store %arg9[%swap3A_3181], %mul3A_3180 {strides = array<i32>} : memref<256xi32, #tpu.memory_space<vmem>>, vector<16xi32>,
        %add3A_3183 = arith.constant 1 : i32
        %add3A_3184 = vector.broadcast %add3A_3183 : i32 to vector<16xi32>
        %add3A_3185 = arith.addi %mul3A_3180, %add3A_3184 : vector<16xi32>
        %swap3A_3186 = arith.constant 240 : index
        %swap3A_3187 = tpu.vector_load %arg11[%swap3A_3186] {strides = array<i32>} : memref<256xi32, #tpu.memory_space<vmem>>, vector<16xi32>,
        tpu.vector_store %arg11[%swap3A_3186], %add3A_3185 {strides = array<i32>} : memref<256xi32, #tpu.memory_space<vmem>>, vector<16xi32>,
        %dma_start3A_3188 = arith.constant 0 : i32
        %dma_start3A_3189 = tpu.memref_slice %arg14[%dma_start3A_3188] : memref<256xi32, #tpu.memory_space<vmem>> -> memref<128xi32, #tpu.memory_space<vmem>>
        %dma_start3A_3190 = arith.constant 0 : i32
        %dma_start3A_3191 = tpu.memref_slice %arg9[%dma_start3A_3190] : memref<256xi32, #tpu.memory_space<vmem>> -> memref<128xi32, #tpu.memory_space<vmem>>
        %dma_start3A_3192 = arith.constant 0 : i32
        %dma_start3A_3193 = tpu.memref_slice %arg3[%dma_start3A_3192] : memref<640000xi32, #tpu.memory_space<hbm>> -> memref<640000xi32, #tpu.memory_space<hbm>>
        tpu.enqueue_indirect_dma source(%dma_start3A_3193 : memref<640000xi32, #tpu.memory_space<hbm>>) target(%dma_start3A_3189 : memref<128xi32, #tpu.memory_space<vmem>>) offsets(%dma_start3A_3191 : memref<128xi32, #tpu.memory_space<vmem>>) semaphore(%arg19 : memref<!tpu.dma_semaphore, #tpu.memory_space<semaphore_mem>>)
        %dma_start3A_3194 = arith.constant 0 : i32
        %dma_start3A_3195 = tpu.memref_slice %arg15[%dma_start3A_3194] : memref<256xi32, #tpu.memory_space<vmem>> -> memref<128xi32, #tpu.memory_space<vmem>>
        %dma_start3A_3196 = arith.constant 0 : i32
        %dma_start3A_3197 = tpu.memref_slice %arg11[%dma_start3A_3196] : memref<256xi32, #tpu.memory_space<vmem>> -> memref<128xi32, #tpu.memory_space<vmem>>
        %dma_start3A_3198 = arith.constant 0 : i32
        %dma_start3A_3199 = tpu.memref_slice %arg3[%dma_start3A_3198] : memref<640000xi32, #tpu.memory_space<hbm>> -> memref<640000xi32, #tpu.memory_space<hbm>>
        tpu.enqueue_indirect_dma source(%dma_start3A_3199 : memref<640000xi32, #tpu.memory_space<hbm>>) target(%dma_start3A_3195 : memref<128xi32, #tpu.memory_space<vmem>>) offsets(%dma_start3A_3197 : memref<128xi32, #tpu.memory_space<vmem>>) semaphore(%arg19 : memref<!tpu.dma_semaphore, #tpu.memory_space<semaphore_mem>>)
        %dma_start3A_3200 = arith.constant 128 : i32
        %dma_start3A_3201 = tpu.memref_slice %arg14[%dma_start3A_3200] : memref<256xi32, #tpu.memory_space<vmem>> -> memref<128xi32, #tpu.memory_space<vmem>>
        %dma_start3A_3202 = arith.constant 128 : i32
        %dma_start3A_3203 = tpu.memref_slice %arg9[%dma_start3A_3202] : memref<256xi32, #tpu.memory_space<vmem>> -> memref<128xi32, #tpu.memory_space<vmem>>
        %dma_start3A_3204 = arith.constant 0 : i32
        %dma_start3A_3205 = tpu.memref_slice %arg3[%dma_start3A_3204] : memref<640000xi32, #tpu.memory_space<hbm>> -> memref<640000xi32, #tpu.memory_space<hbm>>
        tpu.enqueue_indirect_dma source(%dma_start3A_3205 : memref<640000xi32, #tpu.memory_space<hbm>>) target(%dma_start3A_3201 : memref<128xi32, #tpu.memory_space<vmem>>) offsets(%dma_start3A_3203 : memref<128xi32, #tpu.memory_space<vmem>>) semaphore(%arg19 : memref<!tpu.dma_semaphore, #tpu.memory_space<semaphore_mem>>)
        %dma_start3A_3206 = arith.constant 128 : i32
        %dma_start3A_3207 = tpu.memref_slice %arg15[%dma_start3A_3206] : memref<256xi32, #tpu.memory_space<vmem>> -> memref<128xi32, #tpu.memory_space<vmem>>
        %dma_start3A_3208 = arith.constant 128 : i32
        %dma_start3A_3209 = tpu.memref_slice %arg11[%dma_start3A_3208] : memref<256xi32, #tpu.memory_space<vmem>> -> memref<128xi32, #tpu.memory_space<vmem>>
        %dma_start3A_3210 = arith.constant 0 : i32
        %dma_start3A_3211 = tpu.memref_slice %arg3[%dma_start3A_3210] : memref<640000xi32, #tpu.memory_space<hbm>> -> memref<640000xi32, #tpu.memory_space<hbm>>
        tpu.enqueue_indirect_dma source(%dma_start3A_3211 : memref<640000xi32, #tpu.memory_space<hbm>>) target(%dma_start3A_3207 : memref<128xi32, #tpu.memory_space<vmem>>) offsets(%dma_start3A_3209 : memref<128xi32, #tpu.memory_space<vmem>>) semaphore(%arg19 : memref<!tpu.dma_semaphore, #tpu.memory_space<semaphore_mem>>)
      } else {
      }
    }
    %scan3A_510 = arith.constant 25 : i32
    %dma_wait3A = arith.constant 0 : i32
    %dma_wait3A_511 = arith.constant 0 : i32
    %dma_wait3A_512 = tpu.memref_slice %arg5[%dma_wait3A, %dma_wait3A_511] : memref<100000x64xf32, #tpu.memory_space<hbm>> -> memref<64x64xf32, #tpu.memory_space<hbm>>
    %dma_wait3A_513 = arith.constant 0 : i32
    %dma_wait3A_514 = arith.constant 0 : i32
    %dma_wait3A_515 = tpu.memref_slice %arg5[%dma_wait3A_513, %dma_wait3A_514] : memref<100000x64xf32, #tpu.memory_space<hbm>> -> memref<64x64xf32, #tpu.memory_space<hbm>>
    tpu.wait_dma2 semaphore(%arg20 : memref<!tpu.dma_semaphore, #tpu.memory_space<semaphore_mem>>) src(%arg16 : memref<64x64xf32, #tpu.memory_space<vmem>>) dst(%dma_wait3A_515 : memref<64x64xf32, #tpu.memory_space<hbm>>)
    %dma_wait3A_516 = arith.constant 0 : i32
    %dma_wait3A_517 = arith.constant 0 : i32
    %dma_wait3A_518 = tpu.memref_slice %arg5[%dma_wait3A_516, %dma_wait3A_517] : memref<100000x64xf32, #tpu.memory_space<hbm>> -> memref<64x64xf32, #tpu.memory_space<hbm>>
    %dma_wait3A_519 = arith.constant 0 : i32
    %dma_wait3A_520 = arith.constant 0 : i32
    %dma_wait3A_521 = tpu.memref_slice %arg5[%dma_wait3A_519, %dma_wait3A_520] : memref<100000x64xf32, #tpu.memory_space<hbm>> -> memref<64x64xf32, #tpu.memory_space<hbm>>
    tpu.wait_dma2 semaphore(%arg21 : memref<!tpu.dma_semaphore, #tpu.memory_space<semaphore_mem>>) src(%arg17 : memref<64x64xf32, #tpu.memory_space<vmem>>) dst(%dma_wait3A_521 : memref<64x64xf32, #tpu.memory_space<hbm>>)
    return
  }
}

module attributes {stable_mosaic.version = 14 : i64} {
  func.func @body(%arg0: i32, %arg1: memref<10000xi32, #tpu.memory_space<vmem>>, %arg2: memref<64x128xf32, #tpu.memory_space<vmem>>, %arg3: memref<10000x128xf32, #tpu.memory_space<vmem>>) attributes {dimension_semantics = [#tpu.dimension_semantics<arbitrary>], iteration_bounds = array<i64: 1>, scalar_prefetch = 0 : i64, scratch_operands = 0 : i64, tpu.core_type = #tpu.core_type<tc>, window_params = [{transform_indices = @transform_0, window_bounds = array<i64: 10000>}, {pipeline_mode = #tpu.pipeline_mode<synchronous>, transform_indices = @transform_1, window_bounds = array<i64: 64, 128>}, {transform_indices = @transform_2, window_bounds = array<i64: 10000, 128>}]} {
    %get3A = arith.constant 0 : index
    %get3A_0 = vector.load %arg1[%get3A] : memref<10000xi32, #tpu.memory_space<vmem>>, vector<10000xi32>
    %broadcast_in_dim3A = vector.shape_cast %get3A_0 : vector<10000xi32> to vector<10000x1xi32>
    %iota3A = tpu.iota {dimensions = array<i32: 1>} : vector<10000x64xi32>
    %eq3A = vector.broadcast %broadcast_in_dim3A : vector<10000x1xi32> to vector<10000x64xi32>
    %eq3A_1 = arith.cmpi eq, %eq3A, %iota3A : vector<10000x64xi32>
    %convert_element_type3A = arith.extui %eq3A_1 : vector<10000x64xi1> to vector<10000x64xi32>
    %convert_element_type3A_2 = arith.sitofp %convert_element_type3A : vector<10000x64xi32> to vector<10000x64xf32>
    %get3A_3 = arith.constant 0 : index
    %get3A_4 = arith.constant 0 : index
    %get3A_5 = vector.load %arg2[%get3A_3, %get3A_4] : memref<64x128xf32, #tpu.memory_space<vmem>>, vector<64x128xf32>
    %dot_general3A = arith.constant dense<0.000000e+00> : vector<10000x128xf32>
    %dot_general3A_6 = tpu.matmul %convert_element_type3A_2, %get3A_5, %dot_general3A {dimension_numbers = #tpu.dot_dimension_numbers<[1], [0], [0], [1], [0, 0, 1, 1], [], []>, transpose_lhs_hint = false} : vector<10000x64xf32>, vector<64x128xf32>, vector<10000x128xf32> -> vector<10000x128xf32>
    %swap3A = arith.constant 0 : index
    %swap3A_7 = arith.constant 0 : index
    %swap3A_8 = vector.load %arg3[%swap3A, %swap3A_7] : memref<10000x128xf32, #tpu.memory_space<vmem>>, vector<10000x128xf32>
    tpu.vector_store %arg3[%swap3A, %swap3A_7], %dot_general3A_6 {strides = array<i32>} : memref<10000x128xf32, #tpu.memory_space<vmem>>, vector<10000x128xf32>,
    return
  }
  func.func @transform_0(%arg0: i32) -> i32 {
    %c0_i32 = arith.constant 0 : i32
    return %arg0 : i32
  }
  func.func @transform_1(%arg0: i32) -> (i32, i32) {
    %c0_i32 = arith.constant 0 : i32
    %c0_i32_0 = arith.constant 0 : i32
    %c0_i32_1 = arith.constant 0 : i32
    return %c0_i32, %c0_i32_0 : i32, i32
  }
  func.func @transform_2(%arg0: i32) -> (i32, i32) {
    %c0_i32 = arith.constant 0 : i32
    %c0_i32_0 = arith.constant 0 : i32
    return %arg0, %c0_i32 : i32, i32
  }
}

module attributes {stable_mosaic.version = 14 : i64} {
  func.func @body(%arg0: i32, %arg1: memref<16384xi32, #tpu.memory_space<vmem>>, %arg2: memref<8x128xf32, #tpu.memory_space<vmem>>, %arg3: memref<16384x128xf32, #tpu.memory_space<vmem>>) attributes {dimension_semantics = [#tpu.dimension_semantics<arbitrary>], iteration_bounds = array<i64: 20>, scalar_prefetch = 0 : i64, scratch_operands = 0 : i64, tpu.core_type = #tpu.core_type<tc>, window_params = [{transform_indices = @transform_0, window_bounds = array<i64: 16384>}, {pipeline_mode = #tpu.pipeline_mode<synchronous>, transform_indices = @transform_1, window_bounds = array<i64: 8, 128>}, {transform_indices = @transform_2, window_bounds = array<i64: 16384, 128>}]} {
    %get3A = arith.constant 0 : index
    %get3A_0 = vector.load %arg1[%get3A] : memref<16384xi32, #tpu.memory_space<vmem>>, vector<16384xi32>
    %broadcast_in_dim3A = vector.shape_cast %get3A_0 : vector<16384xi32> to vector<16384x1xi32>
    %iota3A = tpu.iota {dimensions = array<i32: 1>} : vector<16384x8xi32>
    %eq3A = vector.broadcast %broadcast_in_dim3A : vector<16384x1xi32> to vector<16384x8xi32>
    %eq3A_1 = arith.cmpi eq, %eq3A, %iota3A : vector<16384x8xi32>
    %convert_element_type3A = arith.extui %eq3A_1 : vector<16384x8xi1> to vector<16384x8xi32>
    %convert_element_type3A_2 = arith.sitofp %convert_element_type3A : vector<16384x8xi32> to vector<16384x8xf32>
    %get3A_3 = arith.constant 0 : index
    %get3A_4 = arith.constant 0 : index
    %get3A_5 = vector.load %arg2[%get3A_3, %get3A_4] : memref<8x128xf32, #tpu.memory_space<vmem>>, vector<8x128xf32>
    %dot_general3A = arith.constant dense<0.000000e+00> : vector<16384x128xf32>
    %dot_general3A_6 = tpu.matmul %convert_element_type3A_2, %get3A_5, %dot_general3A {dimension_numbers = #tpu.dot_dimension_numbers<[1], [0], [0], [1], [0, 0, 1, 1], [], []>, transpose_lhs_hint = false} : vector<16384x8xf32>, vector<8x128xf32>, vector<16384x128xf32> -> vector<16384x128xf32>
    %swap3A = arith.constant 0 : index
    %swap3A_7 = arith.constant 0 : index
    %swap3A_8 = vector.load %arg3[%swap3A, %swap3A_7] : memref<16384x128xf32, #tpu.memory_space<vmem>>, vector<16384x128xf32>
    tpu.vector_store %arg3[%swap3A, %swap3A_7], %dot_general3A_6 {strides = array<i32>} : memref<16384x128xf32, #tpu.memory_space<vmem>>, vector<16384x128xf32>,
    return
  }
  func.func @transform_0(%arg0: i32) -> i32 {
    %c0_i32 = arith.constant 0 : i32
    return %arg0 : i32
  }
  func.func @transform_1(%arg0: i32) -> (i32, i32) {
    %c0_i32 = arith.constant 0 : i32
    %c0_i32_0 = arith.constant 0 : i32
    %c0_i32_1 = arith.constant 0 : i32
    return %c0_i32, %c0_i32_0 : i32, i32
  }
  func.func @transform_2(%arg0: i32) -> (i32, i32) {
    %c0_i32 = arith.constant 0 : i32
    %c0_i32_0 = arith.constant 0 : i32
    return %arg0, %c0_i32 : i32, i32
  }
}

module attributes {stable_mosaic.version = 14 : i64} {
  func.func @body(%arg0: i32, %arg1: memref<10000x64xf32, #tpu.memory_space<vmem>>, %arg2: memref<64x128xf32, #tpu.memory_space<vmem>>, %arg3: memref<10000x128xf32, #tpu.memory_space<vmem>>) attributes {dimension_semantics = [#tpu.dimension_semantics<arbitrary>], iteration_bounds = array<i64: 10>, scalar_prefetch = 0 : i64, scratch_operands = 0 : i64, tpu.core_type = #tpu.core_type<tc>, window_params = [{transform_indices = @transform_0, window_bounds = array<i64: 10000, 64>}, {pipeline_mode = #tpu.pipeline_mode<synchronous>, transform_indices = @transform_1, window_bounds = array<i64: 64, 128>}, {transform_indices = @transform_2, window_bounds = array<i64: 10000, 128>}]} {
    %get3A = arith.constant 0 : index
    %get3A_0 = arith.constant 0 : index
    %get3A_1 = vector.load %arg1[%get3A, %get3A_0] : memref<10000x64xf32, #tpu.memory_space<vmem>>, vector<10000x64xf32>
    %get3A_2 = arith.constant 0 : index
    %get3A_3 = arith.constant 0 : index
    %get3A_4 = vector.load %arg2[%get3A_2, %get3A_3] : memref<64x128xf32, #tpu.memory_space<vmem>>, vector<64x128xf32>
    %dot_general3A = arith.constant dense<0.000000e+00> : vector<10000x128xf32>
    %dot_general3A_5 = tpu.matmul %get3A_1, %get3A_4, %dot_general3A {dimension_numbers = #tpu.dot_dimension_numbers<[1], [0], [0], [1], [0, 0, 1, 1], [], []>, transpose_lhs_hint = false} : vector<10000x64xf32>, vector<64x128xf32>, vector<10000x128xf32> -> vector<10000x128xf32>
    %swap3A = arith.constant 0 : index
    %swap3A_6 = arith.constant 0 : index
    %swap3A_7 = vector.load %arg3[%swap3A, %swap3A_6] : memref<10000x128xf32, #tpu.memory_space<vmem>>, vector<10000x128xf32>
    tpu.vector_store %arg3[%swap3A, %swap3A_6], %dot_general3A_5 {strides = array<i32>} : memref<10000x128xf32, #tpu.memory_space<vmem>>, vector<10000x128xf32>,
    return
  }
  func.func @transform_0(%arg0: i32) -> (i32, i32) {
    %c0_i32 = arith.constant 0 : i32
    %c0_i32_0 = arith.constant 0 : i32
    return %arg0, %c0_i32 : i32, i32
  }
  func.func @transform_1(%arg0: i32) -> (i32, i32) {
    %c0_i32 = arith.constant 0 : i32
    %c0_i32_0 = arith.constant 0 : i32
    %c0_i32_1 = arith.constant 0 : i32
    return %c0_i32, %c0_i32_0 : i32, i32
  }
  func.func @transform_2(%arg0: i32) -> (i32, i32) {
    %c0_i32 = arith.constant 0 : i32
    %c0_i32_0 = arith.constant 0 : i32
    return %arg0, %c0_i32 : i32, i32
  }
}

</mosaic_0001>

<sc_bundles>
// kernel: kernel.6.cloned.1.call-start
scs
__scs_entry_jumppad:
0x0: {  	(pc) =	sbr.rel $0x88, $3  }
0x1: {  	(tag) =	ssettag $0x0;
	lr =	simm.s32 $0x1  }
0x2: {  	[smem:$0x3F9B] =	sst lr;
	_ =	strace $0xD0000000  }
0x3: {  	_ = 	snop  }
0x4: {  	_ = 	snop  }
0x5: {  	_ = 	snop  }
0x6: {  	_ = 	snop  }
0x7: {  	_ = 	snop  }
__scs_overlays_trampoline_lowered:
0x8: {  	[smem:$0x3FAA] =	sst s0  }
0x9: {  	[smem:$0x3FAB] =	sst s1  }
0xa: {  	[smem:$0x3FAC] =	sst s2  }
0xb: {  	[smem:$0x3FAD] =	sst s3  }
0xc: {  	[smem:$0x3FAE] =	sst s4  }
0xd: {  	[smem:$0x3FAF] =	sst s5  }
0xe: {  	[smem:$0x3FB0] =	sst s6  }
0xf: {  	[smem:$0x3FB1] =	sst s7  }
0x10: {  	[smem:$0x3FB2] =	sst s8  }
0x11: {  	[smem:$0x3FB3] =	sst s9;
	s0 =	simm.s32 @!p0 $0x0  }
0x12: {  	s1 =	sld [smem:$0x3F99];
	s0 =	simm.s32 @p0 $0x1  }
0x13: {  	[smem:$0x3FB4] =	sst s0;
	s0 =	simm.s32 @!p1 $0x0  }
0x14: {  	s2 =	sld [smem:$0x3F98];
	s0 =	simm.s32 @p1 $0x1  }
0x15: {  	[smem:$0x3FB5] =	sst s0;
	s0 =	simm.s32 @!p2 $0x0  }
0x16: {  	s3 =	sld [smem:$0x3FDB];
	s0 =	simm.s32 @p2 $0x1  }
0x17: {  	s4 =	simm.s32 $0x1BF5;
	[smem:$0x3FB7] =	sst s0  }
0x18: {  	s0 =	sld [smem:$0x3F9A];
	_ =	swait.ge [sflag:s4], $0x0  }
0x19: {  	s7 =	sld [smem:$0x3F9B]  }
0x1a: {  	s8 =	sadd.s32 $0xFFFFE003, lr  }
0x1b: {  	s9 =	sadd.s32 $0xFFFFFEF7, lr;
	s5 =	simm.s32 $0xFFFFFFFF;
	p2 =	slt.u32 s8, $0xFFFFF086  }
0x1c: {  	p1 =	slt.u32 s9, $0xF7A;
	s5 =	simm.s32 @!p2 $0x0  }
0x1d: {  	s5 =	simm.s32 @p1 $0x1;
	p0 =	seq.s32 s7, s2  }
0x1e: {  	s7 =	smul.u32 @!p0 $0xF7A, s2;
	p2 =	seq.s32 @!p0 s5, $0x0  }
0x1f: {  	s9 =	smul.u32 $0xF7A, s1;
	s8 =	simm.s32 @!p0 $0x1BF5;
	p2 =	por !p2, p0  }
0x20: {  	[sflag:s8] =	ssyncset.s32 @!p0 $0xFFFFF086;
	s6 =	sadd.s32 @!p0 s3, s7;
	s7 =	simm.s32 @!p0 $0x108  }
0x21: {  	s3 =	sadd.s32 s3, s9;
	s6 =	sadd.s32 @!p0 $0x88, s6;
	s7 =	simm.s32 @p2 $0x1082  }
0x22: {  	[simem:s7], [sflag:s8] =	dma.local @!p0 [hbm:s6], $0xF7A  }
0x23: {  	s9 =	sor.u32 $0xD0000000, s2;
	s6 =	simm.s32 $0x108;
	_ =	swait.ge @!p0 [sflag:s8], $0x0  }
0x24: {  	s3 =	sadd.s32 $0x88, s3;
	s6 =	simm.s32 @!p1 $0x1082;
	[sflag:s4] =	ssyncset.s32 $0xFFFFF086  }
0x25: {  	[simem:s6], [sflag:s4] =	dma.local [hbm:s3], $0xF7A  }
0x26: {  	[smem:$0x3F9B] =	sst s1;
	(tag) =	ssettag s2;
	_ =	strace s9  }
0x27: {  	s1 =	sld [smem:$0x3FAB]  }
0x28: {  	s2 =	sld [smem:$0x3FAC]  }
0x29: {  	s4 =	sld [smem:$0x3FAE]  }
0x2a: {  	p0 =	seq.s32 s5, $0x0;
	s5 =	sld [smem:$0x3FAF]  }
0x2b: {  	s6 =	sld [smem:$0x3FB0]  }
0x2c: {  	s7 =	sld [smem:$0x3FB1]  }
0x2d: {  	s3 =	simm.s32 $0x108;
	s8 =	sld [smem:$0x3FB2]  }
0x2e: {  	s3 =	simm.s32 @!p0 $0x1082;
	s9 =	sld [smem:$0x3FB3]  }
0x2f: {  	lr =	sadd.s32 s0, s3;
	s0 =	sld [smem:$0x3FAA]  }
0x30: {  	s3 =	sld [smem:$0x3FAD]  }
0x31: {  	[smem:$0x3FB6] =	sst s10  }
0x32: {  	s10 =	sld [smem:$0x3FB4];
	_ =	sdelay $0x3  }
0x33: {  	p0 =	seq.s32 s10, $0x1;
	s10 =	sld [smem:$0x3FB6];
	_ =	sdelay $0x3  }
0x34: {  	[smem:$0x3FB6] =	sst s10  }
0x35: {  	s10 =	sld [smem:$0x3FB5];
	_ =	sdelay $0x3  }
0x36: {  	p1 =	seq.s32 s10, $0x1;
	s10 =	sld [smem:$0x3FB6];
	_ =	sdelay $0x3  }
0x37: {  	[smem:$0x3FB6] =	sst s10  }
0x38: {  	s10 =	sld [smem:$0x3FB7]  }
0x39: {  	_ = 	snop;
	(pc) =	sbr.ind lr, $3  }
0x3a: {  	_ = 	snop  }
0x3b: {  	_ = 	snop  }
0x3c: {  	p2 =	seq.s32 s10, $0x1;
	s10 =	sld [smem:$0x3FB6]  }
0x3d: {  	_ =	shalt  }
0x3e: {  	_ =	shalt  }
0x3f: {  	_ =	shalt  }
0x40: {  	_ =	shalt  }
0x41: {  	_ =	shalt  }
0x42: {  	_ =	shalt  }
0x43: {  	_ =	shalt  }
0x44: {  	_ =	shalt  }
0x45: {  	_ =	shalt  }
0x46: {  	_ =	shalt  }
0x47: {  	_ =	shalt  }
0x48: {  	_ =	shalt  }
0x49: {  	_ =	shalt  }
0x4a: {  	_ =	shalt  }
0x4b: {  	_ =	shalt  }
0x4c: {  	_ =	shalt  }
0x4d: {  	_ =	shalt  }
0x4e: {  	_ =	shalt  }
0x4f: {  	_ =	shalt  }
0x50: {  	_ =	shalt  }
0x51: {  	_ =	shalt  }
0x52: {  	_ =	shalt  }
0x53: {  	_ =	shalt  }
0x54: {  	_ =	shalt  }
0x55: {  	_ =	shalt  }
0x56: {  	_ =	shalt  }
0x57: {  	_ =	shalt  }
0x58: {  	_ =	shalt  }
0x59: {  	_ =	shalt  }
0x5a: {  	_ =	shalt  }
0x5b: {  	_ =	shalt  }
0x5c: {  	_ =	shalt  }
0x5d: {  	_ =	shalt  }
0x5e: {  	_ =	shalt  }
0x5f: {  	_ =	shalt  }
0x60: {  	_ =	shalt  }
0x61: {  	_ =	shalt  }
0x62: {  	_ =	shalt  }
0x63: {  	_ =	shalt  }
0x64: {  	_ =	shalt  }
0x65: {  	_ =	shalt  }
0x66: {  	_ =	shalt  }
0x67: {  	_ =	shalt  }
0x68: {  	_ =	shalt  }
0x69: {  	_ =	shalt  }
0x6a: {  	_ =	shalt  }
0x6b: {  	_ =	shalt  }
0x6c: {  	_ =	shalt  }
0x6d: {  	_ =	shalt  }
0x6e: {  	_ =	shalt  }
0x6f: {  	_ =	shalt  }
0x70: {  	_ =	shalt  }
0x71: {  	_ =	shalt  }
0x72: {  	_ =	shalt  }
0x73: {  	_ =	shalt  }
0x74: {  	_ =	shalt  }
0x75: {  	_ =	shalt  }
0x76: {  	_ =	shalt  }
0x77: {  	_ =	shalt  }
0x78: {  	_ =	shalt  }
0x79: {  	_ =	shalt  }
0x7a: {  	_ =	shalt  }
0x7b: {  	_ =	shalt  }
0x7c: {  	_ =	shalt  }
0x7d: {  	_ =	shalt  }
0x7e: {  	_ =	shalt  }
0x7f: {  	_ =	shalt  }
0x80: {  	_ =	shalt  }
0x81: {  	_ =	shalt  }
0x82: {  	_ =	shalt  }
0x83: {  	_ =	shalt  }
0x84: {  	_ =	shalt  }
0x85: {  	_ =	shalt  }
0x86: {  	_ =	shalt  }
0x87: {  	_ =	shalt  }
.Lfunc_end0:
.L_simem_size_0:
called_computation_lowered:
.L_overlay_start_0:
0x88: {  	s2 =	sld [smem:$0x3FD9]  }
0x89: {  	s3 =	sld [smem:$0x3FFE];
	_ =	sdelay $0x1  }
0x8a: {  	s1 =	srdreg.scid  }
0x8b: {  	s0 =	sand.u32 $0x1, s1  }
0x8c: {  	s14 =	sshll.u32 s0, $0xA;
	s2 =	sadd.s32 s3, s2  }
0x8d: {  	s2 =	sadd.s32 s2, s14  }
0x8e: {  	[smem:$0x3FC2] =	sst s2  }
0x8f: {  	_ = 	snop  }
0x90: {  	s2 =	sld [smem:$0x3FD0];
	_ =	sdelay $0x2  }
0x91: {  	s15 =	simm.s32 $0xA;
	s4 =	simm.s32 $0x10  }
0x92: {  	[smem:s4], [sflag:s15] =	dma.local [hbm:s2], $0x1  }
0x93: {  	_ =	swait.eq [sflag:s15], $0x1  }
0x94: {  	[sflag:s15] =	ssyncset.done $0x0  }
0x95: {  	[sflag:s15] =	ssyncadd.s32 $0xFFFFFFFF  }
0x96: {  	s16 =	sld [smem:$0x12];
	(tm) =	ssettm $0x1  }
0x97: {  	s17 =	sld [smem:$0x3FFB];
	_ =	sdelay $0x3  }
0x98: {  	_ =	strace s17  }
0x99: {  	s3 =	sld [smem:$0x3FFC];
	_ =	sdelay $0x3  }
0x9a: {  	_ =	strace s3  }
0x9b: {  	s3 =	sld [smem:$0x3FFD];
	_ =	sdelay $0x3  }
0x9c: {  	_ =	strace s3  }
0x9d: {  	_ =	strace $0x8FFFFFFF  }
0x9e: {  	s18 =	sld [smem:$0x3FDB];
	_ =	sdelay $0x1  }
0x9f: {  	s19 =	simm.s32 $_scs_section_size  }
0xa0: {  	s5 =	simm.s32 $_size__tile_overlayer_lowered;
	s6 =	simm.s32 $_tile_overlayer_lowered  }
0xa1: {  	s22 =	simm.s32 $0x1BFF;
	s21 =	sshll.u32 s6, $0x1;
	s3 =	sadd.s32 s19, s18  }
0xa2: {  	s7 =	simm.s32 $0x0;
	s20 =	sshll.u32 s5, $0x1;
	s5 =	sadd.s32 s21, s3  }
0xa3: {  	[timem:s7], [sflag:s22] =	dma.local [hbm:s5], s20  }
0xa4: {  	_ =	swait.ge [sflag:s22], s20  }
0xa5: {  	s4 =	ssub.s32 $0x0, s20;
	[sflag:s22] =	ssyncset.done $0x0  }
0xa6: {  	[sflag:s22] =	ssyncadd.s32 s4;
	_ =	sdelay $0x1  }
0xa7: {  	s23 =	simm.s32 $0x1B8B  }
0xa8: {  	_ =	swait.ge [sflag:s23], $0x1  }
0xa9: {  	[sflag:s23] =	ssyncset.done $0x0  }
0xaa: {  	s25 =	simm.s32 $0x1B8E;
	s24 =	sld [smem:$0x3FFE];
	[sflag:s23] =	ssyncadd.s32 $0xFFFFFFFF  }
0xab: {  	s26 =	simm.s32 $execute0_lowered;
	[smem:$0x3FD2] =	sst s25  }
0xac: {  	s5 =	sshll.u32 s26, $0x1;
	_ =	strace $0x80000046;
	[dreg:$0x1] =	wrdreg $0xFFFFFFFF  }
0xad: {  	s28 =	simm.s32 $_size_execute0_lowered;
	s3 =	sadd.s32 s3, s5;
	[dreg:$0x0] =	wrdreg $0x0  }
0xae: {  	s5 =	sshll.u32 s28, $0x1;
	[dreg:$0x2] =	wrdreg s3  }
0xaf: {  	[dreg:$0x3] =	wrdreg s5  }
0xb0: {  	[dreg:$0x4] =	wrdreg $0xC0  }
0xb1: {  	_ =	task [dreg:s7], $0x5FFFF  }
0xb2: {  	[dreg:$0x1] =	wrdreg $0xFFFFFFFF  }
0xb3: {  	[dreg:$0x0] =	wrdreg $0x60  }
0xb4: {  	[dreg:$0x2] =	wrdreg s24  }
0xb5: {  	[dreg:$0x3] =	wrdreg s16  }
0xb6: {  	[dreg:$0x4] =	wrdreg $0x9  }
0xb7: {  	_ =	task.clear_ibuf [dreg:s7], $0x5FFFF;
	_ =	strace $0x90000046  }
0xb8: {  	s29 =	simm.s32 $0x9;
	_ =	strace $0x80000048  }
0xb9: {  	_ =	swait.ge [sflag:s29], $0x1  }
0xba: {  	[sflag:s29] =	ssyncadd.s32 $0xFFFFFFFF  }
0xbb: {  	_ =	strace $0x90000048  }
0xbc: {  	_ =	sfence  }
0xbd: {  	s30 =	sld [smem:$0x0];
	_ =	sdelay $0x2  }
0xbe: {  	s31 =	sshll.u32 s1, $0xD;
	s1 =	sshrl.u32 s1, $0x2  }
0xbf: {  	s3 =	sand.u32 $0x4000, s31;
	s1 =	sadd.s32 s1, s30  }
0xc0: {  	s0 =	sor.u32 s3, s0;
	s1 =	sshll.u32 s1, $0x11  }
0xc1: {  	s0 =	sor.u32 s1, s0  }
0xc2: {  	s0 =	sadd.s32 $0x8F2B, s0  }
0xc3: {  	[sflag:s0] =	ssyncadd.remote.s32 $0x1  }
0xc4: {  	_ =	sfence.sel $0xFFFF  }
0xc5: {  	[dreg:$0x0] =	wrdreg $0xFFFFFFFF;
	(pc) =	sbr.abs _section_cstart, $3  }
0xc6: {  	[dreg:$0x1] =	wrdreg $0xFFFFFFFF  }
0xc7: {  	_ =	task.clear_ibuf [dreg:s7], $0x2FFFF;
	_ =	strace $0x9FFFFFFF  }
0xc8: {  	(tm) =	ssettm $0x7FFFFFFF  }
0xc9: {  	_ =	shalt  }
tec
execute0_lowered:
.L_overlay_start_1:
0x0: {  	(tag) =	ssettag $0x1  }
0x1: {  	s1 =	rddreg [dreg:$0x0]  }
0x2: {  	s0 =	rddreg [dreg:$0x1];
	s3 =	simm.s32 $0x0  }
0x3: {  	s2 =	srdreg.scid;
	s5 =	stileid.u32;
	s8 =	simm.s32 $0x5  }
0x4: {  	s10 =	simm.s32 $0x80;
	s11 =	simm.s32 $0x1B780;
	s12 =	simm.s32 $0x1BB80  }
0x5: {  	s13 =	simm.s32 $0x1B980;
	s14 =	simm.s32 $0x1BC80;
	s15 =	simm.s32 $0x1B800  }
0x6: {  	s16 =	simm.s32 $0x1BC00;
	s17 =	simm.s32 $0x1BA00;
	s18 =	simm.s32 $0x1BD00  }
0x7: {  	s19 =	simm.s32 $0x1B880;
	s20 =	simm.s32 $0x1BD80;
	s21 =	simm.s32 $0x1BA80  }
0x8: {  	s22 =	simm.s32 $0x1BE80;
	s23 =	simm.s32 $0x1B900;
	s24 =	simm.s32 $0x1BE00  }
0x9: {  	s28 =	simm.s32 $0x1;
	s29 =	simm.s32 $0x1BF80;
	s30 =	simm.s32 $0x2  }
0xa: {  	s31 =	simm.s32 $0x1DF80;
	s9 =	simm.s32 $0x0;
	s2 =	sand.u32 $0x1, s2  }
0xb: {  	v0 =	vlaneseq.u32;
	s4 =	smul.u32 $0x1900, s5;
	s5 =	sshll.u32 s5, $0x1;
	[smem:$0x7FF] =	sst s3  }
0xc: {  	s7 =	sadd.s32 $0x13A00, s1;
	v0 =	vshrl.u32 v0, $0x2;
	s6 =	smul.u32 $0xC80, s2;
	s5 =	sor.u32 s2, s5  }
0xd: {  	_ =	strace $0x80000047;
	[dreg:$0x3] =	wrdreg s7;
	s2 =	ssub.s32 $0x2, s2;
	v0 =	vmul.u32 $0x80, v0  }
0xe: {  	v1 =	vimm.f32 $0.0e+00;
	v2 =	vimm.f32 $1.000000000e+00;
	s5 =	smul.u32 $0x320, s5;
	s25 =	sshrl.u32 s2, $0x1;
	s4 =	sadd.s32 s6, s4  }
.Ltmp0:
0xf: {  	s2 =	ssub.s32 s2, s25;
	v3 =	vor.u32 $0x200, v0;
	v4 =	vor.u32 $0x400, v0;
	v5 =	vor.u32 $0x600, v0;
	s25 =	simm.s32 $0x1BB00;
	(pc) =	sbr.rel .LBB2_1-.Ltmp0, $4  }
0x10: {  	v6 =	vor.u32 $0x800, v0;
	v7 =	vor.u32 $0xA00, v0;
	v8 =	vor.u32 $0xC00, v0;
	s4 =	smin.u32 s4, $0x17A20;
	s5 =	smin.u32 s5, $0x5E88;
	s26 =	smax.u32 s2, $0x1  }
0x11: {  	v9 =	vor.u32 $0xE00, v0;
	v10 =	vor.u32 $0x1000, v0;
	v11 =	vor.u32 $0x1200, v0;
	s2 =	simm.s32 $0x4;
	s4 =	sshll.u32 s4, $0x4;
	s5 =	sshll.u32 s5, $0x4  }
0x12: {  	v12 =	vor.u32 $0x1400, v0;
	v13 =	vor.u32 $0x1600, v0;
	v14 =	vor.u32 $0x1800, v0;
	[dreg:$0x5] =	wrdreg s26;
	s4 =	sadd.s32 s4, s1;
	s0 =	sadd.s32 s0, s5  }
0x13: {  	v15 =	vor.u32 $0x1A00, v0;
	v16 =	vor.u32 $0x1C00, v0;
	v17 =	vor.u32 $0x1E00, v0;
	s26 =	simm.s32 $0x1BF00;
	[dreg:$0x4] =	wrdreg s0;
	s7 =	sadd.s32 $0x14000, s4  }
.LBB2_6:
0x14: {  	s0 =	simm.s32 $0x3  }
0x15: {  	_ =	swait.ge [sflag:s0], $0x2000  }
0x16: {  	[sflag:s0] =	ssyncset.done $0x0  }
0x17: {  	[sflag:s0] =	ssyncadd.s32 $0xFFFFE000  }
0x18: {  	_ =	swait.ge [sflag:s2], $0x2000  }
0x19: {  	s9 =	sadd.s32 $0x1, s9;
	s6 =	rddreg [dreg:$0x5]  }
0x1a: {  	p0 =	sne.s32 s9, s6  }
.Ltmp1:
0x1b: {  	_ = 	snop;
	(pc) =	sbr.rel @!p0 .LBB2_7-.Ltmp1, $3  }
0x1c: {  	_ =	sdelay $0x1  }
0x1d: {  	[sflag:s2] =	ssyncset.done $0x0  }
0x1e: {  	[sflag:s2] =	ssyncadd.s32 $0xFFFFE000  }
.LBB2_1:
0x1f: {  	s0 =	rddreg [dreg:$0x3]  }
0x20: {  	[tilespmem:s3], [sflag:$0x5] =	stream.linear.gather [hbm4b:s0+s3], $0x2780, $0x38;
	[tilespmem:$0x1FF80] =	vst v63  }
0x21: {  	_ =	swait.ge [sflag:s8], $0x2780  }
0x22: {  	[sflag:s8] =	ssyncset.done $0x0  }
0x23: {  	s4 =	simm.s32 $0x2780;
	s6 =	rddreg [dreg:$0x4];
	[sflag:s8] =	ssyncadd.s32 $0xFFFFD880  }
0x24: {  	[tilespmem:s4], [sflag:$0x5] =	stream.linear.gather [hbm4b:s6+s3], $0x19000, $0x38;
	[tilespmem:$0x1FF80] =	vst v63  }
0x25: {  	_ =	swait.ge [sflag:s8], $0x19000  }
0x26: {  	[sflag:s8] =	ssyncset.done $0x0  }
0x27: {  	[sflag:s8] =	ssyncadd.s32 $0xFFFE7000  }
0x28: {  	v18 =	vld [tilespmem:$0x2780];
	_ =	sdelay $0x1  }
0x29: {  	v19 =	vld [tilespmem:$0x2800];
	_ =	sdelay $0x1  }
0x2a: {  	v20 =	vld [tilespmem:$0x2880]  }
0x2b: {  	v18 =	vshll.u32 v18, $0x1  }
0x2c: {  	v21 =	vld [tilespmem:$0x2900];
	[tilespmem:$0x1B780] =	vst v18;
	v18 =	vor.u32 $0x1, v18  }
0x2d: {  	[tilespmem:$0x1B980] =	vst v18;
	v18 =	vshll.u32 v19, $0x1  }
0x2e: {  	v19 =	vld [tilespmem:$0x2980];
	[tilespmem:$0x1B790] =	vst v18;
	v18 =	vor.u32 $0x1, v18  }
0x2f: {  	[tilespmem:$0x1B990] =	vst v18;
	v18 =	vshll.u32 v20, $0x1  }
0x30: {  	v46 =	vld [tilespmem:$0x2A00];
	[tilespmem:$0x1B7A0] =	vst v18;
	v18 =	vor.u32 $0x1, v18  }
0x31: {  	[tilespmem:$0x1B9A0] =	vst v18;
	v18 =	vshll.u32 v21, $0x1  }
0x32: {  	v47 =	vld [tilespmem:$0x2A80];
	[tilespmem:$0x1B7B0] =	vst v18;
	v18 =	vor.u32 $0x1, v18  }
0x33: {  	[tilespmem:$0x1B9B0] =	vst v18;
	v18 =	vshll.u32 v19, $0x1  }
0x34: {  	v19 =	vld [tilespmem:$0x2B00];
	[tilespmem:$0x1B7C0] =	vst v18;
	v18 =	vor.u32 $0x1, v18  }
0x35: {  	[tilespmem:$0x1B9C0] =	vst v18;
	v18 =	vshll.u32 v46, $0x1  }
0x36: {  	v48 =	vld [tilespmem:$0x2B80];
	[tilespmem:$0x1B7D0] =	vst v18;
	v18 =	vor.u32 $0x1, v18  }
0x37: {  	[tilespmem:$0x1B9D0] =	vst v18;
	v18 =	vshll.u32 v47, $0x1  }
0x38: {  	v49 =	vld [tilespmem:$0x2C00];
	[tilespmem:$0x1B7E0] =	vst v18;
	v18 =	vor.u32 $0x1, v18  }
0x39: {  	[tilespmem:$0x1B9E0] =	vst v18;
	v18 =	vshll.u32 v19, $0x1  }
0x3a: {  	v19 =	vld [tilespmem:$0x2C80];
	[tilespmem:$0x1B7F0] =	vst v18;
	v18 =	vor.u32 $0x1, v18  }
0x3b: {  	[tilespmem:$0x1B9F0] =	vst v18;
	v18 =	vshll.u32 v48, $0x1  }
0x3c: {  	v50 =	vld [tilespmem:$0x2D00];
	[tilespmem:$0x1B800] =	vst v18;
	v18 =	vor.u32 $0x1, v18  }
0x3d: {  	[tilespmem:$0x1BA00] =	vst v18;
	v18 =	vshll.u32 v49, $0x1  }
0x3e: {  	v51 =	vld [tilespmem:$0x2D80];
	[tilespmem:$0x1B810] =	vst v18;
	v18 =	vor.u32 $0x1, v18  }
0x3f: {  	[tilespmem:$0x1BA10] =	vst v18;
	v18 =	vshll.u32 v19, $0x1  }
0x40: {  	v19 =	vld [tilespmem:$0x2E00];
	[tilespmem:$0x1B820] =	vst v18;
	v18 =	vor.u32 $0x1, v18  }
0x41: {  	[tilespmem:$0x1BA20] =	vst v18;
	v18 =	vshll.u32 v50, $0x1  }
0x42: {  	v52 =	vld [tilespmem:$0x2E80];
	[tilespmem:$0x1B830] =	vst v18;
	v18 =	vor.u32 $0x1, v18  }
0x43: {  	[tilespmem:$0x1BA30] =	vst v18;
	v18 =	vshll.u32 v51, $0x1  }
0x44: {  	v53 =	vld [tilespmem:$0x2F00];
	[tilespmem:$0x1B840] =	vst v18;
	v18 =	vor.u32 $0x1, v18  }
0x45: {  	[tilespmem:$0x1BA40] =	vst v18;
	v18 =	vshll.u32 v19, $0x1  }
0x46: {  	[tilespmem:$0x1B850] =	vst v18;
	v18 =	vor.u32 $0x1, v18  }
0x47: {  	[tilespmem:$0x1BA50] =	vst v18;
	v18 =	vshll.u32 v52, $0x1  }
0x48: {  	[tilespmem:$0x1B860] =	vst v18;
	v18 =	vor.u32 $0x1, v18  }
0x49: {  	[tilespmem:$0x1BA60] =	vst v18;
	v18 =	vshll.u32 v53, $0x1  }
0x4a: {  	[tilespmem:$0x1B870] =	vst v18;
	v18 =	vor.u32 $0x1, v18  }
0x4b: {  	[tilespmem:$0x1BA70] =	vst v18  }
0x4c: {  	[tilespmem:s12], [sflag:$0x1] =	stream.indirect.gather [hbm4b:s1+s10], $0x1, s11, s10, $0xb8;
	[tilespmem:$0x1FF80] =	vst v63  }
0x4d: {  	_ = 	snop  }
0x4e: {  	[tilespmem:s14], [sflag:$0x1] =	stream.indirect.gather [hbm4b:s1+s10], $0x1, s13, s10, $0xb8;
	[tilespmem:$0x1FF80] =	vst v63  }
0x4f: {  	_ = 	snop  }
0x50: {  	[tilespmem:s16], [sflag:$0x1] =	stream.indirect.gather [hbm4b:s1+s10], $0x1, s15, s10, $0xb8;
	[tilespmem:$0x1FF80] =	vst v63  }
0x51: {  	_ = 	snop  }
0x52: {  	[tilespmem:s18], [sflag:$0x1] =	stream.indirect.gather [hbm4b:s1+s10], $0x1, s17, s10, $0xb8;
	[tilespmem:$0x1FF80] =	vst v63  }
0x53: {  	v18 =	vld [tilespmem:$0x2F80];
	_ =	sdelay $0x1  }
0x54: {  	v19 =	vld [tilespmem:$0x3000];
	_ =	sdelay $0x1  }
0x55: {  	v54 =	vld [tilespmem:$0x3080]  }
0x56: {  	v18 =	vshll.u32 v18, $0x1  }
0x57: {  	v55 =	vld [tilespmem:$0x3100];
	[tilespmem:$0x1B880] =	vst v18;
	v18 =	vor.u32 $0x1, v18  }
0x58: {  	[tilespmem:$0x1BA80] =	vst v18;
	v18 =	vshll.u32 v19, $0x1  }
0x59: {  	v19 =	vld [tilespmem:$0x3180];
	[tilespmem:$0x1B890] =	vst v18;
	v18 =	vor.u32 $0x1, v18  }
0x5a: {  	[tilespmem:$0x1BA90] =	vst v18;
	v18 =	vshll.u32 v54, $0x1  }
0x5b: {  	v56 =	vld [tilespmem:$0x3200];
	[tilespmem:$0x1B8A0] =	vst v18;
	v18 =	vor.u32 $0x1, v18  }
0x5c: {  	[tilespmem:$0x1BAA0] =	vst v18;
	v18 =	vshll.u32 v55, $0x1  }
0x5d: {  	v57 =	vld [tilespmem:$0x3280];
	[tilespmem:$0x1B8B0] =	vst v18;
	v18 =	vor.u32 $0x1, v18  }
0x5e: {  	[tilespmem:$0x1BAB0] =	vst v18;
	v18 =	vshll.u32 v19, $0x1  }
0x5f: {  	v19 =	vld [tilespmem:$0x3300];
	[tilespmem:$0x1B8C0] =	vst v18;
	v18 =	vor.u32 $0x1, v18  }
0x60: {  	[tilespmem:$0x1BAC0] =	vst v18;
	v18 =	vshll.u32 v56, $0x1  }
0x61: {  	v58 =	vld [tilespmem:$0x3380];
	[tilespmem:$0x1B8D0] =	vst v18;
	v18 =	vor.u32 $0x1, v18  }
0x62: {  	[tilespmem:$0x1BAD0] =	vst v18;
	v18 =	vshll.u32 v57, $0x1  }
0x63: {  	v59 =	vld [tilespmem:$0x3400];
	[tilespmem:$0x1B8E0] =	vst v18;
	v18 =	vor.u32 $0x1, v18  }
0x64: {  	[tilespmem:$0x1BAE0] =	vst v18;
	v18 =	vshll.u32 v19, $0x1  }
0x65: {  	v19 =	vld [tilespmem:$0x3480];
	[tilespmem:$0x1B8F0] =	vst v18;
	v18 =	vor.u32 $0x1, v18  }
0x66: {  	[tilespmem:$0x1BAF0] =	vst v18;
	v18 =	vshll.u32 v58, $0x1  }
0x67: {  	v60 =	vld [tilespmem:$0x3500];
	[tilespmem:$0x1B900] =	vst v18;
	v18 =	vor.u32 $0x1, v18  }
0x68: {  	[tilespmem:$0x1BB00] =	vst v18;
	v18 =	vshll.u32 v59, $0x1  }
0x69: {  	v61 =	vld [tilespmem:$0x3580];
	[tilespmem:$0x1B910] =	vst v18;
	v18 =	vor.u32 $0x1, v18  }
0x6a: {  	[tilespmem:$0x1BB10] =	vst v18;
	v18 =	vshll.u32 v19, $0x1  }
0x6b: {  	v19 =	vld [tilespmem:$0x3600];
	[tilespmem:$0x1B920] =	vst v18;
	v18 =	vor.u32 $0x1, v18  }
0x6c: {  	[tilespmem:$0x1BB20] =	vst v18;
	v18 =	vshll.u32 v60, $0x1  }
0x6d: {  	v62 =	vld [tilespmem:$0x3680];
	[tilespmem:$0x1B930] =	vst v18;
	v18 =	vor.u32 $0x1, v18  }
0x6e: {  	[tilespmem:$0x1BB30] =	vst v18;
	v18 =	vshll.u32 v61, $0x1  }
0x6f: {  	v63 =	vld [tilespmem:$0x3700];
	[tilespmem:$0x1B940] =	vst v18;
	v18 =	vor.u32 $0x1, v18  }
0x70: {  	[tilespmem:$0x1BB40] =	vst v18;
	v18 =	vshll.u32 v19, $0x1  }
0x71: {  	[tilespmem:$0x1B950] =	vst v18;
	v18 =	vor.u32 $0x1, v18  }
0x72: {  	[tilespmem:$0x1BB50] =	vst v18;
	v18 =	vshll.u32 v62, $0x1  }
0x73: {  	[tilespmem:$0x1B960] =	vst v18;
	v18 =	vor.u32 $0x1, v18  }
0x74: {  	[tilespmem:$0x1BB60] =	vst v18;
	v18 =	vshll.u32 v63, $0x1  }
0x75: {  	[tilespmem:$0x1B970] =	vst v18;
	v18 =	vor.u32 $0x1, v18  }
0x76: {  	[tilespmem:$0x1BB70] =	vst v18  }
0x77: {  	[tilespmem:s20], [sflag:$0x2] =	stream.indirect.gather [hbm4b:s1+s10], $0x1, s19, s10, $0xb8;
	[tilespmem:$0x1FF80] =	vst v63  }
0x78: {  	_ = 	snop  }
0x79: {  	[tilespmem:s22], [sflag:$0x2] =	stream.indirect.gather [hbm4b:s1+s10], $0x1, s21, s10, $0xb8;
	[tilespmem:$0x1FF80] =	vst v63  }
0x7a: {  	_ = 	snop  }
0x7b: {  	[tilespmem:s24], [sflag:$0x2] =	stream.indirect.gather [hbm4b:s1+s10], $0x1, s23, s10, $0xb8;
	[tilespmem:$0x1FF80] =	vst v63  }
0x7c: {  	s5 =	simm.s32 $0x0;
	s4 =	simm.s32 $0x4700  }
0x7d: {  	[tilespmem:s26], [sflag:$0x2] =	stream.indirect.gather [hbm4b:s1+s10], $0x1, s25, s10, $0xb8;
	[tilespmem:$0x1FF80] =	vst v63  }
.LBB2_2:
0x7e: {  	_ =	swait.ge [sflag:s28], $0x100  }
0x7f: {  	[sflag:s28] =	ssyncset.done $0x0  }
0x80: {  	[sflag:s28] =	ssyncadd.s32 $0xFFFFFF00  }
0x81: {  	_ =	swait.ge [sflag:s28], $0x100  }
0x82: {  	[sflag:s28] =	ssyncset.done $0x0  }
0x83: {  	[sflag:s28] =	ssyncadd.s32 $0xFFFFFF00  }
0x84: {  	[tilespmem:$0x1BF80] =	vst v1  }
0x85: {  	[tilespmem:$0x1BF90] =	vst v1  }
0x86: {  	[tilespmem:$0x1BFA0] =	vst v1  }
0x87: {  	[tilespmem:$0x1BFB0] =	vst v1  }
0x88: {  	[tilespmem:$0x1C000] =	vst v1  }
0x89: {  	[tilespmem:$0x1C010] =	vst v1  }
0x8a: {  	[tilespmem:$0x1C020] =	vst v1  }
0x8b: {  	[tilespmem:$0x1C030] =	vst v1  }
0x8c: {  	[tilespmem:$0x1C080] =	vst v1  }
0x8d: {  	[tilespmem:$0x1C090] =	vst v1  }
0x8e: {  	[tilespmem:$0x1C0A0] =	vst v1  }
0x8f: {  	[tilespmem:$0x1C0B0] =	vst v1  }
0x90: {  	[tilespmem:$0x1C100] =	vst v1  }
0x91: {  	[tilespmem:$0x1C110] =	vst v1  }
0x92: {  	[tilespmem:$0x1C120] =	vst v1  }
0x93: {  	[tilespmem:$0x1C130] =	vst v1  }
0x94: {  	[tilespmem:$0x1C180] =	vst v1  }
0x95: {  	[tilespmem:$0x1C190] =	vst v1  }
0x96: {  	[tilespmem:$0x1C1A0] =	vst v1  }
0x97: {  	[tilespmem:$0x1C1B0] =	vst v1  }
0x98: {  	[tilespmem:$0x1C200] =	vst v1  }
0x99: {  	[tilespmem:$0x1C210] =	vst v1  }
0x9a: {  	[tilespmem:$0x1C220] =	vst v1  }
0x9b: {  	[tilespmem:$0x1C230] =	vst v1  }
0x9c: {  	[tilespmem:$0x1C280] =	vst v1  }
0x9d: {  	[tilespmem:$0x1C290] =	vst v1  }
0x9e: {  	[tilespmem:$0x1C2A0] =	vst v1  }
0x9f: {  	[tilespmem:$0x1C2B0] =	vst v1  }
0xa0: {  	[tilespmem:$0x1C300] =	vst v1  }
0xa1: {  	[tilespmem:$0x1C310] =	vst v1  }
0xa2: {  	[tilespmem:$0x1C320] =	vst v1  }
0xa3: {  	[tilespmem:$0x1C330] =	vst v1  }
0xa4: {  	[tilespmem:$0x1C380] =	vst v1  }
0xa5: {  	[tilespmem:$0x1C390] =	vst v1  }
0xa6: {  	[tilespmem:$0x1C3A0] =	vst v1  }
0xa7: {  	[tilespmem:$0x1C3B0] =	vst v1  }
0xa8: {  	[tilespmem:$0x1C400] =	vst v1  }
0xa9: {  	[tilespmem:$0x1C410] =	vst v1  }
0xaa: {  	[tilespmem:$0x1C420] =	vst v1  }
0xab: {  	[tilespmem:$0x1C430] =	vst v1  }
0xac: {  	[tilespmem:$0x1C480] =	vst v1  }
0xad: {  	[tilespmem:$0x1C490] =	vst v1  }
0xae: {  	[tilespmem:$0x1C4A0] =	vst v1  }
0xaf: {  	[tilespmem:$0x1C4B0] =	vst v1  }
0xb0: {  	[tilespmem:$0x1C500] =	vst v1  }
0xb1: {  	[tilespmem:$0x1C510] =	vst v1  }
0xb2: {  	[tilespmem:$0x1C520] =	vst v1  }
0xb3: {  	[tilespmem:$0x1C530] =	vst v1  }
0xb4: {  	[tilespmem:$0x1C580] =	vst v1  }
0xb5: {  	[tilespmem:$0x1C590] =	vst v1  }
0xb6: {  	[tilespmem:$0x1C5A0] =	vst v1  }
0xb7: {  	[tilespmem:$0x1C5B0] =	vst v1  }
0xb8: {  	[tilespmem:$0x1C600] =	vst v1  }
0xb9: {  	[tilespmem:$0x1C610] =	vst v1  }
0xba: {  	[tilespmem:$0x1C620] =	vst v1  }
0xbb: {  	[tilespmem:$0x1C630] =	vst v1  }
0xbc: {  	[tilespmem:$0x1C680] =	vst v1  }
0xbd: {  	[tilespmem:$0x1C690] =	vst v1  }
0xbe: {  	[tilespmem:$0x1C6A0] =	vst v1  }
0xbf: {  	[tilespmem:$0x1C6B0] =	vst v1  }
0xc0: {  	[tilespmem:$0x1C700] =	vst v1  }
0xc1: {  	[tilespmem:$0x1C710] =	vst v1  }
0xc2: {  	[tilespmem:$0x1C720] =	vst v1  }
0xc3: {  	[tilespmem:$0x1C730] =	vst v1  }
0xc4: {  	[tilespmem:$0x1C780] =	vst v1  }
0xc5: {  	[tilespmem:$0x1C790] =	vst v1  }
0xc6: {  	[tilespmem:$0x1C7A0] =	vst v1  }
0xc7: {  	[tilespmem:$0x1C7B0] =	vst v1  }
0xc8: {  	[tilespmem:$0x1C800] =	vst v1  }
0xc9: {  	[tilespmem:$0x1C810] =	vst v1  }
0xca: {  	[tilespmem:$0x1C820] =	vst v1  }
0xcb: {  	[tilespmem:$0x1C830] =	vst v1  }
0xcc: {  	[tilespmem:$0x1C880] =	vst v1  }
0xcd: {  	[tilespmem:$0x1C890] =	vst v1  }
0xce: {  	[tilespmem:$0x1C8A0] =	vst v1  }
0xcf: {  	[tilespmem:$0x1C8B0] =	vst v1  }
0xd0: {  	[tilespmem:$0x1C900] =	vst v1  }
0xd1: {  	[tilespmem:$0x1C910] =	vst v1  }
0xd2: {  	[tilespmem:$0x1C920] =	vst v1  }
0xd3: {  	[tilespmem:$0x1C930] =	vst v1  }
0xd4: {  	[tilespmem:$0x1C980] =	vst v1  }
0xd5: {  	[tilespmem:$0x1C990] =	vst v1  }
0xd6: {  	[tilespmem:$0x1C9A0] =	vst v1  }
0xd7: {  	[tilespmem:$0x1C9B0] =	vst v1  }
0xd8: {  	[tilespmem:$0x1CA00] =	vst v1  }
0xd9: {  	[tilespmem:$0x1CA10] =	vst v1  }
0xda: {  	[tilespmem:$0x1CA20] =	vst v1  }
0xdb: {  	[tilespmem:$0x1CA30] =	vst v1  }
0xdc: {  	[tilespmem:$0x1CA80] =	vst v1  }
0xdd: {  	[tilespmem:$0x1CA90] =	vst v1  }
0xde: {  	[tilespmem:$0x1CAA0] =	vst v1  }
0xdf: {  	[tilespmem:$0x1CAB0] =	vst v1  }
0xe0: {  	[tilespmem:$0x1CB00] =	vst v1  }
0xe1: {  	[tilespmem:$0x1CB10] =	vst v1  }
0xe2: {  	[tilespmem:$0x1CB20] =	vst v1  }
0xe3: {  	[tilespmem:$0x1CB30] =	vst v1  }
0xe4: {  	[tilespmem:$0x1CB80] =	vst v1  }
0xe5: {  	[tilespmem:$0x1CB90] =	vst v1  }
0xe6: {  	[tilespmem:$0x1CBA0] =	vst v1  }
0xe7: {  	[tilespmem:$0x1CBB0] =	vst v1  }
0xe8: {  	[tilespmem:$0x1CC00] =	vst v1  }
0xe9: {  	[tilespmem:$0x1CC10] =	vst v1  }
0xea: {  	[tilespmem:$0x1CC20] =	vst v1  }
0xeb: {  	[tilespmem:$0x1CC30] =	vst v1  }
0xec: {  	[tilespmem:$0x1CC80] =	vst v1  }
0xed: {  	[tilespmem:$0x1CC90] =	vst v1  }
0xee: {  	[tilespmem:$0x1CCA0] =	vst v1  }
0xef: {  	[tilespmem:$0x1CCB0] =	vst v1  }
0xf0: {  	[tilespmem:$0x1CD00] =	vst v1  }
0xf1: {  	[tilespmem:$0x1CD10] =	vst v1  }
0xf2: {  	[tilespmem:$0x1CD20] =	vst v1  }
0xf3: {  	[tilespmem:$0x1CD30] =	vst v1  }
0xf4: {  	[tilespmem:$0x1CD80] =	vst v1  }
0xf5: {  	[tilespmem:$0x1CD90] =	vst v1  }
0xf6: {  	[tilespmem:$0x1CDA0] =	vst v1  }
0xf7: {  	[tilespmem:$0x1CDB0] =	vst v1  }
0xf8: {  	[tilespmem:$0x1CE00] =	vst v1  }
0xf9: {  	[tilespmem:$0x1CE10] =	vst v1  }
0xfa: {  	[tilespmem:$0x1CE20] =	vst v1  }
0xfb: {  	[tilespmem:$0x1CE30] =	vst v1  }
0xfc: {  	[tilespmem:$0x1CE80] =	vst v1  }
0xfd: {  	[tilespmem:$0x1CE90] =	vst v1  }
0xfe: {  	[tilespmem:$0x1CEA0] =	vst v1  }
0xff: {  	[tilespmem:$0x1CEB0] =	vst v1  }
0x100: {  	[tilespmem:$0x1CF00] =	vst v1  }
0x101: {  	[tilespmem:$0x1CF10] =	vst v1  }
0x102: {  	[tilespmem:$0x1CF20] =	vst v1  }
0x103: {  	[tilespmem:$0x1CF30] =	vst v1  }
0x104: {  	[tilespmem:$0x1CF80] =	vst v1  }
0x105: {  	[tilespmem:$0x1CF90] =	vst v1  }
0x106: {  	[tilespmem:$0x1CFA0] =	vst v1  }
0x107: {  	[tilespmem:$0x1CFB0] =	vst v1  }
0x108: {  	[tilespmem:$0x1D000] =	vst v1  }
0x109: {  	[tilespmem:$0x1D010] =	vst v1  }
0x10a: {  	[tilespmem:$0x1D020] =	vst v1  }
0x10b: {  	[tilespmem:$0x1D030] =	vst v1  }
0x10c: {  	[tilespmem:$0x1D080] =	vst v1  }
0x10d: {  	[tilespmem:$0x1D090] =	vst v1  }
0x10e: {  	[tilespmem:$0x1D0A0] =	vst v1  }
0x10f: {  	[tilespmem:$0x1D0B0] =	vst v1  }
0x110: {  	[tilespmem:$0x1D100] =	vst v1  }
0x111: {  	[tilespmem:$0x1D110] =	vst v1  }
0x112: {  	[tilespmem:$0x1D120] =	vst v1  }
0x113: {  	[tilespmem:$0x1D130] =	vst v1  }
0x114: {  	[tilespmem:$0x1D180] =	vst v1  }
0x115: {  	[tilespmem:$0x1D190] =	vst v1  }
0x116: {  	[tilespmem:$0x1D1A0] =	vst v1  }
0x117: {  	[tilespmem:$0x1D1B0] =	vst v1  }
0x118: {  	[tilespmem:$0x1D200] =	vst v1  }
0x119: {  	[tilespmem:$0x1D210] =	vst v1  }
0x11a: {  	[tilespmem:$0x1D220] =	vst v1  }
0x11b: {  	[tilespmem:$0x1D230] =	vst v1  }
0x11c: {  	[tilespmem:$0x1D280] =	vst v1  }
0x11d: {  	[tilespmem:$0x1D290] =	vst v1  }
0x11e: {  	[tilespmem:$0x1D2A0] =	vst v1  }
0x11f: {  	[tilespmem:$0x1D2B0] =	vst v1  }
0x120: {  	[tilespmem:$0x1D300] =	vst v1  }
0x121: {  	[tilespmem:$0x1D310] =	vst v1  }
0x122: {  	[tilespmem:$0x1D320] =	vst v1  }
0x123: {  	[tilespmem:$0x1D330] =	vst v1  }
0x124: {  	[tilespmem:$0x1D380] =	vst v1  }
0x125: {  	[tilespmem:$0x1D390] =	vst v1  }
0x126: {  	[tilespmem:$0x1D3A0] =	vst v1  }
0x127: {  	[tilespmem:$0x1D3B0] =	vst v1  }
0x128: {  	[tilespmem:$0x1D400] =	vst v1  }
0x129: {  	[tilespmem:$0x1D410] =	vst v1  }
0x12a: {  	[tilespmem:$0x1D420] =	vst v1  }
0x12b: {  	[tilespmem:$0x1D430] =	vst v1  }
0x12c: {  	[tilespmem:$0x1D480] =	vst v1  }
0x12d: {  	[tilespmem:$0x1D490] =	vst v1  }
0x12e: {  	[tilespmem:$0x1D4A0] =	vst v1  }
0x12f: {  	[tilespmem:$0x1D4B0] =	vst v1  }
0x130: {  	[tilespmem:$0x1D500] =	vst v1  }
0x131: {  	[tilespmem:$0x1D510] =	vst v1  }
0x132: {  	[tilespmem:$0x1D520] =	vst v1  }
0x133: {  	[tilespmem:$0x1D530] =	vst v1  }
0x134: {  	[tilespmem:$0x1D580] =	vst v1  }
0x135: {  	[tilespmem:$0x1D590] =	vst v1  }
0x136: {  	[tilespmem:$0x1D5A0] =	vst v1  }
0x137: {  	[tilespmem:$0x1D5B0] =	vst v1  }
0x138: {  	[tilespmem:$0x1D600] =	vst v1  }
0x139: {  	[tilespmem:$0x1D610] =	vst v1  }
0x13a: {  	[tilespmem:$0x1D620] =	vst v1  }
0x13b: {  	[tilespmem:$0x1D630] =	vst v1  }
0x13c: {  	[tilespmem:$0x1D680] =	vst v1  }
0x13d: {  	[tilespmem:$0x1D690] =	vst v1  }
0x13e: {  	[tilespmem:$0x1D6A0] =	vst v1  }
0x13f: {  	[tilespmem:$0x1D6B0] =	vst v1  }
0x140: {  	[tilespmem:$0x1D700] =	vst v1  }
0x141: {  	[tilespmem:$0x1D710] =	vst v1  }
0x142: {  	[tilespmem:$0x1D720] =	vst v1  }
0x143: {  	[tilespmem:$0x1D730] =	vst v1  }
0x144: {  	[tilespmem:$0x1D780] =	vst v1  }
0x145: {  	[tilespmem:$0x1D790] =	vst v1  }
0x146: {  	[tilespmem:$0x1D7A0] =	vst v1  }
0x147: {  	[tilespmem:$0x1D7B0] =	vst v1  }
0x148: {  	[tilespmem:$0x1D800] =	vst v1  }
0x149: {  	[tilespmem:$0x1D810] =	vst v1  }
0x14a: {  	[tilespmem:$0x1D820] =	vst v1  }
0x14b: {  	[tilespmem:$0x1D830] =	vst v1  }
0x14c: {  	[tilespmem:$0x1D880] =	vst v1  }
0x14d: {  	[tilespmem:$0x1D890] =	vst v1  }
0x14e: {  	[tilespmem:$0x1D8A0] =	vst v1  }
0x14f: {  	[tilespmem:$0x1D8B0] =	vst v1  }
0x150: {  	[tilespmem:$0x1D900] =	vst v1  }
0x151: {  	[tilespmem:$0x1D910] =	vst v1  }
0x152: {  	[tilespmem:$0x1D920] =	vst v1  }
0x153: {  	[tilespmem:$0x1D930] =	vst v1  }
0x154: {  	[tilespmem:$0x1D980] =	vst v1  }
0x155: {  	[tilespmem:$0x1D990] =	vst v1  }
0x156: {  	[tilespmem:$0x1D9A0] =	vst v1  }
0x157: {  	[tilespmem:$0x1D9B0] =	vst v1  }
0x158: {  	[tilespmem:$0x1DA00] =	vst v1  }
0x159: {  	[tilespmem:$0x1DA10] =	vst v1  }
0x15a: {  	[tilespmem:$0x1DA20] =	vst v1  }
0x15b: {  	[tilespmem:$0x1DA30] =	vst v1  }
0x15c: {  	[tilespmem:$0x1DA80] =	vst v1  }
0x15d: {  	[tilespmem:$0x1DA90] =	vst v1  }
0x15e: {  	[tilespmem:$0x1DAA0] =	vst v1  }
0x15f: {  	[tilespmem:$0x1DAB0] =	vst v1  }
0x160: {  	[tilespmem:$0x1DB00] =	vst v1  }
0x161: {  	[tilespmem:$0x1DB10] =	vst v1  }
0x162: {  	[tilespmem:$0x1DB20] =	vst v1  }
0x163: {  	[tilespmem:$0x1DB30] =	vst v1  }
0x164: {  	[tilespmem:$0x1DB80] =	vst v1  }
0x165: {  	[tilespmem:$0x1DB90] =	vst v1  }
0x166: {  	[tilespmem:$0x1DBA0] =	vst v1  }
0x167: {  	[tilespmem:$0x1DBB0] =	vst v1  }
0x168: {  	[tilespmem:$0x1DC00] =	vst v1  }
0x169: {  	[tilespmem:$0x1DC10] =	vst v1  }
0x16a: {  	[tilespmem:$0x1DC20] =	vst v1  }
0x16b: {  	[tilespmem:$0x1DC30] =	vst v1  }
0x16c: {  	[tilespmem:$0x1DC80] =	vst v1  }
0x16d: {  	[tilespmem:$0x1DC90] =	vst v1  }
0x16e: {  	[tilespmem:$0x1DCA0] =	vst v1  }
0x16f: {  	[tilespmem:$0x1DCB0] =	vst v1  }
0x170: {  	[tilespmem:$0x1DD00] =	vst v1  }
0x171: {  	[tilespmem:$0x1DD10] =	vst v1  }
0x172: {  	[tilespmem:$0x1DD20] =	vst v1  }
0x173: {  	[tilespmem:$0x1DD30] =	vst v1  }
0x174: {  	[tilespmem:$0x1DD80] =	vst v1  }
0x175: {  	[tilespmem:$0x1DD90] =	vst v1  }
0x176: {  	[tilespmem:$0x1DDA0] =	vst v1  }
0x177: {  	[tilespmem:$0x1DDB0] =	vst v1  }
0x178: {  	[tilespmem:$0x1DE00] =	vst v1  }
0x179: {  	[tilespmem:$0x1DE10] =	vst v1  }
0x17a: {  	[tilespmem:$0x1DE20] =	vst v1  }
0x17b: {  	[tilespmem:$0x1DE30] =	vst v1  }
0x17c: {  	[tilespmem:$0x1DE80] =	vst v1;
	v18 =	vld [tilespmem:$0x1BB80]  }
0x17d: {  	[tilespmem:$0x1DE90] =	vst v1  }
0x17e: {  	[tilespmem:$0x1DEA0] =	vst v1  }
0x17f: {  	[tilespmem:$0x1DEB0] =	vst v1  }
0x180: {  	[tilespmem:$0x1DF00] =	vst v1  }
0x181: {  	[tilespmem:$0x1DF10] =	vst v1  }
0x182: {  	[tilespmem:$0x1DF20] =	vst v1  }
0x183: {  	[tilespmem:$0x1DF30] =	vst v1  }
0x184: {  	v18 =	vld.idx.msk [tilespmem:v18+s3+$0x0], $0xffff;
	_ =	sdelay $0x4  }
0x185: {  	v18 =	vadd.s32 v0, v18;
	_ =	sdelay $0x4  }
0x186: {  	[tilespmem:v18+s29+$0x0] =	vst.idx.add.f32.msk $0xffff, v2  }
0x187: {  	v18 =	vld [tilespmem:$0x1BC80];
	_ =	sdelay $0x7  }
0x188: {  	v18 =	vld.idx.msk [tilespmem:v18+s3+$0x0], $0xffff;
	_ =	sdelay $0x4  }
0x189: {  	v18 =	vadd.s32 v0, v18;
	_ =	sdelay $0x4  }
0x18a: {  	[tilespmem:v18+s29+$0x0] =	vst.idx.add.f32.msk $0xffff, v2  }
0x18b: {  	v18 =	vld [tilespmem:$0x1BB90];
	_ =	sdelay $0x7  }
0x18c: {  	v18 =	vld.idx.msk [tilespmem:v18+s3+$0x0], $0xffff;
	_ =	sdelay $0x4  }
0x18d: {  	v18 =	vadd.s32 v3, v18;
	_ =	sdelay $0x4  }
0x18e: {  	[tilespmem:v18+s29+$0x0] =	vst.idx.add.f32.msk $0xffff, v2  }
0x18f: {  	v18 =	vld [tilespmem:$0x1BC90];
	_ =	sdelay $0x7  }
0x190: {  	v18 =	vld.idx.msk [tilespmem:v18+s3+$0x0], $0xffff;
	_ =	sdelay $0x4  }
0x191: {  	v18 =	vadd.s32 v3, v18;
	_ =	sdelay $0x4  }
0x192: {  	[tilespmem:v18+s29+$0x0] =	vst.idx.add.f32.msk $0xffff, v2  }
0x193: {  	v18 =	vld [tilespmem:$0x1BBA0];
	_ =	sdelay $0x7  }
0x194: {  	v18 =	vld.idx.msk [tilespmem:v18+s3+$0x0], $0xffff;
	_ =	sdelay $0x4  }
0x195: {  	v18 =	vadd.s32 v4, v18;
	_ =	sdelay $0x4  }
0x196: {  	[tilespmem:v18+s29+$0x0] =	vst.idx.add.f32.msk $0xffff, v2  }
0x197: {  	v18 =	vld [tilespmem:$0x1BCA0];
	_ =	sdelay $0x7  }
0x198: {  	v18 =	vld.idx.msk [tilespmem:v18+s3+$0x0], $0xffff;
	_ =	sdelay $0x4  }
0x199: {  	v18 =	vadd.s32 v4, v18;
	_ =	sdelay $0x4  }
0x19a: {  	[tilespmem:v18+s29+$0x0] =	vst.idx.add.f32.msk $0xffff, v2  }
0x19b: {  	v18 =	vld [tilespmem:$0x1BBB0];
	_ =	sdelay $0x7  }
0x19c: {  	v18 =	vld.idx.msk [tilespmem:v18+s3+$0x0], $0xffff;
	_ =	sdelay $0x4  }
0x19d: {  	v18 =	vadd.s32 v5, v18;
	_ =	sdelay $0x4  }
0x19e: {  	[tilespmem:v18+s29+$0x0] =	vst.idx.add.f32.msk $0xffff, v2  }
0x19f: {  	v18 =	vld [tilespmem:$0x1BCB0];
	_ =	sdelay $0x7  }
0x1a0: {  	v18 =	vld.idx.msk [tilespmem:v18+s3+$0x0], $0xffff;
	_ =	sdelay $0x4  }
0x1a1: {  	v18 =	vadd.s32 v5, v18;
	_ =	sdelay $0x4  }
0x1a2: {  	[tilespmem:v18+s29+$0x0] =	vst.idx.add.f32.msk $0xffff, v2  }
0x1a3: {  	v18 =	vld [tilespmem:$0x1BBC0];
	_ =	sdelay $0x7  }
0x1a4: {  	v18 =	vld.idx.msk [tilespmem:v18+s3+$0x0], $0xffff;
	_ =	sdelay $0x4  }
0x1a5: {  	v18 =	vadd.s32 v6, v18;
	_ =	sdelay $0x4  }
0x1a6: {  	[tilespmem:v18+s29+$0x0] =	vst.idx.add.f32.msk $0xffff, v2  }
0x1a7: {  	v18 =	vld [tilespmem:$0x1BCC0];
	_ =	sdelay $0x7  }
0x1a8: {  	v18 =	vld.idx.msk [tilespmem:v18+s3+$0x0], $0xffff;
	_ =	sdelay $0x4  }
0x1a9: {  	v18 =	vadd.s32 v6, v18;
	_ =	sdelay $0x4  }
0x1aa: {  	[tilespmem:v18+s29+$0x0] =	vst.idx.add.f32.msk $0xffff, v2  }
0x1ab: {  	v18 =	vld [tilespmem:$0x1BBD0];
	_ =	sdelay $0x7  }
0x1ac: {  	v18 =	vld.idx.msk [tilespmem:v18+s3+$0x0], $0xffff;
	_ =	sdelay $0x4  }
0x1ad: {  	v18 =	vadd.s32 v7, v18;
	_ =	sdelay $0x4  }
0x1ae: {  	[tilespmem:v18+s29+$0x0] =	vst.idx.add.f32.msk $0xffff, v2  }
0x1af: {  	v18 =	vld [tilespmem:$0x1BCD0];
	_ =	sdelay $0x7  }
0x1b0: {  	v18 =	vld.idx.msk [tilespmem:v18+s3+$0x0], $0xffff;
	_ =	sdelay $0x4  }
0x1b1: {  	v18 =	vadd.s32 v7, v18;
	_ =	sdelay $0x4  }
0x1b2: {  	[tilespmem:v18+s29+$0x0] =	vst.idx.add.f32.msk $0xffff, v2  }
0x1b3: {  	v18 =	vld [tilespmem:$0x1BBE0];
	_ =	sdelay $0x7  }
0x1b4: {  	v18 =	vld.idx.msk [tilespmem:v18+s3+$0x0], $0xffff;
	_ =	sdelay $0x4  }
0x1b5: {  	v18 =	vadd.s32 v8, v18;
	_ =	sdelay $0x4  }
0x1b6: {  	[tilespmem:v18+s29+$0x0] =	vst.idx.add.f32.msk $0xffff, v2  }
0x1b7: {  	v18 =	vld [tilespmem:$0x1BCE0];
	_ =	sdelay $0x7  }
0x1b8: {  	v18 =	vld.idx.msk [tilespmem:v18+s3+$0x0], $0xffff;
	_ =	sdelay $0x4  }
0x1b9: {  	v18 =	vadd.s32 v8, v18;
	_ =	sdelay $0x4  }
0x1ba: {  	[tilespmem:v18+s29+$0x0] =	vst.idx.add.f32.msk $0xffff, v2  }
0x1bb: {  	v18 =	vld [tilespmem:$0x1BBF0];
	_ =	sdelay $0x7  }
0x1bc: {  	v18 =	vld.idx.msk [tilespmem:v18+s3+$0x0], $0xffff;
	_ =	sdelay $0x4  }
0x1bd: {  	v18 =	vadd.s32 v9, v18;
	_ =	sdelay $0x4  }
0x1be: {  	[tilespmem:v18+s29+$0x0] =	vst.idx.add.f32.msk $0xffff, v2  }
0x1bf: {  	v18 =	vld [tilespmem:$0x1BCF0];
	_ =	sdelay $0x7  }
0x1c0: {  	v18 =	vld.idx.msk [tilespmem:v18+s3+$0x0], $0xffff;
	_ =	sdelay $0x4  }
0x1c1: {  	v18 =	vadd.s32 v9, v18;
	_ =	sdelay $0x4  }
0x1c2: {  	[tilespmem:v18+s29+$0x0] =	vst.idx.add.f32.msk $0xffff, v2  }
0x1c3: {  	v18 =	vld [tilespmem:$0x1BC00];
	_ =	sdelay $0x7  }
0x1c4: {  	v18 =	vld.idx.msk [tilespmem:v18+s3+$0x0], $0xffff;
	_ =	sdelay $0x4  }
0x1c5: {  	v18 =	vadd.s32 v10, v18;
	_ =	sdelay $0x4  }
0x1c6: {  	[tilespmem:v18+s29+$0x0] =	vst.idx.add.f32.msk $0xffff, v2  }
0x1c7: {  	v18 =	vld [tilespmem:$0x1BD00];
	_ =	sdelay $0x7  }
0x1c8: {  	v18 =	vld.idx.msk [tilespmem:v18+s3+$0x0], $0xffff;
	_ =	sdelay $0x4  }
0x1c9: {  	v18 =	vadd.s32 v10, v18;
	_ =	sdelay $0x4  }
0x1ca: {  	[tilespmem:v18+s29+$0x0] =	vst.idx.add.f32.msk $0xffff, v2  }
0x1cb: {  	v18 =	vld [tilespmem:$0x1BC10];
	_ =	sdelay $0x7  }
0x1cc: {  	v18 =	vld.idx.msk [tilespmem:v18+s3+$0x0], $0xffff;
	_ =	sdelay $0x4  }
0x1cd: {  	v18 =	vadd.s32 v11, v18;
	_ =	sdelay $0x4  }
0x1ce: {  	[tilespmem:v18+s29+$0x0] =	vst.idx.add.f32.msk $0xffff, v2  }
0x1cf: {  	v18 =	vld [tilespmem:$0x1BD10];
	_ =	sdelay $0x7  }
0x1d0: {  	v18 =	vld.idx.msk [tilespmem:v18+s3+$0x0], $0xffff;
	_ =	sdelay $0x4  }
0x1d1: {  	v18 =	vadd.s32 v11, v18;
	_ =	sdelay $0x4  }
0x1d2: {  	[tilespmem:v18+s29+$0x0] =	vst.idx.add.f32.msk $0xffff, v2  }
0x1d3: {  	v18 =	vld [tilespmem:$0x1BC20];
	_ =	sdelay $0x7  }
0x1d4: {  	v18 =	vld.idx.msk [tilespmem:v18+s3+$0x0], $0xffff;
	_ =	sdelay $0x4  }
0x1d5: {  	v18 =	vadd.s32 v12, v18;
	_ =	sdelay $0x4  }
0x1d6: {  	[tilespmem:v18+s29+$0x0] =	vst.idx.add.f32.msk $0xffff, v2  }
0x1d7: {  	v18 =	vld [tilespmem:$0x1BD20];
	_ =	sdelay $0x7  }
0x1d8: {  	v18 =	vld.idx.msk [tilespmem:v18+s3+$0x0], $0xffff;
	_ =	sdelay $0x4  }
0x1d9: {  	v18 =	vadd.s32 v12, v18;
	_ =	sdelay $0x4  }
0x1da: {  	[tilespmem:v18+s29+$0x0] =	vst.idx.add.f32.msk $0xffff, v2  }
0x1db: {  	v18 =	vld [tilespmem:$0x1BC30];
	_ =	sdelay $0x7  }
0x1dc: {  	v18 =	vld.idx.msk [tilespmem:v18+s3+$0x0], $0xffff;
	_ =	sdelay $0x4  }
0x1dd: {  	v18 =	vadd.s32 v13, v18;
	_ =	sdelay $0x4  }
0x1de: {  	[tilespmem:v18+s29+$0x0] =	vst.idx.add.f32.msk $0xffff, v2  }
0x1df: {  	v18 =	vld [tilespmem:$0x1BD30];
	_ =	sdelay $0x7  }
0x1e0: {  	v18 =	vld.idx.msk [tilespmem:v18+s3+$0x0], $0xffff;
	_ =	sdelay $0x4  }
0x1e1: {  	v18 =	vadd.s32 v13, v18;
	_ =	sdelay $0x4  }
0x1e2: {  	[tilespmem:v18+s29+$0x0] =	vst.idx.add.f32.msk $0xffff, v2  }
0x1e3: {  	v18 =	vld [tilespmem:$0x1BC40];
	_ =	sdelay $0x7  }
0x1e4: {  	v18 =	vld.idx.msk [tilespmem:v18+s3+$0x0], $0xffff;
	_ =	sdelay $0x4  }
0x1e5: {  	v18 =	vadd.s32 v14, v18;
	_ =	sdelay $0x4  }
0x1e6: {  	[tilespmem:v18+s29+$0x0] =	vst.idx.add.f32.msk $0xffff, v2  }
0x1e7: {  	v18 =	vld [tilespmem:$0x1BD40];
	_ =	sdelay $0x7  }
0x1e8: {  	v18 =	vld.idx.msk [tilespmem:v18+s3+$0x0], $0xffff;
	_ =	sdelay $0x4  }
0x1e9: {  	v18 =	vadd.s32 v14, v18;
	_ =	sdelay $0x4  }
0x1ea: {  	[tilespmem:v18+s29+$0x0] =	vst.idx.add.f32.msk $0xffff, v2  }
0x1eb: {  	v18 =	vld [tilespmem:$0x1BC50];
	_ =	sdelay $0x7  }
0x1ec: {  	v18 =	vld.idx.msk [tilespmem:v18+s3+$0x0], $0xffff;
	_ =	sdelay $0x4  }
0x1ed: {  	v18 =	vadd.s32 v15, v18;
	_ =	sdelay $0x4  }
0x1ee: {  	[tilespmem:v18+s29+$0x0] =	vst.idx.add.f32.msk $0xffff, v2  }
0x1ef: {  	v18 =	vld [tilespmem:$0x1BD50];
	_ =	sdelay $0x7  }
0x1f0: {  	v18 =	vld.idx.msk [tilespmem:v18+s3+$0x0], $0xffff;
	_ =	sdelay $0x4  }
0x1f1: {  	v18 =	vadd.s32 v15, v18;
	_ =	sdelay $0x4  }
0x1f2: {  	[tilespmem:v18+s29+$0x0] =	vst.idx.add.f32.msk $0xffff, v2  }
0x1f3: {  	v18 =	vld [tilespmem:$0x1BC60];
	_ =	sdelay $0x7  }
0x1f4: {  	v18 =	vld.idx.msk [tilespmem:v18+s3+$0x0], $0xffff;
	_ =	sdelay $0x4  }
0x1f5: {  	v18 =	vadd.s32 v16, v18;
	_ =	sdelay $0x4  }
0x1f6: {  	[tilespmem:v18+s29+$0x0] =	vst.idx.add.f32.msk $0xffff, v2  }
0x1f7: {  	v18 =	vld [tilespmem:$0x1BD60];
	_ =	sdelay $0x7  }
0x1f8: {  	v18 =	vld.idx.msk [tilespmem:v18+s3+$0x0], $0xffff;
	_ =	sdelay $0x4  }
0x1f9: {  	v18 =	vadd.s32 v16, v18;
	_ =	sdelay $0x4  }
0x1fa: {  	[tilespmem:v18+s29+$0x0] =	vst.idx.add.f32.msk $0xffff, v2  }
0x1fb: {  	v18 =	vld [tilespmem:$0x1BC70];
	_ =	sdelay $0x7  }
0x1fc: {  	v18 =	vld.idx.msk [tilespmem:v18+s3+$0x0], $0xffff;
	_ =	sdelay $0x4  }
0x1fd: {  	v18 =	vadd.s32 v17, v18;
	_ =	sdelay $0x4  }
0x1fe: {  	[tilespmem:v18+s29+$0x0] =	vst.idx.add.f32.msk $0xffff, v2  }
0x1ff: {  	v18 =	vld [tilespmem:$0x1BD70];
	_ =	sdelay $0x7  }
0x200: {  	v18 =	vld.idx.msk [tilespmem:v18+s3+$0x0], $0xffff;
	_ =	sdelay $0x4  }
0x201: {  	v18 =	vadd.s32 v17, v18;
	_ =	sdelay $0x3  }
0x202: {  	p0 =	seq.s32 s5, $0x0;
	p1 =	seq.s32 s5, $0xC000  }
.Ltmp2:
0x203: {  	s6 =	simm.s32 @!p0 $0x3;
	[tilespmem:v18+s29+$0x0] =	vst.idx.add.f32.msk $0xffff, v2;
	(pc) =	sbr.rel @p1 .LBB2_4-.Ltmp2, $4  }
0x204: {  	_ =	swait.ge @!p0 [sflag:s6], $0x2000  }
0x205: {  	[sflag:s6] =	ssyncset.done @!p0 $0x0  }
0x206: {  	[sflag:s6] =	ssyncadd.s32 @!p0 $0xFFFFE000;
	s6 =	sadd.s32 s5, s7  }
0x207: {  	[hbm4b:s6+s3] =	stream.linear.scatter [tilespmem:s29], [sflag:$0x3], $0x2000, $0x38;
	[tilespmem:$0x1FF80] =	vst v63  }
0x208: {  	v18 =	vld [tilespmem:s4+$0xFFFFF080];
	_ =	sdelay $0x4  }
0x209: {  	v18 =	vshll.u32 v18, $0x1  }
0x20a: {  	[tilespmem:$0x1B780] =	vst v18;
	v18 =	vor.u32 $0x1, v18  }
0x20b: {  	[tilespmem:$0x1B980] =	vst v18  }
0x20c: {  	v18 =	vld [tilespmem:s4+$0xFFFFF100];
	_ =	sdelay $0x4  }
0x20d: {  	v18 =	vshll.u32 v18, $0x1  }
0x20e: {  	[tilespmem:$0x1B790] =	vst v18;
	v18 =	vor.u32 $0x1, v18  }
0x20f: {  	[tilespmem:$0x1B990] =	vst v18  }
0x210: {  	v18 =	vld [tilespmem:s4+$0xFFFFF180];
	_ =	sdelay $0x4  }
0x211: {  	v18 =	vshll.u32 v18, $0x1  }
0x212: {  	[tilespmem:$0x1B7A0] =	vst v18;
	v18 =	vor.u32 $0x1, v18  }
0x213: {  	[tilespmem:$0x1B9A0] =	vst v18  }
0x214: {  	v18 =	vld [tilespmem:s4+$0xFFFFF200];
	_ =	sdelay $0x4  }
0x215: {  	v18 =	vshll.u32 v18, $0x1  }
0x216: {  	[tilespmem:$0x1B7B0] =	vst v18;
	v18 =	vor.u32 $0x1, v18  }
0x217: {  	[tilespmem:$0x1B9B0] =	vst v18  }
0x218: {  	v18 =	vld [tilespmem:s4+$0xFFFFF280];
	_ =	sdelay $0x4  }
0x219: {  	v18 =	vshll.u32 v18, $0x1  }
0x21a: {  	[tilespmem:$0x1B7C0] =	vst v18;
	v18 =	vor.u32 $0x1, v18  }
0x21b: {  	[tilespmem:$0x1B9C0] =	vst v18  }
0x21c: {  	v18 =	vld [tilespmem:s4+$0xFFFFF300];
	_ =	sdelay $0x4  }
0x21d: {  	v18 =	vshll.u32 v18, $0x1  }
0x21e: {  	[tilespmem:$0x1B7D0] =	vst v18;
	v18 =	vor.u32 $0x1, v18  }
0x21f: {  	[tilespmem:$0x1B9D0] =	vst v18  }
0x220: {  	v18 =	vld [tilespmem:s4+$0xFFFFF380];
	_ =	sdelay $0x4  }
0x221: {  	v18 =	vshll.u32 v18, $0x1  }
0x222: {  	[tilespmem:$0x1B7E0] =	vst v18;
	v18 =	vor.u32 $0x1, v18  }
0x223: {  	[tilespmem:$0x1B9E0] =	vst v18  }
0x224: {  	v18 =	vld [tilespmem:s4+$0xFFFFF400];
	_ =	sdelay $0x4  }
0x225: {  	v18 =	vshll.u32 v18, $0x1  }
0x226: {  	[tilespmem:$0x1B7F0] =	vst v18;
	v18 =	vor.u32 $0x1, v18  }
0x227: {  	[tilespmem:$0x1B9F0] =	vst v18  }
0x228: {  	v18 =	vld [tilespmem:s4+$0xFFFFF480];
	_ =	sdelay $0x4  }
0x229: {  	v18 =	vshll.u32 v18, $0x1  }
0x22a: {  	[tilespmem:$0x1B800] =	vst v18;
	v18 =	vor.u32 $0x1, v18  }
0x22b: {  	[tilespmem:$0x1BA00] =	vst v18  }
0x22c: {  	v18 =	vld [tilespmem:s4+$0xFFFFF500];
	_ =	sdelay $0x4  }
0x22d: {  	v18 =	vshll.u32 v18, $0x1  }
0x22e: {  	[tilespmem:$0x1B810] =	vst v18;
	v18 =	vor.u32 $0x1, v18  }
0x22f: {  	[tilespmem:$0x1BA10] =	vst v18  }
0x230: {  	v18 =	vld [tilespmem:s4+$0xFFFFF580];
	_ =	sdelay $0x4  }
0x231: {  	v18 =	vshll.u32 v18, $0x1  }
0x232: {  	[tilespmem:$0x1B820] =	vst v18;
	v18 =	vor.u32 $0x1, v18  }
0x233: {  	[tilespmem:$0x1BA20] =	vst v18  }
0x234: {  	v18 =	vld [tilespmem:s4+$0xFFFFF600];
	_ =	sdelay $0x4  }
0x235: {  	v18 =	vshll.u32 v18, $0x1  }
0x236: {  	[tilespmem:$0x1B830] =	vst v18;
	v18 =	vor.u32 $0x1, v18  }
0x237: {  	[tilespmem:$0x1BA30] =	vst v18  }
0x238: {  	v18 =	vld [tilespmem:s4+$0xFFFFF680];
	_ =	sdelay $0x4  }
0x239: {  	v18 =	vshll.u32 v18, $0x1  }
0x23a: {  	[tilespmem:$0x1B840] =	vst v18;
	v18 =	vor.u32 $0x1, v18  }
0x23b: {  	[tilespmem:$0x1BA40] =	vst v18  }
0x23c: {  	v18 =	vld [tilespmem:s4+$0xFFFFF700];
	_ =	sdelay $0x4  }
0x23d: {  	v18 =	vshll.u32 v18, $0x1  }
0x23e: {  	[tilespmem:$0x1B850] =	vst v18;
	v18 =	vor.u32 $0x1, v18  }
0x23f: {  	[tilespmem:$0x1BA50] =	vst v18  }
0x240: {  	v18 =	vld [tilespmem:s4+$0xFFFFF780];
	_ =	sdelay $0x4  }
0x241: {  	v18 =	vshll.u32 v18, $0x1  }
0x242: {  	[tilespmem:$0x1B860] =	vst v18;
	v18 =	vor.u32 $0x1, v18  }
0x243: {  	[tilespmem:$0x1BA60] =	vst v18  }
0x244: {  	v18 =	vld [tilespmem:s4+$0xFFFFF800];
	_ =	sdelay $0x4  }
0x245: {  	v18 =	vshll.u32 v18, $0x1  }
0x246: {  	[tilespmem:$0x1B870] =	vst v18;
	v18 =	vor.u32 $0x1, v18  }
0x247: {  	[tilespmem:$0x1BA70] =	vst v18  }
0x248: {  	[tilespmem:s12], [sflag:$0x1] =	stream.indirect.gather [hbm4b:s1+s10], $0x1, s11, s10, $0xb8;
	[tilespmem:$0x1FF80] =	vst v63  }
0x249: {  	_ = 	snop  }
0x24a: {  	[tilespmem:s14], [sflag:$0x1] =	stream.indirect.gather [hbm4b:s1+s10], $0x1, s13, s10, $0xb8;
	[tilespmem:$0x1FF80] =	vst v63  }
0x24b: {  	_ = 	snop  }
0x24c: {  	[tilespmem:s16], [sflag:$0x1] =	stream.indirect.gather [hbm4b:s1+s10], $0x1, s15, s10, $0xb8;
	[tilespmem:$0x1FF80] =	vst v63  }
0x24d: {  	_ = 	snop  }
0x24e: {  	[tilespmem:s18], [sflag:$0x1] =	stream.indirect.gather [hbm4b:s1+s10], $0x1, s17, s10, $0xb8;
	[tilespmem:$0x1FF80] =	vst v63  }
.LBB2_4:
0x24f: {  	_ =	swait.ge [sflag:s30], $0x100  }
0x250: {  	[sflag:s30] =	ssyncset.done $0x0  }
0x251: {  	[sflag:s30] =	ssyncadd.s32 $0xFFFFFF00  }
0x252: {  	_ =	swait.ge [sflag:s30], $0x100  }
0x253: {  	[sflag:s30] =	ssyncset.done $0x0  }
0x254: {  	[sflag:s30] =	ssyncadd.s32 $0xFFFFFF00  }
0x255: {  	[tilespmem:$0x1DF80] =	vst v1  }
0x256: {  	[tilespmem:$0x1DF90] =	vst v1  }
0x257: {  	[tilespmem:$0x1DFA0] =	vst v1  }
0x258: {  	[tilespmem:$0x1DFB0] =	vst v1  }
0x259: {  	[tilespmem:$0x1E000] =	vst v1  }
0x25a: {  	[tilespmem:$0x1E010] =	vst v1  }
0x25b: {  	[tilespmem:$0x1E020] =	vst v1  }
0x25c: {  	[tilespmem:$0x1E030] =	vst v1  }
0x25d: {  	[tilespmem:$0x1E080] =	vst v1  }
0x25e: {  	[tilespmem:$0x1E090] =	vst v1  }
0x25f: {  	[tilespmem:$0x1E0A0] =	vst v1  }
0x260: {  	[tilespmem:$0x1E0B0] =	vst v1  }
0x261: {  	[tilespmem:$0x1E100] =	vst v1  }
0x262: {  	[tilespmem:$0x1E110] =	vst v1  }
0x263: {  	[tilespmem:$0x1E120] =	vst v1  }
0x264: {  	[tilespmem:$0x1E130] =	vst v1  }
0x265: {  	[tilespmem:$0x1E180] =	vst v1  }
0x266: {  	[tilespmem:$0x1E190] =	vst v1  }
0x267: {  	[tilespmem:$0x1E1A0] =	vst v1  }
0x268: {  	[tilespmem:$0x1E1B0] =	vst v1  }
0x269: {  	[tilespmem:$0x1E200] =	vst v1  }
0x26a: {  	[tilespmem:$0x1E210] =	vst v1  }
0x26b: {  	[tilespmem:$0x1E220] =	vst v1  }
0x26c: {  	[tilespmem:$0x1E230] =	vst v1  }
0x26d: {  	[tilespmem:$0x1E280] =	vst v1  }
0x26e: {  	[tilespmem:$0x1E290] =	vst v1  }
0x26f: {  	[tilespmem:$0x1E2A0] =	vst v1  }
0x270: {  	[tilespmem:$0x1E2B0] =	vst v1  }
0x271: {  	[tilespmem:$0x1E300] =	vst v1  }
0x272: {  	[tilespmem:$0x1E310] =	vst v1  }
0x273: {  	[tilespmem:$0x1E320] =	vst v1  }
0x274: {  	[tilespmem:$0x1E330] =	vst v1  }
0x275: {  	[tilespmem:$0x1E380] =	vst v1  }
0x276: {  	[tilespmem:$0x1E390] =	vst v1  }
0x277: {  	[tilespmem:$0x1E3A0] =	vst v1  }
0x278: {  	[tilespmem:$0x1E3B0] =	vst v1  }
0x279: {  	[tilespmem:$0x1E400] =	vst v1  }
0x27a: {  	[tilespmem:$0x1E410] =	vst v1  }
0x27b: {  	[tilespmem:$0x1E420] =	vst v1  }
0x27c: {  	[tilespmem:$0x1E430] =	vst v1  }
0x27d: {  	[tilespmem:$0x1E480] =	vst v1  }
0x27e: {  	[tilespmem:$0x1E490] =	vst v1  }
0x27f: {  	[tilespmem:$0x1E4A0] =	vst v1  }
0x280: {  	[tilespmem:$0x1E4B0] =	vst v1  }
0x281: {  	[tilespmem:$0x1E500] =	vst v1  }
0x282: {  	[tilespmem:$0x1E510] =	vst v1  }
0x283: {  	[tilespmem:$0x1E520] =	vst v1  }
0x284: {  	[tilespmem:$0x1E530] =	vst v1  }
0x285: {  	[tilespmem:$0x1E580] =	vst v1  }
0x286: {  	[tilespmem:$0x1E590] =	vst v1  }
0x287: {  	[tilespmem:$0x1E5A0] =	vst v1  }
0x288: {  	[tilespmem:$0x1E5B0] =	vst v1  }
0x289: {  	[tilespmem:$0x1E600] =	vst v1  }
0x28a: {  	[tilespmem:$0x1E610] =	vst v1  }
0x28b: {  	[tilespmem:$0x1E620] =	vst v1  }
0x28c: {  	[tilespmem:$0x1E630] =	vst v1  }
0x28d: {  	[tilespmem:$0x1E680] =	vst v1  }
0x28e: {  	[tilespmem:$0x1E690] =	vst v1  }
0x28f: {  	[tilespmem:$0x1E6A0] =	vst v1  }
0x290: {  	[tilespmem:$0x1E6B0] =	vst v1  }
0x291: {  	[tilespmem:$0x1E700] =	vst v1  }
0x292: {  	[tilespmem:$0x1E710] =	vst v1  }
0x293: {  	[tilespmem:$0x1E720] =	vst v1  }
0x294: {  	[tilespmem:$0x1E730] =	vst v1  }
0x295: {  	[tilespmem:$0x1E780] =	vst v1  }
0x296: {  	[tilespmem:$0x1E790] =	vst v1  }
0x297: {  	[tilespmem:$0x1E7A0] =	vst v1  }
0x298: {  	[tilespmem:$0x1E7B0] =	vst v1  }
0x299: {  	[tilespmem:$0x1E800] =	vst v1  }
0x29a: {  	[tilespmem:$0x1E810] =	vst v1  }
0x29b: {  	[tilespmem:$0x1E820] =	vst v1  }
0x29c: {  	[tilespmem:$0x1E830] =	vst v1  }
0x29d: {  	[tilespmem:$0x1E880] =	vst v1  }
0x29e: {  	[tilespmem:$0x1E890] =	vst v1  }
0x29f: {  	[tilespmem:$0x1E8A0] =	vst v1  }
0x2a0: {  	[tilespmem:$0x1E8B0] =	vst v1  }
0x2a1: {  	[tilespmem:$0x1E900] =	vst v1  }
0x2a2: {  	[tilespmem:$0x1E910] =	vst v1  }
0x2a3: {  	[tilespmem:$0x1E920] =	vst v1  }
0x2a4: {  	[tilespmem:$0x1E930] =	vst v1  }
0x2a5: {  	[tilespmem:$0x1E980] =	vst v1  }
0x2a6: {  	[tilespmem:$0x1E990] =	vst v1  }
0x2a7: {  	[tilespmem:$0x1E9A0] =	vst v1  }
0x2a8: {  	[tilespmem:$0x1E9B0] =	vst v1  }
0x2a9: {  	[tilespmem:$0x1EA00] =	vst v1  }
0x2aa: {  	[tilespmem:$0x1EA10] =	vst v1  }
0x2ab: {  	[tilespmem:$0x1EA20] =	vst v1  }
0x2ac: {  	[tilespmem:$0x1EA30] =	vst v1  }
0x2ad: {  	[tilespmem:$0x1EA80] =	vst v1  }
0x2ae: {  	[tilespmem:$0x1EA90] =	vst v1  }
0x2af: {  	[tilespmem:$0x1EAA0] =	vst v1  }
0x2b0: {  	[tilespmem:$0x1EAB0] =	vst v1  }
0x2b1: {  	[tilespmem:$0x1EB00] =	vst v1  }
0x2b2: {  	[tilespmem:$0x1EB10] =	vst v1  }
0x2b3: {  	[tilespmem:$0x1EB20] =	vst v1  }
0x2b4: {  	[tilespmem:$0x1EB30] =	vst v1  }
0x2b5: {  	[tilespmem:$0x1EB80] =	vst v1  }
0x2b6: {  	[tilespmem:$0x1EB90] =	vst v1  }
0x2b7: {  	[tilespmem:$0x1EBA0] =	vst v1  }
0x2b8: {  	[tilespmem:$0x1EBB0] =	vst v1  }
0x2b9: {  	[tilespmem:$0x1EC00] =	vst v1  }
0x2ba: {  	[tilespmem:$0x1EC10] =	vst v1  }
0x2bb: {  	[tilespmem:$0x1EC20] =	vst v1  }
0x2bc: {  	[tilespmem:$0x1EC30] =	vst v1  }
0x2bd: {  	[tilespmem:$0x1EC80] =	vst v1  }
0x2be: {  	[tilespmem:$0x1EC90] =	vst v1  }
0x2bf: {  	[tilespmem:$0x1ECA0] =	vst v1  }
0x2c0: {  	[tilespmem:$0x1ECB0] =	vst v1  }
0x2c1: {  	[tilespmem:$0x1ED00] =	vst v1  }
0x2c2: {  	[tilespmem:$0x1ED10] =	vst v1  }
0x2c3: {  	[tilespmem:$0x1ED20] =	vst v1  }
0x2c4: {  	[tilespmem:$0x1ED30] =	vst v1  }
0x2c5: {  	[tilespmem:$0x1ED80] =	vst v1  }
0x2c6: {  	[tilespmem:$0x1ED90] =	vst v1  }
0x2c7: {  	[tilespmem:$0x1EDA0] =	vst v1  }
0x2c8: {  	[tilespmem:$0x1EDB0] =	vst v1  }
0x2c9: {  	[tilespmem:$0x1EE00] =	vst v1  }
0x2ca: {  	[tilespmem:$0x1EE10] =	vst v1  }
0x2cb: {  	[tilespmem:$0x1EE20] =	vst v1  }
0x2cc: {  	[tilespmem:$0x1EE30] =	vst v1  }
0x2cd: {  	[tilespmem:$0x1EE80] =	vst v1  }
0x2ce: {  	[tilespmem:$0x1EE90] =	vst v1  }
0x2cf: {  	[tilespmem:$0x1EEA0] =	vst v1  }
0x2d0: {  	[tilespmem:$0x1EEB0] =	vst v1  }
0x2d1: {  	[tilespmem:$0x1EF00] =	vst v1  }
0x2d2: {  	[tilespmem:$0x1EF10] =	vst v1  }
0x2d3: {  	[tilespmem:$0x1EF20] =	vst v1  }
0x2d4: {  	[tilespmem:$0x1EF30] =	vst v1  }
0x2d5: {  	[tilespmem:$0x1EF80] =	vst v1  }
0x2d6: {  	[tilespmem:$0x1EF90] =	vst v1  }
0x2d7: {  	[tilespmem:$0x1EFA0] =	vst v1  }
0x2d8: {  	[tilespmem:$0x1EFB0] =	vst v1  }
0x2d9: {  	[tilespmem:$0x1F000] =	vst v1  }
0x2da: {  	[tilespmem:$0x1F010] =	vst v1  }
0x2db: {  	[tilespmem:$0x1F020] =	vst v1  }
0x2dc: {  	[tilespmem:$0x1F030] =	vst v1  }
0x2dd: {  	[tilespmem:$0x1F080] =	vst v1  }
0x2de: {  	[tilespmem:$0x1F090] =	vst v1  }
0x2df: {  	[tilespmem:$0x1F0A0] =	vst v1  }
0x2e0: {  	[tilespmem:$0x1F0B0] =	vst v1  }
0x2e1: {  	[tilespmem:$0x1F100] =	vst v1  }
0x2e2: {  	[tilespmem:$0x1F110] =	vst v1  }
0x2e3: {  	[tilespmem:$0x1F120] =	vst v1  }
0x2e4: {  	[tilespmem:$0x1F130] =	vst v1  }
0x2e5: {  	[tilespmem:$0x1F180] =	vst v1  }
0x2e6: {  	[tilespmem:$0x1F190] =	vst v1  }
0x2e7: {  	[tilespmem:$0x1F1A0] =	vst v1  }
0x2e8: {  	[tilespmem:$0x1F1B0] =	vst v1  }
0x2e9: {  	[tilespmem:$0x1F200] =	vst v1  }
0x2ea: {  	[tilespmem:$0x1F210] =	vst v1  }
0x2eb: {  	[tilespmem:$0x1F220] =	vst v1  }
0x2ec: {  	[tilespmem:$0x1F230] =	vst v1  }
0x2ed: {  	[tilespmem:$0x1F280] =	vst v1  }
0x2ee: {  	[tilespmem:$0x1F290] =	vst v1  }
0x2ef: {  	[tilespmem:$0x1F2A0] =	vst v1  }
0x2f0: {  	[tilespmem:$0x1F2B0] =	vst v1  }
0x2f1: {  	[tilespmem:$0x1F300] =	vst v1  }
0x2f2: {  	[tilespmem:$0x1F310] =	vst v1  }
0x2f3: {  	[tilespmem:$0x1F320] =	vst v1  }
0x2f4: {  	[tilespmem:$0x1F330] =	vst v1  }
0x2f5: {  	[tilespmem:$0x1F380] =	vst v1  }
0x2f6: {  	[tilespmem:$0x1F390] =	vst v1  }
0x2f7: {  	[tilespmem:$0x1F3A0] =	vst v1  }
0x2f8: {  	[tilespmem:$0x1F3B0] =	vst v1  }
0x2f9: {  	[tilespmem:$0x1F400] =	vst v1  }
0x2fa: {  	[tilespmem:$0x1F410] =	vst v1  }
0x2fb: {  	[tilespmem:$0x1F420] =	vst v1  }
0x2fc: {  	[tilespmem:$0x1F430] =	vst v1  }
0x2fd: {  	[tilespmem:$0x1F480] =	vst v1  }
0x2fe: {  	[tilespmem:$0x1F490] =	vst v1  }
0x2ff: {  	[tilespmem:$0x1F4A0] =	vst v1  }
0x300: {  	[tilespmem:$0x1F4B0] =	vst v1  }
0x301: {  	[tilespmem:$0x1F500] =	vst v1  }
0x302: {  	[tilespmem:$0x1F510] =	vst v1  }
0x303: {  	[tilespmem:$0x1F520] =	vst v1  }
0x304: {  	[tilespmem:$0x1F530] =	vst v1  }
0x305: {  	[tilespmem:$0x1F580] =	vst v1  }
0x306: {  	[tilespmem:$0x1F590] =	vst v1  }
0x307: {  	[tilespmem:$0x1F5A0] =	vst v1  }
0x308: {  	[tilespmem:$0x1F5B0] =	vst v1  }
0x309: {  	[tilespmem:$0x1F600] =	vst v1  }
0x30a: {  	[tilespmem:$0x1F610] =	vst v1  }
0x30b: {  	[tilespmem:$0x1F620] =	vst v1  }
0x30c: {  	[tilespmem:$0x1F630] =	vst v1  }
0x30d: {  	[tilespmem:$0x1F680] =	vst v1  }
0x30e: {  	[tilespmem:$0x1F690] =	vst v1  }
0x30f: {  	[tilespmem:$0x1F6A0] =	vst v1  }
0x310: {  	[tilespmem:$0x1F6B0] =	vst v1  }
0x311: {  	[tilespmem:$0x1F700] =	vst v1  }
0x312: {  	[tilespmem:$0x1F710] =	vst v1  }
0x313: {  	[tilespmem:$0x1F720] =	vst v1  }
0x314: {  	[tilespmem:$0x1F730] =	vst v1  }
0x315: {  	[tilespmem:$0x1F780] =	vst v1  }
0x316: {  	[tilespmem:$0x1F790] =	vst v1  }
0x317: {  	[tilespmem:$0x1F7A0] =	vst v1  }
0x318: {  	[tilespmem:$0x1F7B0] =	vst v1  }
0x319: {  	[tilespmem:$0x1F800] =	vst v1  }
0x31a: {  	[tilespmem:$0x1F810] =	vst v1  }
0x31b: {  	[tilespmem:$0x1F820] =	vst v1  }
0x31c: {  	[tilespmem:$0x1F830] =	vst v1  }
0x31d: {  	[tilespmem:$0x1F880] =	vst v1  }
0x31e: {  	[tilespmem:$0x1F890] =	vst v1  }
0x31f: {  	[tilespmem:$0x1F8A0] =	vst v1  }
0x320: {  	[tilespmem:$0x1F8B0] =	vst v1  }
0x321: {  	[tilespmem:$0x1F900] =	vst v1  }
0x322: {  	[tilespmem:$0x1F910] =	vst v1  }
0x323: {  	[tilespmem:$0x1F920] =	vst v1  }
0x324: {  	[tilespmem:$0x1F930] =	vst v1  }
0x325: {  	[tilespmem:$0x1F980] =	vst v1  }
0x326: {  	[tilespmem:$0x1F990] =	vst v1  }
0x327: {  	[tilespmem:$0x1F9A0] =	vst v1  }
0x328: {  	[tilespmem:$0x1F9B0] =	vst v1  }
0x329: {  	[tilespmem:$0x1FA00] =	vst v1  }
0x32a: {  	[tilespmem:$0x1FA10] =	vst v1  }
0x32b: {  	[tilespmem:$0x1FA20] =	vst v1  }
0x32c: {  	[tilespmem:$0x1FA30] =	vst v1  }
0x32d: {  	[tilespmem:$0x1FA80] =	vst v1  }
0x32e: {  	[tilespmem:$0x1FA90] =	vst v1  }
0x32f: {  	[tilespmem:$0x1FAA0] =	vst v1  }
0x330: {  	[tilespmem:$0x1FAB0] =	vst v1  }
0x331: {  	[tilespmem:$0x1FB00] =	vst v1  }
0x332: {  	[tilespmem:$0x1FB10] =	vst v1  }
0x333: {  	[tilespmem:$0x1FB20] =	vst v1  }
0x334: {  	[tilespmem:$0x1FB30] =	vst v1  }
0x335: {  	[tilespmem:$0x1FB80] =	vst v1  }
0x336: {  	[tilespmem:$0x1FB90] =	vst v1  }
0x337: {  	[tilespmem:$0x1FBA0] =	vst v1  }
0x338: {  	[tilespmem:$0x1FBB0] =	vst v1  }
0x339: {  	[tilespmem:$0x1FC00] =	vst v1  }
0x33a: {  	[tilespmem:$0x1FC10] =	vst v1  }
0x33b: {  	[tilespmem:$0x1FC20] =	vst v1  }
0x33c: {  	[tilespmem:$0x1FC30] =	vst v1  }
0x33d: {  	[tilespmem:$0x1FC80] =	vst v1  }
0x33e: {  	[tilespmem:$0x1FC90] =	vst v1  }
0x33f: {  	[tilespmem:$0x1FCA0] =	vst v1  }
0x340: {  	[tilespmem:$0x1FCB0] =	vst v1  }
0x341: {  	[tilespmem:$0x1FD00] =	vst v1  }
0x342: {  	[tilespmem:$0x1FD10] =	vst v1  }
0x343: {  	[tilespmem:$0x1FD20] =	vst v1  }
0x344: {  	[tilespmem:$0x1FD30] =	vst v1  }
0x345: {  	[tilespmem:$0x1FD80] =	vst v1  }
0x346: {  	[tilespmem:$0x1FD90] =	vst v1  }
0x347: {  	[tilespmem:$0x1FDA0] =	vst v1  }
0x348: {  	[tilespmem:$0x1FDB0] =	vst v1  }
0x349: {  	[tilespmem:$0x1FE00] =	vst v1  }
0x34a: {  	[tilespmem:$0x1FE10] =	vst v1  }
0x34b: {  	[tilespmem:$0x1FE20] =	vst v1  }
0x34c: {  	[tilespmem:$0x1FE30] =	vst v1  }
0x34d: {  	[tilespmem:$0x1FE80] =	vst v1;
	v18 =	vld [tilespmem:$0x1BD80]  }
0x34e: {  	[tilespmem:$0x1FE90] =	vst v1  }
0x34f: {  	[tilespmem:$0x1FEA0] =	vst v1  }
0x350: {  	[tilespmem:$0x1FEB0] =	vst v1  }
0x351: {  	[tilespmem:$0x1FF00] =	vst v1  }
0x352: {  	[tilespmem:$0x1FF10] =	vst v1  }
0x353: {  	[tilespmem:$0x1FF20] =	vst v1  }
0x354: {  	[tilespmem:$0x1FF30] =	vst v1  }
0x355: {  	v18 =	vld.idx.msk [tilespmem:v18+s3+$0x0], $0xffff;
	_ =	sdelay $0x4  }
0x356: {  	v18 =	vadd.s32 v0, v18;
	_ =	sdelay $0x4  }
0x357: {  	[tilespmem:v18+s31+$0x0] =	vst.idx.add.f32.msk $0xffff, v2  }
0x358: {  	v18 =	vld [tilespmem:$0x1BE80];
	_ =	sdelay $0x7  }
0x359: {  	v18 =	vld.idx.msk [tilespmem:v18+s3+$0x0], $0xffff;
	_ =	sdelay $0x4  }
0x35a: {  	v18 =	vadd.s32 v0, v18;
	_ =	sdelay $0x4  }
0x35b: {  	[tilespmem:v18+s31+$0x0] =	vst.idx.add.f32.msk $0xffff, v2  }
0x35c: {  	v18 =	vld [tilespmem:$0x1BD90];
	_ =	sdelay $0x7  }
0x35d: {  	v18 =	vld.idx.msk [tilespmem:v18+s3+$0x0], $0xffff;
	_ =	sdelay $0x4  }
0x35e: {  	v18 =	vadd.s32 v3, v18;
	_ =	sdelay $0x4  }
0x35f: {  	[tilespmem:v18+s31+$0x0] =	vst.idx.add.f32.msk $0xffff, v2  }
0x360: {  	v18 =	vld [tilespmem:$0x1BE90];
	_ =	sdelay $0x7  }
0x361: {  	v18 =	vld.idx.msk [tilespmem:v18+s3+$0x0], $0xffff;
	_ =	sdelay $0x4  }
0x362: {  	v18 =	vadd.s32 v3, v18;
	_ =	sdelay $0x4  }
0x363: {  	[tilespmem:v18+s31+$0x0] =	vst.idx.add.f32.msk $0xffff, v2  }
0x364: {  	v18 =	vld [tilespmem:$0x1BDA0];
	_ =	sdelay $0x7  }
0x365: {  	v18 =	vld.idx.msk [tilespmem:v18+s3+$0x0], $0xffff;
	_ =	sdelay $0x4  }
0x366: {  	v18 =	vadd.s32 v4, v18;
	_ =	sdelay $0x4  }
0x367: {  	[tilespmem:v18+s31+$0x0] =	vst.idx.add.f32.msk $0xffff, v2  }
0x368: {  	v18 =	vld [tilespmem:$0x1BEA0];
	_ =	sdelay $0x7  }
0x369: {  	v18 =	vld.idx.msk [tilespmem:v18+s3+$0x0], $0xffff;
	_ =	sdelay $0x4  }
0x36a: {  	v18 =	vadd.s32 v4, v18;
	_ =	sdelay $0x4  }
0x36b: {  	[tilespmem:v18+s31+$0x0] =	vst.idx.add.f32.msk $0xffff, v2  }
0x36c: {  	v18 =	vld [tilespmem:$0x1BDB0];
	_ =	sdelay $0x7  }
0x36d: {  	v18 =	vld.idx.msk [tilespmem:v18+s3+$0x0], $0xffff;
	_ =	sdelay $0x4  }
0x36e: {  	v18 =	vadd.s32 v5, v18;
	_ =	sdelay $0x4  }
0x36f: {  	[tilespmem:v18+s31+$0x0] =	vst.idx.add.f32.msk $0xffff, v2  }
0x370: {  	v18 =	vld [tilespmem:$0x1BEB0];
	_ =	sdelay $0x7  }
0x371: {  	v18 =	vld.idx.msk [tilespmem:v18+s3+$0x0], $0xffff;
	_ =	sdelay $0x4  }
0x372: {  	v18 =	vadd.s32 v5, v18;
	_ =	sdelay $0x4  }
0x373: {  	[tilespmem:v18+s31+$0x0] =	vst.idx.add.f32.msk $0xffff, v2  }
0x374: {  	v18 =	vld [tilespmem:$0x1BDC0];
	_ =	sdelay $0x7  }
0x375: {  	v18 =	vld.idx.msk [tilespmem:v18+s3+$0x0], $0xffff;
	_ =	sdelay $0x4  }
0x376: {  	v18 =	vadd.s32 v6, v18;
	_ =	sdelay $0x4  }
0x377: {  	[tilespmem:v18+s31+$0x0] =	vst.idx.add.f32.msk $0xffff, v2  }
0x378: {  	v18 =	vld [tilespmem:$0x1BEC0];
	_ =	sdelay $0x7  }
0x379: {  	v18 =	vld.idx.msk [tilespmem:v18+s3+$0x0], $0xffff;
	_ =	sdelay $0x4  }
0x37a: {  	v18 =	vadd.s32 v6, v18;
	_ =	sdelay $0x4  }
0x37b: {  	[tilespmem:v18+s31+$0x0] =	vst.idx.add.f32.msk $0xffff, v2  }
0x37c: {  	v18 =	vld [tilespmem:$0x1BDD0];
	_ =	sdelay $0x7  }
0x37d: {  	v18 =	vld.idx.msk [tilespmem:v18+s3+$0x0], $0xffff;
	_ =	sdelay $0x4  }
0x37e: {  	v18 =	vadd.s32 v7, v18;
	_ =	sdelay $0x4  }
0x37f: {  	[tilespmem:v18+s31+$0x0] =	vst.idx.add.f32.msk $0xffff, v2  }
0x380: {  	v18 =	vld [tilespmem:$0x1BED0];
	_ =	sdelay $0x7  }
0x381: {  	v18 =	vld.idx.msk [tilespmem:v18+s3+$0x0], $0xffff;
	_ =	sdelay $0x4  }
0x382: {  	v18 =	vadd.s32 v7, v18;
	_ =	sdelay $0x4  }
0x383: {  	[tilespmem:v18+s31+$0x0] =	vst.idx.add.f32.msk $0xffff, v2  }
0x384: {  	v18 =	vld [tilespmem:$0x1BDE0];
	_ =	sdelay $0x7  }
0x385: {  	v18 =	vld.idx.msk [tilespmem:v18+s3+$0x0], $0xffff;
	_ =	sdelay $0x4  }
0x386: {  	v18 =	vadd.s32 v8, v18;
	_ =	sdelay $0x4  }
0x387: {  	[tilespmem:v18+s31+$0x0] =	vst.idx.add.f32.msk $0xffff, v2  }
0x388: {  	v18 =	vld [tilespmem:$0x1BEE0];
	_ =	sdelay $0x7  }
0x389: {  	v18 =	vld.idx.msk [tilespmem:v18+s3+$0x0], $0xffff;
	_ =	sdelay $0x4  }
0x38a: {  	v18 =	vadd.s32 v8, v18;
	_ =	sdelay $0x4  }
0x38b: {  	[tilespmem:v18+s31+$0x0] =	vst.idx.add.f32.msk $0xffff, v2  }
0x38c: {  	v18 =	vld [tilespmem:$0x1BDF0];
	_ =	sdelay $0x7  }
0x38d: {  	v18 =	vld.idx.msk [tilespmem:v18+s3+$0x0], $0xffff;
	_ =	sdelay $0x4  }
0x38e: {  	v18 =	vadd.s32 v9, v18;
	_ =	sdelay $0x4  }
0x38f: {  	[tilespmem:v18+s31+$0x0] =	vst.idx.add.f32.msk $0xffff, v2  }
0x390: {  	v18 =	vld [tilespmem:$0x1BEF0];
	_ =	sdelay $0x7  }
0x391: {  	v18 =	vld.idx.msk [tilespmem:v18+s3+$0x0], $0xffff;
	_ =	sdelay $0x4  }
0x392: {  	v18 =	vadd.s32 v9, v18;
	_ =	sdelay $0x4  }
0x393: {  	[tilespmem:v18+s31+$0x0] =	vst.idx.add.f32.msk $0xffff, v2  }
0x394: {  	v18 =	vld [tilespmem:$0x1BE00];
	_ =	sdelay $0x7  }
0x395: {  	v18 =	vld.idx.msk [tilespmem:v18+s3+$0x0], $0xffff;
	_ =	sdelay $0x4  }
0x396: {  	v18 =	vadd.s32 v10, v18;
	_ =	sdelay $0x4  }
0x397: {  	[tilespmem:v18+s31+$0x0] =	vst.idx.add.f32.msk $0xffff, v2  }
0x398: {  	v18 =	vld [tilespmem:$0x1BF00];
	_ =	sdelay $0x7  }
0x399: {  	v18 =	vld.idx.msk [tilespmem:v18+s3+$0x0], $0xffff;
	_ =	sdelay $0x4  }
0x39a: {  	v18 =	vadd.s32 v10, v18;
	_ =	sdelay $0x4  }
0x39b: {  	[tilespmem:v18+s31+$0x0] =	vst.idx.add.f32.msk $0xffff, v2  }
0x39c: {  	v18 =	vld [tilespmem:$0x1BE10];
	_ =	sdelay $0x7  }
0x39d: {  	v18 =	vld.idx.msk [tilespmem:v18+s3+$0x0], $0xffff;
	_ =	sdelay $0x4  }
0x39e: {  	v18 =	vadd.s32 v11, v18;
	_ =	sdelay $0x4  }
0x39f: {  	[tilespmem:v18+s31+$0x0] =	vst.idx.add.f32.msk $0xffff, v2  }
0x3a0: {  	v18 =	vld [tilespmem:$0x1BF10];
	_ =	sdelay $0x7  }
0x3a1: {  	v18 =	vld.idx.msk [tilespmem:v18+s3+$0x0], $0xffff;
	_ =	sdelay $0x4  }
0x3a2: {  	v18 =	vadd.s32 v11, v18;
	_ =	sdelay $0x4  }
0x3a3: {  	[tilespmem:v18+s31+$0x0] =	vst.idx.add.f32.msk $0xffff, v2  }
0x3a4: {  	v18 =	vld [tilespmem:$0x1BE20];
	_ =	sdelay $0x7  }
0x3a5: {  	v18 =	vld.idx.msk [tilespmem:v18+s3+$0x0], $0xffff;
	_ =	sdelay $0x4  }
0x3a6: {  	v18 =	vadd.s32 v12, v18;
	_ =	sdelay $0x4  }
0x3a7: {  	[tilespmem:v18+s31+$0x0] =	vst.idx.add.f32.msk $0xffff, v2  }
0x3a8: {  	v18 =	vld [tilespmem:$0x1BF20];
	_ =	sdelay $0x7  }
0x3a9: {  	v18 =	vld.idx.msk [tilespmem:v18+s3+$0x0], $0xffff;
	_ =	sdelay $0x4  }
0x3aa: {  	v18 =	vadd.s32 v12, v18;
	_ =	sdelay $0x4  }
0x3ab: {  	[tilespmem:v18+s31+$0x0] =	vst.idx.add.f32.msk $0xffff, v2  }
0x3ac: {  	v18 =	vld [tilespmem:$0x1BE30];
	_ =	sdelay $0x7  }
0x3ad: {  	v18 =	vld.idx.msk [tilespmem:v18+s3+$0x0], $0xffff;
	_ =	sdelay $0x4  }
0x3ae: {  	v18 =	vadd.s32 v13, v18;
	_ =	sdelay $0x4  }
0x3af: {  	[tilespmem:v18+s31+$0x0] =	vst.idx.add.f32.msk $0xffff, v2  }
0x3b0: {  	v18 =	vld [tilespmem:$0x1BF30];
	_ =	sdelay $0x7  }
0x3b1: {  	v18 =	vld.idx.msk [tilespmem:v18+s3+$0x0], $0xffff;
	_ =	sdelay $0x4  }
0x3b2: {  	v18 =	vadd.s32 v13, v18;
	_ =	sdelay $0x4  }
0x3b3: {  	[tilespmem:v18+s31+$0x0] =	vst.idx.add.f32.msk $0xffff, v2  }
0x3b4: {  	v18 =	vld [tilespmem:$0x1BE40];
	_ =	sdelay $0x7  }
0x3b5: {  	v18 =	vld.idx.msk [tilespmem:v18+s3+$0x0], $0xffff;
	_ =	sdelay $0x4  }
0x3b6: {  	v18 =	vadd.s32 v14, v18;
	_ =	sdelay $0x4  }
0x3b7: {  	[tilespmem:v18+s31+$0x0] =	vst.idx.add.f32.msk $0xffff, v2  }
0x3b8: {  	v18 =	vld [tilespmem:$0x1BF40];
	_ =	sdelay $0x7  }
0x3b9: {  	v18 =	vld.idx.msk [tilespmem:v18+s3+$0x0], $0xffff;
	_ =	sdelay $0x4  }
0x3ba: {  	v18 =	vadd.s32 v14, v18;
	_ =	sdelay $0x4  }
0x3bb: {  	[tilespmem:v18+s31+$0x0] =	vst.idx.add.f32.msk $0xffff, v2  }
0x3bc: {  	v18 =	vld [tilespmem:$0x1BE50];
	_ =	sdelay $0x7  }
0x3bd: {  	v18 =	vld.idx.msk [tilespmem:v18+s3+$0x0], $0xffff;
	_ =	sdelay $0x4  }
0x3be: {  	v18 =	vadd.s32 v15, v18;
	_ =	sdelay $0x4  }
0x3bf: {  	[tilespmem:v18+s31+$0x0] =	vst.idx.add.f32.msk $0xffff, v2  }
0x3c0: {  	v18 =	vld [tilespmem:$0x1BF50];
	_ =	sdelay $0x7  }
0x3c1: {  	v18 =	vld.idx.msk [tilespmem:v18+s3+$0x0], $0xffff;
	_ =	sdelay $0x4  }
0x3c2: {  	v18 =	vadd.s32 v15, v18;
	_ =	sdelay $0x4  }
0x3c3: {  	[tilespmem:v18+s31+$0x0] =	vst.idx.add.f32.msk $0xffff, v2  }
0x3c4: {  	v18 =	vld [tilespmem:$0x1BE60];
	_ =	sdelay $0x7  }
0x3c5: {  	v18 =	vld.idx.msk [tilespmem:v18+s3+$0x0], $0xffff;
	_ =	sdelay $0x4  }
0x3c6: {  	v18 =	vadd.s32 v16, v18;
	_ =	sdelay $0x4  }
0x3c7: {  	[tilespmem:v18+s31+$0x0] =	vst.idx.add.f32.msk $0xffff, v2  }
0x3c8: {  	v18 =	vld [tilespmem:$0x1BF60];
	_ =	sdelay $0x7  }
0x3c9: {  	v18 =	vld.idx.msk [tilespmem:v18+s3+$0x0], $0xffff;
	_ =	sdelay $0x4  }
0x3ca: {  	v18 =	vadd.s32 v16, v18;
	_ =	sdelay $0x4  }
0x3cb: {  	[tilespmem:v18+s31+$0x0] =	vst.idx.add.f32.msk $0xffff, v2  }
0x3cc: {  	v18 =	vld [tilespmem:$0x1BE70];
	_ =	sdelay $0x7  }
0x3cd: {  	v18 =	vld.idx.msk [tilespmem:v18+s3+$0x0], $0xffff;
	_ =	sdelay $0x4  }
0x3ce: {  	v18 =	vadd.s32 v17, v18;
	_ =	sdelay $0x4  }
0x3cf: {  	[tilespmem:v18+s31+$0x0] =	vst.idx.add.f32.msk $0xffff, v2  }
0x3d0: {  	v18 =	vld [tilespmem:$0x1BF70];
	_ =	sdelay $0x7  }
0x3d1: {  	v18 =	vld.idx.msk [tilespmem:v18+s3+$0x0], $0xffff;
	_ =	sdelay $0x4  }
0x3d2: {  	v18 =	vadd.s32 v17, v18;
	_ =	sdelay $0x4  }
.Ltmp3:
0x3d3: {  	s0 =	simm.s32 @!p0 $0x4;
	[tilespmem:v18+s31+$0x0] =	vst.idx.add.f32.msk $0xffff, v2;
	(pc) =	sbr.rel @p1 .LBB2_6-.Ltmp3, $4  }
0x3d4: {  	_ =	swait.ge @!p0 [sflag:s0], $0x2000  }
0x3d5: {  	[sflag:s0] =	ssyncset.done @!p0 $0x0  }
0x3d6: {  	s6 =	sadd.s32 $0x400, s6;
	[sflag:s0] =	ssyncadd.s32 @!p0 $0xFFFFE000  }
0x3d7: {  	[hbm4b:s6+s3] =	stream.linear.scatter [tilespmem:s31], [sflag:$0x4], $0x2000, $0x38;
	[tilespmem:$0x1FF80] =	vst v63  }
0x3d8: {  	v18 =	vld [tilespmem:s4+$0xFFFFF880];
	_ =	sdelay $0x4  }
0x3d9: {  	v18 =	vshll.u32 v18, $0x1  }
0x3da: {  	[tilespmem:$0x1B880] =	vst v18;
	v18 =	vor.u32 $0x1, v18  }
0x3db: {  	[tilespmem:$0x1BA80] =	vst v18  }
0x3dc: {  	v18 =	vld [tilespmem:s4+$0xFFFFF900];
	_ =	sdelay $0x4  }
0x3dd: {  	v18 =	vshll.u32 v18, $0x1  }
0x3de: {  	[tilespmem:$0x1B890] =	vst v18;
	v18 =	vor.u32 $0x1, v18  }
0x3df: {  	[tilespmem:$0x1BA90] =	vst v18  }
0x3e0: {  	v18 =	vld [tilespmem:s4+$0xFFFFF980];
	_ =	sdelay $0x4  }
0x3e1: {  	v18 =	vshll.u32 v18, $0x1  }
0x3e2: {  	[tilespmem:$0x1B8A0] =	vst v18;
	v18 =	vor.u32 $0x1, v18  }
0x3e3: {  	[tilespmem:$0x1BAA0] =	vst v18  }
0x3e4: {  	v18 =	vld [tilespmem:s4+$0xFFFFFA00];
	_ =	sdelay $0x4  }
0x3e5: {  	v18 =	vshll.u32 v18, $0x1  }
0x3e6: {  	[tilespmem:$0x1B8B0] =	vst v18;
	v18 =	vor.u32 $0x1, v18  }
0x3e7: {  	[tilespmem:$0x1BAB0] =	vst v18  }
0x3e8: {  	v18 =	vld [tilespmem:s4+$0xFFFFFA80];
	_ =	sdelay $0x4  }
0x3e9: {  	v18 =	vshll.u32 v18, $0x1  }
0x3ea: {  	[tilespmem:$0x1B8C0] =	vst v18;
	v18 =	vor.u32 $0x1, v18  }
0x3eb: {  	[tilespmem:$0x1BAC0] =	vst v18  }
0x3ec: {  	v18 =	vld [tilespmem:s4+$0xFFFFFB00];
	_ =	sdelay $0x4  }
0x3ed: {  	v18 =	vshll.u32 v18, $0x1  }
0x3ee: {  	[tilespmem:$0x1B8D0] =	vst v18;
	v18 =	vor.u32 $0x1, v18  }
0x3ef: {  	[tilespmem:$0x1BAD0] =	vst v18  }
0x3f0: {  	v18 =	vld [tilespmem:s4+$0xFFFFFB80];
	_ =	sdelay $0x4  }
0x3f1: {  	v18 =	vshll.u32 v18, $0x1  }
0x3f2: {  	[tilespmem:$0x1B8E0] =	vst v18;
	v18 =	vor.u32 $0x1, v18  }
0x3f3: {  	[tilespmem:$0x1BAE0] =	vst v18  }
0x3f4: {  	v18 =	vld [tilespmem:s4+$0xFFFFFC00];
	_ =	sdelay $0x4  }
0x3f5: {  	v18 =	vshll.u32 v18, $0x1  }
0x3f6: {  	[tilespmem:$0x1B8F0] =	vst v18;
	v18 =	vor.u32 $0x1, v18  }
0x3f7: {  	[tilespmem:$0x1BAF0] =	vst v18  }
0x3f8: {  	v18 =	vld [tilespmem:s4+$0xFFFFFC80];
	_ =	sdelay $0x4  }
0x3f9: {  	v18 =	vshll.u32 v18, $0x1  }
0x3fa: {  	[tilespmem:$0x1B900] =	vst v18;
	v18 =	vor.u32 $0x1, v18  }
0x3fb: {  	[tilespmem:$0x1BB00] =	vst v18  }
0x3fc: {  	v18 =	vld [tilespmem:s4+$0xFFFFFD00];
	_ =	sdelay $0x4  }
0x3fd: {  	v18 =	vshll.u32 v18, $0x1  }
0x3fe: {  	[tilespmem:$0x1B910] =	vst v18;
	v18 =	vor.u32 $0x1, v18  }
0x3ff: {  	[tilespmem:$0x1BB10] =	vst v18  }
0x400: {  	v18 =	vld [tilespmem:s4+$0xFFFFFD80];
	_ =	sdelay $0x4  }
0x401: {  	v18 =	vshll.u32 v18, $0x1  }
0x402: {  	[tilespmem:$0x1B920] =	vst v18;
	v18 =	vor.u32 $0x1, v18  }
0x403: {  	[tilespmem:$0x1BB20] =	vst v18  }
0x404: {  	v18 =	vld [tilespmem:s4+$0xFFFFFE00];
	_ =	sdelay $0x4  }
0x405: {  	v18 =	vshll.u32 v18, $0x1  }
0x406: {  	[tilespmem:$0x1B930] =	vst v18;
	v18 =	vor.u32 $0x1, v18  }
0x407: {  	[tilespmem:$0x1BB30] =	vst v18  }
0x408: {  	v18 =	vld [tilespmem:s4+$0xFFFFFE80];
	_ =	sdelay $0x4  }
0x409: {  	v18 =	vshll.u32 v18, $0x1  }
0x40a: {  	[tilespmem:$0x1B940] =	vst v18;
	v18 =	vor.u32 $0x1, v18  }
0x40b: {  	[tilespmem:$0x1BB40] =	vst v18  }
0x40c: {  	v18 =	vld [tilespmem:s4+$0xFFFFFF00];
	_ =	sdelay $0x4  }
0x40d: {  	v18 =	vshll.u32 v18, $0x1  }
0x40e: {  	[tilespmem:$0x1B950] =	vst v18;
	v18 =	vor.u32 $0x1, v18  }
0x40f: {  	[tilespmem:$0x1BB50] =	vst v18  }
0x410: {  	v18 =	vld [tilespmem:s4+$0xFFFFFF80];
	_ =	sdelay $0x4  }
0x411: {  	v18 =	vshll.u32 v18, $0x1  }
0x412: {  	[tilespmem:$0x1B960] =	vst v18;
	v18 =	vor.u32 $0x1, v18  }
0x413: {  	[tilespmem:$0x1BB60] =	vst v18  }
0x414: {  	v18 =	vld [tilespmem:s4+$0x0];
	_ =	sdelay $0x4  }
0x415: {  	v18 =	vshll.u32 v18, $0x1  }
0x416: {  	[tilespmem:$0x1B970] =	vst v18;
	v18 =	vor.u32 $0x1, v18  }
0x417: {  	[tilespmem:$0x1BB70] =	vst v18  }
0x418: {  	[tilespmem:s20], [sflag:$0x2] =	stream.indirect.gather [hbm4b:s1+s10], $0x1, s19, s10, $0xb8;
	[tilespmem:$0x1FF80] =	vst v63  }
0x419: {  	_ = 	snop  }
0x41a: {  	[tilespmem:s22], [sflag:$0x2] =	stream.indirect.gather [hbm4b:s1+s10], $0x1, s21, s10, $0xb8;
	[tilespmem:$0x1FF80] =	vst v63  }
.Ltmp4:
0x41b: {  	_ = 	snop;
	(pc) =	sbr.rel .LBB2_2-.Ltmp4, $4  }
0x41c: {  	_ = 	snop  }
0x41d: {  	[tilespmem:s24], [sflag:$0x2] =	stream.indirect.gather [hbm4b:s1+s10], $0x1, s23, s10, $0xb8;
	[tilespmem:$0x1FF80] =	vst v63  }
0x41e: {  	s5 =	sadd.s32 $0x800, s5;
	s4 =	sadd.s32 $0x1000, s4  }
0x41f: {  	[tilespmem:s26], [sflag:$0x2] =	stream.indirect.gather [hbm4b:s1+s10], $0x1, s25, s10, $0xb8;
	[tilespmem:$0x1FF80] =	vst v63  }
.LBB2_7:
0x420: {  	_ =	sfence.sel $0x180000  }
0x421: {  	[bflag:$0x0] =	sbarrier.arrive $0xFFFF  }
0x422: {  	_ =	strace $0x90000047  }
0x423: {  	s0 =	stileid.u32;
	[bflag:$0x2] =	sbarrier.arrive $0xFFFF  }
0x424: {  	p0 =	sne.s32 s0, $0x0;
	s0 =	rddreg [dreg:$0x2]  }
0x425: {  	s0 =	sadd.s32 @!p0 $0x100000, s0  }
0x426: {  	[sflag:s0] =	ssyncadd.tile.s32 @!p0 $0x1;
	_ =	shalt  }
.Lfunc_end2:
_tile_overlayer_lowered:
.L_overlay_start_2:
0x427: {  	(tag) =	ssettag $0x2  }
0x428: {  	s0 =	rddreg [dreg:$0x0];
	s2 =	stileid.u32  }
0x429: {  	s1 =	rddreg [dreg:$0x1];
	p0 =	sne.s32 s2, $0x0  }
0x42a: {  	s3 =	rddreg [dreg:$0x2];
	[bflag:$0x3] =	sbarrier.arrive $0xFFFF;
	s2 =	simm.s32 @!p0 $0x1C05  }
0x42b: {  	[timem:s3], [sflag:s2] =	dma.local @!p0 [hbm:s0], s1  }
0x42c: {  	s0 =	simm.s32 @!p0 $0x5  }
0x42d: {  	_ =	swait.ge @!p0 [sflag:s0], s1  }
0x42e: {  	s1 =	ssub.s32 @!p0 $0x0, s1;
	[sflag:s0] =	ssyncset.done @!p0 $0x0  }
0x42f: {  	[sflag:s0] =	ssyncadd.s32 @!p0 s1  }
0x430: {  	[bflag:$0x3] =	sbarrier.arrive $0xFFFF  }
0x431: {  	_ =	shalt  }

</sc_bundles>
